<compile_context>
chip_gen: v7x
topology: tpu7x:2x2x1
jax: 0.10.2.dev20260603
libtpu: 0.0.44.dev20260713+nightly
codegen_flags: <defaults>
</compile_context>

<pallas_src>
import jax
import jax.numpy as jnp
from jax import lax
from jax.experimental import pallas as pl
from jax.experimental.pallas import tpu as pltpu
from jax.experimental.pallas import tpu_sc as plsc

S_TOTAL = 2048
NODES = 63
B = 64
MAXLEN = 32
DOC_LEN = 20
HID = 128

NC, NS = 2, 16
NW = NC * NS
S_PER_W = S_TOTAL // NW
NPAIR = S_PER_W // 2
DOC_PER_W = (B * DOC_LEN) // NW


def _tproj_body(emb_ref, wct_ref, bc_ref, out_ref):
    out_ref[...] = (
        lax.dot_general(emb_ref[...], wct_ref[...],
                        (((1,), (1,)), ((), ())),
                        preferred_element_type=jnp.float32)
        + bc_ref[...]
    )


def _table_proj(emb_table, w_c, b_c2):
    rows = emb_table.shape[0]
    blk = 16384
    grid = (rows + blk - 1) // blk
    return pl.pallas_call(
        _tproj_body,
        grid=(grid,),
        in_specs=[
            pl.BlockSpec((blk, 128), lambda i: (i, 0)),
            pl.BlockSpec((128, 128), lambda i: (0, 0)),
            pl.BlockSpec((1, 128), lambda i: (0, 0)),
        ],
        out_specs=pl.BlockSpec((blk, 128), lambda i: (i, 0)),
        out_shape=jax.ShapeDtypeStruct((rows, 128), jnp.float32),
    )(emb_table, w_c, b_c2)


def _sc_body(t2_hbm, emb_hbm, idx3_hbm, docidx_hbm, pooled_hbm, demb_hbm,
             idx_v, docidx_v, rows_v, res_v, docrows_v, sem0, sem1, sem2, sem3, semd):
    wid = lax.axis_index("s") * NC + lax.axis_index("c")

    pltpu.sync_copy(idx3_hbm.at[wid], idx_v)
    pltpu.sync_copy(docidx_hbm.at[wid], docidx_v)
    pltpu.async_copy(emb_hbm.at[docidx_v], docrows_v, semd)

    sems = (sem0, sem1, sem2, sem3)
    for b0 in range(4):
        pltpu.async_copy(t2_hbm.at[idx_v.at[b0]], rows_v.at[b0], sems[b0])

    def outer(i, carry):
        g0 = i * 4
        for b in range(4):
            g = g0 + b
            pltpu.make_async_copy(
                t2_hbm.at[idx_v.at[g]], rows_v.at[b], sems[b]
            ).wait()
            rv = rows_v.at[b]

            def chunk(k, c2):
                s2 = k // 8
                col = (k % 8) * 16
                off = s2 * 64
                m = jnp.zeros((16,), jnp.float32)
                sums = {}
                for p in range(30, -1, -1):
                    if p >= 15:
                        lch = rv[off + 2 * p + 1, pl.ds(col, 16)]
                        rch = rv[off + 2 * p + 2, pl.ds(col, 16)]
                    else:
                        lch = sums.pop(2 * p + 1)
                        rch = sums.pop(2 * p + 2)
                    m = jnp.maximum(m, jnp.maximum(lch, rch))
                    sums[p] = rv[off + p, pl.ds(col, 16)] + lch + rch
                m = jnp.maximum(m, sums[0])
                res_v[g * 2 + s2, pl.ds(col, 16)] = m
                return c2

            lax.fori_loop(0, 16, chunk, 0)

            @pl.when(g + 4 < NPAIR)
            def _():
                pltpu.async_copy(
                    t2_hbm.at[idx_v.at[g + 4]], rows_v.at[b], sems[b]
                )
        return carry

    lax.fori_loop(0, NPAIR // 4, outer, 0)

    pltpu.sync_copy(res_v, pooled_hbm.at[pl.ds(wid * S_PER_W, S_PER_W)])
    pltpu.make_async_copy(emb_hbm.at[docidx_v], docrows_v, semd).wait()
    pltpu.sync_copy(
        docrows_v.at[pl.ds(0, DOC_PER_W)],
        demb_hbm.at[pl.ds(wid * DOC_PER_W, DOC_PER_W)],
    )


def _sc_gather_pool(t2, emb_table, idx3, docidx):
    mesh = plsc.VectorSubcoreMesh(core_axis_name="c", subcore_axis_name="s")
    fn = pl.kernel(
        _sc_body,
        out_type=(
            jax.ShapeDtypeStruct((S_TOTAL, 128), jnp.float32),
            jax.ShapeDtypeStruct((B * DOC_LEN, 128), jnp.float32),
        ),
        mesh=mesh,
        scratch_types=[
            pltpu.VMEM((NPAIR, 128), jnp.int32),
            pltpu.VMEM((64,), jnp.int32),
            pltpu.VMEM((4, 128, 128), jnp.float32),
            pltpu.VMEM((S_PER_W, 128), jnp.float32),
            pltpu.VMEM((64, 128), jnp.float32),
            pltpu.SemaphoreType.DMA,
            pltpu.SemaphoreType.DMA,
            pltpu.SemaphoreType.DMA,
            pltpu.SemaphoreType.DMA,
            pltpu.SemaphoreType.DMA,
        ],
    )
    return fn(t2, emb_table, idx3, docidx)


def _head_body(enc_ref, demb_ref, wihf_ref, whhf_ref, bihf_ref, bhhf_ref,
               wihb_ref, whhb_ref, bihb_ref, bhhb_ref, wlin_ref, blin_ref,
               wb_ref, lvec_ref, rvec_ref, xf_ref, xb_ref):
    enc3 = enc_ref[...].reshape(B, MAXLEN, 128)
    e = jnp.swapaxes(enc3, 0, 1).reshape(S_TOTAL, 128).astype(jnp.bfloat16)
    dn = (((1,), (1,)), ((), ()))
    xf_ref[...] = (
        lax.dot_general(e, wihf_ref[...], dn,
                        preferred_element_type=jnp.float32)
        + bihf_ref[...]
    ).reshape(MAXLEN, B, 3 * HID)
    xb_ref[...] = (
        lax.dot_general(e, wihb_ref[...], dn,
                        preferred_element_type=jnp.float32)
        + bihb_ref[...]
    ).reshape(MAXLEN, B, 3 * HID)
    whhf = whhf_ref[...]
    whhb = whhb_ref[...]
    bhhf = bhhf_ref[...]
    bhhb = bhhb_ref[...]

    def gru(gi, gh, hprev):
        r = jax.nn.sigmoid(gi[:, :HID] + gh[:, :HID])
        z = jax.nn.sigmoid(gi[:, HID:2 * HID] + gh[:, HID:2 * HID])
        n = jnp.tanh(gi[:, 2 * HID:] + r * gh[:, 2 * HID:])
        return (1.0 - z) * n + z * hprev

    def step(t, carry):
        hf, hb, mf, mb = carry
        dn = (((1,), (1,)), ((), ()))
        ghf = lax.dot_general(hf.astype(jnp.bfloat16), whhf, dn,
                              preferred_element_type=jnp.float32) + bhhf
        ghb = lax.dot_general(hb.astype(jnp.bfloat16), whhb, dn,
                              preferred_element_type=jnp.float32) + bhhb
        hf = gru(xf_ref[t], ghf, hf)
        hb = gru(xb_ref[MAXLEN - 1 - t], ghb, hb)
        return hf, hb, jnp.maximum(mf, hf), jnp.maximum(mb, hb)

    z0 = jnp.zeros((B, HID), jnp.float32)
    mneg = jnp.full((B, HID), -jnp.inf, jnp.float32)
    _, _, mf, mb = lax.fori_loop(0, MAXLEN, step, (z0, z0, mneg, mneg))
    wlin = wlin_ref[...]
    dn2 = (((1,), (1,)), ((), ()))
    lvec_ref[...] = (
        lax.dot_general(mf.astype(jnp.bfloat16), wlin[:, :HID], dn2,
                        preferred_element_type=jnp.float32)
        + lax.dot_general(mb.astype(jnp.bfloat16), wlin[:, HID:], dn2,
                          preferred_element_type=jnp.float32)
        + blin_ref[...]
    )

    d = demb_ref[...]
    hd = jnp.mean(d, axis=1)
    v = lax.dot_general(hd, wb_ref[...], (((1,), (1,)), ((), ())),
                        preferred_element_type=jnp.float32)
    logits = jnp.sum(d * v[:, None, :], axis=-1)
    at = jax.nn.softmax(logits, axis=1)
    rvec_ref[...] = jnp.sum(at[:, :, None] * d, axis=1)


def _head(enc, demb3, wihf, whhf, bihf, bhhf, wihb, whhb, bihb, bhhb,
          wlin, blin, wb):
    return pl.pallas_call(
        _head_body,
        out_shape=(
            jax.ShapeDtypeStruct((B, 128), jnp.float32),
            jax.ShapeDtypeStruct((B, 128), jnp.float32),
        ),
        scratch_shapes=[
            pltpu.VMEM((MAXLEN, B, 3 * HID), jnp.float32),
            pltpu.VMEM((MAXLEN, B, 3 * HID), jnp.float32),
        ],
    )(enc, demb3, wihf, whhf, bihf, bhhf, wihb, whhb, bihb, bhhb,
      wlin, blin, wb)


def kernel(node_tokens, doc_tokens, emb_table, W_c, b_c, W_ih_f, W_hh_f,
           b_ih_f, b_hh_f, W_ih_b, W_hh_b, b_ih_b, b_hh_b, W_lin, b_lin,
           W_b):
    node_tokens = node_tokens.astype(jnp.int32)
    doc_tokens = doc_tokens.astype(jnp.int32)

    t2 = _table_proj(emb_table, W_c, b_c.reshape(1, 128))

    tok1 = node_tokens + 1
    idx3 = jnp.pad(tok1, ((0, 0), (0, 1))).reshape(NW, NPAIR, 128)
    docflat = (doc_tokens + 1).reshape(NW, DOC_PER_W)
    docidx = jnp.pad(docflat, ((0, 0), (0, 64 - DOC_PER_W)))

    pooled, demb = _sc_gather_pool(t2, emb_table, idx3, docidx)

    demb3 = demb.reshape(B, DOC_LEN, 128)

    bf = jnp.bfloat16
    lvec, rvec = _head(
        pooled, demb3,
        W_ih_f.astype(bf), W_hh_f.astype(bf),
        b_ih_f.reshape(1, -1), b_hh_f.reshape(1, -1),
        W_ih_b.astype(bf), W_hh_b.astype(bf),
        b_ih_b.reshape(1, -1), b_hh_b.reshape(1, -1),
        W_lin.astype(bf), b_lin.reshape(1, -1), W_b,
    )
    return (lvec, rvec)

# --- scband reference (transcript-rebuilt; emitter-appended) ---
"""Pipeline reference for scband-astnn4-search-1881195675858 (READ-ONLY COPY).

The authoritative reference and input builder live on the scoring server;
editing this copy changes nothing except your own understanding.
"""

import jax, jax.numpy as jnp
import numpy as np

VOCAB = 100000
EMB = 128
ENC = 128
HID = 128
S_TOTAL = 2048
NODES = 63
B = 64
MAXLEN = 32
DOC_LEN = 20
DEPTH = 6


def _gru_dir(x, W_ih, W_hh, b_ih, b_hh, reverse):
    def step(h, xt):
        gi = xt @ W_ih.T + b_ih
        gh = h @ W_hh.T + b_hh
        ir, iz, inn = jnp.split(gi, 3, axis=-1)
        hr, hz, hn = jnp.split(gh, 3, axis=-1)
        r = jax.nn.sigmoid(ir + hr)
        z = jax.nn.sigmoid(iz + hz)
        n = jnp.tanh(inn + r * hn)
        h2 = (1.0 - z) * n + z * h
        return h2, h2
    xs = jnp.swapaxes(x, 0, 1)
    if reverse:
        xs = xs[::-1]
    h0 = jnp.zeros((x.shape[0], W_hh.shape[1]), dtype=x.dtype)
    _, ys = jax.lax.scan(step, h0, xs)
    if reverse:
        ys = ys[::-1]
    return jnp.swapaxes(ys, 0, 1)


def setup_inputs(seed: int = 0):
    key = jax.random.key(seed)
    k = lambda i: jax.random.fold_in(key, i)
    inp = {}
    inp["node_tokens"] = jax.random.randint(k(0), (S_TOTAL, NODES), 0, VOCAB)
    inp["doc_tokens"] = jax.random.randint(k(1), (B, DOC_LEN), 0, VOCAB)
    inp["emb_table"] = jax.random.normal(k(2), (VOCAB + 1, EMB), dtype=jnp.float32) * 0.02
    inp["W_c"] = jax.random.normal(k(3), (ENC, EMB), dtype=jnp.float32) * 0.05
    inp["b_c"] = jnp.zeros((ENC,), dtype=jnp.float32)
    inp["W_ih_f"] = jax.random.normal(k(4), (3 * HID, ENC), dtype=jnp.float32) * 0.05
    inp["W_hh_f"] = jax.random.normal(k(5), (3 * HID, HID), dtype=jnp.float32) * 0.05
    inp["b_ih_f"] = jnp.zeros((3 * HID,), dtype=jnp.float32)
    inp["b_hh_f"] = jnp.zeros((3 * HID,), dtype=jnp.float32)
    inp["W_ih_b"] = jax.random.normal(k(6), (3 * HID, ENC), dtype=jnp.float32) * 0.05
    inp["W_hh_b"] = jax.random.normal(k(7), (3 * HID, HID), dtype=jnp.float32) * 0.05
    inp["b_ih_b"] = jnp.zeros((3 * HID,), dtype=jnp.float32)
    inp["b_hh_b"] = jnp.zeros((3 * HID,), dtype=jnp.float32)
    inp["W_lin"] = jax.random.normal(k(8), (128, 2 * HID), dtype=jnp.float32) * 0.05
    inp["b_lin"] = jnp.zeros((128,), dtype=jnp.float32)
    inp["W_b"] = jax.random.normal(k(9), (EMB, EMB), dtype=jnp.float32) * 0.05
    return inp


def reference(node_tokens, doc_tokens, emb_table, W_c, b_c, W_ih_f, W_hh_f, b_ih_f, b_hh_f, W_ih_b, W_hh_b, b_ih_b, b_hh_b, W_lin, b_lin, W_b):
    # --- BatchTreeEncoder (tensorized recursive tree encoding) ---
    # h(v) = W_c @ emb(tok_v + 1) + sum_children h(child), computed bottom-up.
    # node_tokens columns are BFS order of a perfect binary tree: level l occupies cols [2^l-1, 2^(l+1)-1).
    emb = jnp.take(emb_table, node_tokens + 1, axis=0)            # [S, 63, EMB] gather
    h = emb @ W_c.T + b_c                                          # [S, 63, ENC]
    for l in range(DEPTH - 1, 0, -1):
        start = 2 ** l - 1
        end = 2 ** (l + 1) - 1
        parent_cols = (jnp.arange(start, end) - 1) // 2
        h = h.at[:, parent_cols, :].add(h[:, start:end, :])        # scatter-add child -> parent
    # node_list max over recursion levels: zeros rows present for uncovered statements -> clamp at 0
    pooled = jnp.maximum(jnp.max(h, axis=1), 0.0)                  # [S, ENC]
    enc = pooled.reshape(B, MAXLEN, ENC)
    # --- BiGRU + temporal max pool + linear ---
    out_f = _gru_dir(enc, W_ih_f, W_hh_f, b_ih_f, b_hh_f, False)
    out_b = _gru_dir(enc, W_ih_b, W_hh_b, b_ih_b, b_hh_b, True)
    gru_out = jnp.concatenate([out_f, out_b], axis=-1)             # [B, T, 2H]
    pool = jnp.max(gru_out, axis=1)                                # F.max_pool1d over time
    lvec = pool @ W_lin.T + b_lin                                  # [B, 128]
    # --- DocumentEncoder attention ---
    demb = jnp.take(emb_table, doc_tokens + 1, axis=0)             # [B, 20, EMB]
    hd = jnp.mean(demb, axis=1)                                    # hidden_0
    ha = demb @ W_b                                                # einsum ij,jk->ik per token
    at = jax.nn.softmax(jnp.sum(ha * hd[:, None, :], axis=-1), axis=1)
    rvec = jnp.sum(at[:, :, None] * demb, axis=1)                  # [B, EMB]
    return (lvec, rvec)

if __name__ == "__main__":
    import jax
    _d = setup_inputs()
    print(jax.jit(kernel)(*tuple(_d.values())))

</pallas_src>

<mosaic_0001>
#map = affine_map<(d0, d1) -> (0, 0)>
#map1 = affine_map<(d0, d1) -> (0, 0, 0)>
module attributes {stable_mosaic.version = 14 : i64} {
  func.func @_sc_body(%arg0: i32, %arg1: i32, %arg2: memref<100001x128xf32, #tpu.memory_space<hbm>>, %arg3: memref<100001x128xf32, #tpu.memory_space<hbm>>, %arg4: memref<32x32x128xi32, #tpu.memory_space<hbm>>, %arg5: memref<32x64xi32, #tpu.memory_space<hbm>>, %arg6: memref<2048x128xf32, #tpu.memory_space<hbm>>, %arg7: memref<1280x128xf32, #tpu.memory_space<hbm>>, %arg8: memref<32x128xi32, #tpu.memory_space<vmem>>, %arg9: memref<64xi32, #tpu.memory_space<vmem>>, %arg10: memref<4x128x128xf32, #tpu.memory_space<vmem>>, %arg11: memref<64x128xf32, #tpu.memory_space<vmem>>, %arg12: memref<64x128xf32, #tpu.memory_space<vmem>>, %arg13: memref<!tpu.dma_semaphore, #tpu.memory_space<semaphore_mem>>, %arg14: memref<!tpu.dma_semaphore, #tpu.memory_space<semaphore_mem>>, %arg15: memref<!tpu.dma_semaphore, #tpu.memory_space<semaphore_mem>>, %arg16: memref<!tpu.dma_semaphore, #tpu.memory_space<semaphore_mem>>, %arg17: memref<!tpu.dma_semaphore, #tpu.memory_space<semaphore_mem>>) attributes {dimension_semantics = [#tpu.dimension_semantics<core_parallel>, #tpu.dimension_semantics<subcore_parallel>], iteration_bounds = array<i64: 2, 16>, scalar_prefetch = 0 : i64, scratch_operands = 10 : i64, tpu.core_type = #tpu.core_type<sc_vector_subcore>, window_params = [{transform_indices = #map}, {transform_indices = #map}, {transform_indices = #map1}, {transform_indices = #map}, {transform_indices = #map}, {transform_indices = #map}]} {
    %mul3A = arith.constant 2 : i32
    %mul3A_0 = arith.muli %arg1, %mul3A : i32
    %add3A = arith.addi %mul3A_0, %arg0 : i32
    "tpu.region"() ({
      %run_scoped3A = tpu.sem_alloc : memref<!tpu.dma_semaphore, #tpu.memory_space<semaphore_mem>>
      %dma_start3A_62 = arith.constant 0 : i32
      %dma_start3A_63 = arith.constant 0 : i32
      %dma_start3A_64 = tpu.memref_slice %arg4[%add3A, %dma_start3A_62, %dma_start3A_63] : memref<32x32x128xi32, #tpu.memory_space<hbm>> -> memref<1x32x128xi32, #tpu.memory_space<hbm>>
      %dma_start3A_65 = tpu.memref_squeeze %dma_start3A_64 : memref<1x32x128xi32, #tpu.memory_space<hbm>> -> memref<32x128xi32, #tpu.memory_space<hbm>>
      %dma_start3A_66 = arith.constant 0 : i32
      %dma_start3A_67 = arith.constant 0 : i32
      %dma_start3A_68 = tpu.memref_slice %arg4[%add3A, %dma_start3A_66, %dma_start3A_67] : memref<32x32x128xi32, #tpu.memory_space<hbm>> -> memref<1x32x128xi32, #tpu.memory_space<hbm>>
      %dma_start3A_69 = tpu.memref_squeeze %dma_start3A_68 : memref<1x32x128xi32, #tpu.memory_space<hbm>> -> memref<32x128xi32, #tpu.memory_space<hbm>>
      tpu.enqueue_dma source(%dma_start3A_69 : memref<32x128xi32, #tpu.memory_space<hbm>>) target(%arg8 : memref<32x128xi32, #tpu.memory_space<vmem>>) target_semaphore(%run_scoped3A : memref<!tpu.dma_semaphore, #tpu.memory_space<semaphore_mem>>)
      %dma_wait3A_70 = arith.constant 0 : i32
      %dma_wait3A_71 = arith.constant 0 : i32
      %dma_wait3A_72 = tpu.memref_slice %arg4[%add3A, %dma_wait3A_70, %dma_wait3A_71] : memref<32x32x128xi32, #tpu.memory_space<hbm>> -> memref<1x32x128xi32, #tpu.memory_space<hbm>>
      %dma_wait3A_73 = tpu.memref_squeeze %dma_wait3A_72 : memref<1x32x128xi32, #tpu.memory_space<hbm>> -> memref<32x128xi32, #tpu.memory_space<hbm>>
      %dma_wait3A_74 = arith.constant 0 : i32
      %dma_wait3A_75 = arith.constant 0 : i32
      %dma_wait3A_76 = tpu.memref_slice %arg4[%add3A, %dma_wait3A_74, %dma_wait3A_75] : memref<32x32x128xi32, #tpu.memory_space<hbm>> -> memref<1x32x128xi32, #tpu.memory_space<hbm>>
      %dma_wait3A_77 = tpu.memref_squeeze %dma_wait3A_76 : memref<1x32x128xi32, #tpu.memory_space<hbm>> -> memref<32x128xi32, #tpu.memory_space<hbm>>
      tpu.wait_dma2 semaphore(%run_scoped3A : memref<!tpu.dma_semaphore, #tpu.memory_space<semaphore_mem>>) src(%dma_wait3A_77 : memref<32x128xi32, #tpu.memory_space<hbm>>) dst(%arg8 : memref<32x128xi32, #tpu.memory_space<vmem>>)
      tpu.yield
    }) : () -> ()
    "tpu.region"() ({
      %run_scoped3A = tpu.sem_alloc : memref<!tpu.dma_semaphore, #tpu.memory_space<semaphore_mem>>
      %dma_start3A_62 = arith.constant 0 : i32
      %dma_start3A_63 = tpu.memref_slice %arg5[%add3A, %dma_start3A_62] : memref<32x64xi32, #tpu.memory_space<hbm>> -> memref<1x64xi32, #tpu.memory_space<hbm>>
      %dma_start3A_64 = tpu.memref_squeeze %dma_start3A_63 : memref<1x64xi32, #tpu.memory_space<hbm>> -> memref<64xi32, #tpu.memory_space<hbm>>
      %dma_start3A_65 = arith.constant 0 : i32
      %dma_start3A_66 = tpu.memref_slice %arg5[%add3A, %dma_start3A_65] : memref<32x64xi32, #tpu.memory_space<hbm>> -> memref<1x64xi32, #tpu.memory_space<hbm>>
      %dma_start3A_67 = tpu.memref_squeeze %dma_start3A_66 : memref<1x64xi32, #tpu.memory_space<hbm>> -> memref<64xi32, #tpu.memory_space<hbm>>
      tpu.enqueue_dma source(%dma_start3A_67 : memref<64xi32, #tpu.memory_space<hbm>>) target(%arg9 : memref<64xi32, #tpu.memory_space<vmem>>) target_semaphore(%run_scoped3A : memref<!tpu.dma_semaphore, #tpu.memory_space<semaphore_mem>>)
      %dma_wait3A_68 = arith.constant 0 : i32
      %dma_wait3A_69 = tpu.memref_slice %arg5[%add3A, %dma_wait3A_68] : memref<32x64xi32, #tpu.memory_space<hbm>> -> memref<1x64xi32, #tpu.memory_space<hbm>>
      %dma_wait3A_70 = tpu.memref_squeeze %dma_wait3A_69 : memref<1x64xi32, #tpu.memory_space<hbm>> -> memref<64xi32, #tpu.memory_space<hbm>>
      %dma_wait3A_71 = arith.constant 0 : i32
      %dma_wait3A_72 = tpu.memref_slice %arg5[%add3A, %dma_wait3A_71] : memref<32x64xi32, #tpu.memory_space<hbm>> -> memref<1x64xi32, #tpu.memory_space<hbm>>
      %dma_wait3A_73 = tpu.memref_squeeze %dma_wait3A_72 : memref<1x64xi32, #tpu.memory_space<hbm>> -> memref<64xi32, #tpu.memory_space<hbm>>
      tpu.wait_dma2 semaphore(%run_scoped3A : memref<!tpu.dma_semaphore, #tpu.memory_space<semaphore_mem>>) src(%dma_wait3A_73 : memref<64xi32, #tpu.memory_space<hbm>>) dst(%arg9 : memref<64xi32, #tpu.memory_space<vmem>>)
      tpu.yield
    }) : () -> ()
    %dma_start3A = arith.constant 0 : i32
    %dma_start3A_1 = arith.constant 0 : i32
    %dma_start3A_2 = tpu.memref_slice %arg3[%dma_start3A, %dma_start3A_1] : memref<100001x128xf32, #tpu.memory_space<hbm>> -> memref<100001x128xf32, #tpu.memory_space<hbm>>
    tpu.enqueue_indirect_dma source(%dma_start3A_2 : memref<100001x128xf32, #tpu.memory_space<hbm>>) target(%arg12 : memref<64x128xf32, #tpu.memory_space<vmem>>) offsets(%arg9 : memref<64xi32, #tpu.memory_space<vmem>>) semaphore(%arg17 : memref<!tpu.dma_semaphore, #tpu.memory_space<semaphore_mem>>)
    %dma_start3A_3 = arith.constant 0 : i32
    %dma_start3A_4 = arith.constant 0 : i32
    %dma_start3A_5 = arith.constant 0 : i32
    %dma_start3A_6 = arith.constant 0 : i32
    %dma_start3A_7 = tpu.memref_slice %arg10[%dma_start3A_4, %dma_start3A_5, %dma_start3A_6] : memref<4x128x128xf32, #tpu.memory_space<vmem>> -> memref<1x128x128xf32, #tpu.memory_space<vmem>>
    %dma_start3A_8 = tpu.memref_squeeze %dma_start3A_7 : memref<1x128x128xf32, #tpu.memory_space<vmem>> -> memref<128x128xf32, #tpu.memory_space<vmem>>
    %dma_start3A_9 = arith.constant 0 : i32
    %dma_start3A_10 = tpu.memref_slice %arg8[%dma_start3A_3, %dma_start3A_9] : memref<32x128xi32, #tpu.memory_space<vmem>> -> memref<1x128xi32, #tpu.memory_space<vmem>>
    %dma_start3A_11 = tpu.memref_squeeze %dma_start3A_10 : memref<1x128xi32, #tpu.memory_space<vmem>> -> memref<128xi32, #tpu.memory_space<vmem>>
    %dma_start3A_12 = arith.constant 0 : i32
    %dma_start3A_13 = arith.constant 0 : i32
    %dma_start3A_14 = tpu.memref_slice %arg2[%dma_start3A_12, %dma_start3A_13] : memref<100001x128xf32, #tpu.memory_space<hbm>> -> memref<100001x128xf32, #tpu.memory_space<hbm>>
    tpu.enqueue_indirect_dma source(%dma_start3A_14 : memref<100001x128xf32, #tpu.memory_space<hbm>>) target(%dma_start3A_8 : memref<128x128xf32, #tpu.memory_space<vmem>>) offsets(%dma_start3A_11 : memref<128xi32, #tpu.memory_space<vmem>>) semaphore(%arg13 : memref<!tpu.dma_semaphore, #tpu.memory_space<semaphore_mem>>)
    %dma_start3A_15 = arith.constant 1 : i32
    %dma_start3A_16 = arith.constant 1 : i32
    %dma_start3A_17 = arith.constant 0 : i32
    %dma_start3A_18 = arith.constant 0 : i32
    %dma_start3A_19 = tpu.memref_slice %arg10[%dma_start3A_16, %dma_start3A_17, %dma_start3A_18] : memref<4x128x128xf32, #tpu.memory_space<vmem>> -> memref<1x128x128xf32, #tpu.memory_space<vmem>>
    %dma_start3A_20 = tpu.memref_squeeze %dma_start3A_19 : memref<1x128x128xf32, #tpu.memory_space<vmem>> -> memref<128x128xf32, #tpu.memory_space<vmem>>
    %dma_start3A_21 = arith.constant 0 : i32
    %dma_start3A_22 = tpu.memref_slice %arg8[%dma_start3A_15, %dma_start3A_21] : memref<32x128xi32, #tpu.memory_space<vmem>> -> memref<1x128xi32, #tpu.memory_space<vmem>>
    %dma_start3A_23 = tpu.memref_squeeze %dma_start3A_22 : memref<1x128xi32, #tpu.memory_space<vmem>> -> memref<128xi32, #tpu.memory_space<vmem>>
    %dma_start3A_24 = arith.constant 0 : i32
    %dma_start3A_25 = arith.constant 0 : i32
    %dma_start3A_26 = tpu.memref_slice %arg2[%dma_start3A_24, %dma_start3A_25] : memref<100001x128xf32, #tpu.memory_space<hbm>> -> memref<100001x128xf32, #tpu.memory_space<hbm>>
    tpu.enqueue_indirect_dma source(%dma_start3A_26 : memref<100001x128xf32, #tpu.memory_space<hbm>>) target(%dma_start3A_20 : memref<128x128xf32, #tpu.memory_space<vmem>>) offsets(%dma_start3A_23 : memref<128xi32, #tpu.memory_space<vmem>>) semaphore(%arg14 : memref<!tpu.dma_semaphore, #tpu.memory_space<semaphore_mem>>)
    %dma_start3A_27 = arith.constant 2 : i32
    %dma_start3A_28 = arith.constant 2 : i32
    %dma_start3A_29 = arith.constant 0 : i32
    %dma_start3A_30 = arith.constant 0 : i32
    %dma_start3A_31 = tpu.memref_slice %arg10[%dma_start3A_28, %dma_start3A_29, %dma_start3A_30] : memref<4x128x128xf32, #tpu.memory_space<vmem>> -> memref<1x128x128xf32, #tpu.memory_space<vmem>>
    %dma_start3A_32 = tpu.memref_squeeze %dma_start3A_31 : memref<1x128x128xf32, #tpu.memory_space<vmem>> -> memref<128x128xf32, #tpu.memory_space<vmem>>
    %dma_start3A_33 = arith.constant 0 : i32
    %dma_start3A_34 = tpu.memref_slice %arg8[%dma_start3A_27, %dma_start3A_33] : memref<32x128xi32, #tpu.memory_space<vmem>> -> memref<1x128xi32, #tpu.memory_space<vmem>>
    %dma_start3A_35 = tpu.memref_squeeze %dma_start3A_34 : memref<1x128xi32, #tpu.memory_space<vmem>> -> memref<128xi32, #tpu.memory_space<vmem>>
    %dma_start3A_36 = arith.constant 0 : i32
    %dma_start3A_37 = arith.constant 0 : i32
    %dma_start3A_38 = tpu.memref_slice %arg2[%dma_start3A_36, %dma_start3A_37] : memref<100001x128xf32, #tpu.memory_space<hbm>> -> memref<100001x128xf32, #tpu.memory_space<hbm>>
    tpu.enqueue_indirect_dma source(%dma_start3A_38 : memref<100001x128xf32, #tpu.memory_space<hbm>>) target(%dma_start3A_32 : memref<128x128xf32, #tpu.memory_space<vmem>>) offsets(%dma_start3A_35 : memref<128xi32, #tpu.memory_space<vmem>>) semaphore(%arg15 : memref<!tpu.dma_semaphore, #tpu.memory_space<semaphore_mem>>)
    %dma_start3A_39 = arith.constant 3 : i32
    %dma_start3A_40 = arith.constant 3 : i32
    %dma_start3A_41 = arith.constant 0 : i32
    %dma_start3A_42 = arith.constant 0 : i32
    %dma_start3A_43 = tpu.memref_slice %arg10[%dma_start3A_40, %dma_start3A_41, %dma_start3A_42] : memref<4x128x128xf32, #tpu.memory_space<vmem>> -> memref<1x128x128xf32, #tpu.memory_space<vmem>>
    %dma_start3A_44 = tpu.memref_squeeze %dma_start3A_43 : memref<1x128x128xf32, #tpu.memory_space<vmem>> -> memref<128x128xf32, #tpu.memory_space<vmem>>
    %dma_start3A_45 = arith.constant 0 : i32
    %dma_start3A_46 = tpu.memref_slice %arg8[%dma_start3A_39, %dma_start3A_45] : memref<32x128xi32, #tpu.memory_space<vmem>> -> memref<1x128xi32, #tpu.memory_space<vmem>>
    %dma_start3A_47 = tpu.memref_squeeze %dma_start3A_46 : memref<1x128xi32, #tpu.memory_space<vmem>> -> memref<128xi32, #tpu.memory_space<vmem>>
    %dma_start3A_48 = arith.constant 0 : i32
    %dma_start3A_49 = arith.constant 0 : i32
    %dma_start3A_50 = tpu.memref_slice %arg2[%dma_start3A_48, %dma_start3A_49] : memref<100001x128xf32, #tpu.memory_space<hbm>> -> memref<100001x128xf32, #tpu.memory_space<hbm>>
    tpu.enqueue_indirect_dma source(%dma_start3A_50 : memref<100001x128xf32, #tpu.memory_space<hbm>>) target(%dma_start3A_44 : memref<128x128xf32, #tpu.memory_space<vmem>>) offsets(%dma_start3A_47 : memref<128xi32, #tpu.memory_space<vmem>>) semaphore(%arg16 : memref<!tpu.dma_semaphore, #tpu.memory_space<semaphore_mem>>)
    %scan3A = arith.constant 0 : i32
    %scan3A_51 = arith.constant 0 : i32
    %scan3A_52 = arith.constant 8 : i32
    %scan3A_53 = arith.addi %scan3A_51, %scan3A_52 : i32
    %scan3A_54 = arith.constant 1 : i32
    scf.for %scan3A_62 = %scan3A_51 to %scan3A_53 step %scan3A_54  : i32 {
      %mul3A_63 = arith.constant 4 : i32
      %mul3A_64 = arith.muli %scan3A_62, %mul3A_63 : i32
      %add3A_65 = arith.constant 0 : i32
      %add3A_66 = arith.addi %mul3A_64, %add3A_65 : i32
      %dma_wait3A_67 = arith.constant 0 : i32
      %dma_wait3A_68 = arith.constant 0 : i32
      %dma_wait3A_69 = arith.constant 0 : i32
      %dma_wait3A_70 = tpu.memref_slice %arg10[%dma_wait3A_67, %dma_wait3A_68, %dma_wait3A_69] : memref<4x128x128xf32, #tpu.memory_space<vmem>> -> memref<1x128x128xf32, #tpu.memory_space<vmem>>
      %dma_wait3A_71 = tpu.memref_squeeze %dma_wait3A_70 : memref<1x128x128xf32, #tpu.memory_space<vmem>> -> memref<128x128xf32, #tpu.memory_space<vmem>>
      %dma_wait3A_72 = arith.constant 0 : i32
      %dma_wait3A_73 = tpu.memref_slice %arg8[%add3A_66, %dma_wait3A_72] : memref<32x128xi32, #tpu.memory_space<vmem>> -> memref<1x128xi32, #tpu.memory_space<vmem>>
      %dma_wait3A_74 = tpu.memref_squeeze %dma_wait3A_73 : memref<1x128xi32, #tpu.memory_space<vmem>> -> memref<128xi32, #tpu.memory_space<vmem>>
      %dma_wait3A_75 = arith.constant 0 : i32
      %dma_wait3A_76 = arith.constant 0 : i32
      %dma_wait3A_77 = tpu.memref_slice %arg2[%dma_wait3A_75, %dma_wait3A_76] : memref<100001x128xf32, #tpu.memory_space<hbm>> -> memref<100001x128xf32, #tpu.memory_space<hbm>>
      tpu.wait_indirect_dma semaphore(%arg13 : memref<!tpu.dma_semaphore, #tpu.memory_space<semaphore_mem>>) src(%dma_wait3A_77 : memref<100001x128xf32, #tpu.memory_space<hbm>>) dst(%dma_wait3A_71 : memref<128x128xf32, #tpu.memory_space<vmem>>)
      %scan3A_78 = arith.constant 0 : i32
      %scan3A_79 = arith.constant 0 : i32
      %scan3A_80 = arith.constant 0 : i32
      %scan3A_81 = arith.constant 16 : i32
      %scan3A_82 = arith.addi %scan3A_80, %scan3A_81 : i32
      %scan3A_83 = arith.constant 1 : i32
      scf.for %scan3A_170 = %scan3A_80 to %scan3A_82 step %scan3A_83  : i32 {
        %jit3A = arith.constant 8 : i32
        %div3A = arith.divsi %scan3A_170, %jit3A : i32
        %sign3A = arith.constant 0 : i32
        %sign3A_171 = arith.cmpi sgt, %scan3A_170, %sign3A : i32
        %sign3A_172 = arith.extui %sign3A_171 : i1 to i32
        %sign3A_173 = arith.constant 0 : i32
        %sign3A_174 = arith.cmpi slt, %scan3A_170, %sign3A_173 : i32
        %sign3A_175 = arith.extui %sign3A_174 : i1 to i32
        %sign3A_176 = arith.subi %sign3A_172, %sign3A_175 : i32
        %sign3A_177 = arith.constant 0 : i32
        %sign3A_178 = arith.cmpi sgt, %jit3A, %sign3A_177 : i32
        %sign3A_179 = arith.extui %sign3A_178 : i1 to i32
        %sign3A_180 = arith.constant 0 : i32
        %sign3A_181 = arith.cmpi slt, %jit3A, %sign3A_180 : i32
        %sign3A_182 = arith.extui %sign3A_181 : i1 to i32
        %sign3A_183 = arith.subi %sign3A_179, %sign3A_182 : i32
        %ne3A = arith.cmpi ne, %sign3A_176, %sign3A_183 : i32
        %rem3A = arith.remsi %scan3A_170, %jit3A : i32
        %ne3A_184 = arith.constant 0 : i32
        %ne3A_185 = arith.cmpi ne, %rem3A, %ne3A_184 : i32
        %and3A = arith.andi %ne3A, %ne3A_185 : i1
        %sub3A = arith.constant 1 : i32
        %sub3A_186 = arith.subi %div3A, %sub3A : i32
        %select_n3A = arith.select %and3A, %sub3A_186, %div3A : i32
        %jit3A_187 = arith.constant 8 : i32
        %eq3A = arith.constant 0 : i32
        %eq3A_188 = arith.cmpi eq, %jit3A_187, %eq3A : i32
        %jit3A_189 = arith.constant 1 : i32
        %select_n3A_190 = arith.select %eq3A_188, %jit3A_189, %jit3A_187 : i32
        %rem3A_191 = arith.remsi %scan3A_170, %select_n3A_190 : i32
        %ne3A_192 = arith.constant 0 : i32
        %ne3A_193 = arith.cmpi ne, %rem3A_191, %ne3A_192 : i32
        %lt3A_194 = arith.constant 0 : i32
        %lt3A_195 = arith.cmpi slt, %rem3A_191, %lt3A_194 : i32
        %lt3A_196 = arith.constant 0 : i32
        %lt3A_197 = arith.cmpi slt, %select_n3A_190, %lt3A_196 : i32
        %ne3A_198 = arith.xori %lt3A_195, %lt3A_197 : i1
        %and3A_199 = arith.andi %ne3A_198, %ne3A_193 : i1
        %add3A_200 = arith.addi %rem3A_191, %select_n3A_190 : i32
        %select_n3A_201 = arith.select %and3A_199, %add3A_200, %rem3A_191 : i32
        %mul3A_202 = arith.constant 16 : i32
        %mul3A_203 = arith.muli %select_n3A_201, %mul3A_202 : i32
        %mul3A_204 = arith.constant 64 : i32
        %mul3A_205 = arith.muli %select_n3A, %mul3A_204 : i32
        %broadcast_in_dim3A = arith.constant 0.000000e+00 : f32
        %broadcast_in_dim3A_206 = vector.broadcast %broadcast_in_dim3A : f32 to vector<16xf32>
        %add3A_207 = arith.constant 60 : i32
        %add3A_208 = arith.addi %mul3A_205, %add3A_207 : i32
        %add3A_209 = arith.constant 1 : i32
        %add3A_210 = arith.addi %add3A_208, %add3A_209 : i32
        %get3A = arith.constant 0 : i32
        %get3A_211 = arith.constant 0 : i32
        %get3A_212 = tpu.memref_slice %arg10[%scan3A_79, %get3A, %get3A_211] : memref<4x128x128xf32, #tpu.memory_space<vmem>> -> memref<1x128x128xf32, #tpu.memory_space<vmem>>
        %get3A_213 = tpu.memref_squeeze %get3A_212 : memref<1x128x128xf32, #tpu.memory_space<vmem>> -> memref<128x128xf32, #tpu.memory_space<vmem>>
        %get3A_214 = arith.index_cast %add3A_210 : i32 to index
        %get3A_215 = arith.index_cast %mul3A_203 : i32 to index
        %get3A_216 = tpu.vector_load %get3A_213[%get3A_214, %get3A_215] {strides = array<i32>} : memref<128x128xf32, #tpu.memory_space<vmem>>, vector<1x16xf32>,
        %get3A_217 = vector.shape_cast %get3A_216 : vector<1x16xf32> to vector<16xf32>
        %add3A_218 = arith.constant 60 : i32
        %add3A_219 = arith.addi %mul3A_205, %add3A_218 : i32
        %add3A_220 = arith.constant 2 : i32
        %add3A_221 = arith.addi %add3A_219, %add3A_220 : i32
        %get3A_222 = arith.constant 0 : i32
        %get3A_223 = arith.constant 0 : i32
        %get3A_224 = tpu.memref_slice %arg10[%scan3A_79, %get3A_222, %get3A_223] : memref<4x128x128xf32, #tpu.memory_space<vmem>> -> memref<1x128x128xf32, #tpu.memory_space<vmem>>
        %get3A_225 = tpu.memref_squeeze %get3A_224 : memref<1x128x128xf32, #tpu.memory_space<vmem>> -> memref<128x128xf32, #tpu.memory_space<vmem>>
        %get3A_226 = arith.index_cast %add3A_221 : i32 to index
        %get3A_227 = arith.index_cast %mul3A_203 : i32 to index
        %get3A_228 = tpu.vector_load %get3A_225[%get3A_226, %get3A_227] {strides = array<i32>} : memref<128x128xf32, #tpu.memory_space<vmem>>, vector<1x16xf32>,
        %get3A_229 = vector.shape_cast %get3A_228 : vector<1x16xf32> to vector<16xf32>
        %max3A = arith.maximumf %get3A_217, %get3A_229 : vector<16xf32>
        %max3A_230 = arith.maximumf %broadcast_in_dim3A_206, %max3A : vector<16xf32>
        %add3A_231 = arith.constant 30 : i32
        %add3A_232 = arith.addi %mul3A_205, %add3A_231 : i32
        %get3A_233 = arith.constant 0 : i32
        %get3A_234 = arith.constant 0 : i32
        %get3A_235 = tpu.memref_slice %arg10[%scan3A_79, %get3A_233, %get3A_234] : memref<4x128x128xf32, #tpu.memory_space<vmem>> -> memref<1x128x128xf32, #tpu.memory_space<vmem>>
        %get3A_236 = tpu.memref_squeeze %get3A_235 : memref<1x128x128xf32, #tpu.memory_space<vmem>> -> memref<128x128xf32, #tpu.memory_space<vmem>>
        %get3A_237 = arith.index_cast %add3A_232 : i32 to index
        %get3A_238 = arith.index_cast %mul3A_203 : i32 to index
        %get3A_239 = tpu.vector_load %get3A_236[%get3A_237, %get3A_238] {strides = array<i32>} : memref<128x128xf32, #tpu.memory_space<vmem>>, vector<1x16xf32>,
        %get3A_240 = vector.shape_cast %get3A_239 : vector<1x16xf32> to vector<16xf32>
        %add3A_241 = arith.addf %get3A_240, %get3A_217 : vector<16xf32>
        %add3A_242 = arith.addf %add3A_241, %get3A_229 : vector<16xf32>
        %add3A_243 = arith.constant 58 : i32
        %add3A_244 = arith.addi %mul3A_205, %add3A_243 : i32
        %add3A_245 = arith.constant 1 : i32
        %add3A_246 = arith.addi %add3A_244, %add3A_245 : i32
        %get3A_247 = arith.constant 0 : i32
        %get3A_248 = arith.constant 0 : i32
        %get3A_249 = tpu.memref_slice %arg10[%scan3A_79, %get3A_247, %get3A_248] : memref<4x128x128xf32, #tpu.memory_space<vmem>> -> memref<1x128x128xf32, #tpu.memory_space<vmem>>
        %get3A_250 = tpu.memref_squeeze %get3A_249 : memref<1x128x128xf32, #tpu.memory_space<vmem>> -> memref<128x128xf32, #tpu.memory_space<vmem>>
        %get3A_251 = arith.index_cast %add3A_246 : i32 to index
        %get3A_252 = arith.index_cast %mul3A_203 : i32 to index
        %get3A_253 = tpu.vector_load %get3A_250[%get3A_251, %get3A_252] {strides = array<i32>} : memref<128x128xf32, #tpu.memory_space<vmem>>, vector<1x16xf32>,
        %get3A_254 = vector.shape_cast %get3A_253 : vector<1x16xf32> to vector<16xf32>
        %add3A_255 = arith.constant 58 : i32
        %add3A_256 = arith.addi %mul3A_205, %add3A_255 : i32
        %add3A_257 = arith.constant 2 : i32
        %add3A_258 = arith.addi %add3A_256, %add3A_257 : i32
        %get3A_259 = arith.constant 0 : i32
        %get3A_260 = arith.constant 0 : i32
        %get3A_261 = tpu.memref_slice %arg10[%scan3A_79, %get3A_259, %get3A_260] : memref<4x128x128xf32, #tpu.memory_space<vmem>> -> memref<1x128x128xf32, #tpu.memory_space<vmem>>
        %get3A_262 = tpu.memref_squeeze %get3A_261 : memref<1x128x128xf32, #tpu.memory_space<vmem>> -> memref<128x128xf32, #tpu.memory_space<vmem>>
        %get3A_263 = arith.index_cast %add3A_258 : i32 to index
        %get3A_264 = arith.index_cast %mul3A_203 : i32 to index
        %get3A_265 = tpu.vector_load %get3A_262[%get3A_263, %get3A_264] {strides = array<i32>} : memref<128x128xf32, #tpu.memory_space<vmem>>, vector<1x16xf32>,
        %get3A_266 = vector.shape_cast %get3A_265 : vector<1x16xf32> to vector<16xf32>
        %max3A_267 = arith.maximumf %get3A_254, %get3A_266 : vector<16xf32>
        %max3A_268 = arith.maximumf %max3A_230, %max3A_267 : vector<16xf32>
        %add3A_269 = arith.constant 29 : i32
        %add3A_270 = arith.addi %mul3A_205, %add3A_269 : i32
        %get3A_271 = arith.constant 0 : i32
        %get3A_272 = arith.constant 0 : i32
        %get3A_273 = tpu.memref_slice %arg10[%scan3A_79, %get3A_271, %get3A_272] : memref<4x128x128xf32, #tpu.memory_space<vmem>> -> memref<1x128x128xf32, #tpu.memory_space<vmem>>
        %get3A_274 = tpu.memref_squeeze %get3A_273 : memref<1x128x128xf32, #tpu.memory_space<vmem>> -> memref<128x128xf32, #tpu.memory_space<vmem>>
        %get3A_275 = arith.index_cast %add3A_270 : i32 to index
        %get3A_276 = arith.index_cast %mul3A_203 : i32 to index
        %get3A_277 = tpu.vector_load %get3A_274[%get3A_275, %get3A_276] {strides = array<i32>} : memref<128x128xf32, #tpu.memory_space<vmem>>, vector<1x16xf32>,
        %get3A_278 = vector.shape_cast %get3A_277 : vector<1x16xf32> to vector<16xf32>
        %add3A_279 = arith.addf %get3A_278, %get3A_254 : vector<16xf32>
        %add3A_280 = arith.addf %add3A_279, %get3A_266 : vector<16xf32>
        %add3A_281 = arith.constant 56 : i32
        %add3A_282 = arith.addi %mul3A_205, %add3A_281 : i32
        %add3A_283 = arith.constant 1 : i32
        %add3A_284 = arith.addi %add3A_282, %add3A_283 : i32
        %get3A_285 = arith.constant 0 : i32
        %get3A_286 = arith.constant 0 : i32
        %get3A_287 = tpu.memref_slice %arg10[%scan3A_79, %get3A_285, %get3A_286] : memref<4x128x128xf32, #tpu.memory_space<vmem>> -> memref<1x128x128xf32, #tpu.memory_space<vmem>>
        %get3A_288 = tpu.memref_squeeze %get3A_287 : memref<1x128x128xf32, #tpu.memory_space<vmem>> -> memref<128x128xf32, #tpu.memory_space<vmem>>
        %get3A_289 = arith.index_cast %add3A_284 : i32 to index
        %get3A_290 = arith.index_cast %mul3A_203 : i32 to index
        %get3A_291 = tpu.vector_load %get3A_288[%get3A_289, %get3A_290] {strides = array<i32>} : memref<128x128xf32, #tpu.memory_space<vmem>>, vector<1x16xf32>,
        %get3A_292 = vector.shape_cast %get3A_291 : vector<1x16xf32> to vector<16xf32>
        %add3A_293 = arith.constant 56 : i32
        %add3A_294 = arith.addi %mul3A_205, %add3A_293 : i32
        %add3A_295 = arith.constant 2 : i32
        %add3A_296 = arith.addi %add3A_294, %add3A_295 : i32
        %get3A_297 = arith.constant 0 : i32
        %get3A_298 = arith.constant 0 : i32
        %get3A_299 = tpu.memref_slice %arg10[%scan3A_79, %get3A_297, %get3A_298] : memref<4x128x128xf32, #tpu.memory_space<vmem>> -> memref<1x128x128xf32, #tpu.memory_space<vmem>>
        %get3A_300 = tpu.memref_squeeze %get3A_299 : memref<1x128x128xf32, #tpu.memory_space<vmem>> -> memref<128x128xf32, #tpu.memory_space<vmem>>
        %get3A_301 = arith.index_cast %add3A_296 : i32 to index
        %get3A_302 = arith.index_cast %mul3A_203 : i32 to index
        %get3A_303 = tpu.vector_load %get3A_300[%get3A_301, %get3A_302] {strides = array<i32>} : memref<128x128xf32, #tpu.memory_space<vmem>>, vector<1x16xf32>,
        %get3A_304 = vector.shape_cast %get3A_303 : vector<1x16xf32> to vector<16xf32>
        %max3A_305 = arith.maximumf %get3A_292, %get3A_304 : vector<16xf32>
        %max3A_306 = arith.maximumf %max3A_268, %max3A_305 : vector<16xf32>
        %add3A_307 = arith.constant 28 : i32
        %add3A_308 = arith.addi %mul3A_205, %add3A_307 : i32
        %get3A_309 = arith.constant 0 : i32
        %get3A_310 = arith.constant 0 : i32
        %get3A_311 = tpu.memref_slice %arg10[%scan3A_79, %get3A_309, %get3A_310] : memref<4x128x128xf32, #tpu.memory_space<vmem>> -> memref<1x128x128xf32, #tpu.memory_space<vmem>>
        %get3A_312 = tpu.memref_squeeze %get3A_311 : memref<1x128x128xf32, #tpu.memory_space<vmem>> -> memref<128x128xf32, #tpu.memory_space<vmem>>
        %get3A_313 = arith.index_cast %add3A_308 : i32 to index
        %get3A_314 = arith.index_cast %mul3A_203 : i32 to index
        %get3A_315 = tpu.vector_load %get3A_312[%get3A_313, %get3A_314] {strides = array<i32>} : memref<128x128xf32, #tpu.memory_space<vmem>>, vector<1x16xf32>,
        %get3A_316 = vector.shape_cast %get3A_315 : vector<1x16xf32> to vector<16xf32>
        %add3A_317 = arith.addf %get3A_316, %get3A_292 : vector<16xf32>
        %add3A_318 = arith.addf %add3A_317, %get3A_304 : vector<16xf32>
        %add3A_319 = arith.constant 54 : i32
        %add3A_320 = arith.addi %mul3A_205, %add3A_319 : i32
        %add3A_321 = arith.constant 1 : i32
        %add3A_322 = arith.addi %add3A_320, %add3A_321 : i32
        %get3A_323 = arith.constant 0 : i32
        %get3A_324 = arith.constant 0 : i32
        %get3A_325 = tpu.memref_slice %arg10[%scan3A_79, %get3A_323, %get3A_324] : memref<4x128x128xf32, #tpu.memory_space<vmem>> -> memref<1x128x128xf32, #tpu.memory_space<vmem>>
        %get3A_326 = tpu.memref_squeeze %get3A_325 : memref<1x128x128xf32, #tpu.memory_space<vmem>> -> memref<128x128xf32, #tpu.memory_space<vmem>>
        %get3A_327 = arith.index_cast %add3A_322 : i32 to index
        %get3A_328 = arith.index_cast %mul3A_203 : i32 to index
        %get3A_329 = tpu.vector_load %get3A_326[%get3A_327, %get3A_328] {strides = array<i32>} : memref<128x128xf32, #tpu.memory_space<vmem>>, vector<1x16xf32>,
        %get3A_330 = vector.shape_cast %get3A_329 : vector<1x16xf32> to vector<16xf32>
        %add3A_331 = arith.constant 54 : i32
        %add3A_332 = arith.addi %mul3A_205, %add3A_331 : i32
        %add3A_333 = arith.constant 2 : i32
        %add3A_334 = arith.addi %add3A_332, %add3A_333 : i32
        %get3A_335 = arith.constant 0 : i32
        %get3A_336 = arith.constant 0 : i32
        %get3A_337 = tpu.memref_slice %arg10[%scan3A_79, %get3A_335, %get3A_336] : memref<4x128x128xf32, #tpu.memory_space<vmem>> -> memref<1x128x128xf32, #tpu.memory_space<vmem>>
        %get3A_338 = tpu.memref_squeeze %get3A_337 : memref<1x128x128xf32, #tpu.memory_space<vmem>> -> memref<128x128xf32, #tpu.memory_space<vmem>>
        %get3A_339 = arith.index_cast %add3A_334 : i32 to index
        %get3A_340 = arith.index_cast %mul3A_203 : i32 to index
        %get3A_341 = tpu.vector_load %get3A_338[%get3A_339, %get3A_340] {strides = array<i32>} : memref<128x128xf32, #tpu.memory_space<vmem>>, vector<1x16xf32>,
        %get3A_342 = vector.shape_cast %get3A_341 : vector<1x16xf32> to vector<16xf32>
        %max3A_343 = arith.maximumf %get3A_330, %get3A_342 : vector<16xf32>
        %max3A_344 = arith.maximumf %max3A_306, %max3A_343 : vector<16xf32>
        %add3A_345 = arith.constant 27 : i32
        %add3A_346 = arith.addi %mul3A_205, %add3A_345 : i32
        %get3A_347 = arith.constant 0 : i32
        %get3A_348 = arith.constant 0 : i32
        %get3A_349 = tpu.memref_slice %arg10[%scan3A_79, %get3A_347, %get3A_348] : memref<4x128x128xf32, #tpu.memory_space<vmem>> -> memref<1x128x128xf32, #tpu.memory_space<vmem>>
        %get3A_350 = tpu.memref_squeeze %get3A_349 : memref<1x128x128xf32, #tpu.memory_space<vmem>> -> memref<128x128xf32, #tpu.memory_space<vmem>>
        %get3A_351 = arith.index_cast %add3A_346 : i32 to index
        %get3A_352 = arith.index_cast %mul3A_203 : i32 to index
        %get3A_353 = tpu.vector_load %get3A_350[%get3A_351, %get3A_352] {strides = array<i32>} : memref<128x128xf32, #tpu.memory_space<vmem>>, vector<1x16xf32>,
        %get3A_354 = vector.shape_cast %get3A_353 : vector<1x16xf32> to vector<16xf32>
        %add3A_355 = arith.addf %get3A_354, %get3A_330 : vector<16xf32>
        %add3A_356 = arith.addf %add3A_355, %get3A_342 : vector<16xf32>
        %add3A_357 = arith.constant 52 : i32
        %add3A_358 = arith.addi %mul3A_205, %add3A_357 : i32
        %add3A_359 = arith.constant 1 : i32
        %add3A_360 = arith.addi %add3A_358, %add3A_359 : i32
        %get3A_361 = arith.constant 0 : i32
        %get3A_362 = arith.constant 0 : i32
        %get3A_363 = tpu.memref_slice %arg10[%scan3A_79, %get3A_361, %get3A_362] : memref<4x128x128xf32, #tpu.memory_space<vmem>> -> memref<1x128x128xf32, #tpu.memory_space<vmem>>
        %get3A_364 = tpu.memref_squeeze %get3A_363 : memref<1x128x128xf32, #tpu.memory_space<vmem>> -> memref<128x128xf32, #tpu.memory_space<vmem>>
        %get3A_365 = arith.index_cast %add3A_360 : i32 to index
        %get3A_366 = arith.index_cast %mul3A_203 : i32 to index
        %get3A_367 = tpu.vector_load %get3A_364[%get3A_365, %get3A_366] {strides = array<i32>} : memref<128x128xf32, #tpu.memory_space<vmem>>, vector<1x16xf32>,
        %get3A_368 = vector.shape_cast %get3A_367 : vector<1x16xf32> to vector<16xf32>
        %add3A_369 = arith.constant 52 : i32
        %add3A_370 = arith.addi %mul3A_205, %add3A_369 : i32
        %add3A_371 = arith.constant 2 : i32
        %add3A_372 = arith.addi %add3A_370, %add3A_371 : i32
        %get3A_373 = arith.constant 0 : i32
        %get3A_374 = arith.constant 0 : i32
        %get3A_375 = tpu.memref_slice %arg10[%scan3A_79, %get3A_373, %get3A_374] : memref<4x128x128xf32, #tpu.memory_space<vmem>> -> memref<1x128x128xf32, #tpu.memory_space<vmem>>
        %get3A_376 = tpu.memref_squeeze %get3A_375 : memref<1x128x128xf32, #tpu.memory_space<vmem>> -> memref<128x128xf32, #tpu.memory_space<vmem>>
        %get3A_377 = arith.index_cast %add3A_372 : i32 to index
        %get3A_378 = arith.index_cast %mul3A_203 : i32 to index
        %get3A_379 = tpu.vector_load %get3A_376[%get3A_377, %get3A_378] {strides = array<i32>} : memref<128x128xf32, #tpu.memory_space<vmem>>, vector<1x16xf32>,
        %get3A_380 = vector.shape_cast %get3A_379 : vector<1x16xf32> to vector<16xf32>
        %max3A_381 = arith.maximumf %get3A_368, %get3A_380 : vector<16xf32>
        %max3A_382 = arith.maximumf %max3A_344, %max3A_381 : vector<16xf32>
        %add3A_383 = arith.constant 26 : i32
        %add3A_384 = arith.addi %mul3A_205, %add3A_383 : i32
        %get3A_385 = arith.constant 0 : i32
        %get3A_386 = arith.constant 0 : i32
        %get3A_387 = tpu.memref_slice %arg10[%scan3A_79, %get3A_385, %get3A_386] : memref<4x128x128xf32, #tpu.memory_space<vmem>> -> memref<1x128x128xf32, #tpu.memory_space<vmem>>
        %get3A_388 = tpu.memref_squeeze %get3A_387 : memref<1x128x128xf32, #tpu.memory_space<vmem>> -> memref<128x128xf32, #tpu.memory_space<vmem>>
        %get3A_389 = arith.index_cast %add3A_384 : i32 to index
        %get3A_390 = arith.index_cast %mul3A_203 : i32 to index
        %get3A_391 = tpu.vector_load %get3A_388[%get3A_389, %get3A_390] {strides = array<i32>} : memref<128x128xf32, #tpu.memory_space<vmem>>, vector<1x16xf32>,
        %get3A_392 = vector.shape_cast %get3A_391 : vector<1x16xf32> to vector<16xf32>
        %add3A_393 = arith.addf %get3A_392, %get3A_368 : vector<16xf32>
        %add3A_394 = arith.addf %add3A_393, %get3A_380 : vector<16xf32>
        %add3A_395 = arith.constant 50 : i32
        %add3A_396 = arith.addi %mul3A_205, %add3A_395 : i32
        %add3A_397 = arith.constant 1 : i32
        %add3A_398 = arith.addi %add3A_396, %add3A_397 : i32
        %get3A_399 = arith.constant 0 : i32
        %get3A_400 = arith.constant 0 : i32
        %get3A_401 = tpu.memref_slice %arg10[%scan3A_79, %get3A_399, %get3A_400] : memref<4x128x128xf32, #tpu.memory_space<vmem>> -> memref<1x128x128xf32, #tpu.memory_space<vmem>>
        %get3A_402 = tpu.memref_squeeze %get3A_401 : memref<1x128x128xf32, #tpu.memory_space<vmem>> -> memref<128x128xf32, #tpu.memory_space<vmem>>
        %get3A_403 = arith.index_cast %add3A_398 : i32 to index
        %get3A_404 = arith.index_cast %mul3A_203 : i32 to index
        %get3A_405 = tpu.vector_load %get3A_402[%get3A_403, %get3A_404] {strides = array<i32>} : memref<128x128xf32, #tpu.memory_space<vmem>>, vector<1x16xf32>,
        %get3A_406 = vector.shape_cast %get3A_405 : vector<1x16xf32> to vector<16xf32>
        %add3A_407 = arith.constant 50 : i32
        %add3A_408 = arith.addi %mul3A_205, %add3A_407 : i32
        %add3A_409 = arith.constant 2 : i32
        %add3A_410 = arith.addi %add3A_408, %add3A_409 : i32
        %get3A_411 = arith.constant 0 : i32
        %get3A_412 = arith.constant 0 : i32
        %get3A_413 = tpu.memref_slice %arg10[%scan3A_79, %get3A_411, %get3A_412] : memref<4x128x128xf32, #tpu.memory_space<vmem>> -> memref<1x128x128xf32, #tpu.memory_space<vmem>>
        %get3A_414 = tpu.memref_squeeze %get3A_413 : memref<1x128x128xf32, #tpu.memory_space<vmem>> -> memref<128x128xf32, #tpu.memory_space<vmem>>
        %get3A_415 = arith.index_cast %add3A_410 : i32 to index
        %get3A_416 = arith.index_cast %mul3A_203 : i32 to index
        %get3A_417 = tpu.vector_load %get3A_414[%get3A_415, %get3A_416] {strides = array<i32>} : memref<128x128xf32, #tpu.memory_space<vmem>>, vector<1x16xf32>,
        %get3A_418 = vector.shape_cast %get3A_417 : vector<1x16xf32> to vector<16xf32>
        %max3A_419 = arith.maximumf %get3A_406, %get3A_418 : vector<16xf32>
        %max3A_420 = arith.maximumf %max3A_382, %max3A_419 : vector<16xf32>
        %add3A_421 = arith.constant 25 : i32
        %add3A_422 = arith.addi %mul3A_205, %add3A_421 : i32
        %get3A_423 = arith.constant 0 : i32
        %get3A_424 = arith.constant 0 : i32
        %get3A_425 = tpu.memref_slice %arg10[%scan3A_79, %get3A_423, %get3A_424] : memref<4x128x128xf32, #tpu.memory_space<vmem>> -> memref<1x128x128xf32, #tpu.memory_space<vmem>>
        %get3A_426 = tpu.memref_squeeze %get3A_425 : memref<1x128x128xf32, #tpu.memory_space<vmem>> -> memref<128x128xf32, #tpu.memory_space<vmem>>
        %get3A_427 = arith.index_cast %add3A_422 : i32 to index
        %get3A_428 = arith.index_cast %mul3A_203 : i32 to index
        %get3A_429 = tpu.vector_load %get3A_426[%get3A_427, %get3A_428] {strides = array<i32>} : memref<128x128xf32, #tpu.memory_space<vmem>>, vector<1x16xf32>,
        %get3A_430 = vector.shape_cast %get3A_429 : vector<1x16xf32> to vector<16xf32>
        %add3A_431 = arith.addf %get3A_430, %get3A_406 : vector<16xf32>
        %add3A_432 = arith.addf %add3A_431, %get3A_418 : vector<16xf32>
        %add3A_433 = arith.constant 48 : i32
        %add3A_434 = arith.addi %mul3A_205, %add3A_433 : i32
        %add3A_435 = arith.constant 1 : i32
        %add3A_436 = arith.addi %add3A_434, %add3A_435 : i32
        %get3A_437 = arith.constant 0 : i32
        %get3A_438 = arith.constant 0 : i32
        %get3A_439 = tpu.memref_slice %arg10[%scan3A_79, %get3A_437, %get3A_438] : memref<4x128x128xf32, #tpu.memory_space<vmem>> -> memref<1x128x128xf32, #tpu.memory_space<vmem>>
        %get3A_440 = tpu.memref_squeeze %get3A_439 : memref<1x128x128xf32, #tpu.memory_space<vmem>> -> memref<128x128xf32, #tpu.memory_space<vmem>>
        %get3A_441 = arith.index_cast %add3A_436 : i32 to index
        %get3A_442 = arith.index_cast %mul3A_203 : i32 to index
        %get3A_443 = tpu.vector_load %get3A_440[%get3A_441, %get3A_442] {strides = array<i32>} : memref<128x128xf32, #tpu.memory_space<vmem>>, vector<1x16xf32>,
        %get3A_444 = vector.shape_cast %get3A_443 : vector<1x16xf32> to vector<16xf32>
        %add3A_445 = arith.constant 48 : i32
        %add3A_446 = arith.addi %mul3A_205, %add3A_445 : i32
        %add3A_447 = arith.constant 2 : i32
        %add3A_448 = arith.addi %add3A_446, %add3A_447 : i32
        %get3A_449 = arith.constant 0 : i32
        %get3A_450 = arith.constant 0 : i32
        %get3A_451 = tpu.memref_slice %arg10[%scan3A_79, %get3A_449, %get3A_450] : memref<4x128x128xf32, #tpu.memory_space<vmem>> -> memref<1x128x128xf32, #tpu.memory_space<vmem>>
        %get3A_452 = tpu.memref_squeeze %get3A_451 : memref<1x128x128xf32, #tpu.memory_space<vmem>> -> memref<128x128xf32, #tpu.memory_space<vmem>>
        %get3A_453 = arith.index_cast %add3A_448 : i32 to index
        %get3A_454 = arith.index_cast %mul3A_203 : i32 to index
        %get3A_455 = tpu.vector_load %get3A_452[%get3A_453, %get3A_454] {strides = array<i32>} : memref<128x128xf32, #tpu.memory_space<vmem>>, vector<1x16xf32>,
        %get3A_456 = vector.shape_cast %get3A_455 : vector<1x16xf32> to vector<16xf32>
        %max3A_457 = arith.maximumf %get3A_444, %get3A_456 : vector<16xf32>
        %max3A_458 = arith.maximumf %max3A_420, %max3A_457 : vector<16xf32>
        %add3A_459 = arith.constant 24 : i32
        %add3A_460 = arith.addi %mul3A_205, %add3A_459 : i32
        %get3A_461 = arith.constant 0 : i32
        %get3A_462 = arith.constant 0 : i32
        %get3A_463 = tpu.memref_slice %arg10[%scan3A_79, %get3A_461, %get3A_462] : memref<4x128x128xf32, #tpu.memory_space<vmem>> -> memref<1x128x128xf32, #tpu.memory_space<vmem>>
        %get3A_464 = tpu.memref_squeeze %get3A_463 : memref<1x128x128xf32, #tpu.memory_space<vmem>> -> memref<128x128xf32, #tpu.memory_space<vmem>>
        %get3A_465 = arith.index_cast %add3A_460 : i32 to index
        %get3A_466 = arith.index_cast %mul3A_203 : i32 to index
        %get3A_467 = tpu.vector_load %get3A_464[%get3A_465, %get3A_466] {strides = array<i32>} : memref<128x128xf32, #tpu.memory_space<vmem>>, vector<1x16xf32>,
        %get3A_468 = vector.shape_cast %get3A_467 : vector<1x16xf32> to vector<16xf32>
        %add3A_469 = arith.addf %get3A_468, %get3A_444 : vector<16xf32>
        %add3A_470 = arith.addf %add3A_469, %get3A_456 : vector<16xf32>
        %add3A_471 = arith.constant 46 : i32
        %add3A_472 = arith.addi %mul3A_205, %add3A_471 : i32
        %add3A_473 = arith.constant 1 : i32
        %add3A_474 = arith.addi %add3A_472, %add3A_473 : i32
        %get3A_475 = arith.constant 0 : i32
        %get3A_476 = arith.constant 0 : i32
        %get3A_477 = tpu.memref_slice %arg10[%scan3A_79, %get3A_475, %get3A_476] : memref<4x128x128xf32, #tpu.memory_space<vmem>> -> memref<1x128x128xf32, #tpu.memory_space<vmem>>
        %get3A_478 = tpu.memref_squeeze %get3A_477 : memref<1x128x128xf32, #tpu.memory_space<vmem>> -> memref<128x128xf32, #tpu.memory_space<vmem>>
        %get3A_479 = arith.index_cast %add3A_474 : i32 to index
        %get3A_480 = arith.index_cast %mul3A_203 : i32 to index
        %get3A_481 = tpu.vector_load %get3A_478[%get3A_479, %get3A_480] {strides = array<i32>} : memref<128x128xf32, #tpu.memory_space<vmem>>, vector<1x16xf32>,
        %get3A_482 = vector.shape_cast %get3A_481 : vector<1x16xf32> to vector<16xf32>
        %add3A_483 = arith.constant 46 : i32
        %add3A_484 = arith.addi %mul3A_205, %add3A_483 : i32
        %add3A_485 = arith.constant 2 : i32
        %add3A_486 = arith.addi %add3A_484, %add3A_485 : i32
        %get3A_487 = arith.constant 0 : i32
        %get3A_488 = arith.constant 0 : i32
        %get3A_489 = tpu.memref_slice %arg10[%scan3A_79, %get3A_487, %get3A_488] : memref<4x128x128xf32, #tpu.memory_space<vmem>> -> memref<1x128x128xf32, #tpu.memory_space<vmem>>
        %get3A_490 = tpu.memref_squeeze %get3A_489 : memref<1x128x128xf32, #tpu.memory_space<vmem>> -> memref<128x128xf32, #tpu.memory_space<vmem>>
        %get3A_491 = arith.index_cast %add3A_486 : i32 to index
        %get3A_492 = arith.index_cast %mul3A_203 : i32 to index
        %get3A_493 = tpu.vector_load %get3A_490[%get3A_491, %get3A_492] {strides = array<i32>} : memref<128x128xf32, #tpu.memory_space<vmem>>, vector<1x16xf32>,
        %get3A_494 = vector.shape_cast %get3A_493 : vector<1x16xf32> to vector<16xf32>
        %max3A_495 = arith.maximumf %get3A_482, %get3A_494 : vector<16xf32>
        %max3A_496 = arith.maximumf %max3A_458, %max3A_495 : vector<16xf32>
        %add3A_497 = arith.constant 23 : i32
        %add3A_498 = arith.addi %mul3A_205, %add3A_497 : i32
        %get3A_499 = arith.constant 0 : i32
        %get3A_500 = arith.constant 0 : i32
        %get3A_501 = tpu.memref_slice %arg10[%scan3A_79, %get3A_499, %get3A_500] : memref<4x128x128xf32, #tpu.memory_space<vmem>> -> memref<1x128x128xf32, #tpu.memory_space<vmem>>
        %get3A_502 = tpu.memref_squeeze %get3A_501 : memref<1x128x128xf32, #tpu.memory_space<vmem>> -> memref<128x128xf32, #tpu.memory_space<vmem>>
        %get3A_503 = arith.index_cast %add3A_498 : i32 to index
        %get3A_504 = arith.index_cast %mul3A_203 : i32 to index
        %get3A_505 = tpu.vector_load %get3A_502[%get3A_503, %get3A_504] {strides = array<i32>} : memref<128x128xf32, #tpu.memory_space<vmem>>, vector<1x16xf32>,
        %get3A_506 = vector.shape_cast %get3A_505 : vector<1x16xf32> to vector<16xf32>
        %add3A_507 = arith.addf %get3A_506, %get3A_482 : vector<16xf32>
        %add3A_508 = arith.addf %add3A_507, %get3A_494 : vector<16xf32>
        %add3A_509 = arith.constant 44 : i32
        %add3A_510 = arith.addi %mul3A_205, %add3A_509 : i32
        %add3A_511 = arith.constant 1 : i32
        %add3A_512 = arith.addi %add3A_510, %add3A_511 : i32
        %get3A_513 = arith.constant 0 : i32
        %get3A_514 = arith.constant 0 : i32
        %get3A_515 = tpu.memref_slice %arg10[%scan3A_79, %get3A_513, %get3A_514] : memref<4x128x128xf32, #tpu.memory_space<vmem>> -> memref<1x128x128xf32, #tpu.memory_space<vmem>>
        %get3A_516 = tpu.memref_squeeze %get3A_515 : memref<1x128x128xf32, #tpu.memory_space<vmem>> -> memref<128x128xf32, #tpu.memory_space<vmem>>
        %get3A_517 = arith.index_cast %add3A_512 : i32 to index
        %get3A_518 = arith.index_cast %mul3A_203 : i32 to index
        %get3A_519 = tpu.vector_load %get3A_516[%get3A_517, %get3A_518] {strides = array<i32>} : memref<128x128xf32, #tpu.memory_space<vmem>>, vector<1x16xf32>,
        %get3A_520 = vector.shape_cast %get3A_519 : vector<1x16xf32> to vector<16xf32>
        %add3A_521 = arith.constant 44 : i32
        %add3A_522 = arith.addi %mul3A_205, %add3A_521 : i32
        %add3A_523 = arith.constant 2 : i32
        %add3A_524 = arith.addi %add3A_522, %add3A_523 : i32
        %get3A_525 = arith.constant 0 : i32
        %get3A_526 = arith.constant 0 : i32
        %get3A_527 = tpu.memref_slice %arg10[%scan3A_79, %get3A_525, %get3A_526] : memref<4x128x128xf32, #tpu.memory_space<vmem>> -> memref<1x128x128xf32, #tpu.memory_space<vmem>>
        %get3A_528 = tpu.memref_squeeze %get3A_527 : memref<1x128x128xf32, #tpu.memory_space<vmem>> -> memref<128x128xf32, #tpu.memory_space<vmem>>
        %get3A_529 = arith.index_cast %add3A_524 : i32 to index
        %get3A_530 = arith.index_cast %mul3A_203 : i32 to index
        %get3A_531 = tpu.vector_load %get3A_528[%get3A_529, %get3A_530] {strides = array<i32>} : memref<128x128xf32, #tpu.memory_space<vmem>>, vector<1x16xf32>,
        %get3A_532 = vector.shape_cast %get3A_531 : vector<1x16xf32> to vector<16xf32>
        %max3A_533 = arith.maximumf %get3A_520, %get3A_532 : vector<16xf32>
        %max3A_534 = arith.maximumf %max3A_496, %max3A_533 : vector<16xf32>
        %add3A_535 = arith.constant 22 : i32
        %add3A_536 = arith.addi %mul3A_205, %add3A_535 : i32
        %get3A_537 = arith.constant 0 : i32
        %get3A_538 = arith.constant 0 : i32
        %get3A_539 = tpu.memref_slice %arg10[%scan3A_79, %get3A_537, %get3A_538] : memref<4x128x128xf32, #tpu.memory_space<vmem>> -> memref<1x128x128xf32, #tpu.memory_space<vmem>>
        %get3A_540 = tpu.memref_squeeze %get3A_539 : memref<1x128x128xf32, #tpu.memory_space<vmem>> -> memref<128x128xf32, #tpu.memory_space<vmem>>
        %get3A_541 = arith.index_cast %add3A_536 : i32 to index
        %get3A_542 = arith.index_cast %mul3A_203 : i32 to index
        %get3A_543 = tpu.vector_load %get3A_540[%get3A_541, %get3A_542] {strides = array<i32>} : memref<128x128xf32, #tpu.memory_space<vmem>>, vector<1x16xf32>,
        %get3A_544 = vector.shape_cast %get3A_543 : vector<1x16xf32> to vector<16xf32>
        %add3A_545 = arith.addf %get3A_544, %get3A_520 : vector<16xf32>
        %add3A_546 = arith.addf %add3A_545, %get3A_532 : vector<16xf32>
        %add3A_547 = arith.constant 42 : i32
        %add3A_548 = arith.addi %mul3A_205, %add3A_547 : i32
        %add3A_549 = arith.constant 1 : i32
        %add3A_550 = arith.addi %add3A_548, %add3A_549 : i32
        %get3A_551 = arith.constant 0 : i32
        %get3A_552 = arith.constant 0 : i32
        %get3A_553 = tpu.memref_slice %arg10[%scan3A_79, %get3A_551, %get3A_552] : memref<4x128x128xf32, #tpu.memory_space<vmem>> -> memref<1x128x128xf32, #tpu.memory_space<vmem>>
        %get3A_554 = tpu.memref_squeeze %get3A_553 : memref<1x128x128xf32, #tpu.memory_space<vmem>> -> memref<128x128xf32, #tpu.memory_space<vmem>>
        %get3A_555 = arith.index_cast %add3A_550 : i32 to index
        %get3A_556 = arith.index_cast %mul3A_203 : i32 to index
        %get3A_557 = tpu.vector_load %get3A_554[%get3A_555, %get3A_556] {strides = array<i32>} : memref<128x128xf32, #tpu.memory_space<vmem>>, vector<1x16xf32>,
        %get3A_558 = vector.shape_cast %get3A_557 : vector<1x16xf32> to vector<16xf32>
        %add3A_559 = arith.constant 42 : i32
        %add3A_560 = arith.addi %mul3A_205, %add3A_559 : i32
        %add3A_561 = arith.constant 2 : i32
        %add3A_562 = arith.addi %add3A_560, %add3A_561 : i32
        %get3A_563 = arith.constant 0 : i32
        %get3A_564 = arith.constant 0 : i32
        %get3A_565 = tpu.memref_slice %arg10[%scan3A_79, %get3A_563, %get3A_564] : memref<4x128x128xf32, #tpu.memory_space<vmem>> -> memref<1x128x128xf32, #tpu.memory_space<vmem>>
        %get3A_566 = tpu.memref_squeeze %get3A_565 : memref<1x128x128xf32, #tpu.memory_space<vmem>> -> memref<128x128xf32, #tpu.memory_space<vmem>>
        %get3A_567 = arith.index_cast %add3A_562 : i32 to index
        %get3A_568 = arith.index_cast %mul3A_203 : i32 to index
        %get3A_569 = tpu.vector_load %get3A_566[%get3A_567, %get3A_568] {strides = array<i32>} : memref<128x128xf32, #tpu.memory_space<vmem>>, vector<1x16xf32>,
        %get3A_570 = vector.shape_cast %get3A_569 : vector<1x16xf32> to vector<16xf32>
        %max3A_571 = arith.maximumf %get3A_558, %get3A_570 : vector<16xf32>
        %max3A_572 = arith.maximumf %max3A_534, %max3A_571 : vector<16xf32>
        %add3A_573 = arith.constant 21 : i32
        %add3A_574 = arith.addi %mul3A_205, %add3A_573 : i32
        %get3A_575 = arith.constant 0 : i32
        %get3A_576 = arith.constant 0 : i32
        %get3A_577 = tpu.memref_slice %arg10[%scan3A_79, %get3A_575, %get3A_576] : memref<4x128x128xf32, #tpu.memory_space<vmem>> -> memref<1x128x128xf32, #tpu.memory_space<vmem>>
        %get3A_578 = tpu.memref_squeeze %get3A_577 : memref<1x128x128xf32, #tpu.memory_space<vmem>> -> memref<128x128xf32, #tpu.memory_space<vmem>>
        %get3A_579 = arith.index_cast %add3A_574 : i32 to index
        %get3A_580 = arith.index_cast %mul3A_203 : i32 to index
        %get3A_581 = tpu.vector_load %get3A_578[%get3A_579, %get3A_580] {strides = array<i32>} : memref<128x128xf32, #tpu.memory_space<vmem>>, vector<1x16xf32>,
        %get3A_582 = vector.shape_cast %get3A_581 : vector<1x16xf32> to vector<16xf32>
        %add3A_583 = arith.addf %get3A_582, %get3A_558 : vector<16xf32>
        %add3A_584 = arith.addf %add3A_583, %get3A_570 : vector<16xf32>
        %add3A_585 = arith.constant 40 : i32
        %add3A_586 = arith.addi %mul3A_205, %add3A_585 : i32
        %add3A_587 = arith.constant 1 : i32
        %add3A_588 = arith.addi %add3A_586, %add3A_587 : i32
        %get3A_589 = arith.constant 0 : i32
        %get3A_590 = arith.constant 0 : i32
        %get3A_591 = tpu.memref_slice %arg10[%scan3A_79, %get3A_589, %get3A_590] : memref<4x128x128xf32, #tpu.memory_space<vmem>> -> memref<1x128x128xf32, #tpu.memory_space<vmem>>
        %get3A_592 = tpu.memref_squeeze %get3A_591 : memref<1x128x128xf32, #tpu.memory_space<vmem>> -> memref<128x128xf32, #tpu.memory_space<vmem>>
        %get3A_593 = arith.index_cast %add3A_588 : i32 to index
        %get3A_594 = arith.index_cast %mul3A_203 : i32 to index
        %get3A_595 = tpu.vector_load %get3A_592[%get3A_593, %get3A_594] {strides = array<i32>} : memref<128x128xf32, #tpu.memory_space<vmem>>, vector<1x16xf32>,
        %get3A_596 = vector.shape_cast %get3A_595 : vector<1x16xf32> to vector<16xf32>
        %add3A_597 = arith.constant 40 : i32
        %add3A_598 = arith.addi %mul3A_205, %add3A_597 : i32
        %add3A_599 = arith.constant 2 : i32
        %add3A_600 = arith.addi %add3A_598, %add3A_599 : i32
        %get3A_601 = arith.constant 0 : i32
        %get3A_602 = arith.constant 0 : i32
        %get3A_603 = tpu.memref_slice %arg10[%scan3A_79, %get3A_601, %get3A_602] : memref<4x128x128xf32, #tpu.memory_space<vmem>> -> memref<1x128x128xf32, #tpu.memory_space<vmem>>
        %get3A_604 = tpu.memref_squeeze %get3A_603 : memref<1x128x128xf32, #tpu.memory_space<vmem>> -> memref<128x128xf32, #tpu.memory_space<vmem>>
        %get3A_605 = arith.index_cast %add3A_600 : i32 to index
        %get3A_606 = arith.index_cast %mul3A_203 : i32 to index
        %get3A_607 = tpu.vector_load %get3A_604[%get3A_605, %get3A_606] {strides = array<i32>} : memref<128x128xf32, #tpu.memory_space<vmem>>, vector<1x16xf32>,
        %get3A_608 = vector.shape_cast %get3A_607 : vector<1x16xf32> to vector<16xf32>
        %max3A_609 = arith.maximumf %get3A_596, %get3A_608 : vector<16xf32>
        %max3A_610 = arith.maximumf %max3A_572, %max3A_609 : vector<16xf32>
        %add3A_611 = arith.constant 20 : i32
        %add3A_612 = arith.addi %mul3A_205, %add3A_611 : i32
        %get3A_613 = arith.constant 0 : i32
        %get3A_614 = arith.constant 0 : i32
        %get3A_615 = tpu.memref_slice %arg10[%scan3A_79, %get3A_613, %get3A_614] : memref<4x128x128xf32, #tpu.memory_space<vmem>> -> memref<1x128x128xf32, #tpu.memory_space<vmem>>
        %get3A_616 = tpu.memref_squeeze %get3A_615 : memref<1x128x128xf32, #tpu.memory_space<vmem>> -> memref<128x128xf32, #tpu.memory_space<vmem>>
        %get3A_617 = arith.index_cast %add3A_612 : i32 to index
        %get3A_618 = arith.index_cast %mul3A_203 : i32 to index
        %get3A_619 = tpu.vector_load %get3A_616[%get3A_617, %get3A_618] {strides = array<i32>} : memref<128x128xf32, #tpu.memory_space<vmem>>, vector<1x16xf32>,
        %get3A_620 = vector.shape_cast %get3A_619 : vector<1x16xf32> to vector<16xf32>
        %add3A_621 = arith.addf %get3A_620, %get3A_596 : vector<16xf32>
        %add3A_622 = arith.addf %add3A_621, %get3A_608 : vector<16xf32>
        %add3A_623 = arith.constant 38 : i32
        %add3A_624 = arith.addi %mul3A_205, %add3A_623 : i32
        %add3A_625 = arith.constant 1 : i32
        %add3A_626 = arith.addi %add3A_624, %add3A_625 : i32
        %get3A_627 = arith.constant 0 : i32
        %get3A_628 = arith.constant 0 : i32
        %get3A_629 = tpu.memref_slice %arg10[%scan3A_79, %get3A_627, %get3A_628] : memref<4x128x128xf32, #tpu.memory_space<vmem>> -> memref<1x128x128xf32, #tpu.memory_space<vmem>>
        %get3A_630 = tpu.memref_squeeze %get3A_629 : memref<1x128x128xf32, #tpu.memory_space<vmem>> -> memref<128x128xf32, #tpu.memory_space<vmem>>
        %get3A_631 = arith.index_cast %add3A_626 : i32 to index
        %get3A_632 = arith.index_cast %mul3A_203 : i32 to index
        %get3A_633 = tpu.vector_load %get3A_630[%get3A_631, %get3A_632] {strides = array<i32>} : memref<128x128xf32, #tpu.memory_space<vmem>>, vector<1x16xf32>,
        %get3A_634 = vector.shape_cast %get3A_633 : vector<1x16xf32> to vector<16xf32>
        %add3A_635 = arith.constant 38 : i32
        %add3A_636 = arith.addi %mul3A_205, %add3A_635 : i32
        %add3A_637 = arith.constant 2 : i32
        %add3A_638 = arith.addi %add3A_636, %add3A_637 : i32
        %get3A_639 = arith.constant 0 : i32
        %get3A_640 = arith.constant 0 : i32
        %get3A_641 = tpu.memref_slice %arg10[%scan3A_79, %get3A_639, %get3A_640] : memref<4x128x128xf32, #tpu.memory_space<vmem>> -> memref<1x128x128xf32, #tpu.memory_space<vmem>>
        %get3A_642 = tpu.memref_squeeze %get3A_641 : memref<1x128x128xf32, #tpu.memory_space<vmem>> -> memref<128x128xf32, #tpu.memory_space<vmem>>
        %get3A_643 = arith.index_cast %add3A_638 : i32 to index
        %get3A_644 = arith.index_cast %mul3A_203 : i32 to index
        %get3A_645 = tpu.vector_load %get3A_642[%get3A_643, %get3A_644] {strides = array<i32>} : memref<128x128xf32, #tpu.memory_space<vmem>>, vector<1x16xf32>,
        %get3A_646 = vector.shape_cast %get3A_645 : vector<1x16xf32> to vector<16xf32>
        %max3A_647 = arith.maximumf %get3A_634, %get3A_646 : vector<16xf32>
        %max3A_648 = arith.maximumf %max3A_610, %max3A_647 : vector<16xf32>
        %add3A_649 = arith.constant 19 : i32
        %add3A_650 = arith.addi %mul3A_205, %add3A_649 : i32
        %get3A_651 = arith.constant 0 : i32
        %get3A_652 = arith.constant 0 : i32
        %get3A_653 = tpu.memref_slice %arg10[%scan3A_79, %get3A_651, %get3A_652] : memref<4x128x128xf32, #tpu.memory_space<vmem>> -> memref<1x128x128xf32, #tpu.memory_space<vmem>>
        %get3A_654 = tpu.memref_squeeze %get3A_653 : memref<1x128x128xf32, #tpu.memory_space<vmem>> -> memref<128x128xf32, #tpu.memory_space<vmem>>
        %get3A_655 = arith.index_cast %add3A_650 : i32 to index
        %get3A_656 = arith.index_cast %mul3A_203 : i32 to index
        %get3A_657 = tpu.vector_load %get3A_654[%get3A_655, %get3A_656] {strides = array<i32>} : memref<128x128xf32, #tpu.memory_space<vmem>>, vector<1x16xf32>,
        %get3A_658 = vector.shape_cast %get3A_657 : vector<1x16xf32> to vector<16xf32>
        %add3A_659 = arith.addf %get3A_658, %get3A_634 : vector<16xf32>
        %add3A_660 = arith.addf %add3A_659, %get3A_646 : vector<16xf32>
        %add3A_661 = arith.constant 36 : i32
        %add3A_662 = arith.addi %mul3A_205, %add3A_661 : i32
        %add3A_663 = arith.constant 1 : i32
        %add3A_664 = arith.addi %add3A_662, %add3A_663 : i32
        %get3A_665 = arith.constant 0 : i32
        %get3A_666 = arith.constant 0 : i32
        %get3A_667 = tpu.memref_slice %arg10[%scan3A_79, %get3A_665, %get3A_666] : memref<4x128x128xf32, #tpu.memory_space<vmem>> -> memref<1x128x128xf32, #tpu.memory_space<vmem>>
        %get3A_668 = tpu.memref_squeeze %get3A_667 : memref<1x128x128xf32, #tpu.memory_space<vmem>> -> memref<128x128xf32, #tpu.memory_space<vmem>>
        %get3A_669 = arith.index_cast %add3A_664 : i32 to index
        %get3A_670 = arith.index_cast %mul3A_203 : i32 to index
        %get3A_671 = tpu.vector_load %get3A_668[%get3A_669, %get3A_670] {strides = array<i32>} : memref<128x128xf32, #tpu.memory_space<vmem>>, vector<1x16xf32>,
        %get3A_672 = vector.shape_cast %get3A_671 : vector<1x16xf32> to vector<16xf32>
        %add3A_673 = arith.constant 36 : i32
        %add3A_674 = arith.addi %mul3A_205, %add3A_673 : i32
        %add3A_675 = arith.constant 2 : i32
        %add3A_676 = arith.addi %add3A_674, %add3A_675 : i32
        %get3A_677 = arith.constant 0 : i32
        %get3A_678 = arith.constant 0 : i32
        %get3A_679 = tpu.memref_slice %arg10[%scan3A_79, %get3A_677, %get3A_678] : memref<4x128x128xf32, #tpu.memory_space<vmem>> -> memref<1x128x128xf32, #tpu.memory_space<vmem>>
        %get3A_680 = tpu.memref_squeeze %get3A_679 : memref<1x128x128xf32, #tpu.memory_space<vmem>> -> memref<128x128xf32, #tpu.memory_space<vmem>>
        %get3A_681 = arith.index_cast %add3A_676 : i32 to index
        %get3A_682 = arith.index_cast %mul3A_203 : i32 to index
        %get3A_683 = tpu.vector_load %get3A_680[%get3A_681, %get3A_682] {strides = array<i32>} : memref<128x128xf32, #tpu.memory_space<vmem>>, vector<1x16xf32>,
        %get3A_684 = vector.shape_cast %get3A_683 : vector<1x16xf32> to vector<16xf32>
        %max3A_685 = arith.maximumf %get3A_672, %get3A_684 : vector<16xf32>
        %max3A_686 = arith.maximumf %max3A_648, %max3A_685 : vector<16xf32>
        %add3A_687 = arith.constant 18 : i32
        %add3A_688 = arith.addi %mul3A_205, %add3A_687 : i32
        %get3A_689 = arith.constant 0 : i32
        %get3A_690 = arith.constant 0 : i32
        %get3A_691 = tpu.memref_slice %arg10[%scan3A_79, %get3A_689, %get3A_690] : memref<4x128x128xf32, #tpu.memory_space<vmem>> -> memref<1x128x128xf32, #tpu.memory_space<vmem>>
        %get3A_692 = tpu.memref_squeeze %get3A_691 : memref<1x128x128xf32, #tpu.memory_space<vmem>> -> memref<128x128xf32, #tpu.memory_space<vmem>>
        %get3A_693 = arith.index_cast %add3A_688 : i32 to index
        %get3A_694 = arith.index_cast %mul3A_203 : i32 to index
        %get3A_695 = tpu.vector_load %get3A_692[%get3A_693, %get3A_694] {strides = array<i32>} : memref<128x128xf32, #tpu.memory_space<vmem>>, vector<1x16xf32>,
        %get3A_696 = vector.shape_cast %get3A_695 : vector<1x16xf32> to vector<16xf32>
        %add3A_697 = arith.addf %get3A_696, %get3A_672 : vector<16xf32>
        %add3A_698 = arith.addf %add3A_697, %get3A_684 : vector<16xf32>
        %add3A_699 = arith.constant 34 : i32
        %add3A_700 = arith.addi %mul3A_205, %add3A_699 : i32
        %add3A_701 = arith.constant 1 : i32
        %add3A_702 = arith.addi %add3A_700, %add3A_701 : i32
        %get3A_703 = arith.constant 0 : i32
        %get3A_704 = arith.constant 0 : i32
        %get3A_705 = tpu.memref_slice %arg10[%scan3A_79, %get3A_703, %get3A_704] : memref<4x128x128xf32, #tpu.memory_space<vmem>> -> memref<1x128x128xf32, #tpu.memory_space<vmem>>
        %get3A_706 = tpu.memref_squeeze %get3A_705 : memref<1x128x128xf32, #tpu.memory_space<vmem>> -> memref<128x128xf32, #tpu.memory_space<vmem>>
        %get3A_707 = arith.index_cast %add3A_702 : i32 to index
        %get3A_708 = arith.index_cast %mul3A_203 : i32 to index
        %get3A_709 = tpu.vector_load %get3A_706[%get3A_707, %get3A_708] {strides = array<i32>} : memref<128x128xf32, #tpu.memory_space<vmem>>, vector<1x16xf32>,
        %get3A_710 = vector.shape_cast %get3A_709 : vector<1x16xf32> to vector<16xf32>
        %add3A_711 = arith.constant 34 : i32
        %add3A_712 = arith.addi %mul3A_205, %add3A_711 : i32
        %add3A_713 = arith.constant 2 : i32
        %add3A_714 = arith.addi %add3A_712, %add3A_713 : i32
        %get3A_715 = arith.constant 0 : i32
        %get3A_716 = arith.constant 0 : i32
        %get3A_717 = tpu.memref_slice %arg10[%scan3A_79, %get3A_715, %get3A_716] : memref<4x128x128xf32, #tpu.memory_space<vmem>> -> memref<1x128x128xf32, #tpu.memory_space<vmem>>
        %get3A_718 = tpu.memref_squeeze %get3A_717 : memref<1x128x128xf32, #tpu.memory_space<vmem>> -> memref<128x128xf32, #tpu.memory_space<vmem>>
        %get3A_719 = arith.index_cast %add3A_714 : i32 to index
        %get3A_720 = arith.index_cast %mul3A_203 : i32 to index
        %get3A_721 = tpu.vector_load %get3A_718[%get3A_719, %get3A_720] {strides = array<i32>} : memref<128x128xf32, #tpu.memory_space<vmem>>, vector<1x16xf32>,
        %get3A_722 = vector.shape_cast %get3A_721 : vector<1x16xf32> to vector<16xf32>
        %max3A_723 = arith.maximumf %get3A_710, %get3A_722 : vector<16xf32>
        %max3A_724 = arith.maximumf %max3A_686, %max3A_723 : vector<16xf32>
        %add3A_725 = arith.constant 17 : i32
        %add3A_726 = arith.addi %mul3A_205, %add3A_725 : i32
        %get3A_727 = arith.constant 0 : i32
        %get3A_728 = arith.constant 0 : i32
        %get3A_729 = tpu.memref_slice %arg10[%scan3A_79, %get3A_727, %get3A_728] : memref<4x128x128xf32, #tpu.memory_space<vmem>> -> memref<1x128x128xf32, #tpu.memory_space<vmem>>
        %get3A_730 = tpu.memref_squeeze %get3A_729 : memref<1x128x128xf32, #tpu.memory_space<vmem>> -> memref<128x128xf32, #tpu.memory_space<vmem>>
        %get3A_731 = arith.index_cast %add3A_726 : i32 to index
        %get3A_732 = arith.index_cast %mul3A_203 : i32 to index
        %get3A_733 = tpu.vector_load %get3A_730[%get3A_731, %get3A_732] {strides = array<i32>} : memref<128x128xf32, #tpu.memory_space<vmem>>, vector<1x16xf32>,
        %get3A_734 = vector.shape_cast %get3A_733 : vector<1x16xf32> to vector<16xf32>
        %add3A_735 = arith.addf %get3A_734, %get3A_710 : vector<16xf32>
        %add3A_736 = arith.addf %add3A_735, %get3A_722 : vector<16xf32>
        %add3A_737 = arith.constant 32 : i32
        %add3A_738 = arith.addi %mul3A_205, %add3A_737 : i32
        %add3A_739 = arith.constant 1 : i32
        %add3A_740 = arith.addi %add3A_738, %add3A_739 : i32
        %get3A_741 = arith.constant 0 : i32
        %get3A_742 = arith.constant 0 : i32
        %get3A_743 = tpu.memref_slice %arg10[%scan3A_79, %get3A_741, %get3A_742] : memref<4x128x128xf32, #tpu.memory_space<vmem>> -> memref<1x128x128xf32, #tpu.memory_space<vmem>>
        %get3A_744 = tpu.memref_squeeze %get3A_743 : memref<1x128x128xf32, #tpu.memory_space<vmem>> -> memref<128x128xf32, #tpu.memory_space<vmem>>
        %get3A_745 = arith.index_cast %add3A_740 : i32 to index
        %get3A_746 = arith.index_cast %mul3A_203 : i32 to index
        %get3A_747 = tpu.vector_load %get3A_744[%get3A_745, %get3A_746] {strides = array<i32>} : memref<128x128xf32, #tpu.memory_space<vmem>>, vector<1x16xf32>,
        %get3A_748 = vector.shape_cast %get3A_747 : vector<1x16xf32> to vector<16xf32>
        %add3A_749 = arith.constant 32 : i32
        %add3A_750 = arith.addi %mul3A_205, %add3A_749 : i32
        %add3A_751 = arith.constant 2 : i32
        %add3A_752 = arith.addi %add3A_750, %add3A_751 : i32
        %get3A_753 = arith.constant 0 : i32
        %get3A_754 = arith.constant 0 : i32
        %get3A_755 = tpu.memref_slice %arg10[%scan3A_79, %get3A_753, %get3A_754] : memref<4x128x128xf32, #tpu.memory_space<vmem>> -> memref<1x128x128xf32, #tpu.memory_space<vmem>>
        %get3A_756 = tpu.memref_squeeze %get3A_755 : memref<1x128x128xf32, #tpu.memory_space<vmem>> -> memref<128x128xf32, #tpu.memory_space<vmem>>
        %get3A_757 = arith.index_cast %add3A_752 : i32 to index
        %get3A_758 = arith.index_cast %mul3A_203 : i32 to index
        %get3A_759 = tpu.vector_load %get3A_756[%get3A_757, %get3A_758] {strides = array<i32>} : memref<128x128xf32, #tpu.memory_space<vmem>>, vector<1x16xf32>,
        %get3A_760 = vector.shape_cast %get3A_759 : vector<1x16xf32> to vector<16xf32>
        %max3A_761 = arith.maximumf %get3A_748, %get3A_760 : vector<16xf32>
        %max3A_762 = arith.maximumf %max3A_724, %max3A_761 : vector<16xf32>
        %add3A_763 = arith.constant 16 : i32
        %add3A_764 = arith.addi %mul3A_205, %add3A_763 : i32
        %get3A_765 = arith.constant 0 : i32
        %get3A_766 = arith.constant 0 : i32
        %get3A_767 = tpu.memref_slice %arg10[%scan3A_79, %get3A_765, %get3A_766] : memref<4x128x128xf32, #tpu.memory_space<vmem>> -> memref<1x128x128xf32, #tpu.memory_space<vmem>>
        %get3A_768 = tpu.memref_squeeze %get3A_767 : memref<1x128x128xf32, #tpu.memory_space<vmem>> -> memref<128x128xf32, #tpu.memory_space<vmem>>
        %get3A_769 = arith.index_cast %add3A_764 : i32 to index
        %get3A_770 = arith.index_cast %mul3A_203 : i32 to index
        %get3A_771 = tpu.vector_load %get3A_768[%get3A_769, %get3A_770] {strides = array<i32>} : memref<128x128xf32, #tpu.memory_space<vmem>>, vector<1x16xf32>,
        %get3A_772 = vector.shape_cast %get3A_771 : vector<1x16xf32> to vector<16xf32>
        %add3A_773 = arith.addf %get3A_772, %get3A_748 : vector<16xf32>
        %add3A_774 = arith.addf %add3A_773, %get3A_760 : vector<16xf32>
        %add3A_775 = arith.constant 30 : i32
        %add3A_776 = arith.addi %mul3A_205, %add3A_775 : i32
        %add3A_777 = arith.constant 1 : i32
        %add3A_778 = arith.addi %add3A_776, %add3A_777 : i32
        %get3A_779 = arith.constant 0 : i32
        %get3A_780 = arith.constant 0 : i32
        %get3A_781 = tpu.memref_slice %arg10[%scan3A_79, %get3A_779, %get3A_780] : memref<4x128x128xf32, #tpu.memory_space<vmem>> -> memref<1x128x128xf32, #tpu.memory_space<vmem>>
        %get3A_782 = tpu.memref_squeeze %get3A_781 : memref<1x128x128xf32, #tpu.memory_space<vmem>> -> memref<128x128xf32, #tpu.memory_space<vmem>>
        %get3A_783 = arith.index_cast %add3A_778 : i32 to index
        %get3A_784 = arith.index_cast %mul3A_203 : i32 to index
        %get3A_785 = tpu.vector_load %get3A_782[%get3A_783, %get3A_784] {strides = array<i32>} : memref<128x128xf32, #tpu.memory_space<vmem>>, vector<1x16xf32>,
        %get3A_786 = vector.shape_cast %get3A_785 : vector<1x16xf32> to vector<16xf32>
        %add3A_787 = arith.constant 30 : i32
        %add3A_788 = arith.addi %mul3A_205, %add3A_787 : i32
        %add3A_789 = arith.constant 2 : i32
        %add3A_790 = arith.addi %add3A_788, %add3A_789 : i32
        %get3A_791 = arith.constant 0 : i32
        %get3A_792 = arith.constant 0 : i32
        %get3A_793 = tpu.memref_slice %arg10[%scan3A_79, %get3A_791, %get3A_792] : memref<4x128x128xf32, #tpu.memory_space<vmem>> -> memref<1x128x128xf32, #tpu.memory_space<vmem>>
        %get3A_794 = tpu.memref_squeeze %get3A_793 : memref<1x128x128xf32, #tpu.memory_space<vmem>> -> memref<128x128xf32, #tpu.memory_space<vmem>>
        %get3A_795 = arith.index_cast %add3A_790 : i32 to index
        %get3A_796 = arith.index_cast %mul3A_203 : i32 to index
        %get3A_797 = tpu.vector_load %get3A_794[%get3A_795, %get3A_796] {strides = array<i32>} : memref<128x128xf32, #tpu.memory_space<vmem>>, vector<1x16xf32>,
        %get3A_798 = vector.shape_cast %get3A_797 : vector<1x16xf32> to vector<16xf32>
        %max3A_799 = arith.maximumf %get3A_786, %get3A_798 : vector<16xf32>
        %max3A_800 = arith.maximumf %max3A_762, %max3A_799 : vector<16xf32>
        %add3A_801 = arith.constant 15 : i32
        %add3A_802 = arith.addi %mul3A_205, %add3A_801 : i32
        %get3A_803 = arith.constant 0 : i32
        %get3A_804 = arith.constant 0 : i32
        %get3A_805 = tpu.memref_slice %arg10[%scan3A_79, %get3A_803, %get3A_804] : memref<4x128x128xf32, #tpu.memory_space<vmem>> -> memref<1x128x128xf32, #tpu.memory_space<vmem>>
        %get3A_806 = tpu.memref_squeeze %get3A_805 : memref<1x128x128xf32, #tpu.memory_space<vmem>> -> memref<128x128xf32, #tpu.memory_space<vmem>>
        %get3A_807 = arith.index_cast %add3A_802 : i32 to index
        %get3A_808 = arith.index_cast %mul3A_203 : i32 to index
        %get3A_809 = tpu.vector_load %get3A_806[%get3A_807, %get3A_808] {strides = array<i32>} : memref<128x128xf32, #tpu.memory_space<vmem>>, vector<1x16xf32>,
        %get3A_810 = vector.shape_cast %get3A_809 : vector<1x16xf32> to vector<16xf32>
        %add3A_811 = arith.addf %get3A_810, %get3A_786 : vector<16xf32>
        %add3A_812 = arith.addf %add3A_811, %get3A_798 : vector<16xf32>
        %max3A_813 = arith.maximumf %add3A_280, %add3A_242 : vector<16xf32>
        %max3A_814 = arith.maximumf %max3A_800, %max3A_813 : vector<16xf32>
        %add3A_815 = arith.constant 14 : i32
        %add3A_816 = arith.addi %mul3A_205, %add3A_815 : i32
        %get3A_817 = arith.constant 0 : i32
        %get3A_818 = arith.constant 0 : i32
        %get3A_819 = tpu.memref_slice %arg10[%scan3A_79, %get3A_817, %get3A_818] : memref<4x128x128xf32, #tpu.memory_space<vmem>> -> memref<1x128x128xf32, #tpu.memory_space<vmem>>
        %get3A_820 = tpu.memref_squeeze %get3A_819 : memref<1x128x128xf32, #tpu.memory_space<vmem>> -> memref<128x128xf32, #tpu.memory_space<vmem>>
        %get3A_821 = arith.index_cast %add3A_816 : i32 to index
        %get3A_822 = arith.index_cast %mul3A_203 : i32 to index
        %get3A_823 = tpu.vector_load %get3A_820[%get3A_821, %get3A_822] {strides = array<i32>} : memref<128x128xf32, #tpu.memory_space<vmem>>, vector<1x16xf32>,
        %get3A_824 = vector.shape_cast %get3A_823 : vector<1x16xf32> to vector<16xf32>
        %add3A_825 = arith.addf %get3A_824, %add3A_280 : vector<16xf32>
        %add3A_826 = arith.addf %add3A_825, %add3A_242 : vector<16xf32>
        %max3A_827 = arith.maximumf %add3A_356, %add3A_318 : vector<16xf32>
        %max3A_828 = arith.maximumf %max3A_814, %max3A_827 : vector<16xf32>
        %add3A_829 = arith.constant 13 : i32
        %add3A_830 = arith.addi %mul3A_205, %add3A_829 : i32
        %get3A_831 = arith.constant 0 : i32
        %get3A_832 = arith.constant 0 : i32
        %get3A_833 = tpu.memref_slice %arg10[%scan3A_79, %get3A_831, %get3A_832] : memref<4x128x128xf32, #tpu.memory_space<vmem>> -> memref<1x128x128xf32, #tpu.memory_space<vmem>>
        %get3A_834 = tpu.memref_squeeze %get3A_833 : memref<1x128x128xf32, #tpu.memory_space<vmem>> -> memref<128x128xf32, #tpu.memory_space<vmem>>
        %get3A_835 = arith.index_cast %add3A_830 : i32 to index
        %get3A_836 = arith.index_cast %mul3A_203 : i32 to index
        %get3A_837 = tpu.vector_load %get3A_834[%get3A_835, %get3A_836] {strides = array<i32>} : memref<128x128xf32, #tpu.memory_space<vmem>>, vector<1x16xf32>,
        %get3A_838 = vector.shape_cast %get3A_837 : vector<1x16xf32> to vector<16xf32>
        %add3A_839 = arith.addf %get3A_838, %add3A_356 : vector<16xf32>
        %add3A_840 = arith.addf %add3A_839, %add3A_318 : vector<16xf32>
        %max3A_841 = arith.maximumf %add3A_432, %add3A_394 : vector<16xf32>
        %max3A_842 = arith.maximumf %max3A_828, %max3A_841 : vector<16xf32>
        %add3A_843 = arith.constant 12 : i32
        %add3A_844 = arith.addi %mul3A_205, %add3A_843 : i32
        %get3A_845 = arith.constant 0 : i32
        %get3A_846 = arith.constant 0 : i32
        %get3A_847 = tpu.memref_slice %arg10[%scan3A_79, %get3A_845, %get3A_846] : memref<4x128x128xf32, #tpu.memory_space<vmem>> -> memref<1x128x128xf32, #tpu.memory_space<vmem>>
        %get3A_848 = tpu.memref_squeeze %get3A_847 : memref<1x128x128xf32, #tpu.memory_space<vmem>> -> memref<128x128xf32, #tpu.memory_space<vmem>>
        %get3A_849 = arith.index_cast %add3A_844 : i32 to index
        %get3A_850 = arith.index_cast %mul3A_203 : i32 to index
        %get3A_851 = tpu.vector_load %get3A_848[%get3A_849, %get3A_850] {strides = array<i32>} : memref<128x128xf32, #tpu.memory_space<vmem>>, vector<1x16xf32>,
        %get3A_852 = vector.shape_cast %get3A_851 : vector<1x16xf32> to vector<16xf32>
        %add3A_853 = arith.addf %get3A_852, %add3A_432 : vector<16xf32>
        %add3A_854 = arith.addf %add3A_853, %add3A_394 : vector<16xf32>
        %max3A_855 = arith.maximumf %add3A_508, %add3A_470 : vector<16xf32>
        %max3A_856 = arith.maximumf %max3A_842, %max3A_855 : vector<16xf32>
        %add3A_857 = arith.constant 11 : i32
        %add3A_858 = arith.addi %mul3A_205, %add3A_857 : i32
        %get3A_859 = arith.constant 0 : i32
        %get3A_860 = arith.constant 0 : i32
        %get3A_861 = tpu.memref_slice %arg10[%scan3A_79, %get3A_859, %get3A_860] : memref<4x128x128xf32, #tpu.memory_space<vmem>> -> memref<1x128x128xf32, #tpu.memory_space<vmem>>
        %get3A_862 = tpu.memref_squeeze %get3A_861 : memref<1x128x128xf32, #tpu.memory_space<vmem>> -> memref<128x128xf32, #tpu.memory_space<vmem>>
        %get3A_863 = arith.index_cast %add3A_858 : i32 to index
        %get3A_864 = arith.index_cast %mul3A_203 : i32 to index
        %get3A_865 = tpu.vector_load %get3A_862[%get3A_863, %get3A_864] {strides = array<i32>} : memref<128x128xf32, #tpu.memory_space<vmem>>, vector<1x16xf32>,
        %get3A_866 = vector.shape_cast %get3A_865 : vector<1x16xf32> to vector<16xf32>
        %add3A_867 = arith.addf %get3A_866, %add3A_508 : vector<16xf32>
        %add3A_868 = arith.addf %add3A_867, %add3A_470 : vector<16xf32>
        %max3A_869 = arith.maximumf %add3A_584, %add3A_546 : vector<16xf32>
        %max3A_870 = arith.maximumf %max3A_856, %max3A_869 : vector<16xf32>
        %add3A_871 = arith.constant 10 : i32
        %add3A_872 = arith.addi %mul3A_205, %add3A_871 : i32
        %get3A_873 = arith.constant 0 : i32
        %get3A_874 = arith.constant 0 : i32
        %get3A_875 = tpu.memref_slice %arg10[%scan3A_79, %get3A_873, %get3A_874] : memref<4x128x128xf32, #tpu.memory_space<vmem>> -> memref<1x128x128xf32, #tpu.memory_space<vmem>>
        %get3A_876 = tpu.memref_squeeze %get3A_875 : memref<1x128x128xf32, #tpu.memory_space<vmem>> -> memref<128x128xf32, #tpu.memory_space<vmem>>
        %get3A_877 = arith.index_cast %add3A_872 : i32 to index
        %get3A_878 = arith.index_cast %mul3A_203 : i32 to index
        %get3A_879 = tpu.vector_load %get3A_876[%get3A_877, %get3A_878] {strides = array<i32>} : memref<128x128xf32, #tpu.memory_space<vmem>>, vector<1x16xf32>,
        %get3A_880 = vector.shape_cast %get3A_879 : vector<1x16xf32> to vector<16xf32>
        %add3A_881 = arith.addf %get3A_880, %add3A_584 : vector<16xf32>
        %add3A_882 = arith.addf %add3A_881, %add3A_546 : vector<16xf32>
        %max3A_883 = arith.maximumf %add3A_660, %add3A_622 : vector<16xf32>
        %max3A_884 = arith.maximumf %max3A_870, %max3A_883 : vector<16xf32>
        %add3A_885 = arith.constant 9 : i32
        %add3A_886 = arith.addi %mul3A_205, %add3A_885 : i32
        %get3A_887 = arith.constant 0 : i32
        %get3A_888 = arith.constant 0 : i32
        %get3A_889 = tpu.memref_slice %arg10[%scan3A_79, %get3A_887, %get3A_888] : memref<4x128x128xf32, #tpu.memory_space<vmem>> -> memref<1x128x128xf32, #tpu.memory_space<vmem>>
        %get3A_890 = tpu.memref_squeeze %get3A_889 : memref<1x128x128xf32, #tpu.memory_space<vmem>> -> memref<128x128xf32, #tpu.memory_space<vmem>>
        %get3A_891 = arith.index_cast %add3A_886 : i32 to index
        %get3A_892 = arith.index_cast %mul3A_203 : i32 to index
        %get3A_893 = tpu.vector_load %get3A_890[%get3A_891, %get3A_892] {strides = array<i32>} : memref<128x128xf32, #tpu.memory_space<vmem>>, vector<1x16xf32>,
        %get3A_894 = vector.shape_cast %get3A_893 : vector<1x16xf32> to vector<16xf32>
        %add3A_895 = arith.addf %get3A_894, %add3A_660 : vector<16xf32>
        %add3A_896 = arith.addf %add3A_895, %add3A_622 : vector<16xf32>
        %max3A_897 = arith.maximumf %add3A_736, %add3A_698 : vector<16xf32>
        %max3A_898 = arith.maximumf %max3A_884, %max3A_897 : vector<16xf32>
        %add3A_899 = arith.constant 8 : i32
        %add3A_900 = arith.addi %mul3A_205, %add3A_899 : i32
        %get3A_901 = arith.constant 0 : i32
        %get3A_902 = arith.constant 0 : i32
        %get3A_903 = tpu.memref_slice %arg10[%scan3A_79, %get3A_901, %get3A_902] : memref<4x128x128xf32, #tpu.memory_space<vmem>> -> memref<1x128x128xf32, #tpu.memory_space<vmem>>
        %get3A_904 = tpu.memref_squeeze %get3A_903 : memref<1x128x128xf32, #tpu.memory_space<vmem>> -> memref<128x128xf32, #tpu.memory_space<vmem>>
        %get3A_905 = arith.index_cast %add3A_900 : i32 to index
        %get3A_906 = arith.index_cast %mul3A_203 : i32 to index
        %get3A_907 = tpu.vector_load %get3A_904[%get3A_905, %get3A_906] {strides = array<i32>} : memref<128x128xf32, #tpu.memory_space<vmem>>, vector<1x16xf32>,
        %get3A_908 = vector.shape_cast %get3A_907 : vector<1x16xf32> to vector<16xf32>
        %add3A_909 = arith.addf %get3A_908, %add3A_736 : vector<16xf32>
        %add3A_910 = arith.addf %add3A_909, %add3A_698 : vector<16xf32>
        %max3A_911 = arith.maximumf %add3A_812, %add3A_774 : vector<16xf32>
        %max3A_912 = arith.maximumf %max3A_898, %max3A_911 : vector<16xf32>
        %add3A_913 = arith.constant 7 : i32
        %add3A_914 = arith.addi %mul3A_205, %add3A_913 : i32
        %get3A_915 = arith.constant 0 : i32
        %get3A_916 = arith.constant 0 : i32
        %get3A_917 = tpu.memref_slice %arg10[%scan3A_79, %get3A_915, %get3A_916] : memref<4x128x128xf32, #tpu.memory_space<vmem>> -> memref<1x128x128xf32, #tpu.memory_space<vmem>>
        %get3A_918 = tpu.memref_squeeze %get3A_917 : memref<1x128x128xf32, #tpu.memory_space<vmem>> -> memref<128x128xf32, #tpu.memory_space<vmem>>
        %get3A_919 = arith.index_cast %add3A_914 : i32 to index
        %get3A_920 = arith.index_cast %mul3A_203 : i32 to index
        %get3A_921 = tpu.vector_load %get3A_918[%get3A_919, %get3A_920] {strides = array<i32>} : memref<128x128xf32, #tpu.memory_space<vmem>>, vector<1x16xf32>,
        %get3A_922 = vector.shape_cast %get3A_921 : vector<1x16xf32> to vector<16xf32>
        %add3A_923 = arith.addf %get3A_922, %add3A_812 : vector<16xf32>
        %add3A_924 = arith.addf %add3A_923, %add3A_774 : vector<16xf32>
        %max3A_925 = arith.maximumf %add3A_840, %add3A_826 : vector<16xf32>
        %max3A_926 = arith.maximumf %max3A_912, %max3A_925 : vector<16xf32>
        %add3A_927 = arith.constant 6 : i32
        %add3A_928 = arith.addi %mul3A_205, %add3A_927 : i32
        %get3A_929 = arith.constant 0 : i32
        %get3A_930 = arith.constant 0 : i32
        %get3A_931 = tpu.memref_slice %arg10[%scan3A_79, %get3A_929, %get3A_930] : memref<4x128x128xf32, #tpu.memory_space<vmem>> -> memref<1x128x128xf32, #tpu.memory_space<vmem>>
        %get3A_932 = tpu.memref_squeeze %get3A_931 : memref<1x128x128xf32, #tpu.memory_space<vmem>> -> memref<128x128xf32, #tpu.memory_space<vmem>>
        %get3A_933 = arith.index_cast %add3A_928 : i32 to index
        %get3A_934 = arith.index_cast %mul3A_203 : i32 to index
        %get3A_935 = tpu.vector_load %get3A_932[%get3A_933, %get3A_934] {strides = array<i32>} : memref<128x128xf32, #tpu.memory_space<vmem>>, vector<1x16xf32>,
        %get3A_936 = vector.shape_cast %get3A_935 : vector<1x16xf32> to vector<16xf32>
        %add3A_937 = arith.addf %get3A_936, %add3A_840 : vector<16xf32>
        %add3A_938 = arith.addf %add3A_937, %add3A_826 : vector<16xf32>
        %max3A_939 = arith.maximumf %add3A_868, %add3A_854 : vector<16xf32>
        %max3A_940 = arith.maximumf %max3A_926, %max3A_939 : vector<16xf32>
        %add3A_941 = arith.constant 5 : i32
        %add3A_942 = arith.addi %mul3A_205, %add3A_941 : i32
        %get3A_943 = arith.constant 0 : i32
        %get3A_944 = arith.constant 0 : i32
        %get3A_945 = tpu.memref_slice %arg10[%scan3A_79, %get3A_943, %get3A_944] : memref<4x128x128xf32, #tpu.memory_space<vmem>> -> memref<1x128x128xf32, #tpu.memory_space<vmem>>
        %get3A_946 = tpu.memref_squeeze %get3A_945 : memref<1x128x128xf32, #tpu.memory_space<vmem>> -> memref<128x128xf32, #tpu.memory_space<vmem>>
        %get3A_947 = arith.index_cast %add3A_942 : i32 to index
        %get3A_948 = arith.index_cast %mul3A_203 : i32 to index
        %get3A_949 = tpu.vector_load %get3A_946[%get3A_947, %get3A_948] {strides = array<i32>} : memref<128x128xf32, #tpu.memory_space<vmem>>, vector<1x16xf32>,
        %get3A_950 = vector.shape_cast %get3A_949 : vector<1x16xf32> to vector<16xf32>
        %add3A_951 = arith.addf %get3A_950, %add3A_868 : vector<16xf32>
        %add3A_952 = arith.addf %add3A_951, %add3A_854 : vector<16xf32>
        %max3A_953 = arith.maximumf %add3A_896, %add3A_882 : vector<16xf32>
        %max3A_954 = arith.maximumf %max3A_940, %max3A_953 : vector<16xf32>
        %add3A_955 = arith.constant 4 : i32
        %add3A_956 = arith.addi %mul3A_205, %add3A_955 : i32
        %get3A_957 = arith.constant 0 : i32
        %get3A_958 = arith.constant 0 : i32
        %get3A_959 = tpu.memref_slice %arg10[%scan3A_79, %get3A_957, %get3A_958] : memref<4x128x128xf32, #tpu.memory_space<vmem>> -> memref<1x128x128xf32, #tpu.memory_space<vmem>>
        %get3A_960 = tpu.memref_squeeze %get3A_959 : memref<1x128x128xf32, #tpu.memory_space<vmem>> -> memref<128x128xf32, #tpu.memory_space<vmem>>
        %get3A_961 = arith.index_cast %add3A_956 : i32 to index
        %get3A_962 = arith.index_cast %mul3A_203 : i32 to index
        %get3A_963 = tpu.vector_load %get3A_960[%get3A_961, %get3A_962] {strides = array<i32>} : memref<128x128xf32, #tpu.memory_space<vmem>>, vector<1x16xf32>,
        %get3A_964 = vector.shape_cast %get3A_963 : vector<1x16xf32> to vector<16xf32>
        %add3A_965 = arith.addf %get3A_964, %add3A_896 : vector<16xf32>
        %add3A_966 = arith.addf %add3A_965, %add3A_882 : vector<16xf32>
        %max3A_967 = arith.maximumf %add3A_924, %add3A_910 : vector<16xf32>
        %max3A_968 = arith.maximumf %max3A_954, %max3A_967 : vector<16xf32>
        %add3A_969 = arith.constant 3 : i32
        %add3A_970 = arith.addi %mul3A_205, %add3A_969 : i32
        %get3A_971 = arith.constant 0 : i32
        %get3A_972 = arith.constant 0 : i32
        %get3A_973 = tpu.memref_slice %arg10[%scan3A_79, %get3A_971, %get3A_972] : memref<4x128x128xf32, #tpu.memory_space<vmem>> -> memref<1x128x128xf32, #tpu.memory_space<vmem>>
        %get3A_974 = tpu.memref_squeeze %get3A_973 : memref<1x128x128xf32, #tpu.memory_space<vmem>> -> memref<128x128xf32, #tpu.memory_space<vmem>>
        %get3A_975 = arith.index_cast %add3A_970 : i32 to index
        %get3A_976 = arith.index_cast %mul3A_203 : i32 to index
        %get3A_977 = tpu.vector_load %get3A_974[%get3A_975, %get3A_976] {strides = array<i32>} : memref<128x128xf32, #tpu.memory_space<vmem>>, vector<1x16xf32>,
        %get3A_978 = vector.shape_cast %get3A_977 : vector<1x16xf32> to vector<16xf32>
        %add3A_979 = arith.addf %get3A_978, %add3A_924 : vector<16xf32>
        %add3A_980 = arith.addf %add3A_979, %add3A_910 : vector<16xf32>
        %max3A_981 = arith.maximumf %add3A_952, %add3A_938 : vector<16xf32>
        %max3A_982 = arith.maximumf %max3A_968, %max3A_981 : vector<16xf32>
        %add3A_983 = arith.constant 2 : i32
        %add3A_984 = arith.addi %mul3A_205, %add3A_983 : i32
        %get3A_985 = arith.constant 0 : i32
        %get3A_986 = arith.constant 0 : i32
        %get3A_987 = tpu.memref_slice %arg10[%scan3A_79, %get3A_985, %get3A_986] : memref<4x128x128xf32, #tpu.memory_space<vmem>> -> memref<1x128x128xf32, #tpu.memory_space<vmem>>
        %get3A_988 = tpu.memref_squeeze %get3A_987 : memref<1x128x128xf32, #tpu.memory_space<vmem>> -> memref<128x128xf32, #tpu.memory_space<vmem>>
        %get3A_989 = arith.index_cast %add3A_984 : i32 to index
        %get3A_990 = arith.index_cast %mul3A_203 : i32 to index
        %get3A_991 = tpu.vector_load %get3A_988[%get3A_989, %get3A_990] {strides = array<i32>} : memref<128x128xf32, #tpu.memory_space<vmem>>, vector<1x16xf32>,
        %get3A_992 = vector.shape_cast %get3A_991 : vector<1x16xf32> to vector<16xf32>
        %add3A_993 = arith.addf %get3A_992, %add3A_952 : vector<16xf32>
        %add3A_994 = arith.addf %add3A_993, %add3A_938 : vector<16xf32>
        %max3A_995 = arith.maximumf %add3A_980, %add3A_966 : vector<16xf32>
        %max3A_996 = arith.maximumf %max3A_982, %max3A_995 : vector<16xf32>
        %add3A_997 = arith.constant 1 : i32
        %add3A_998 = arith.addi %mul3A_205, %add3A_997 : i32
        %get3A_999 = arith.constant 0 : i32
        %get3A_1000 = arith.constant 0 : i32
        %get3A_1001 = tpu.memref_slice %arg10[%scan3A_79, %get3A_999, %get3A_1000] : memref<4x128x128xf32, #tpu.memory_space<vmem>> -> memref<1x128x128xf32, #tpu.memory_space<vmem>>
        %get3A_1002 = tpu.memref_squeeze %get3A_1001 : memref<1x128x128xf32, #tpu.memory_space<vmem>> -> memref<128x128xf32, #tpu.memory_space<vmem>>
        %get3A_1003 = arith.index_cast %add3A_998 : i32 to index
        %get3A_1004 = arith.index_cast %mul3A_203 : i32 to index
        %get3A_1005 = tpu.vector_load %get3A_1002[%get3A_1003, %get3A_1004] {strides = array<i32>} : memref<128x128xf32, #tpu.memory_space<vmem>>, vector<1x16xf32>,
        %get3A_1006 = vector.shape_cast %get3A_1005 : vector<1x16xf32> to vector<16xf32>
        %add3A_1007 = arith.addf %get3A_1006, %add3A_980 : vector<16xf32>
        %add3A_1008 = arith.addf %add3A_1007, %add3A_966 : vector<16xf32>
        %max3A_1009 = arith.maximumf %add3A_1008, %add3A_994 : vector<16xf32>
        %max3A_1010 = arith.maximumf %max3A_996, %max3A_1009 : vector<16xf32>
        %add3A_1011 = arith.constant 0 : i32
        %add3A_1012 = arith.addi %mul3A_205, %add3A_1011 : i32
        %get3A_1013 = arith.constant 0 : i32
        %get3A_1014 = arith.constant 0 : i32
        %get3A_1015 = tpu.memref_slice %arg10[%scan3A_79, %get3A_1013, %get3A_1014] : memref<4x128x128xf32, #tpu.memory_space<vmem>> -> memref<1x128x128xf32, #tpu.memory_space<vmem>>
        %get3A_1016 = tpu.memref_squeeze %get3A_1015 : memref<1x128x128xf32, #tpu.memory_space<vmem>> -> memref<128x128xf32, #tpu.memory_space<vmem>>
        %get3A_1017 = arith.index_cast %add3A_1012 : i32 to index
        %get3A_1018 = arith.index_cast %mul3A_203 : i32 to index
        %get3A_1019 = tpu.vector_load %get3A_1016[%get3A_1017, %get3A_1018] {strides = array<i32>} : memref<128x128xf32, #tpu.memory_space<vmem>>, vector<1x16xf32>,
        %get3A_1020 = vector.shape_cast %get3A_1019 : vector<1x16xf32> to vector<16xf32>
        %add3A_1021 = arith.addf %get3A_1020, %add3A_1008 : vector<16xf32>
        %add3A_1022 = arith.addf %add3A_1021, %add3A_994 : vector<16xf32>
        %max3A_1023 = arith.maximumf %max3A_1010, %add3A_1022 : vector<16xf32>
        %mul3A_1024 = arith.constant 2 : i32
        %mul3A_1025 = arith.muli %add3A_66, %mul3A_1024 : i32
        %add3A_1026 = arith.addi %mul3A_1025, %select_n3A : i32
        %swap3A = arith.index_cast %add3A_1026 : i32 to index
        %swap3A_1027 = arith.index_cast %mul3A_203 : i32 to index
        %swap3A_1028 = tpu.vector_load %arg11[%swap3A, %swap3A_1027] {strides = array<i32>} : memref<64x128xf32, #tpu.memory_space<vmem>>, vector<1x16xf32>,
        %swap3A_1029 = vector.shape_cast %swap3A_1028 : vector<1x16xf32> to vector<16xf32>
        %swap3A_1030 = vector.shape_cast %max3A_1023 : vector<16xf32> to vector<1x16xf32>
        tpu.vector_store %arg11[%swap3A, %swap3A_1027], %swap3A_1030 {strides = array<i32>} : memref<64x128xf32, #tpu.memory_space<vmem>>, vector<1x16xf32>,
      }
      %scan3A_84 = arith.constant 16 : i32
      %add3A_85 = arith.constant 4 : i32
      %add3A_86 = arith.addi %add3A_66, %add3A_85 : i32
      %lt3A = arith.constant 32 : i32
      %lt3A_87 = arith.cmpi slt, %add3A_86, %lt3A : i32
      %convert_element_type3A = arith.extui %lt3A_87 : i1 to i32
      %cond3A = arith.constant 0 : i32
      %cond3A_88 = arith.cmpi ne, %convert_element_type3A, %cond3A : i32
      scf.if %cond3A_88 {
        %add3A_170 = arith.constant 4 : i32
        %add3A_171 = arith.addi %add3A_66, %add3A_170 : i32
        %dma_start3A_172 = arith.constant 0 : i32
        %dma_start3A_173 = arith.constant 0 : i32
        %dma_start3A_174 = arith.constant 0 : i32
        %dma_start3A_175 = tpu.memref_slice %arg10[%dma_start3A_172, %dma_start3A_173, %dma_start3A_174] : memref<4x128x128xf32, #tpu.memory_space<vmem>> -> memref<1x128x128xf32, #tpu.memory_space<vmem>>
        %dma_start3A_176 = tpu.memref_squeeze %dma_start3A_175 : memref<1x128x128xf32, #tpu.memory_space<vmem>> -> memref<128x128xf32, #tpu.memory_space<vmem>>
        %dma_start3A_177 = arith.constant 0 : i32
        %dma_start3A_178 = tpu.memref_slice %arg8[%add3A_171, %dma_start3A_177] : memref<32x128xi32, #tpu.memory_space<vmem>> -> memref<1x128xi32, #tpu.memory_space<vmem>>
        %dma_start3A_179 = tpu.memref_squeeze %dma_start3A_178 : memref<1x128xi32, #tpu.memory_space<vmem>> -> memref<128xi32, #tpu.memory_space<vmem>>
        %dma_start3A_180 = arith.constant 0 : i32
        %dma_start3A_181 = arith.constant 0 : i32
        %dma_start3A_182 = tpu.memref_slice %arg2[%dma_start3A_180, %dma_start3A_181] : memref<100001x128xf32, #tpu.memory_space<hbm>> -> memref<100001x128xf32, #tpu.memory_space<hbm>>
        tpu.enqueue_indirect_dma source(%dma_start3A_182 : memref<100001x128xf32, #tpu.memory_space<hbm>>) target(%dma_start3A_176 : memref<128x128xf32, #tpu.memory_space<vmem>>) offsets(%dma_start3A_179 : memref<128xi32, #tpu.memory_space<vmem>>) semaphore(%arg13 : memref<!tpu.dma_semaphore, #tpu.memory_space<semaphore_mem>>)
      } else {
      }
      %add3A_89 = arith.constant 1 : i32
      %add3A_90 = arith.addi %mul3A_64, %add3A_89 : i32
      %dma_wait3A_91 = arith.constant 1 : i32
      %dma_wait3A_92 = arith.constant 0 : i32
      %dma_wait3A_93 = arith.constant 0 : i32
      %dma_wait3A_94 = tpu.memref_slice %arg10[%dma_wait3A_91, %dma_wait3A_92, %dma_wait3A_93] : memref<4x128x128xf32, #tpu.memory_space<vmem>> -> memref<1x128x128xf32, #tpu.memory_space<vmem>>
      %dma_wait3A_95 = tpu.memref_squeeze %dma_wait3A_94 : memref<1x128x128xf32, #tpu.memory_space<vmem>> -> memref<128x128xf32, #tpu.memory_space<vmem>>
      %dma_wait3A_96 = arith.constant 0 : i32
      %dma_wait3A_97 = tpu.memref_slice %arg8[%add3A_90, %dma_wait3A_96] : memref<32x128xi32, #tpu.memory_space<vmem>> -> memref<1x128xi32, #tpu.memory_space<vmem>>
      %dma_wait3A_98 = tpu.memref_squeeze %dma_wait3A_97 : memref<1x128xi32, #tpu.memory_space<vmem>> -> memref<128xi32, #tpu.memory_space<vmem>>
      %dma_wait3A_99 = arith.constant 0 : i32
      %dma_wait3A_100 = arith.constant 0 : i32
      %dma_wait3A_101 = tpu.memref_slice %arg2[%dma_wait3A_99, %dma_wait3A_100] : memref<100001x128xf32, #tpu.memory_space<hbm>> -> memref<100001x128xf32, #tpu.memory_space<hbm>>
      tpu.wait_indirect_dma semaphore(%arg14 : memref<!tpu.dma_semaphore, #tpu.memory_space<semaphore_mem>>) src(%dma_wait3A_101 : memref<100001x128xf32, #tpu.memory_space<hbm>>) dst(%dma_wait3A_95 : memref<128x128xf32, #tpu.memory_space<vmem>>)
      %scan3A_102 = arith.constant 0 : i32
      %scan3A_103 = arith.constant 1 : i32
      %scan3A_104 = arith.constant 0 : i32
      %scan3A_105 = arith.constant 16 : i32
      %scan3A_106 = arith.addi %scan3A_104, %scan3A_105 : i32
      %scan3A_107 = arith.constant 1 : i32
      scf.for %scan3A_170 = %scan3A_104 to %scan3A_106 step %scan3A_107  : i32 {
        %jit3A = arith.constant 8 : i32
        %div3A = arith.divsi %scan3A_170, %jit3A : i32
        %sign3A = arith.constant 0 : i32
        %sign3A_171 = arith.cmpi sgt, %scan3A_170, %sign3A : i32
        %sign3A_172 = arith.extui %sign3A_171 : i1 to i32
        %sign3A_173 = arith.constant 0 : i32
        %sign3A_174 = arith.cmpi slt, %scan3A_170, %sign3A_173 : i32
        %sign3A_175 = arith.extui %sign3A_174 : i1 to i32
        %sign3A_176 = arith.subi %sign3A_172, %sign3A_175 : i32
        %sign3A_177 = arith.constant 0 : i32
        %sign3A_178 = arith.cmpi sgt, %jit3A, %sign3A_177 : i32
        %sign3A_179 = arith.extui %sign3A_178 : i1 to i32
        %sign3A_180 = arith.constant 0 : i32
        %sign3A_181 = arith.cmpi slt, %jit3A, %sign3A_180 : i32
        %sign3A_182 = arith.extui %sign3A_181 : i1 to i32
        %sign3A_183 = arith.subi %sign3A_179, %sign3A_182 : i32
        %ne3A = arith.cmpi ne, %sign3A_176, %sign3A_183 : i32
        %rem3A = arith.remsi %scan3A_170, %jit3A : i32
        %ne3A_184 = arith.constant 0 : i32
        %ne3A_185 = arith.cmpi ne, %rem3A, %ne3A_184 : i32
        %and3A = arith.andi %ne3A, %ne3A_185 : i1
        %sub3A = arith.constant 1 : i32
        %sub3A_186 = arith.subi %div3A, %sub3A : i32
        %select_n3A = arith.select %and3A, %sub3A_186, %div3A : i32
        %jit3A_187 = arith.constant 8 : i32
        %eq3A = arith.constant 0 : i32
        %eq3A_188 = arith.cmpi eq, %jit3A_187, %eq3A : i32
        %jit3A_189 = arith.constant 1 : i32
        %select_n3A_190 = arith.select %eq3A_188, %jit3A_189, %jit3A_187 : i32
        %rem3A_191 = arith.remsi %scan3A_170, %select_n3A_190 : i32
        %ne3A_192 = arith.constant 0 : i32
        %ne3A_193 = arith.cmpi ne, %rem3A_191, %ne3A_192 : i32
        %lt3A_194 = arith.constant 0 : i32
        %lt3A_195 = arith.cmpi slt, %rem3A_191, %lt3A_194 : i32
        %lt3A_196 = arith.constant 0 : i32
        %lt3A_197 = arith.cmpi slt, %select_n3A_190, %lt3A_196 : i32
        %ne3A_198 = arith.xori %lt3A_195, %lt3A_197 : i1
        %and3A_199 = arith.andi %ne3A_198, %ne3A_193 : i1
        %add3A_200 = arith.addi %rem3A_191, %select_n3A_190 : i32
        %select_n3A_201 = arith.select %and3A_199, %add3A_200, %rem3A_191 : i32
        %mul3A_202 = arith.constant 16 : i32
        %mul3A_203 = arith.muli %select_n3A_201, %mul3A_202 : i32
        %mul3A_204 = arith.constant 64 : i32
        %mul3A_205 = arith.muli %select_n3A, %mul3A_204 : i32
        %broadcast_in_dim3A = arith.constant 0.000000e+00 : f32
        %broadcast_in_dim3A_206 = vector.broadcast %broadcast_in_dim3A : f32 to vector<16xf32>
        %add3A_207 = arith.constant 60 : i32
        %add3A_208 = arith.addi %mul3A_205, %add3A_207 : i32
        %add3A_209 = arith.constant 1 : i32
        %add3A_210 = arith.addi %add3A_208, %add3A_209 : i32
        %get3A = arith.constant 0 : i32
        %get3A_211 = arith.constant 0 : i32
        %get3A_212 = tpu.memref_slice %arg10[%scan3A_103, %get3A, %get3A_211] : memref<4x128x128xf32, #tpu.memory_space<vmem>> -> memref<1x128x128xf32, #tpu.memory_space<vmem>>
        %get3A_213 = tpu.memref_squeeze %get3A_212 : memref<1x128x128xf32, #tpu.memory_space<vmem>> -> memref<128x128xf32, #tpu.memory_space<vmem>>
        %get3A_214 = arith.index_cast %add3A_210 : i32 to index
        %get3A_215 = arith.index_cast %mul3A_203 : i32 to index
        %get3A_216 = tpu.vector_load %get3A_213[%get3A_214, %get3A_215] {strides = array<i32>} : memref<128x128xf32, #tpu.memory_space<vmem>>, vector<1x16xf32>,
        %get3A_217 = vector.shape_cast %get3A_216 : vector<1x16xf32> to vector<16xf32>
        %add3A_218 = arith.constant 60 : i32
        %add3A_219 = arith.addi %mul3A_205, %add3A_218 : i32
        %add3A_220 = arith.constant 2 : i32
        %add3A_221 = arith.addi %add3A_219, %add3A_220 : i32
        %get3A_222 = arith.constant 0 : i32
        %get3A_223 = arith.constant 0 : i32
        %get3A_224 = tpu.memref_slice %arg10[%scan3A_103, %get3A_222, %get3A_223] : memref<4x128x128xf32, #tpu.memory_space<vmem>> -> memref<1x128x128xf32, #tpu.memory_space<vmem>>
        %get3A_225 = tpu.memref_squeeze %get3A_224 : memref<1x128x128xf32, #tpu.memory_space<vmem>> -> memref<128x128xf32, #tpu.memory_space<vmem>>
        %get3A_226 = arith.index_cast %add3A_221 : i32 to index
        %get3A_227 = arith.index_cast %mul3A_203 : i32 to index
        %get3A_228 = tpu.vector_load %get3A_225[%get3A_226, %get3A_227] {strides = array<i32>} : memref<128x128xf32, #tpu.memory_space<vmem>>, vector<1x16xf32>,
        %get3A_229 = vector.shape_cast %get3A_228 : vector<1x16xf32> to vector<16xf32>
        %max3A = arith.maximumf %get3A_217, %get3A_229 : vector<16xf32>
        %max3A_230 = arith.maximumf %broadcast_in_dim3A_206, %max3A : vector<16xf32>
        %add3A_231 = arith.constant 30 : i32
        %add3A_232 = arith.addi %mul3A_205, %add3A_231 : i32
        %get3A_233 = arith.constant 0 : i32
        %get3A_234 = arith.constant 0 : i32
        %get3A_235 = tpu.memref_slice %arg10[%scan3A_103, %get3A_233, %get3A_234] : memref<4x128x128xf32, #tpu.memory_space<vmem>> -> memref<1x128x128xf32, #tpu.memory_space<vmem>>
        %get3A_236 = tpu.memref_squeeze %get3A_235 : memref<1x128x128xf32, #tpu.memory_space<vmem>> -> memref<128x128xf32, #tpu.memory_space<vmem>>
        %get3A_237 = arith.index_cast %add3A_232 : i32 to index
        %get3A_238 = arith.index_cast %mul3A_203 : i32 to index
        %get3A_239 = tpu.vector_load %get3A_236[%get3A_237, %get3A_238] {strides = array<i32>} : memref<128x128xf32, #tpu.memory_space<vmem>>, vector<1x16xf32>,
        %get3A_240 = vector.shape_cast %get3A_239 : vector<1x16xf32> to vector<16xf32>
        %add3A_241 = arith.addf %get3A_240, %get3A_217 : vector<16xf32>
        %add3A_242 = arith.addf %add3A_241, %get3A_229 : vector<16xf32>
        %add3A_243 = arith.constant 58 : i32
        %add3A_244 = arith.addi %mul3A_205, %add3A_243 : i32
        %add3A_245 = arith.constant 1 : i32
        %add3A_246 = arith.addi %add3A_244, %add3A_245 : i32
        %get3A_247 = arith.constant 0 : i32
        %get3A_248 = arith.constant 0 : i32
        %get3A_249 = tpu.memref_slice %arg10[%scan3A_103, %get3A_247, %get3A_248] : memref<4x128x128xf32, #tpu.memory_space<vmem>> -> memref<1x128x128xf32, #tpu.memory_space<vmem>>
        %get3A_250 = tpu.memref_squeeze %get3A_249 : memref<1x128x128xf32, #tpu.memory_space<vmem>> -> memref<128x128xf32, #tpu.memory_space<vmem>>
        %get3A_251 = arith.index_cast %add3A_246 : i32 to index
        %get3A_252 = arith.index_cast %mul3A_203 : i32 to index
        %get3A_253 = tpu.vector_load %get3A_250[%get3A_251, %get3A_252] {strides = array<i32>} : memref<128x128xf32, #tpu.memory_space<vmem>>, vector<1x16xf32>,
        %get3A_254 = vector.shape_cast %get3A_253 : vector<1x16xf32> to vector<16xf32>
        %add3A_255 = arith.constant 58 : i32
        %add3A_256 = arith.addi %mul3A_205, %add3A_255 : i32
        %add3A_257 = arith.constant 2 : i32
        %add3A_258 = arith.addi %add3A_256, %add3A_257 : i32
        %get3A_259 = arith.constant 0 : i32
        %get3A_260 = arith.constant 0 : i32
        %get3A_261 = tpu.memref_slice %arg10[%scan3A_103, %get3A_259, %get3A_260] : memref<4x128x128xf32, #tpu.memory_space<vmem>> -> memref<1x128x128xf32, #tpu.memory_space<vmem>>
        %get3A_262 = tpu.memref_squeeze %get3A_261 : memref<1x128x128xf32, #tpu.memory_space<vmem>> -> memref<128x128xf32, #tpu.memory_space<vmem>>
        %get3A_263 = arith.index_cast %add3A_258 : i32 to index
        %get3A_264 = arith.index_cast %mul3A_203 : i32 to index
        %get3A_265 = tpu.vector_load %get3A_262[%get3A_263, %get3A_264] {strides = array<i32>} : memref<128x128xf32, #tpu.memory_space<vmem>>, vector<1x16xf32>,
        %get3A_266 = vector.shape_cast %get3A_265 : vector<1x16xf32> to vector<16xf32>
        %max3A_267 = arith.maximumf %get3A_254, %get3A_266 : vector<16xf32>
        %max3A_268 = arith.maximumf %max3A_230, %max3A_267 : vector<16xf32>
        %add3A_269 = arith.constant 29 : i32
        %add3A_270 = arith.addi %mul3A_205, %add3A_269 : i32
        %get3A_271 = arith.constant 0 : i32
        %get3A_272 = arith.constant 0 : i32
        %get3A_273 = tpu.memref_slice %arg10[%scan3A_103, %get3A_271, %get3A_272] : memref<4x128x128xf32, #tpu.memory_space<vmem>> -> memref<1x128x128xf32, #tpu.memory_space<vmem>>
        %get3A_274 = tpu.memref_squeeze %get3A_273 : memref<1x128x128xf32, #tpu.memory_space<vmem>> -> memref<128x128xf32, #tpu.memory_space<vmem>>
        %get3A_275 = arith.index_cast %add3A_270 : i32 to index
        %get3A_276 = arith.index_cast %mul3A_203 : i32 to index
        %get3A_277 = tpu.vector_load %get3A_274[%get3A_275, %get3A_276] {strides = array<i32>} : memref<128x128xf32, #tpu.memory_space<vmem>>, vector<1x16xf32>,
        %get3A_278 = vector.shape_cast %get3A_277 : vector<1x16xf32> to vector<16xf32>
        %add3A_279 = arith.addf %get3A_278, %get3A_254 : vector<16xf32>
        %add3A_280 = arith.addf %add3A_279, %get3A_266 : vector<16xf32>
        %add3A_281 = arith.constant 56 : i32
        %add3A_282 = arith.addi %mul3A_205, %add3A_281 : i32
        %add3A_283 = arith.constant 1 : i32
        %add3A_284 = arith.addi %add3A_282, %add3A_283 : i32
        %get3A_285 = arith.constant 0 : i32
        %get3A_286 = arith.constant 0 : i32
        %get3A_287 = tpu.memref_slice %arg10[%scan3A_103, %get3A_285, %get3A_286] : memref<4x128x128xf32, #tpu.memory_space<vmem>> -> memref<1x128x128xf32, #tpu.memory_space<vmem>>
        %get3A_288 = tpu.memref_squeeze %get3A_287 : memref<1x128x128xf32, #tpu.memory_space<vmem>> -> memref<128x128xf32, #tpu.memory_space<vmem>>
        %get3A_289 = arith.index_cast %add3A_284 : i32 to index
        %get3A_290 = arith.index_cast %mul3A_203 : i32 to index
        %get3A_291 = tpu.vector_load %get3A_288[%get3A_289, %get3A_290] {strides = array<i32>} : memref<128x128xf32, #tpu.memory_space<vmem>>, vector<1x16xf32>,
        %get3A_292 = vector.shape_cast %get3A_291 : vector<1x16xf32> to vector<16xf32>
        %add3A_293 = arith.constant 56 : i32
        %add3A_294 = arith.addi %mul3A_205, %add3A_293 : i32
        %add3A_295 = arith.constant 2 : i32
        %add3A_296 = arith.addi %add3A_294, %add3A_295 : i32
        %get3A_297 = arith.constant 0 : i32
        %get3A_298 = arith.constant 0 : i32
        %get3A_299 = tpu.memref_slice %arg10[%scan3A_103, %get3A_297, %get3A_298] : memref<4x128x128xf32, #tpu.memory_space<vmem>> -> memref<1x128x128xf32, #tpu.memory_space<vmem>>
        %get3A_300 = tpu.memref_squeeze %get3A_299 : memref<1x128x128xf32, #tpu.memory_space<vmem>> -> memref<128x128xf32, #tpu.memory_space<vmem>>
        %get3A_301 = arith.index_cast %add3A_296 : i32 to index
        %get3A_302 = arith.index_cast %mul3A_203 : i32 to index
        %get3A_303 = tpu.vector_load %get3A_300[%get3A_301, %get3A_302] {strides = array<i32>} : memref<128x128xf32, #tpu.memory_space<vmem>>, vector<1x16xf32>,
        %get3A_304 = vector.shape_cast %get3A_303 : vector<1x16xf32> to vector<16xf32>
        %max3A_305 = arith.maximumf %get3A_292, %get3A_304 : vector<16xf32>
        %max3A_306 = arith.maximumf %max3A_268, %max3A_305 : vector<16xf32>
        %add3A_307 = arith.constant 28 : i32
        %add3A_308 = arith.addi %mul3A_205, %add3A_307 : i32
        %get3A_309 = arith.constant 0 : i32
        %get3A_310 = arith.constant 0 : i32
        %get3A_311 = tpu.memref_slice %arg10[%scan3A_103, %get3A_309, %get3A_310] : memref<4x128x128xf32, #tpu.memory_space<vmem>> -> memref<1x128x128xf32, #tpu.memory_space<vmem>>
        %get3A_312 = tpu.memref_squeeze %get3A_311 : memref<1x128x128xf32, #tpu.memory_space<vmem>> -> memref<128x128xf32, #tpu.memory_space<vmem>>
        %get3A_313 = arith.index_cast %add3A_308 : i32 to index
        %get3A_314 = arith.index_cast %mul3A_203 : i32 to index
        %get3A_315 = tpu.vector_load %get3A_312[%get3A_313, %get3A_314] {strides = array<i32>} : memref<128x128xf32, #tpu.memory_space<vmem>>, vector<1x16xf32>,
        %get3A_316 = vector.shape_cast %get3A_315 : vector<1x16xf32> to vector<16xf32>
        %add3A_317 = arith.addf %get3A_316, %get3A_292 : vector<16xf32>
        %add3A_318 = arith.addf %add3A_317, %get3A_304 : vector<16xf32>
        %add3A_319 = arith.constant 54 : i32
        %add3A_320 = arith.addi %mul3A_205, %add3A_319 : i32
        %add3A_321 = arith.constant 1 : i32
        %add3A_322 = arith.addi %add3A_320, %add3A_321 : i32
        %get3A_323 = arith.constant 0 : i32
        %get3A_324 = arith.constant 0 : i32
        %get3A_325 = tpu.memref_slice %arg10[%scan3A_103, %get3A_323, %get3A_324] : memref<4x128x128xf32, #tpu.memory_space<vmem>> -> memref<1x128x128xf32, #tpu.memory_space<vmem>>
        %get3A_326 = tpu.memref_squeeze %get3A_325 : memref<1x128x128xf32, #tpu.memory_space<vmem>> -> memref<128x128xf32, #tpu.memory_space<vmem>>
        %get3A_327 = arith.index_cast %add3A_322 : i32 to index
        %get3A_328 = arith.index_cast %mul3A_203 : i32 to index
        %get3A_329 = tpu.vector_load %get3A_326[%get3A_327, %get3A_328] {strides = array<i32>} : memref<128x128xf32, #tpu.memory_space<vmem>>, vector<1x16xf32>,
        %get3A_330 = vector.shape_cast %get3A_329 : vector<1x16xf32> to vector<16xf32>
        %add3A_331 = arith.constant 54 : i32
        %add3A_332 = arith.addi %mul3A_205, %add3A_331 : i32
        %add3A_333 = arith.constant 2 : i32
        %add3A_334 = arith.addi %add3A_332, %add3A_333 : i32
        %get3A_335 = arith.constant 0 : i32
        %get3A_336 = arith.constant 0 : i32
        %get3A_337 = tpu.memref_slice %arg10[%scan3A_103, %get3A_335, %get3A_336] : memref<4x128x128xf32, #tpu.memory_space<vmem>> -> memref<1x128x128xf32, #tpu.memory_space<vmem>>
        %get3A_338 = tpu.memref_squeeze %get3A_337 : memref<1x128x128xf32, #tpu.memory_space<vmem>> -> memref<128x128xf32, #tpu.memory_space<vmem>>
        %get3A_339 = arith.index_cast %add3A_334 : i32 to index
        %get3A_340 = arith.index_cast %mul3A_203 : i32 to index
        %get3A_341 = tpu.vector_load %get3A_338[%get3A_339, %get3A_340] {strides = array<i32>} : memref<128x128xf32, #tpu.memory_space<vmem>>, vector<1x16xf32>,
        %get3A_342 = vector.shape_cast %get3A_341 : vector<1x16xf32> to vector<16xf32>
        %max3A_343 = arith.maximumf %get3A_330, %get3A_342 : vector<16xf32>
        %max3A_344 = arith.maximumf %max3A_306, %max3A_343 : vector<16xf32>
        %add3A_345 = arith.constant 27 : i32
        %add3A_346 = arith.addi %mul3A_205, %add3A_345 : i32
        %get3A_347 = arith.constant 0 : i32
        %get3A_348 = arith.constant 0 : i32
        %get3A_349 = tpu.memref_slice %arg10[%scan3A_103, %get3A_347, %get3A_348] : memref<4x128x128xf32, #tpu.memory_space<vmem>> -> memref<1x128x128xf32, #tpu.memory_space<vmem>>
        %get3A_350 = tpu.memref_squeeze %get3A_349 : memref<1x128x128xf32, #tpu.memory_space<vmem>> -> memref<128x128xf32, #tpu.memory_space<vmem>>
        %get3A_351 = arith.index_cast %add3A_346 : i32 to index
        %get3A_352 = arith.index_cast %mul3A_203 : i32 to index
        %get3A_353 = tpu.vector_load %get3A_350[%get3A_351, %get3A_352] {strides = array<i32>} : memref<128x128xf32, #tpu.memory_space<vmem>>, vector<1x16xf32>,
        %get3A_354 = vector.shape_cast %get3A_353 : vector<1x16xf32> to vector<16xf32>
        %add3A_355 = arith.addf %get3A_354, %get3A_330 : vector<16xf32>
        %add3A_356 = arith.addf %add3A_355, %get3A_342 : vector<16xf32>
        %add3A_357 = arith.constant 52 : i32
        %add3A_358 = arith.addi %mul3A_205, %add3A_357 : i32
        %add3A_359 = arith.constant 1 : i32
        %add3A_360 = arith.addi %add3A_358, %add3A_359 : i32
        %get3A_361 = arith.constant 0 : i32
        %get3A_362 = arith.constant 0 : i32
        %get3A_363 = tpu.memref_slice %arg10[%scan3A_103, %get3A_361, %get3A_362] : memref<4x128x128xf32, #tpu.memory_space<vmem>> -> memref<1x128x128xf32, #tpu.memory_space<vmem>>
        %get3A_364 = tpu.memref_squeeze %get3A_363 : memref<1x128x128xf32, #tpu.memory_space<vmem>> -> memref<128x128xf32, #tpu.memory_space<vmem>>
        %get3A_365 = arith.index_cast %add3A_360 : i32 to index
        %get3A_366 = arith.index_cast %mul3A_203 : i32 to index
        %get3A_367 = tpu.vector_load %get3A_364[%get3A_365, %get3A_366] {strides = array<i32>} : memref<128x128xf32, #tpu.memory_space<vmem>>, vector<1x16xf32>,
        %get3A_368 = vector.shape_cast %get3A_367 : vector<1x16xf32> to vector<16xf32>
        %add3A_369 = arith.constant 52 : i32
        %add3A_370 = arith.addi %mul3A_205, %add3A_369 : i32
        %add3A_371 = arith.constant 2 : i32
        %add3A_372 = arith.addi %add3A_370, %add3A_371 : i32
        %get3A_373 = arith.constant 0 : i32
        %get3A_374 = arith.constant 0 : i32
        %get3A_375 = tpu.memref_slice %arg10[%scan3A_103, %get3A_373, %get3A_374] : memref<4x128x128xf32, #tpu.memory_space<vmem>> -> memref<1x128x128xf32, #tpu.memory_space<vmem>>
        %get3A_376 = tpu.memref_squeeze %get3A_375 : memref<1x128x128xf32, #tpu.memory_space<vmem>> -> memref<128x128xf32, #tpu.memory_space<vmem>>
        %get3A_377 = arith.index_cast %add3A_372 : i32 to index
        %get3A_378 = arith.index_cast %mul3A_203 : i32 to index
        %get3A_379 = tpu.vector_load %get3A_376[%get3A_377, %get3A_378] {strides = array<i32>} : memref<128x128xf32, #tpu.memory_space<vmem>>, vector<1x16xf32>,
        %get3A_380 = vector.shape_cast %get3A_379 : vector<1x16xf32> to vector<16xf32>
        %max3A_381 = arith.maximumf %get3A_368, %get3A_380 : vector<16xf32>
        %max3A_382 = arith.maximumf %max3A_344, %max3A_381 : vector<16xf32>
        %add3A_383 = arith.constant 26 : i32
        %add3A_384 = arith.addi %mul3A_205, %add3A_383 : i32
        %get3A_385 = arith.constant 0 : i32
        %get3A_386 = arith.constant 0 : i32
        %get3A_387 = tpu.memref_slice %arg10[%scan3A_103, %get3A_385, %get3A_386] : memref<4x128x128xf32, #tpu.memory_space<vmem>> -> memref<1x128x128xf32, #tpu.memory_space<vmem>>
        %get3A_388 = tpu.memref_squeeze %get3A_387 : memref<1x128x128xf32, #tpu.memory_space<vmem>> -> memref<128x128xf32, #tpu.memory_space<vmem>>
        %get3A_389 = arith.index_cast %add3A_384 : i32 to index
        %get3A_390 = arith.index_cast %mul3A_203 : i32 to index
        %get3A_391 = tpu.vector_load %get3A_388[%get3A_389, %get3A_390] {strides = array<i32>} : memref<128x128xf32, #tpu.memory_space<vmem>>, vector<1x16xf32>,
        %get3A_392 = vector.shape_cast %get3A_391 : vector<1x16xf32> to vector<16xf32>
        %add3A_393 = arith.addf %get3A_392, %get3A_368 : vector<16xf32>
        %add3A_394 = arith.addf %add3A_393, %get3A_380 : vector<16xf32>
        %add3A_395 = arith.constant 50 : i32
        %add3A_396 = arith.addi %mul3A_205, %add3A_395 : i32
        %add3A_397 = arith.constant 1 : i32
        %add3A_398 = arith.addi %add3A_396, %add3A_397 : i32
        %get3A_399 = arith.constant 0 : i32
        %get3A_400 = arith.constant 0 : i32
        %get3A_401 = tpu.memref_slice %arg10[%scan3A_103, %get3A_399, %get3A_400] : memref<4x128x128xf32, #tpu.memory_space<vmem>> -> memref<1x128x128xf32, #tpu.memory_space<vmem>>
        %get3A_402 = tpu.memref_squeeze %get3A_401 : memref<1x128x128xf32, #tpu.memory_space<vmem>> -> memref<128x128xf32, #tpu.memory_space<vmem>>
        %get3A_403 = arith.index_cast %add3A_398 : i32 to index
        %get3A_404 = arith.index_cast %mul3A_203 : i32 to index
        %get3A_405 = tpu.vector_load %get3A_402[%get3A_403, %get3A_404] {strides = array<i32>} : memref<128x128xf32, #tpu.memory_space<vmem>>, vector<1x16xf32>,
        %get3A_406 = vector.shape_cast %get3A_405 : vector<1x16xf32> to vector<16xf32>
        %add3A_407 = arith.constant 50 : i32
        %add3A_408 = arith.addi %mul3A_205, %add3A_407 : i32
        %add3A_409 = arith.constant 2 : i32
        %add3A_410 = arith.addi %add3A_408, %add3A_409 : i32
        %get3A_411 = arith.constant 0 : i32
        %get3A_412 = arith.constant 0 : i32
        %get3A_413 = tpu.memref_slice %arg10[%scan3A_103, %get3A_411, %get3A_412] : memref<4x128x128xf32, #tpu.memory_space<vmem>> -> memref<1x128x128xf32, #tpu.memory_space<vmem>>
        %get3A_414 = tpu.memref_squeeze %get3A_413 : memref<1x128x128xf32, #tpu.memory_space<vmem>> -> memref<128x128xf32, #tpu.memory_space<vmem>>
        %get3A_415 = arith.index_cast %add3A_410 : i32 to index
        %get3A_416 = arith.index_cast %mul3A_203 : i32 to index
        %get3A_417 = tpu.vector_load %get3A_414[%get3A_415, %get3A_416] {strides = array<i32>} : memref<128x128xf32, #tpu.memory_space<vmem>>, vector<1x16xf32>,
        %get3A_418 = vector.shape_cast %get3A_417 : vector<1x16xf32> to vector<16xf32>
        %max3A_419 = arith.maximumf %get3A_406, %get3A_418 : vector<16xf32>
        %max3A_420 = arith.maximumf %max3A_382, %max3A_419 : vector<16xf32>
        %add3A_421 = arith.constant 25 : i32
        %add3A_422 = arith.addi %mul3A_205, %add3A_421 : i32
        %get3A_423 = arith.constant 0 : i32
        %get3A_424 = arith.constant 0 : i32
        %get3A_425 = tpu.memref_slice %arg10[%scan3A_103, %get3A_423, %get3A_424] : memref<4x128x128xf32, #tpu.memory_space<vmem>> -> memref<1x128x128xf32, #tpu.memory_space<vmem>>
        %get3A_426 = tpu.memref_squeeze %get3A_425 : memref<1x128x128xf32, #tpu.memory_space<vmem>> -> memref<128x128xf32, #tpu.memory_space<vmem>>
        %get3A_427 = arith.index_cast %add3A_422 : i32 to index
        %get3A_428 = arith.index_cast %mul3A_203 : i32 to index
        %get3A_429 = tpu.vector_load %get3A_426[%get3A_427, %get3A_428] {strides = array<i32>} : memref<128x128xf32, #tpu.memory_space<vmem>>, vector<1x16xf32>,
        %get3A_430 = vector.shape_cast %get3A_429 : vector<1x16xf32> to vector<16xf32>
        %add3A_431 = arith.addf %get3A_430, %get3A_406 : vector<16xf32>
        %add3A_432 = arith.addf %add3A_431, %get3A_418 : vector<16xf32>
        %add3A_433 = arith.constant 48 : i32
        %add3A_434 = arith.addi %mul3A_205, %add3A_433 : i32
        %add3A_435 = arith.constant 1 : i32
        %add3A_436 = arith.addi %add3A_434, %add3A_435 : i32
        %get3A_437 = arith.constant 0 : i32
        %get3A_438 = arith.constant 0 : i32
        %get3A_439 = tpu.memref_slice %arg10[%scan3A_103, %get3A_437, %get3A_438] : memref<4x128x128xf32, #tpu.memory_space<vmem>> -> memref<1x128x128xf32, #tpu.memory_space<vmem>>
        %get3A_440 = tpu.memref_squeeze %get3A_439 : memref<1x128x128xf32, #tpu.memory_space<vmem>> -> memref<128x128xf32, #tpu.memory_space<vmem>>
        %get3A_441 = arith.index_cast %add3A_436 : i32 to index
        %get3A_442 = arith.index_cast %mul3A_203 : i32 to index
        %get3A_443 = tpu.vector_load %get3A_440[%get3A_441, %get3A_442] {strides = array<i32>} : memref<128x128xf32, #tpu.memory_space<vmem>>, vector<1x16xf32>,
        %get3A_444 = vector.shape_cast %get3A_443 : vector<1x16xf32> to vector<16xf32>
        %add3A_445 = arith.constant 48 : i32
        %add3A_446 = arith.addi %mul3A_205, %add3A_445 : i32
        %add3A_447 = arith.constant 2 : i32
        %add3A_448 = arith.addi %add3A_446, %add3A_447 : i32
        %get3A_449 = arith.constant 0 : i32
        %get3A_450 = arith.constant 0 : i32
        %get3A_451 = tpu.memref_slice %arg10[%scan3A_103, %get3A_449, %get3A_450] : memref<4x128x128xf32, #tpu.memory_space<vmem>> -> memref<1x128x128xf32, #tpu.memory_space<vmem>>
        %get3A_452 = tpu.memref_squeeze %get3A_451 : memref<1x128x128xf32, #tpu.memory_space<vmem>> -> memref<128x128xf32, #tpu.memory_space<vmem>>
        %get3A_453 = arith.index_cast %add3A_448 : i32 to index
        %get3A_454 = arith.index_cast %mul3A_203 : i32 to index
        %get3A_455 = tpu.vector_load %get3A_452[%get3A_453, %get3A_454] {strides = array<i32>} : memref<128x128xf32, #tpu.memory_space<vmem>>, vector<1x16xf32>,
        %get3A_456 = vector.shape_cast %get3A_455 : vector<1x16xf32> to vector<16xf32>
        %max3A_457 = arith.maximumf %get3A_444, %get3A_456 : vector<16xf32>
        %max3A_458 = arith.maximumf %max3A_420, %max3A_457 : vector<16xf32>
        %add3A_459 = arith.constant 24 : i32
        %add3A_460 = arith.addi %mul3A_205, %add3A_459 : i32
        %get3A_461 = arith.constant 0 : i32
        %get3A_462 = arith.constant 0 : i32
        %get3A_463 = tpu.memref_slice %arg10[%scan3A_103, %get3A_461, %get3A_462] : memref<4x128x128xf32, #tpu.memory_space<vmem>> -> memref<1x128x128xf32, #tpu.memory_space<vmem>>
        %get3A_464 = tpu.memref_squeeze %get3A_463 : memref<1x128x128xf32, #tpu.memory_space<vmem>> -> memref<128x128xf32, #tpu.memory_space<vmem>>
        %get3A_465 = arith.index_cast %add3A_460 : i32 to index
        %get3A_466 = arith.index_cast %mul3A_203 : i32 to index
        %get3A_467 = tpu.vector_load %get3A_464[%get3A_465, %get3A_466] {strides = array<i32>} : memref<128x128xf32, #tpu.memory_space<vmem>>, vector<1x16xf32>,
        %get3A_468 = vector.shape_cast %get3A_467 : vector<1x16xf32> to vector<16xf32>
        %add3A_469 = arith.addf %get3A_468, %get3A_444 : vector<16xf32>
        %add3A_470 = arith.addf %add3A_469, %get3A_456 : vector<16xf32>
        %add3A_471 = arith.constant 46 : i32
        %add3A_472 = arith.addi %mul3A_205, %add3A_471 : i32
        %add3A_473 = arith.constant 1 : i32
        %add3A_474 = arith.addi %add3A_472, %add3A_473 : i32
        %get3A_475 = arith.constant 0 : i32
        %get3A_476 = arith.constant 0 : i32
        %get3A_477 = tpu.memref_slice %arg10[%scan3A_103, %get3A_475, %get3A_476] : memref<4x128x128xf32, #tpu.memory_space<vmem>> -> memref<1x128x128xf32, #tpu.memory_space<vmem>>
        %get3A_478 = tpu.memref_squeeze %get3A_477 : memref<1x128x128xf32, #tpu.memory_space<vmem>> -> memref<128x128xf32, #tpu.memory_space<vmem>>
        %get3A_479 = arith.index_cast %add3A_474 : i32 to index
        %get3A_480 = arith.index_cast %mul3A_203 : i32 to index
        %get3A_481 = tpu.vector_load %get3A_478[%get3A_479, %get3A_480] {strides = array<i32>} : memref<128x128xf32, #tpu.memory_space<vmem>>, vector<1x16xf32>,
        %get3A_482 = vector.shape_cast %get3A_481 : vector<1x16xf32> to vector<16xf32>
        %add3A_483 = arith.constant 46 : i32
        %add3A_484 = arith.addi %mul3A_205, %add3A_483 : i32
        %add3A_485 = arith.constant 2 : i32
        %add3A_486 = arith.addi %add3A_484, %add3A_485 : i32
        %get3A_487 = arith.constant 0 : i32
        %get3A_488 = arith.constant 0 : i32
        %get3A_489 = tpu.memref_slice %arg10[%scan3A_103, %get3A_487, %get3A_488] : memref<4x128x128xf32, #tpu.memory_space<vmem>> -> memref<1x128x128xf32, #tpu.memory_space<vmem>>
        %get3A_490 = tpu.memref_squeeze %get3A_489 : memref<1x128x128xf32, #tpu.memory_space<vmem>> -> memref<128x128xf32, #tpu.memory_space<vmem>>
        %get3A_491 = arith.index_cast %add3A_486 : i32 to index
        %get3A_492 = arith.index_cast %mul3A_203 : i32 to index
        %get3A_493 = tpu.vector_load %get3A_490[%get3A_491, %get3A_492] {strides = array<i32>} : memref<128x128xf32, #tpu.memory_space<vmem>>, vector<1x16xf32>,
        %get3A_494 = vector.shape_cast %get3A_493 : vector<1x16xf32> to vector<16xf32>
        %max3A_495 = arith.maximumf %get3A_482, %get3A_494 : vector<16xf32>
        %max3A_496 = arith.maximumf %max3A_458, %max3A_495 : vector<16xf32>
        %add3A_497 = arith.constant 23 : i32
        %add3A_498 = arith.addi %mul3A_205, %add3A_497 : i32
        %get3A_499 = arith.constant 0 : i32
        %get3A_500 = arith.constant 0 : i32
        %get3A_501 = tpu.memref_slice %arg10[%scan3A_103, %get3A_499, %get3A_500] : memref<4x128x128xf32, #tpu.memory_space<vmem>> -> memref<1x128x128xf32, #tpu.memory_space<vmem>>
        %get3A_502 = tpu.memref_squeeze %get3A_501 : memref<1x128x128xf32, #tpu.memory_space<vmem>> -> memref<128x128xf32, #tpu.memory_space<vmem>>
        %get3A_503 = arith.index_cast %add3A_498 : i32 to index
        %get3A_504 = arith.index_cast %mul3A_203 : i32 to index
        %get3A_505 = tpu.vector_load %get3A_502[%get3A_503, %get3A_504] {strides = array<i32>} : memref<128x128xf32, #tpu.memory_space<vmem>>, vector<1x16xf32>,
        %get3A_506 = vector.shape_cast %get3A_505 : vector<1x16xf32> to vector<16xf32>
        %add3A_507 = arith.addf %get3A_506, %get3A_482 : vector<16xf32>
        %add3A_508 = arith.addf %add3A_507, %get3A_494 : vector<16xf32>
        %add3A_509 = arith.constant 44 : i32
        %add3A_510 = arith.addi %mul3A_205, %add3A_509 : i32
        %add3A_511 = arith.constant 1 : i32
        %add3A_512 = arith.addi %add3A_510, %add3A_511 : i32
        %get3A_513 = arith.constant 0 : i32
        %get3A_514 = arith.constant 0 : i32
        %get3A_515 = tpu.memref_slice %arg10[%scan3A_103, %get3A_513, %get3A_514] : memref<4x128x128xf32, #tpu.memory_space<vmem>> -> memref<1x128x128xf32, #tpu.memory_space<vmem>>
        %get3A_516 = tpu.memref_squeeze %get3A_515 : memref<1x128x128xf32, #tpu.memory_space<vmem>> -> memref<128x128xf32, #tpu.memory_space<vmem>>
        %get3A_517 = arith.index_cast %add3A_512 : i32 to index
        %get3A_518 = arith.index_cast %mul3A_203 : i32 to index
        %get3A_519 = tpu.vector_load %get3A_516[%get3A_517, %get3A_518] {strides = array<i32>} : memref<128x128xf32, #tpu.memory_space<vmem>>, vector<1x16xf32>,
        %get3A_520 = vector.shape_cast %get3A_519 : vector<1x16xf32> to vector<16xf32>
        %add3A_521 = arith.constant 44 : i32
        %add3A_522 = arith.addi %mul3A_205, %add3A_521 : i32
        %add3A_523 = arith.constant 2 : i32
        %add3A_524 = arith.addi %add3A_522, %add3A_523 : i32
        %get3A_525 = arith.constant 0 : i32
        %get3A_526 = arith.constant 0 : i32
        %get3A_527 = tpu.memref_slice %arg10[%scan3A_103, %get3A_525, %get3A_526] : memref<4x128x128xf32, #tpu.memory_space<vmem>> -> memref<1x128x128xf32, #tpu.memory_space<vmem>>
        %get3A_528 = tpu.memref_squeeze %get3A_527 : memref<1x128x128xf32, #tpu.memory_space<vmem>> -> memref<128x128xf32, #tpu.memory_space<vmem>>
        %get3A_529 = arith.index_cast %add3A_524 : i32 to index
        %get3A_530 = arith.index_cast %mul3A_203 : i32 to index
        %get3A_531 = tpu.vector_load %get3A_528[%get3A_529, %get3A_530] {strides = array<i32>} : memref<128x128xf32, #tpu.memory_space<vmem>>, vector<1x16xf32>,
        %get3A_532 = vector.shape_cast %get3A_531 : vector<1x16xf32> to vector<16xf32>
        %max3A_533 = arith.maximumf %get3A_520, %get3A_532 : vector<16xf32>
        %max3A_534 = arith.maximumf %max3A_496, %max3A_533 : vector<16xf32>
        %add3A_535 = arith.constant 22 : i32
        %add3A_536 = arith.addi %mul3A_205, %add3A_535 : i32
        %get3A_537 = arith.constant 0 : i32
        %get3A_538 = arith.constant 0 : i32
        %get3A_539 = tpu.memref_slice %arg10[%scan3A_103, %get3A_537, %get3A_538] : memref<4x128x128xf32, #tpu.memory_space<vmem>> -> memref<1x128x128xf32, #tpu.memory_space<vmem>>
        %get3A_540 = tpu.memref_squeeze %get3A_539 : memref<1x128x128xf32, #tpu.memory_space<vmem>> -> memref<128x128xf32, #tpu.memory_space<vmem>>
        %get3A_541 = arith.index_cast %add3A_536 : i32 to index
        %get3A_542 = arith.index_cast %mul3A_203 : i32 to index
        %get3A_543 = tpu.vector_load %get3A_540[%get3A_541, %get3A_542] {strides = array<i32>} : memref<128x128xf32, #tpu.memory_space<vmem>>, vector<1x16xf32>,
        %get3A_544 = vector.shape_cast %get3A_543 : vector<1x16xf32> to vector<16xf32>
        %add3A_545 = arith.addf %get3A_544, %get3A_520 : vector<16xf32>
        %add3A_546 = arith.addf %add3A_545, %get3A_532 : vector<16xf32>
        %add3A_547 = arith.constant 42 : i32
        %add3A_548 = arith.addi %mul3A_205, %add3A_547 : i32
        %add3A_549 = arith.constant 1 : i32
        %add3A_550 = arith.addi %add3A_548, %add3A_549 : i32
        %get3A_551 = arith.constant 0 : i32
        %get3A_552 = arith.constant 0 : i32
        %get3A_553 = tpu.memref_slice %arg10[%scan3A_103, %get3A_551, %get3A_552] : memref<4x128x128xf32, #tpu.memory_space<vmem>> -> memref<1x128x128xf32, #tpu.memory_space<vmem>>
        %get3A_554 = tpu.memref_squeeze %get3A_553 : memref<1x128x128xf32, #tpu.memory_space<vmem>> -> memref<128x128xf32, #tpu.memory_space<vmem>>
        %get3A_555 = arith.index_cast %add3A_550 : i32 to index
        %get3A_556 = arith.index_cast %mul3A_203 : i32 to index
        %get3A_557 = tpu.vector_load %get3A_554[%get3A_555, %get3A_556] {strides = array<i32>} : memref<128x128xf32, #tpu.memory_space<vmem>>, vector<1x16xf32>,
        %get3A_558 = vector.shape_cast %get3A_557 : vector<1x16xf32> to vector<16xf32>
        %add3A_559 = arith.constant 42 : i32
        %add3A_560 = arith.addi %mul3A_205, %add3A_559 : i32
        %add3A_561 = arith.constant 2 : i32
        %add3A_562 = arith.addi %add3A_560, %add3A_561 : i32
        %get3A_563 = arith.constant 0 : i32
        %get3A_564 = arith.constant 0 : i32
        %get3A_565 = tpu.memref_slice %arg10[%scan3A_103, %get3A_563, %get3A_564] : memref<4x128x128xf32, #tpu.memory_space<vmem>> -> memref<1x128x128xf32, #tpu.memory_space<vmem>>
        %get3A_566 = tpu.memref_squeeze %get3A_565 : memref<1x128x128xf32, #tpu.memory_space<vmem>> -> memref<128x128xf32, #tpu.memory_space<vmem>>
        %get3A_567 = arith.index_cast %add3A_562 : i32 to index
        %get3A_568 = arith.index_cast %mul3A_203 : i32 to index
        %get3A_569 = tpu.vector_load %get3A_566[%get3A_567, %get3A_568] {strides = array<i32>} : memref<128x128xf32, #tpu.memory_space<vmem>>, vector<1x16xf32>,
        %get3A_570 = vector.shape_cast %get3A_569 : vector<1x16xf32> to vector<16xf32>
        %max3A_571 = arith.maximumf %get3A_558, %get3A_570 : vector<16xf32>
        %max3A_572 = arith.maximumf %max3A_534, %max3A_571 : vector<16xf32>
        %add3A_573 = arith.constant 21 : i32
        %add3A_574 = arith.addi %mul3A_205, %add3A_573 : i32
        %get3A_575 = arith.constant 0 : i32
        %get3A_576 = arith.constant 0 : i32
        %get3A_577 = tpu.memref_slice %arg10[%scan3A_103, %get3A_575, %get3A_576] : memref<4x128x128xf32, #tpu.memory_space<vmem>> -> memref<1x128x128xf32, #tpu.memory_space<vmem>>
        %get3A_578 = tpu.memref_squeeze %get3A_577 : memref<1x128x128xf32, #tpu.memory_space<vmem>> -> memref<128x128xf32, #tpu.memory_space<vmem>>
        %get3A_579 = arith.index_cast %add3A_574 : i32 to index
        %get3A_580 = arith.index_cast %mul3A_203 : i32 to index
        %get3A_581 = tpu.vector_load %get3A_578[%get3A_579, %get3A_580] {strides = array<i32>} : memref<128x128xf32, #tpu.memory_space<vmem>>, vector<1x16xf32>,
        %get3A_582 = vector.shape_cast %get3A_581 : vector<1x16xf32> to vector<16xf32>
        %add3A_583 = arith.addf %get3A_582, %get3A_558 : vector<16xf32>
        %add3A_584 = arith.addf %add3A_583, %get3A_570 : vector<16xf32>
        %add3A_585 = arith.constant 40 : i32
        %add3A_586 = arith.addi %mul3A_205, %add3A_585 : i32
        %add3A_587 = arith.constant 1 : i32
        %add3A_588 = arith.addi %add3A_586, %add3A_587 : i32
        %get3A_589 = arith.constant 0 : i32
        %get3A_590 = arith.constant 0 : i32
        %get3A_591 = tpu.memref_slice %arg10[%scan3A_103, %get3A_589, %get3A_590] : memref<4x128x128xf32, #tpu.memory_space<vmem>> -> memref<1x128x128xf32, #tpu.memory_space<vmem>>
        %get3A_592 = tpu.memref_squeeze %get3A_591 : memref<1x128x128xf32, #tpu.memory_space<vmem>> -> memref<128x128xf32, #tpu.memory_space<vmem>>
        %get3A_593 = arith.index_cast %add3A_588 : i32 to index
        %get3A_594 = arith.index_cast %mul3A_203 : i32 to index
        %get3A_595 = tpu.vector_load %get3A_592[%get3A_593, %get3A_594] {strides = array<i32>} : memref<128x128xf32, #tpu.memory_space<vmem>>, vector<1x16xf32>,
        %get3A_596 = vector.shape_cast %get3A_595 : vector<1x16xf32> to vector<16xf32>
        %add3A_597 = arith.constant 40 : i32
        %add3A_598 = arith.addi %mul3A_205, %add3A_597 : i32
        %add3A_599 = arith.constant 2 : i32
        %add3A_600 = arith.addi %add3A_598, %add3A_599 : i32
        %get3A_601 = arith.constant 0 : i32
        %get3A_602 = arith.constant 0 : i32
        %get3A_603 = tpu.memref_slice %arg10[%scan3A_103, %get3A_601, %get3A_602] : memref<4x128x128xf32, #tpu.memory_space<vmem>> -> memref<1x128x128xf32, #tpu.memory_space<vmem>>
        %get3A_604 = tpu.memref_squeeze %get3A_603 : memref<1x128x128xf32, #tpu.memory_space<vmem>> -> memref<128x128xf32, #tpu.memory_space<vmem>>
        %get3A_605 = arith.index_cast %add3A_600 : i32 to index
        %get3A_606 = arith.index_cast %mul3A_203 : i32 to index
        %get3A_607 = tpu.vector_load %get3A_604[%get3A_605, %get3A_606] {strides = array<i32>} : memref<128x128xf32, #tpu.memory_space<vmem>>, vector<1x16xf32>,
        %get3A_608 = vector.shape_cast %get3A_607 : vector<1x16xf32> to vector<16xf32>
        %max3A_609 = arith.maximumf %get3A_596, %get3A_608 : vector<16xf32>
        %max3A_610 = arith.maximumf %max3A_572, %max3A_609 : vector<16xf32>
        %add3A_611 = arith.constant 20 : i32
        %add3A_612 = arith.addi %mul3A_205, %add3A_611 : i32
        %get3A_613 = arith.constant 0 : i32
        %get3A_614 = arith.constant 0 : i32
        %get3A_615 = tpu.memref_slice %arg10[%scan3A_103, %get3A_613, %get3A_614] : memref<4x128x128xf32, #tpu.memory_space<vmem>> -> memref<1x128x128xf32, #tpu.memory_space<vmem>>
        %get3A_616 = tpu.memref_squeeze %get3A_615 : memref<1x128x128xf32, #tpu.memory_space<vmem>> -> memref<128x128xf32, #tpu.memory_space<vmem>>
        %get3A_617 = arith.index_cast %add3A_612 : i32 to index
        %get3A_618 = arith.index_cast %mul3A_203 : i32 to index
        %get3A_619 = tpu.vector_load %get3A_616[%get3A_617, %get3A_618] {strides = array<i32>} : memref<128x128xf32, #tpu.memory_space<vmem>>, vector<1x16xf32>,
        %get3A_620 = vector.shape_cast %get3A_619 : vector<1x16xf32> to vector<16xf32>
        %add3A_621 = arith.addf %get3A_620, %get3A_596 : vector<16xf32>
        %add3A_622 = arith.addf %add3A_621, %get3A_608 : vector<16xf32>
        %add3A_623 = arith.constant 38 : i32
        %add3A_624 = arith.addi %mul3A_205, %add3A_623 : i32
        %add3A_625 = arith.constant 1 : i32
        %add3A_626 = arith.addi %add3A_624, %add3A_625 : i32
        %get3A_627 = arith.constant 0 : i32
        %get3A_628 = arith.constant 0 : i32
        %get3A_629 = tpu.memref_slice %arg10[%scan3A_103, %get3A_627, %get3A_628] : memref<4x128x128xf32, #tpu.memory_space<vmem>> -> memref<1x128x128xf32, #tpu.memory_space<vmem>>
        %get3A_630 = tpu.memref_squeeze %get3A_629 : memref<1x128x128xf32, #tpu.memory_space<vmem>> -> memref<128x128xf32, #tpu.memory_space<vmem>>
        %get3A_631 = arith.index_cast %add3A_626 : i32 to index
        %get3A_632 = arith.index_cast %mul3A_203 : i32 to index
        %get3A_633 = tpu.vector_load %get3A_630[%get3A_631, %get3A_632] {strides = array<i32>} : memref<128x128xf32, #tpu.memory_space<vmem>>, vector<1x16xf32>,
        %get3A_634 = vector.shape_cast %get3A_633 : vector<1x16xf32> to vector<16xf32>
        %add3A_635 = arith.constant 38 : i32
        %add3A_636 = arith.addi %mul3A_205, %add3A_635 : i32
        %add3A_637 = arith.constant 2 : i32
        %add3A_638 = arith.addi %add3A_636, %add3A_637 : i32
        %get3A_639 = arith.constant 0 : i32
        %get3A_640 = arith.constant 0 : i32
        %get3A_641 = tpu.memref_slice %arg10[%scan3A_103, %get3A_639, %get3A_640] : memref<4x128x128xf32, #tpu.memory_space<vmem>> -> memref<1x128x128xf32, #tpu.memory_space<vmem>>
        %get3A_642 = tpu.memref_squeeze %get3A_641 : memref<1x128x128xf32, #tpu.memory_space<vmem>> -> memref<128x128xf32, #tpu.memory_space<vmem>>
        %get3A_643 = arith.index_cast %add3A_638 : i32 to index
        %get3A_644 = arith.index_cast %mul3A_203 : i32 to index
        %get3A_645 = tpu.vector_load %get3A_642[%get3A_643, %get3A_644] {strides = array<i32>} : memref<128x128xf32, #tpu.memory_space<vmem>>, vector<1x16xf32>,
        %get3A_646 = vector.shape_cast %get3A_645 : vector<1x16xf32> to vector<16xf32>
        %max3A_647 = arith.maximumf %get3A_634, %get3A_646 : vector<16xf32>
        %max3A_648 = arith.maximumf %max3A_610, %max3A_647 : vector<16xf32>
        %add3A_649 = arith.constant 19 : i32
        %add3A_650 = arith.addi %mul3A_205, %add3A_649 : i32
        %get3A_651 = arith.constant 0 : i32
        %get3A_652 = arith.constant 0 : i32
        %get3A_653 = tpu.memref_slice %arg10[%scan3A_103, %get3A_651, %get3A_652] : memref<4x128x128xf32, #tpu.memory_space<vmem>> -> memref<1x128x128xf32, #tpu.memory_space<vmem>>
        %get3A_654 = tpu.memref_squeeze %get3A_653 : memref<1x128x128xf32, #tpu.memory_space<vmem>> -> memref<128x128xf32, #tpu.memory_space<vmem>>
        %get3A_655 = arith.index_cast %add3A_650 : i32 to index
        %get3A_656 = arith.index_cast %mul3A_203 : i32 to index
        %get3A_657 = tpu.vector_load %get3A_654[%get3A_655, %get3A_656] {strides = array<i32>} : memref<128x128xf32, #tpu.memory_space<vmem>>, vector<1x16xf32>,
        %get3A_658 = vector.shape_cast %get3A_657 : vector<1x16xf32> to vector<16xf32>
        %add3A_659 = arith.addf %get3A_658, %get3A_634 : vector<16xf32>
        %add3A_660 = arith.addf %add3A_659, %get3A_646 : vector<16xf32>
        %add3A_661 = arith.constant 36 : i32
        %add3A_662 = arith.addi %mul3A_205, %add3A_661 : i32
        %add3A_663 = arith.constant 1 : i32
        %add3A_664 = arith.addi %add3A_662, %add3A_663 : i32
        %get3A_665 = arith.constant 0 : i32
        %get3A_666 = arith.constant 0 : i32
        %get3A_667 = tpu.memref_slice %arg10[%scan3A_103, %get3A_665, %get3A_666] : memref<4x128x128xf32, #tpu.memory_space<vmem>> -> memref<1x128x128xf32, #tpu.memory_space<vmem>>
        %get3A_668 = tpu.memref_squeeze %get3A_667 : memref<1x128x128xf32, #tpu.memory_space<vmem>> -> memref<128x128xf32, #tpu.memory_space<vmem>>
        %get3A_669 = arith.index_cast %add3A_664 : i32 to index
        %get3A_670 = arith.index_cast %mul3A_203 : i32 to index
        %get3A_671 = tpu.vector_load %get3A_668[%get3A_669, %get3A_670] {strides = array<i32>} : memref<128x128xf32, #tpu.memory_space<vmem>>, vector<1x16xf32>,
        %get3A_672 = vector.shape_cast %get3A_671 : vector<1x16xf32> to vector<16xf32>
        %add3A_673 = arith.constant 36 : i32
        %add3A_674 = arith.addi %mul3A_205, %add3A_673 : i32
        %add3A_675 = arith.constant 2 : i32
        %add3A_676 = arith.addi %add3A_674, %add3A_675 : i32
        %get3A_677 = arith.constant 0 : i32
        %get3A_678 = arith.constant 0 : i32
        %get3A_679 = tpu.memref_slice %arg10[%scan3A_103, %get3A_677, %get3A_678] : memref<4x128x128xf32, #tpu.memory_space<vmem>> -> memref<1x128x128xf32, #tpu.memory_space<vmem>>
        %get3A_680 = tpu.memref_squeeze %get3A_679 : memref<1x128x128xf32, #tpu.memory_space<vmem>> -> memref<128x128xf32, #tpu.memory_space<vmem>>
        %get3A_681 = arith.index_cast %add3A_676 : i32 to index
        %get3A_682 = arith.index_cast %mul3A_203 : i32 to index
        %get3A_683 = tpu.vector_load %get3A_680[%get3A_681, %get3A_682] {strides = array<i32>} : memref<128x128xf32, #tpu.memory_space<vmem>>, vector<1x16xf32>,
        %get3A_684 = vector.shape_cast %get3A_683 : vector<1x16xf32> to vector<16xf32>
        %max3A_685 = arith.maximumf %get3A_672, %get3A_684 : vector<16xf32>
        %max3A_686 = arith.maximumf %max3A_648, %max3A_685 : vector<16xf32>
        %add3A_687 = arith.constant 18 : i32
        %add3A_688 = arith.addi %mul3A_205, %add3A_687 : i32
        %get3A_689 = arith.constant 0 : i32
        %get3A_690 = arith.constant 0 : i32
        %get3A_691 = tpu.memref_slice %arg10[%scan3A_103, %get3A_689, %get3A_690] : memref<4x128x128xf32, #tpu.memory_space<vmem>> -> memref<1x128x128xf32, #tpu.memory_space<vmem>>
        %get3A_692 = tpu.memref_squeeze %get3A_691 : memref<1x128x128xf32, #tpu.memory_space<vmem>> -> memref<128x128xf32, #tpu.memory_space<vmem>>
        %get3A_693 = arith.index_cast %add3A_688 : i32 to index
        %get3A_694 = arith.index_cast %mul3A_203 : i32 to index
        %get3A_695 = tpu.vector_load %get3A_692[%get3A_693, %get3A_694] {strides = array<i32>} : memref<128x128xf32, #tpu.memory_space<vmem>>, vector<1x16xf32>,
        %get3A_696 = vector.shape_cast %get3A_695 : vector<1x16xf32> to vector<16xf32>
        %add3A_697 = arith.addf %get3A_696, %get3A_672 : vector<16xf32>
        %add3A_698 = arith.addf %add3A_697, %get3A_684 : vector<16xf32>
        %add3A_699 = arith.constant 34 : i32
        %add3A_700 = arith.addi %mul3A_205, %add3A_699 : i32
        %add3A_701 = arith.constant 1 : i32
        %add3A_702 = arith.addi %add3A_700, %add3A_701 : i32
        %get3A_703 = arith.constant 0 : i32
        %get3A_704 = arith.constant 0 : i32
        %get3A_705 = tpu.memref_slice %arg10[%scan3A_103, %get3A_703, %get3A_704] : memref<4x128x128xf32, #tpu.memory_space<vmem>> -> memref<1x128x128xf32, #tpu.memory_space<vmem>>
        %get3A_706 = tpu.memref_squeeze %get3A_705 : memref<1x128x128xf32, #tpu.memory_space<vmem>> -> memref<128x128xf32, #tpu.memory_space<vmem>>
        %get3A_707 = arith.index_cast %add3A_702 : i32 to index
        %get3A_708 = arith.index_cast %mul3A_203 : i32 to index
        %get3A_709 = tpu.vector_load %get3A_706[%get3A_707, %get3A_708] {strides = array<i32>} : memref<128x128xf32, #tpu.memory_space<vmem>>, vector<1x16xf32>,
        %get3A_710 = vector.shape_cast %get3A_709 : vector<1x16xf32> to vector<16xf32>
        %add3A_711 = arith.constant 34 : i32
        %add3A_712 = arith.addi %mul3A_205, %add3A_711 : i32
        %add3A_713 = arith.constant 2 : i32
        %add3A_714 = arith.addi %add3A_712, %add3A_713 : i32
        %get3A_715 = arith.constant 0 : i32
        %get3A_716 = arith.constant 0 : i32
        %get3A_717 = tpu.memref_slice %arg10[%scan3A_103, %get3A_715, %get3A_716] : memref<4x128x128xf32, #tpu.memory_space<vmem>> -> memref<1x128x128xf32, #tpu.memory_space<vmem>>
        %get3A_718 = tpu.memref_squeeze %get3A_717 : memref<1x128x128xf32, #tpu.memory_space<vmem>> -> memref<128x128xf32, #tpu.memory_space<vmem>>
        %get3A_719 = arith.index_cast %add3A_714 : i32 to index
        %get3A_720 = arith.index_cast %mul3A_203 : i32 to index
        %get3A_721 = tpu.vector_load %get3A_718[%get3A_719, %get3A_720] {strides = array<i32>} : memref<128x128xf32, #tpu.memory_space<vmem>>, vector<1x16xf32>,
        %get3A_722 = vector.shape_cast %get3A_721 : vector<1x16xf32> to vector<16xf32>
        %max3A_723 = arith.maximumf %get3A_710, %get3A_722 : vector<16xf32>
        %max3A_724 = arith.maximumf %max3A_686, %max3A_723 : vector<16xf32>
        %add3A_725 = arith.constant 17 : i32
        %add3A_726 = arith.addi %mul3A_205, %add3A_725 : i32
        %get3A_727 = arith.constant 0 : i32
        %get3A_728 = arith.constant 0 : i32
        %get3A_729 = tpu.memref_slice %arg10[%scan3A_103, %get3A_727, %get3A_728] : memref<4x128x128xf32, #tpu.memory_space<vmem>> -> memref<1x128x128xf32, #tpu.memory_space<vmem>>
        %get3A_730 = tpu.memref_squeeze %get3A_729 : memref<1x128x128xf32, #tpu.memory_space<vmem>> -> memref<128x128xf32, #tpu.memory_space<vmem>>
        %get3A_731 = arith.index_cast %add3A_726 : i32 to index
        %get3A_732 = arith.index_cast %mul3A_203 : i32 to index
        %get3A_733 = tpu.vector_load %get3A_730[%get3A_731, %get3A_732] {strides = array<i32>} : memref<128x128xf32, #tpu.memory_space<vmem>>, vector<1x16xf32>,
        %get3A_734 = vector.shape_cast %get3A_733 : vector<1x16xf32> to vector<16xf32>
        %add3A_735 = arith.addf %get3A_734, %get3A_710 : vector<16xf32>
        %add3A_736 = arith.addf %add3A_735, %get3A_722 : vector<16xf32>
        %add3A_737 = arith.constant 32 : i32
        %add3A_738 = arith.addi %mul3A_205, %add3A_737 : i32
        %add3A_739 = arith.constant 1 : i32
        %add3A_740 = arith.addi %add3A_738, %add3A_739 : i32
        %get3A_741 = arith.constant 0 : i32
        %get3A_742 = arith.constant 0 : i32
        %get3A_743 = tpu.memref_slice %arg10[%scan3A_103, %get3A_741, %get3A_742] : memref<4x128x128xf32, #tpu.memory_space<vmem>> -> memref<1x128x128xf32, #tpu.memory_space<vmem>>
        %get3A_744 = tpu.memref_squeeze %get3A_743 : memref<1x128x128xf32, #tpu.memory_space<vmem>> -> memref<128x128xf32, #tpu.memory_space<vmem>>
        %get3A_745 = arith.index_cast %add3A_740 : i32 to index
        %get3A_746 = arith.index_cast %mul3A_203 : i32 to index
        %get3A_747 = tpu.vector_load %get3A_744[%get3A_745, %get3A_746] {strides = array<i32>} : memref<128x128xf32, #tpu.memory_space<vmem>>, vector<1x16xf32>,
        %get3A_748 = vector.shape_cast %get3A_747 : vector<1x16xf32> to vector<16xf32>
        %add3A_749 = arith.constant 32 : i32
        %add3A_750 = arith.addi %mul3A_205, %add3A_749 : i32
        %add3A_751 = arith.constant 2 : i32
        %add3A_752 = arith.addi %add3A_750, %add3A_751 : i32
        %get3A_753 = arith.constant 0 : i32
        %get3A_754 = arith.constant 0 : i32
        %get3A_755 = tpu.memref_slice %arg10[%scan3A_103, %get3A_753, %get3A_754] : memref<4x128x128xf32, #tpu.memory_space<vmem>> -> memref<1x128x128xf32, #tpu.memory_space<vmem>>
        %get3A_756 = tpu.memref_squeeze %get3A_755 : memref<1x128x128xf32, #tpu.memory_space<vmem>> -> memref<128x128xf32, #tpu.memory_space<vmem>>
        %get3A_757 = arith.index_cast %add3A_752 : i32 to index
        %get3A_758 = arith.index_cast %mul3A_203 : i32 to index
        %get3A_759 = tpu.vector_load %get3A_756[%get3A_757, %get3A_758] {strides = array<i32>} : memref<128x128xf32, #tpu.memory_space<vmem>>, vector<1x16xf32>,
        %get3A_760 = vector.shape_cast %get3A_759 : vector<1x16xf32> to vector<16xf32>
        %max3A_761 = arith.maximumf %get3A_748, %get3A_760 : vector<16xf32>
        %max3A_762 = arith.maximumf %max3A_724, %max3A_761 : vector<16xf32>
        %add3A_763 = arith.constant 16 : i32
        %add3A_764 = arith.addi %mul3A_205, %add3A_763 : i32
        %get3A_765 = arith.constant 0 : i32
        %get3A_766 = arith.constant 0 : i32
        %get3A_767 = tpu.memref_slice %arg10[%scan3A_103, %get3A_765, %get3A_766] : memref<4x128x128xf32, #tpu.memory_space<vmem>> -> memref<1x128x128xf32, #tpu.memory_space<vmem>>
        %get3A_768 = tpu.memref_squeeze %get3A_767 : memref<1x128x128xf32, #tpu.memory_space<vmem>> -> memref<128x128xf32, #tpu.memory_space<vmem>>
        %get3A_769 = arith.index_cast %add3A_764 : i32 to index
        %get3A_770 = arith.index_cast %mul3A_203 : i32 to index
        %get3A_771 = tpu.vector_load %get3A_768[%get3A_769, %get3A_770] {strides = array<i32>} : memref<128x128xf32, #tpu.memory_space<vmem>>, vector<1x16xf32>,
        %get3A_772 = vector.shape_cast %get3A_771 : vector<1x16xf32> to vector<16xf32>
        %add3A_773 = arith.addf %get3A_772, %get3A_748 : vector<16xf32>
        %add3A_774 = arith.addf %add3A_773, %get3A_760 : vector<16xf32>
        %add3A_775 = arith.constant 30 : i32
        %add3A_776 = arith.addi %mul3A_205, %add3A_775 : i32
        %add3A_777 = arith.constant 1 : i32
        %add3A_778 = arith.addi %add3A_776, %add3A_777 : i32
        %get3A_779 = arith.constant 0 : i32
        %get3A_780 = arith.constant 0 : i32
        %get3A_781 = tpu.memref_slice %arg10[%scan3A_103, %get3A_779, %get3A_780] : memref<4x128x128xf32, #tpu.memory_space<vmem>> -> memref<1x128x128xf32, #tpu.memory_space<vmem>>
        %get3A_782 = tpu.memref_squeeze %get3A_781 : memref<1x128x128xf32, #tpu.memory_space<vmem>> -> memref<128x128xf32, #tpu.memory_space<vmem>>
        %get3A_783 = arith.index_cast %add3A_778 : i32 to index
        %get3A_784 = arith.index_cast %mul3A_203 : i32 to index
        %get3A_785 = tpu.vector_load %get3A_782[%get3A_783, %get3A_784] {strides = array<i32>} : memref<128x128xf32, #tpu.memory_space<vmem>>, vector<1x16xf32>,
        %get3A_786 = vector.shape_cast %get3A_785 : vector<1x16xf32> to vector<16xf32>
        %add3A_787 = arith.constant 30 : i32
        %add3A_788 = arith.addi %mul3A_205, %add3A_787 : i32
        %add3A_789 = arith.constant 2 : i32
        %add3A_790 = arith.addi %add3A_788, %add3A_789 : i32
        %get3A_791 = arith.constant 0 : i32
        %get3A_792 = arith.constant 0 : i32
        %get3A_793 = tpu.memref_slice %arg10[%scan3A_103, %get3A_791, %get3A_792] : memref<4x128x128xf32, #tpu.memory_space<vmem>> -> memref<1x128x128xf32, #tpu.memory_space<vmem>>
        %get3A_794 = tpu.memref_squeeze %get3A_793 : memref<1x128x128xf32, #tpu.memory_space<vmem>> -> memref<128x128xf32, #tpu.memory_space<vmem>>
        %get3A_795 = arith.index_cast %add3A_790 : i32 to index
        %get3A_796 = arith.index_cast %mul3A_203 : i32 to index
        %get3A_797 = tpu.vector_load %get3A_794[%get3A_795, %get3A_796] {strides = array<i32>} : memref<128x128xf32, #tpu.memory_space<vmem>>, vector<1x16xf32>,
        %get3A_798 = vector.shape_cast %get3A_797 : vector<1x16xf32> to vector<16xf32>
        %max3A_799 = arith.maximumf %get3A_786, %get3A_798 : vector<16xf32>
        %max3A_800 = arith.maximumf %max3A_762, %max3A_799 : vector<16xf32>
        %add3A_801 = arith.constant 15 : i32
        %add3A_802 = arith.addi %mul3A_205, %add3A_801 : i32
        %get3A_803 = arith.constant 0 : i32
        %get3A_804 = arith.constant 0 : i32
        %get3A_805 = tpu.memref_slice %arg10[%scan3A_103, %get3A_803, %get3A_804] : memref<4x128x128xf32, #tpu.memory_space<vmem>> -> memref<1x128x128xf32, #tpu.memory_space<vmem>>
        %get3A_806 = tpu.memref_squeeze %get3A_805 : memref<1x128x128xf32, #tpu.memory_space<vmem>> -> memref<128x128xf32, #tpu.memory_space<vmem>>
        %get3A_807 = arith.index_cast %add3A_802 : i32 to index
        %get3A_808 = arith.index_cast %mul3A_203 : i32 to index
        %get3A_809 = tpu.vector_load %get3A_806[%get3A_807, %get3A_808] {strides = array<i32>} : memref<128x128xf32, #tpu.memory_space<vmem>>, vector<1x16xf32>,
        %get3A_810 = vector.shape_cast %get3A_809 : vector<1x16xf32> to vector<16xf32>
        %add3A_811 = arith.addf %get3A_810, %get3A_786 : vector<16xf32>
        %add3A_812 = arith.addf %add3A_811, %get3A_798 : vector<16xf32>
        %max3A_813 = arith.maximumf %add3A_280, %add3A_242 : vector<16xf32>
        %max3A_814 = arith.maximumf %max3A_800, %max3A_813 : vector<16xf32>
        %add3A_815 = arith.constant 14 : i32
        %add3A_816 = arith.addi %mul3A_205, %add3A_815 : i32
        %get3A_817 = arith.constant 0 : i32
        %get3A_818 = arith.constant 0 : i32
        %get3A_819 = tpu.memref_slice %arg10[%scan3A_103, %get3A_817, %get3A_818] : memref<4x128x128xf32, #tpu.memory_space<vmem>> -> memref<1x128x128xf32, #tpu.memory_space<vmem>>
        %get3A_820 = tpu.memref_squeeze %get3A_819 : memref<1x128x128xf32, #tpu.memory_space<vmem>> -> memref<128x128xf32, #tpu.memory_space<vmem>>
        %get3A_821 = arith.index_cast %add3A_816 : i32 to index
        %get3A_822 = arith.index_cast %mul3A_203 : i32 to index
        %get3A_823 = tpu.vector_load %get3A_820[%get3A_821, %get3A_822] {strides = array<i32>} : memref<128x128xf32, #tpu.memory_space<vmem>>, vector<1x16xf32>,
        %get3A_824 = vector.shape_cast %get3A_823 : vector<1x16xf32> to vector<16xf32>
        %add3A_825 = arith.addf %get3A_824, %add3A_280 : vector<16xf32>
        %add3A_826 = arith.addf %add3A_825, %add3A_242 : vector<16xf32>
        %max3A_827 = arith.maximumf %add3A_356, %add3A_318 : vector<16xf32>
        %max3A_828 = arith.maximumf %max3A_814, %max3A_827 : vector<16xf32>
        %add3A_829 = arith.constant 13 : i32
        %add3A_830 = arith.addi %mul3A_205, %add3A_829 : i32
        %get3A_831 = arith.constant 0 : i32
        %get3A_832 = arith.constant 0 : i32
        %get3A_833 = tpu.memref_slice %arg10[%scan3A_103, %get3A_831, %get3A_832] : memref<4x128x128xf32, #tpu.memory_space<vmem>> -> memref<1x128x128xf32, #tpu.memory_space<vmem>>
        %get3A_834 = tpu.memref_squeeze %get3A_833 : memref<1x128x128xf32, #tpu.memory_space<vmem>> -> memref<128x128xf32, #tpu.memory_space<vmem>>
        %get3A_835 = arith.index_cast %add3A_830 : i32 to index
        %get3A_836 = arith.index_cast %mul3A_203 : i32 to index
        %get3A_837 = tpu.vector_load %get3A_834[%get3A_835, %get3A_836] {strides = array<i32>} : memref<128x128xf32, #tpu.memory_space<vmem>>, vector<1x16xf32>,
        %get3A_838 = vector.shape_cast %get3A_837 : vector<1x16xf32> to vector<16xf32>
        %add3A_839 = arith.addf %get3A_838, %add3A_356 : vector<16xf32>
        %add3A_840 = arith.addf %add3A_839, %add3A_318 : vector<16xf32>
        %max3A_841 = arith.maximumf %add3A_432, %add3A_394 : vector<16xf32>
        %max3A_842 = arith.maximumf %max3A_828, %max3A_841 : vector<16xf32>
        %add3A_843 = arith.constant 12 : i32
        %add3A_844 = arith.addi %mul3A_205, %add3A_843 : i32
        %get3A_845 = arith.constant 0 : i32
        %get3A_846 = arith.constant 0 : i32
        %get3A_847 = tpu.memref_slice %arg10[%scan3A_103, %get3A_845, %get3A_846] : memref<4x128x128xf32, #tpu.memory_space<vmem>> -> memref<1x128x128xf32, #tpu.memory_space<vmem>>
        %get3A_848 = tpu.memref_squeeze %get3A_847 : memref<1x128x128xf32, #tpu.memory_space<vmem>> -> memref<128x128xf32, #tpu.memory_space<vmem>>
        %get3A_849 = arith.index_cast %add3A_844 : i32 to index
        %get3A_850 = arith.index_cast %mul3A_203 : i32 to index
        %get3A_851 = tpu.vector_load %get3A_848[%get3A_849, %get3A_850] {strides = array<i32>} : memref<128x128xf32, #tpu.memory_space<vmem>>, vector<1x16xf32>,
        %get3A_852 = vector.shape_cast %get3A_851 : vector<1x16xf32> to vector<16xf32>
        %add3A_853 = arith.addf %get3A_852, %add3A_432 : vector<16xf32>
        %add3A_854 = arith.addf %add3A_853, %add3A_394 : vector<16xf32>
        %max3A_855 = arith.maximumf %add3A_508, %add3A_470 : vector<16xf32>
        %max3A_856 = arith.maximumf %max3A_842, %max3A_855 : vector<16xf32>
        %add3A_857 = arith.constant 11 : i32
        %add3A_858 = arith.addi %mul3A_205, %add3A_857 : i32
        %get3A_859 = arith.constant 0 : i32
        %get3A_860 = arith.constant 0 : i32
        %get3A_861 = tpu.memref_slice %arg10[%scan3A_103, %get3A_859, %get3A_860] : memref<4x128x128xf32, #tpu.memory_space<vmem>> -> memref<1x128x128xf32, #tpu.memory_space<vmem>>
        %get3A_862 = tpu.memref_squeeze %get3A_861 : memref<1x128x128xf32, #tpu.memory_space<vmem>> -> memref<128x128xf32, #tpu.memory_space<vmem>>
        %get3A_863 = arith.index_cast %add3A_858 : i32 to index
        %get3A_864 = arith.index_cast %mul3A_203 : i32 to index
        %get3A_865 = tpu.vector_load %get3A_862[%get3A_863, %get3A_864] {strides = array<i32>} : memref<128x128xf32, #tpu.memory_space<vmem>>, vector<1x16xf32>,
        %get3A_866 = vector.shape_cast %get3A_865 : vector<1x16xf32> to vector<16xf32>
        %add3A_867 = arith.addf %get3A_866, %add3A_508 : vector<16xf32>
        %add3A_868 = arith.addf %add3A_867, %add3A_470 : vector<16xf32>
        %max3A_869 = arith.maximumf %add3A_584, %add3A_546 : vector<16xf32>
        %max3A_870 = arith.maximumf %max3A_856, %max3A_869 : vector<16xf32>
        %add3A_871 = arith.constant 10 : i32
        %add3A_872 = arith.addi %mul3A_205, %add3A_871 : i32
        %get3A_873 = arith.constant 0 : i32
        %get3A_874 = arith.constant 0 : i32
        %get3A_875 = tpu.memref_slice %arg10[%scan3A_103, %get3A_873, %get3A_874] : memref<4x128x128xf32, #tpu.memory_space<vmem>> -> memref<1x128x128xf32, #tpu.memory_space<vmem>>
        %get3A_876 = tpu.memref_squeeze %get3A_875 : memref<1x128x128xf32, #tpu.memory_space<vmem>> -> memref<128x128xf32, #tpu.memory_space<vmem>>
        %get3A_877 = arith.index_cast %add3A_872 : i32 to index
        %get3A_878 = arith.index_cast %mul3A_203 : i32 to index
        %get3A_879 = tpu.vector_load %get3A_876[%get3A_877, %get3A_878] {strides = array<i32>} : memref<128x128xf32, #tpu.memory_space<vmem>>, vector<1x16xf32>,
        %get3A_880 = vector.shape_cast %get3A_879 : vector<1x16xf32> to vector<16xf32>
        %add3A_881 = arith.addf %get3A_880, %add3A_584 : vector<16xf32>
        %add3A_882 = arith.addf %add3A_881, %add3A_546 : vector<16xf32>
        %max3A_883 = arith.maximumf %add3A_660, %add3A_622 : vector<16xf32>
        %max3A_884 = arith.maximumf %max3A_870, %max3A_883 : vector<16xf32>
        %add3A_885 = arith.constant 9 : i32
        %add3A_886 = arith.addi %mul3A_205, %add3A_885 : i32
        %get3A_887 = arith.constant 0 : i32
        %get3A_888 = arith.constant 0 : i32
        %get3A_889 = tpu.memref_slice %arg10[%scan3A_103, %get3A_887, %get3A_888] : memref<4x128x128xf32, #tpu.memory_space<vmem>> -> memref<1x128x128xf32, #tpu.memory_space<vmem>>
        %get3A_890 = tpu.memref_squeeze %get3A_889 : memref<1x128x128xf32, #tpu.memory_space<vmem>> -> memref<128x128xf32, #tpu.memory_space<vmem>>
        %get3A_891 = arith.index_cast %add3A_886 : i32 to index
        %get3A_892 = arith.index_cast %mul3A_203 : i32 to index
        %get3A_893 = tpu.vector_load %get3A_890[%get3A_891, %get3A_892] {strides = array<i32>} : memref<128x128xf32, #tpu.memory_space<vmem>>, vector<1x16xf32>,
        %get3A_894 = vector.shape_cast %get3A_893 : vector<1x16xf32> to vector<16xf32>
        %add3A_895 = arith.addf %get3A_894, %add3A_660 : vector<16xf32>
        %add3A_896 = arith.addf %add3A_895, %add3A_622 : vector<16xf32>
        %max3A_897 = arith.maximumf %add3A_736, %add3A_698 : vector<16xf32>
        %max3A_898 = arith.maximumf %max3A_884, %max3A_897 : vector<16xf32>
        %add3A_899 = arith.constant 8 : i32
        %add3A_900 = arith.addi %mul3A_205, %add3A_899 : i32
        %get3A_901 = arith.constant 0 : i32
        %get3A_902 = arith.constant 0 : i32
        %get3A_903 = tpu.memref_slice %arg10[%scan3A_103, %get3A_901, %get3A_902] : memref<4x128x128xf32, #tpu.memory_space<vmem>> -> memref<1x128x128xf32, #tpu.memory_space<vmem>>
        %get3A_904 = tpu.memref_squeeze %get3A_903 : memref<1x128x128xf32, #tpu.memory_space<vmem>> -> memref<128x128xf32, #tpu.memory_space<vmem>>
        %get3A_905 = arith.index_cast %add3A_900 : i32 to index
        %get3A_906 = arith.index_cast %mul3A_203 : i32 to index
        %get3A_907 = tpu.vector_load %get3A_904[%get3A_905, %get3A_906] {strides = array<i32>} : memref<128x128xf32, #tpu.memory_space<vmem>>, vector<1x16xf32>,
        %get3A_908 = vector.shape_cast %get3A_907 : vector<1x16xf32> to vector<16xf32>
        %add3A_909 = arith.addf %get3A_908, %add3A_736 : vector<16xf32>
        %add3A_910 = arith.addf %add3A_909, %add3A_698 : vector<16xf32>
        %max3A_911 = arith.maximumf %add3A_812, %add3A_774 : vector<16xf32>
        %max3A_912 = arith.maximumf %max3A_898, %max3A_911 : vector<16xf32>
        %add3A_913 = arith.constant 7 : i32
        %add3A_914 = arith.addi %mul3A_205, %add3A_913 : i32
        %get3A_915 = arith.constant 0 : i32
        %get3A_916 = arith.constant 0 : i32
        %get3A_917 = tpu.memref_slice %arg10[%scan3A_103, %get3A_915, %get3A_916] : memref<4x128x128xf32, #tpu.memory_space<vmem>> -> memref<1x128x128xf32, #tpu.memory_space<vmem>>
        %get3A_918 = tpu.memref_squeeze %get3A_917 : memref<1x128x128xf32, #tpu.memory_space<vmem>> -> memref<128x128xf32, #tpu.memory_space<vmem>>
        %get3A_919 = arith.index_cast %add3A_914 : i32 to index
        %get3A_920 = arith.index_cast %mul3A_203 : i32 to index
        %get3A_921 = tpu.vector_load %get3A_918[%get3A_919, %get3A_920] {strides = array<i32>} : memref<128x128xf32, #tpu.memory_space<vmem>>, vector<1x16xf32>,
        %get3A_922 = vector.shape_cast %get3A_921 : vector<1x16xf32> to vector<16xf32>
        %add3A_923 = arith.addf %get3A_922, %add3A_812 : vector<16xf32>
        %add3A_924 = arith.addf %add3A_923, %add3A_774 : vector<16xf32>
        %max3A_925 = arith.maximumf %add3A_840, %add3A_826 : vector<16xf32>
        %max3A_926 = arith.maximumf %max3A_912, %max3A_925 : vector<16xf32>
        %add3A_927 = arith.constant 6 : i32
        %add3A_928 = arith.addi %mul3A_205, %add3A_927 : i32
        %get3A_929 = arith.constant 0 : i32
        %get3A_930 = arith.constant 0 : i32
        %get3A_931 = tpu.memref_slice %arg10[%scan3A_103, %get3A_929, %get3A_930] : memref<4x128x128xf32, #tpu.memory_space<vmem>> -> memref<1x128x128xf32, #tpu.memory_space<vmem>>
        %get3A_932 = tpu.memref_squeeze %get3A_931 : memref<1x128x128xf32, #tpu.memory_space<vmem>> -> memref<128x128xf32, #tpu.memory_space<vmem>>
        %get3A_933 = arith.index_cast %add3A_928 : i32 to index
        %get3A_934 = arith.index_cast %mul3A_203 : i32 to index
        %get3A_935 = tpu.vector_load %get3A_932[%get3A_933, %get3A_934] {strides = array<i32>} : memref<128x128xf32, #tpu.memory_space<vmem>>, vector<1x16xf32>,
        %get3A_936 = vector.shape_cast %get3A_935 : vector<1x16xf32> to vector<16xf32>
        %add3A_937 = arith.addf %get3A_936, %add3A_840 : vector<16xf32>
        %add3A_938 = arith.addf %add3A_937, %add3A_826 : vector<16xf32>
        %max3A_939 = arith.maximumf %add3A_868, %add3A_854 : vector<16xf32>
        %max3A_940 = arith.maximumf %max3A_926, %max3A_939 : vector<16xf32>
        %add3A_941 = arith.constant 5 : i32
        %add3A_942 = arith.addi %mul3A_205, %add3A_941 : i32
        %get3A_943 = arith.constant 0 : i32
        %get3A_944 = arith.constant 0 : i32
        %get3A_945 = tpu.memref_slice %arg10[%scan3A_103, %get3A_943, %get3A_944] : memref<4x128x128xf32, #tpu.memory_space<vmem>> -> memref<1x128x128xf32, #tpu.memory_space<vmem>>
        %get3A_946 = tpu.memref_squeeze %get3A_945 : memref<1x128x128xf32, #tpu.memory_space<vmem>> -> memref<128x128xf32, #tpu.memory_space<vmem>>
        %get3A_947 = arith.index_cast %add3A_942 : i32 to index
        %get3A_948 = arith.index_cast %mul3A_203 : i32 to index
        %get3A_949 = tpu.vector_load %get3A_946[%get3A_947, %get3A_948] {strides = array<i32>} : memref<128x128xf32, #tpu.memory_space<vmem>>, vector<1x16xf32>,
        %get3A_950 = vector.shape_cast %get3A_949 : vector<1x16xf32> to vector<16xf32>
        %add3A_951 = arith.addf %get3A_950, %add3A_868 : vector<16xf32>
        %add3A_952 = arith.addf %add3A_951, %add3A_854 : vector<16xf32>
        %max3A_953 = arith.maximumf %add3A_896, %add3A_882 : vector<16xf32>
        %max3A_954 = arith.maximumf %max3A_940, %max3A_953 : vector<16xf32>
        %add3A_955 = arith.constant 4 : i32
        %add3A_956 = arith.addi %mul3A_205, %add3A_955 : i32
        %get3A_957 = arith.constant 0 : i32
        %get3A_958 = arith.constant 0 : i32
        %get3A_959 = tpu.memref_slice %arg10[%scan3A_103, %get3A_957, %get3A_958] : memref<4x128x128xf32, #tpu.memory_space<vmem>> -> memref<1x128x128xf32, #tpu.memory_space<vmem>>
        %get3A_960 = tpu.memref_squeeze %get3A_959 : memref<1x128x128xf32, #tpu.memory_space<vmem>> -> memref<128x128xf32, #tpu.memory_space<vmem>>
        %get3A_961 = arith.index_cast %add3A_956 : i32 to index
        %get3A_962 = arith.index_cast %mul3A_203 : i32 to index
        %get3A_963 = tpu.vector_load %get3A_960[%get3A_961, %get3A_962] {strides = array<i32>} : memref<128x128xf32, #tpu.memory_space<vmem>>, vector<1x16xf32>,
        %get3A_964 = vector.shape_cast %get3A_963 : vector<1x16xf32> to vector<16xf32>
        %add3A_965 = arith.addf %get3A_964, %add3A_896 : vector<16xf32>
        %add3A_966 = arith.addf %add3A_965, %add3A_882 : vector<16xf32>
        %max3A_967 = arith.maximumf %add3A_924, %add3A_910 : vector<16xf32>
        %max3A_968 = arith.maximumf %max3A_954, %max3A_967 : vector<16xf32>
        %add3A_969 = arith.constant 3 : i32
        %add3A_970 = arith.addi %mul3A_205, %add3A_969 : i32
        %get3A_971 = arith.constant 0 : i32
        %get3A_972 = arith.constant 0 : i32
        %get3A_973 = tpu.memref_slice %arg10[%scan3A_103, %get3A_971, %get3A_972] : memref<4x128x128xf32, #tpu.memory_space<vmem>> -> memref<1x128x128xf32, #tpu.memory_space<vmem>>
        %get3A_974 = tpu.memref_squeeze %get3A_973 : memref<1x128x128xf32, #tpu.memory_space<vmem>> -> memref<128x128xf32, #tpu.memory_space<vmem>>
        %get3A_975 = arith.index_cast %add3A_970 : i32 to index
        %get3A_976 = arith.index_cast %mul3A_203 : i32 to index
        %get3A_977 = tpu.vector_load %get3A_974[%get3A_975, %get3A_976] {strides = array<i32>} : memref<128x128xf32, #tpu.memory_space<vmem>>, vector<1x16xf32>,
        %get3A_978 = vector.shape_cast %get3A_977 : vector<1x16xf32> to vector<16xf32>
        %add3A_979 = arith.addf %get3A_978, %add3A_924 : vector<16xf32>
        %add3A_980 = arith.addf %add3A_979, %add3A_910 : vector<16xf32>
        %max3A_981 = arith.maximumf %add3A_952, %add3A_938 : vector<16xf32>
        %max3A_982 = arith.maximumf %max3A_968, %max3A_981 : vector<16xf32>
        %add3A_983 = arith.constant 2 : i32
        %add3A_984 = arith.addi %mul3A_205, %add3A_983 : i32
        %get3A_985 = arith.constant 0 : i32
        %get3A_986 = arith.constant 0 : i32
        %get3A_987 = tpu.memref_slice %arg10[%scan3A_103, %get3A_985, %get3A_986] : memref<4x128x128xf32, #tpu.memory_space<vmem>> -> memref<1x128x128xf32, #tpu.memory_space<vmem>>
        %get3A_988 = tpu.memref_squeeze %get3A_987 : memref<1x128x128xf32, #tpu.memory_space<vmem>> -> memref<128x128xf32, #tpu.memory_space<vmem>>
        %get3A_989 = arith.index_cast %add3A_984 : i32 to index
        %get3A_990 = arith.index_cast %mul3A_203 : i32 to index
        %get3A_991 = tpu.vector_load %get3A_988[%get3A_989, %get3A_990] {strides = array<i32>} : memref<128x128xf32, #tpu.memory_space<vmem>>, vector<1x16xf32>,
        %get3A_992 = vector.shape_cast %get3A_991 : vector<1x16xf32> to vector<16xf32>
        %add3A_993 = arith.addf %get3A_992, %add3A_952 : vector<16xf32>
        %add3A_994 = arith.addf %add3A_993, %add3A_938 : vector<16xf32>
        %max3A_995 = arith.maximumf %add3A_980, %add3A_966 : vector<16xf32>
        %max3A_996 = arith.maximumf %max3A_982, %max3A_995 : vector<16xf32>
        %add3A_997 = arith.constant 1 : i32
        %add3A_998 = arith.addi %mul3A_205, %add3A_997 : i32
        %get3A_999 = arith.constant 0 : i32
        %get3A_1000 = arith.constant 0 : i32
        %get3A_1001 = tpu.memref_slice %arg10[%scan3A_103, %get3A_999, %get3A_1000] : memref<4x128x128xf32, #tpu.memory_space<vmem>> -> memref<1x128x128xf32, #tpu.memory_space<vmem>>
        %get3A_1002 = tpu.memref_squeeze %get3A_1001 : memref<1x128x128xf32, #tpu.memory_space<vmem>> -> memref<128x128xf32, #tpu.memory_space<vmem>>
        %get3A_1003 = arith.index_cast %add3A_998 : i32 to index
        %get3A_1004 = arith.index_cast %mul3A_203 : i32 to index
        %get3A_1005 = tpu.vector_load %get3A_1002[%get3A_1003, %get3A_1004] {strides = array<i32>} : memref<128x128xf32, #tpu.memory_space<vmem>>, vector<1x16xf32>,
        %get3A_1006 = vector.shape_cast %get3A_1005 : vector<1x16xf32> to vector<16xf32>
        %add3A_1007 = arith.addf %get3A_1006, %add3A_980 : vector<16xf32>
        %add3A_1008 = arith.addf %add3A_1007, %add3A_966 : vector<16xf32>
        %max3A_1009 = arith.maximumf %add3A_1008, %add3A_994 : vector<16xf32>
        %max3A_1010 = arith.maximumf %max3A_996, %max3A_1009 : vector<16xf32>
        %add3A_1011 = arith.constant 0 : i32
        %add3A_1012 = arith.addi %mul3A_205, %add3A_1011 : i32
        %get3A_1013 = arith.constant 0 : i32
        %get3A_1014 = arith.constant 0 : i32
        %get3A_1015 = tpu.memref_slice %arg10[%scan3A_103, %get3A_1013, %get3A_1014] : memref<4x128x128xf32, #tpu.memory_space<vmem>> -> memref<1x128x128xf32, #tpu.memory_space<vmem>>
        %get3A_1016 = tpu.memref_squeeze %get3A_1015 : memref<1x128x128xf32, #tpu.memory_space<vmem>> -> memref<128x128xf32, #tpu.memory_space<vmem>>
        %get3A_1017 = arith.index_cast %add3A_1012 : i32 to index
        %get3A_1018 = arith.index_cast %mul3A_203 : i32 to index
        %get3A_1019 = tpu.vector_load %get3A_1016[%get3A_1017, %get3A_1018] {strides = array<i32>} : memref<128x128xf32, #tpu.memory_space<vmem>>, vector<1x16xf32>,
        %get3A_1020 = vector.shape_cast %get3A_1019 : vector<1x16xf32> to vector<16xf32>
        %add3A_1021 = arith.addf %get3A_1020, %add3A_1008 : vector<16xf32>
        %add3A_1022 = arith.addf %add3A_1021, %add3A_994 : vector<16xf32>
        %max3A_1023 = arith.maximumf %max3A_1010, %add3A_1022 : vector<16xf32>
        %mul3A_1024 = arith.constant 2 : i32
        %mul3A_1025 = arith.muli %add3A_90, %mul3A_1024 : i32
        %add3A_1026 = arith.addi %mul3A_1025, %select_n3A : i32
        %swap3A = arith.index_cast %add3A_1026 : i32 to index
        %swap3A_1027 = arith.index_cast %mul3A_203 : i32 to index
        %swap3A_1028 = tpu.vector_load %arg11[%swap3A, %swap3A_1027] {strides = array<i32>} : memref<64x128xf32, #tpu.memory_space<vmem>>, vector<1x16xf32>,
        %swap3A_1029 = vector.shape_cast %swap3A_1028 : vector<1x16xf32> to vector<16xf32>
        %swap3A_1030 = vector.shape_cast %max3A_1023 : vector<16xf32> to vector<1x16xf32>
        tpu.vector_store %arg11[%swap3A, %swap3A_1027], %swap3A_1030 {strides = array<i32>} : memref<64x128xf32, #tpu.memory_space<vmem>>, vector<1x16xf32>,
      }
      %scan3A_108 = arith.constant 16 : i32
      %add3A_109 = arith.constant 4 : i32
      %add3A_110 = arith.addi %add3A_90, %add3A_109 : i32
      %lt3A_111 = arith.constant 32 : i32
      %lt3A_112 = arith.cmpi slt, %add3A_110, %lt3A_111 : i32
      %convert_element_type3A_113 = arith.extui %lt3A_112 : i1 to i32
      %cond3A_114 = arith.constant 0 : i32
      %cond3A_115 = arith.cmpi ne, %convert_element_type3A_113, %cond3A_114 : i32
      scf.if %cond3A_115 {
        %add3A_170 = arith.constant 4 : i32
        %add3A_171 = arith.addi %add3A_90, %add3A_170 : i32
        %dma_start3A_172 = arith.constant 1 : i32
        %dma_start3A_173 = arith.constant 0 : i32
        %dma_start3A_174 = arith.constant 0 : i32
        %dma_start3A_175 = tpu.memref_slice %arg10[%dma_start3A_172, %dma_start3A_173, %dma_start3A_174] : memref<4x128x128xf32, #tpu.memory_space<vmem>> -> memref<1x128x128xf32, #tpu.memory_space<vmem>>
        %dma_start3A_176 = tpu.memref_squeeze %dma_start3A_175 : memref<1x128x128xf32, #tpu.memory_space<vmem>> -> memref<128x128xf32, #tpu.memory_space<vmem>>
        %dma_start3A_177 = arith.constant 0 : i32
        %dma_start3A_178 = tpu.memref_slice %arg8[%add3A_171, %dma_start3A_177] : memref<32x128xi32, #tpu.memory_space<vmem>> -> memref<1x128xi32, #tpu.memory_space<vmem>>
        %dma_start3A_179 = tpu.memref_squeeze %dma_start3A_178 : memref<1x128xi32, #tpu.memory_space<vmem>> -> memref<128xi32, #tpu.memory_space<vmem>>
        %dma_start3A_180 = arith.constant 0 : i32
        %dma_start3A_181 = arith.constant 0 : i32
        %dma_start3A_182 = tpu.memref_slice %arg2[%dma_start3A_180, %dma_start3A_181] : memref<100001x128xf32, #tpu.memory_space<hbm>> -> memref<100001x128xf32, #tpu.memory_space<hbm>>
        tpu.enqueue_indirect_dma source(%dma_start3A_182 : memref<100001x128xf32, #tpu.memory_space<hbm>>) target(%dma_start3A_176 : memref<128x128xf32, #tpu.memory_space<vmem>>) offsets(%dma_start3A_179 : memref<128xi32, #tpu.memory_space<vmem>>) semaphore(%arg14 : memref<!tpu.dma_semaphore, #tpu.memory_space<semaphore_mem>>)
      } else {
      }
      %add3A_116 = arith.constant 2 : i32
      %add3A_117 = arith.addi %mul3A_64, %add3A_116 : i32
      %dma_wait3A_118 = arith.constant 2 : i32
      %dma_wait3A_119 = arith.constant 0 : i32
      %dma_wait3A_120 = arith.constant 0 : i32
      %dma_wait3A_121 = tpu.memref_slice %arg10[%dma_wait3A_118, %dma_wait3A_119, %dma_wait3A_120] : memref<4x128x128xf32, #tpu.memory_space<vmem>> -> memref<1x128x128xf32, #tpu.memory_space<vmem>>
      %dma_wait3A_122 = tpu.memref_squeeze %dma_wait3A_121 : memref<1x128x128xf32, #tpu.memory_space<vmem>> -> memref<128x128xf32, #tpu.memory_space<vmem>>
      %dma_wait3A_123 = arith.constant 0 : i32
      %dma_wait3A_124 = tpu.memref_slice %arg8[%add3A_117, %dma_wait3A_123] : memref<32x128xi32, #tpu.memory_space<vmem>> -> memref<1x128xi32, #tpu.memory_space<vmem>>
      %dma_wait3A_125 = tpu.memref_squeeze %dma_wait3A_124 : memref<1x128xi32, #tpu.memory_space<vmem>> -> memref<128xi32, #tpu.memory_space<vmem>>
      %dma_wait3A_126 = arith.constant 0 : i32
      %dma_wait3A_127 = arith.constant 0 : i32
      %dma_wait3A_128 = tpu.memref_slice %arg2[%dma_wait3A_126, %dma_wait3A_127] : memref<100001x128xf32, #tpu.memory_space<hbm>> -> memref<100001x128xf32, #tpu.memory_space<hbm>>
      tpu.wait_indirect_dma semaphore(%arg15 : memref<!tpu.dma_semaphore, #tpu.memory_space<semaphore_mem>>) src(%dma_wait3A_128 : memref<100001x128xf32, #tpu.memory_space<hbm>>) dst(%dma_wait3A_122 : memref<128x128xf32, #tpu.memory_space<vmem>>)
      %scan3A_129 = arith.constant 0 : i32
      %scan3A_130 = arith.constant 2 : i32
      %scan3A_131 = arith.constant 0 : i32
      %scan3A_132 = arith.constant 16 : i32
      %scan3A_133 = arith.addi %scan3A_131, %scan3A_132 : i32
      %scan3A_134 = arith.constant 1 : i32
      scf.for %scan3A_170 = %scan3A_131 to %scan3A_133 step %scan3A_134  : i32 {
        %jit3A = arith.constant 8 : i32
        %div3A = arith.divsi %scan3A_170, %jit3A : i32
        %sign3A = arith.constant 0 : i32
        %sign3A_171 = arith.cmpi sgt, %scan3A_170, %sign3A : i32
        %sign3A_172 = arith.extui %sign3A_171 : i1 to i32
        %sign3A_173 = arith.constant 0 : i32
        %sign3A_174 = arith.cmpi slt, %scan3A_170, %sign3A_173 : i32
        %sign3A_175 = arith.extui %sign3A_174 : i1 to i32
        %sign3A_176 = arith.subi %sign3A_172, %sign3A_175 : i32
        %sign3A_177 = arith.constant 0 : i32
        %sign3A_178 = arith.cmpi sgt, %jit3A, %sign3A_177 : i32
        %sign3A_179 = arith.extui %sign3A_178 : i1 to i32
        %sign3A_180 = arith.constant 0 : i32
        %sign3A_181 = arith.cmpi slt, %jit3A, %sign3A_180 : i32
        %sign3A_182 = arith.extui %sign3A_181 : i1 to i32
        %sign3A_183 = arith.subi %sign3A_179, %sign3A_182 : i32
        %ne3A = arith.cmpi ne, %sign3A_176, %sign3A_183 : i32
        %rem3A = arith.remsi %scan3A_170, %jit3A : i32
        %ne3A_184 = arith.constant 0 : i32
        %ne3A_185 = arith.cmpi ne, %rem3A, %ne3A_184 : i32
        %and3A = arith.andi %ne3A, %ne3A_185 : i1
        %sub3A = arith.constant 1 : i32
        %sub3A_186 = arith.subi %div3A, %sub3A : i32
        %select_n3A = arith.select %and3A, %sub3A_186, %div3A : i32
        %jit3A_187 = arith.constant 8 : i32
        %eq3A = arith.constant 0 : i32
        %eq3A_188 = arith.cmpi eq, %jit3A_187, %eq3A : i32
        %jit3A_189 = arith.constant 1 : i32
        %select_n3A_190 = arith.select %eq3A_188, %jit3A_189, %jit3A_187 : i32
        %rem3A_191 = arith.remsi %scan3A_170, %select_n3A_190 : i32
        %ne3A_192 = arith.constant 0 : i32
        %ne3A_193 = arith.cmpi ne, %rem3A_191, %ne3A_192 : i32
        %lt3A_194 = arith.constant 0 : i32
        %lt3A_195 = arith.cmpi slt, %rem3A_191, %lt3A_194 : i32
        %lt3A_196 = arith.constant 0 : i32
        %lt3A_197 = arith.cmpi slt, %select_n3A_190, %lt3A_196 : i32
        %ne3A_198 = arith.xori %lt3A_195, %lt3A_197 : i1
        %and3A_199 = arith.andi %ne3A_198, %ne3A_193 : i1
        %add3A_200 = arith.addi %rem3A_191, %select_n3A_190 : i32
        %select_n3A_201 = arith.select %and3A_199, %add3A_200, %rem3A_191 : i32
        %mul3A_202 = arith.constant 16 : i32
        %mul3A_203 = arith.muli %select_n3A_201, %mul3A_202 : i32
        %mul3A_204 = arith.constant 64 : i32
        %mul3A_205 = arith.muli %select_n3A, %mul3A_204 : i32
        %broadcast_in_dim3A = arith.constant 0.000000e+00 : f32
        %broadcast_in_dim3A_206 = vector.broadcast %broadcast_in_dim3A : f32 to vector<16xf32>
        %add3A_207 = arith.constant 60 : i32
        %add3A_208 = arith.addi %mul3A_205, %add3A_207 : i32
        %add3A_209 = arith.constant 1 : i32
        %add3A_210 = arith.addi %add3A_208, %add3A_209 : i32
        %get3A = arith.constant 0 : i32
        %get3A_211 = arith.constant 0 : i32
        %get3A_212 = tpu.memref_slice %arg10[%scan3A_130, %get3A, %get3A_211] : memref<4x128x128xf32, #tpu.memory_space<vmem>> -> memref<1x128x128xf32, #tpu.memory_space<vmem>>
        %get3A_213 = tpu.memref_squeeze %get3A_212 : memref<1x128x128xf32, #tpu.memory_space<vmem>> -> memref<128x128xf32, #tpu.memory_space<vmem>>
        %get3A_214 = arith.index_cast %add3A_210 : i32 to index
        %get3A_215 = arith.index_cast %mul3A_203 : i32 to index
        %get3A_216 = tpu.vector_load %get3A_213[%get3A_214, %get3A_215] {strides = array<i32>} : memref<128x128xf32, #tpu.memory_space<vmem>>, vector<1x16xf32>,
        %get3A_217 = vector.shape_cast %get3A_216 : vector<1x16xf32> to vector<16xf32>
        %add3A_218 = arith.constant 60 : i32
        %add3A_219 = arith.addi %mul3A_205, %add3A_218 : i32
        %add3A_220 = arith.constant 2 : i32
        %add3A_221 = arith.addi %add3A_219, %add3A_220 : i32
        %get3A_222 = arith.constant 0 : i32
        %get3A_223 = arith.constant 0 : i32
        %get3A_224 = tpu.memref_slice %arg10[%scan3A_130, %get3A_222, %get3A_223] : memref<4x128x128xf32, #tpu.memory_space<vmem>> -> memref<1x128x128xf32, #tpu.memory_space<vmem>>
        %get3A_225 = tpu.memref_squeeze %get3A_224 : memref<1x128x128xf32, #tpu.memory_space<vmem>> -> memref<128x128xf32, #tpu.memory_space<vmem>>
        %get3A_226 = arith.index_cast %add3A_221 : i32 to index
        %get3A_227 = arith.index_cast %mul3A_203 : i32 to index
        %get3A_228 = tpu.vector_load %get3A_225[%get3A_226, %get3A_227] {strides = array<i32>} : memref<128x128xf32, #tpu.memory_space<vmem>>, vector<1x16xf32>,
        %get3A_229 = vector.shape_cast %get3A_228 : vector<1x16xf32> to vector<16xf32>
        %max3A = arith.maximumf %get3A_217, %get3A_229 : vector<16xf32>
        %max3A_230 = arith.maximumf %broadcast_in_dim3A_206, %max3A : vector<16xf32>
        %add3A_231 = arith.constant 30 : i32
        %add3A_232 = arith.addi %mul3A_205, %add3A_231 : i32
        %get3A_233 = arith.constant 0 : i32
        %get3A_234 = arith.constant 0 : i32
        %get3A_235 = tpu.memref_slice %arg10[%scan3A_130, %get3A_233, %get3A_234] : memref<4x128x128xf32, #tpu.memory_space<vmem>> -> memref<1x128x128xf32, #tpu.memory_space<vmem>>
        %get3A_236 = tpu.memref_squeeze %get3A_235 : memref<1x128x128xf32, #tpu.memory_space<vmem>> -> memref<128x128xf32, #tpu.memory_space<vmem>>
        %get3A_237 = arith.index_cast %add3A_232 : i32 to index
        %get3A_238 = arith.index_cast %mul3A_203 : i32 to index
        %get3A_239 = tpu.vector_load %get3A_236[%get3A_237, %get3A_238] {strides = array<i32>} : memref<128x128xf32, #tpu.memory_space<vmem>>, vector<1x16xf32>,
        %get3A_240 = vector.shape_cast %get3A_239 : vector<1x16xf32> to vector<16xf32>
        %add3A_241 = arith.addf %get3A_240, %get3A_217 : vector<16xf32>
        %add3A_242 = arith.addf %add3A_241, %get3A_229 : vector<16xf32>
        %add3A_243 = arith.constant 58 : i32
        %add3A_244 = arith.addi %mul3A_205, %add3A_243 : i32
        %add3A_245 = arith.constant 1 : i32
        %add3A_246 = arith.addi %add3A_244, %add3A_245 : i32
        %get3A_247 = arith.constant 0 : i32
        %get3A_248 = arith.constant 0 : i32
        %get3A_249 = tpu.memref_slice %arg10[%scan3A_130, %get3A_247, %get3A_248] : memref<4x128x128xf32, #tpu.memory_space<vmem>> -> memref<1x128x128xf32, #tpu.memory_space<vmem>>
        %get3A_250 = tpu.memref_squeeze %get3A_249 : memref<1x128x128xf32, #tpu.memory_space<vmem>> -> memref<128x128xf32, #tpu.memory_space<vmem>>
        %get3A_251 = arith.index_cast %add3A_246 : i32 to index
        %get3A_252 = arith.index_cast %mul3A_203 : i32 to index
        %get3A_253 = tpu.vector_load %get3A_250[%get3A_251, %get3A_252] {strides = array<i32>} : memref<128x128xf32, #tpu.memory_space<vmem>>, vector<1x16xf32>,
        %get3A_254 = vector.shape_cast %get3A_253 : vector<1x16xf32> to vector<16xf32>
        %add3A_255 = arith.constant 58 : i32
        %add3A_256 = arith.addi %mul3A_205, %add3A_255 : i32
        %add3A_257 = arith.constant 2 : i32
        %add3A_258 = arith.addi %add3A_256, %add3A_257 : i32
        %get3A_259 = arith.constant 0 : i32
        %get3A_260 = arith.constant 0 : i32
        %get3A_261 = tpu.memref_slice %arg10[%scan3A_130, %get3A_259, %get3A_260] : memref<4x128x128xf32, #tpu.memory_space<vmem>> -> memref<1x128x128xf32, #tpu.memory_space<vmem>>
        %get3A_262 = tpu.memref_squeeze %get3A_261 : memref<1x128x128xf32, #tpu.memory_space<vmem>> -> memref<128x128xf32, #tpu.memory_space<vmem>>
        %get3A_263 = arith.index_cast %add3A_258 : i32 to index
        %get3A_264 = arith.index_cast %mul3A_203 : i32 to index
        %get3A_265 = tpu.vector_load %get3A_262[%get3A_263, %get3A_264] {strides = array<i32>} : memref<128x128xf32, #tpu.memory_space<vmem>>, vector<1x16xf32>,
        %get3A_266 = vector.shape_cast %get3A_265 : vector<1x16xf32> to vector<16xf32>
        %max3A_267 = arith.maximumf %get3A_254, %get3A_266 : vector<16xf32>
        %max3A_268 = arith.maximumf %max3A_230, %max3A_267 : vector<16xf32>
        %add3A_269 = arith.constant 29 : i32
        %add3A_270 = arith.addi %mul3A_205, %add3A_269 : i32
        %get3A_271 = arith.constant 0 : i32
        %get3A_272 = arith.constant 0 : i32
        %get3A_273 = tpu.memref_slice %arg10[%scan3A_130, %get3A_271, %get3A_272] : memref<4x128x128xf32, #tpu.memory_space<vmem>> -> memref<1x128x128xf32, #tpu.memory_space<vmem>>
        %get3A_274 = tpu.memref_squeeze %get3A_273 : memref<1x128x128xf32, #tpu.memory_space<vmem>> -> memref<128x128xf32, #tpu.memory_space<vmem>>
        %get3A_275 = arith.index_cast %add3A_270 : i32 to index
        %get3A_276 = arith.index_cast %mul3A_203 : i32 to index
        %get3A_277 = tpu.vector_load %get3A_274[%get3A_275, %get3A_276] {strides = array<i32>} : memref<128x128xf32, #tpu.memory_space<vmem>>, vector<1x16xf32>,
        %get3A_278 = vector.shape_cast %get3A_277 : vector<1x16xf32> to vector<16xf32>
        %add3A_279 = arith.addf %get3A_278, %get3A_254 : vector<16xf32>
        %add3A_280 = arith.addf %add3A_279, %get3A_266 : vector<16xf32>
        %add3A_281 = arith.constant 56 : i32
        %add3A_282 = arith.addi %mul3A_205, %add3A_281 : i32
        %add3A_283 = arith.constant 1 : i32
        %add3A_284 = arith.addi %add3A_282, %add3A_283 : i32
        %get3A_285 = arith.constant 0 : i32
        %get3A_286 = arith.constant 0 : i32
        %get3A_287 = tpu.memref_slice %arg10[%scan3A_130, %get3A_285, %get3A_286] : memref<4x128x128xf32, #tpu.memory_space<vmem>> -> memref<1x128x128xf32, #tpu.memory_space<vmem>>
        %get3A_288 = tpu.memref_squeeze %get3A_287 : memref<1x128x128xf32, #tpu.memory_space<vmem>> -> memref<128x128xf32, #tpu.memory_space<vmem>>
        %get3A_289 = arith.index_cast %add3A_284 : i32 to index
        %get3A_290 = arith.index_cast %mul3A_203 : i32 to index
        %get3A_291 = tpu.vector_load %get3A_288[%get3A_289, %get3A_290] {strides = array<i32>} : memref<128x128xf32, #tpu.memory_space<vmem>>, vector<1x16xf32>,
        %get3A_292 = vector.shape_cast %get3A_291 : vector<1x16xf32> to vector<16xf32>
        %add3A_293 = arith.constant 56 : i32
        %add3A_294 = arith.addi %mul3A_205, %add3A_293 : i32
        %add3A_295 = arith.constant 2 : i32
        %add3A_296 = arith.addi %add3A_294, %add3A_295 : i32
        %get3A_297 = arith.constant 0 : i32
        %get3A_298 = arith.constant 0 : i32
        %get3A_299 = tpu.memref_slice %arg10[%scan3A_130, %get3A_297, %get3A_298] : memref<4x128x128xf32, #tpu.memory_space<vmem>> -> memref<1x128x128xf32, #tpu.memory_space<vmem>>
        %get3A_300 = tpu.memref_squeeze %get3A_299 : memref<1x128x128xf32, #tpu.memory_space<vmem>> -> memref<128x128xf32, #tpu.memory_space<vmem>>
        %get3A_301 = arith.index_cast %add3A_296 : i32 to index
        %get3A_302 = arith.index_cast %mul3A_203 : i32 to index
        %get3A_303 = tpu.vector_load %get3A_300[%get3A_301, %get3A_302] {strides = array<i32>} : memref<128x128xf32, #tpu.memory_space<vmem>>, vector<1x16xf32>,
        %get3A_304 = vector.shape_cast %get3A_303 : vector<1x16xf32> to vector<16xf32>
        %max3A_305 = arith.maximumf %get3A_292, %get3A_304 : vector<16xf32>
        %max3A_306 = arith.maximumf %max3A_268, %max3A_305 : vector<16xf32>
        %add3A_307 = arith.constant 28 : i32
        %add3A_308 = arith.addi %mul3A_205, %add3A_307 : i32
        %get3A_309 = arith.constant 0 : i32
        %get3A_310 = arith.constant 0 : i32
        %get3A_311 = tpu.memref_slice %arg10[%scan3A_130, %get3A_309, %get3A_310] : memref<4x128x128xf32, #tpu.memory_space<vmem>> -> memref<1x128x128xf32, #tpu.memory_space<vmem>>
        %get3A_312 = tpu.memref_squeeze %get3A_311 : memref<1x128x128xf32, #tpu.memory_space<vmem>> -> memref<128x128xf32, #tpu.memory_space<vmem>>
        %get3A_313 = arith.index_cast %add3A_308 : i32 to index
        %get3A_314 = arith.index_cast %mul3A_203 : i32 to index
        %get3A_315 = tpu.vector_load %get3A_312[%get3A_313, %get3A_314] {strides = array<i32>} : memref<128x128xf32, #tpu.memory_space<vmem>>, vector<1x16xf32>,
        %get3A_316 = vector.shape_cast %get3A_315 : vector<1x16xf32> to vector<16xf32>
        %add3A_317 = arith.addf %get3A_316, %get3A_292 : vector<16xf32>
        %add3A_318 = arith.addf %add3A_317, %get3A_304 : vector<16xf32>
        %add3A_319 = arith.constant 54 : i32
        %add3A_320 = arith.addi %mul3A_205, %add3A_319 : i32
        %add3A_321 = arith.constant 1 : i32
        %add3A_322 = arith.addi %add3A_320, %add3A_321 : i32
        %get3A_323 = arith.constant 0 : i32
        %get3A_324 = arith.constant 0 : i32
        %get3A_325 = tpu.memref_slice %arg10[%scan3A_130, %get3A_323, %get3A_324] : memref<4x128x128xf32, #tpu.memory_space<vmem>> -> memref<1x128x128xf32, #tpu.memory_space<vmem>>
        %get3A_326 = tpu.memref_squeeze %get3A_325 : memref<1x128x128xf32, #tpu.memory_space<vmem>> -> memref<128x128xf32, #tpu.memory_space<vmem>>
        %get3A_327 = arith.index_cast %add3A_322 : i32 to index
        %get3A_328 = arith.index_cast %mul3A_203 : i32 to index
        %get3A_329 = tpu.vector_load %get3A_326[%get3A_327, %get3A_328] {strides = array<i32>} : memref<128x128xf32, #tpu.memory_space<vmem>>, vector<1x16xf32>,
        %get3A_330 = vector.shape_cast %get3A_329 : vector<1x16xf32> to vector<16xf32>
        %add3A_331 = arith.constant 54 : i32
        %add3A_332 = arith.addi %mul3A_205, %add3A_331 : i32
        %add3A_333 = arith.constant 2 : i32
        %add3A_334 = arith.addi %add3A_332, %add3A_333 : i32
        %get3A_335 = arith.constant 0 : i32
        %get3A_336 = arith.constant 0 : i32
        %get3A_337 = tpu.memref_slice %arg10[%scan3A_130, %get3A_335, %get3A_336] : memref<4x128x128xf32, #tpu.memory_space<vmem>> -> memref<1x128x128xf32, #tpu.memory_space<vmem>>
        %get3A_338 = tpu.memref_squeeze %get3A_337 : memref<1x128x128xf32, #tpu.memory_space<vmem>> -> memref<128x128xf32, #tpu.memory_space<vmem>>
        %get3A_339 = arith.index_cast %add3A_334 : i32 to index
        %get3A_340 = arith.index_cast %mul3A_203 : i32 to index
        %get3A_341 = tpu.vector_load %get3A_338[%get3A_339, %get3A_340] {strides = array<i32>} : memref<128x128xf32, #tpu.memory_space<vmem>>, vector<1x16xf32>,
        %get3A_342 = vector.shape_cast %get3A_341 : vector<1x16xf32> to vector<16xf32>
        %max3A_343 = arith.maximumf %get3A_330, %get3A_342 : vector<16xf32>
        %max3A_344 = arith.maximumf %max3A_306, %max3A_343 : vector<16xf32>
        %add3A_345 = arith.constant 27 : i32
        %add3A_346 = arith.addi %mul3A_205, %add3A_345 : i32
        %get3A_347 = arith.constant 0 : i32
        %get3A_348 = arith.constant 0 : i32
        %get3A_349 = tpu.memref_slice %arg10[%scan3A_130, %get3A_347, %get3A_348] : memref<4x128x128xf32, #tpu.memory_space<vmem>> -> memref<1x128x128xf32, #tpu.memory_space<vmem>>
        %get3A_350 = tpu.memref_squeeze %get3A_349 : memref<1x128x128xf32, #tpu.memory_space<vmem>> -> memref<128x128xf32, #tpu.memory_space<vmem>>
        %get3A_351 = arith.index_cast %add3A_346 : i32 to index
        %get3A_352 = arith.index_cast %mul3A_203 : i32 to index
        %get3A_353 = tpu.vector_load %get3A_350[%get3A_351, %get3A_352] {strides = array<i32>} : memref<128x128xf32, #tpu.memory_space<vmem>>, vector<1x16xf32>,
        %get3A_354 = vector.shape_cast %get3A_353 : vector<1x16xf32> to vector<16xf32>
        %add3A_355 = arith.addf %get3A_354, %get3A_330 : vector<16xf32>
        %add3A_356 = arith.addf %add3A_355, %get3A_342 : vector<16xf32>
        %add3A_357 = arith.constant 52 : i32
        %add3A_358 = arith.addi %mul3A_205, %add3A_357 : i32
        %add3A_359 = arith.constant 1 : i32
        %add3A_360 = arith.addi %add3A_358, %add3A_359 : i32
        %get3A_361 = arith.constant 0 : i32
        %get3A_362 = arith.constant 0 : i32
        %get3A_363 = tpu.memref_slice %arg10[%scan3A_130, %get3A_361, %get3A_362] : memref<4x128x128xf32, #tpu.memory_space<vmem>> -> memref<1x128x128xf32, #tpu.memory_space<vmem>>
        %get3A_364 = tpu.memref_squeeze %get3A_363 : memref<1x128x128xf32, #tpu.memory_space<vmem>> -> memref<128x128xf32, #tpu.memory_space<vmem>>
        %get3A_365 = arith.index_cast %add3A_360 : i32 to index
        %get3A_366 = arith.index_cast %mul3A_203 : i32 to index
        %get3A_367 = tpu.vector_load %get3A_364[%get3A_365, %get3A_366] {strides = array<i32>} : memref<128x128xf32, #tpu.memory_space<vmem>>, vector<1x16xf32>,
        %get3A_368 = vector.shape_cast %get3A_367 : vector<1x16xf32> to vector<16xf32>
        %add3A_369 = arith.constant 52 : i32
        %add3A_370 = arith.addi %mul3A_205, %add3A_369 : i32
        %add3A_371 = arith.constant 2 : i32
        %add3A_372 = arith.addi %add3A_370, %add3A_371 : i32
        %get3A_373 = arith.constant 0 : i32
        %get3A_374 = arith.constant 0 : i32
        %get3A_375 = tpu.memref_slice %arg10[%scan3A_130, %get3A_373, %get3A_374] : memref<4x128x128xf32, #tpu.memory_space<vmem>> -> memref<1x128x128xf32, #tpu.memory_space<vmem>>
        %get3A_376 = tpu.memref_squeeze %get3A_375 : memref<1x128x128xf32, #tpu.memory_space<vmem>> -> memref<128x128xf32, #tpu.memory_space<vmem>>
        %get3A_377 = arith.index_cast %add3A_372 : i32 to index
        %get3A_378 = arith.index_cast %mul3A_203 : i32 to index
        %get3A_379 = tpu.vector_load %get3A_376[%get3A_377, %get3A_378] {strides = array<i32>} : memref<128x128xf32, #tpu.memory_space<vmem>>, vector<1x16xf32>,
        %get3A_380 = vector.shape_cast %get3A_379 : vector<1x16xf32> to vector<16xf32>
        %max3A_381 = arith.maximumf %get3A_368, %get3A_380 : vector<16xf32>
        %max3A_382 = arith.maximumf %max3A_344, %max3A_381 : vector<16xf32>
        %add3A_383 = arith.constant 26 : i32
        %add3A_384 = arith.addi %mul3A_205, %add3A_383 : i32
        %get3A_385 = arith.constant 0 : i32
        %get3A_386 = arith.constant 0 : i32
        %get3A_387 = tpu.memref_slice %arg10[%scan3A_130, %get3A_385, %get3A_386] : memref<4x128x128xf32, #tpu.memory_space<vmem>> -> memref<1x128x128xf32, #tpu.memory_space<vmem>>
        %get3A_388 = tpu.memref_squeeze %get3A_387 : memref<1x128x128xf32, #tpu.memory_space<vmem>> -> memref<128x128xf32, #tpu.memory_space<vmem>>
        %get3A_389 = arith.index_cast %add3A_384 : i32 to index
        %get3A_390 = arith.index_cast %mul3A_203 : i32 to index
        %get3A_391 = tpu.vector_load %get3A_388[%get3A_389, %get3A_390] {strides = array<i32>} : memref<128x128xf32, #tpu.memory_space<vmem>>, vector<1x16xf32>,
        %get3A_392 = vector.shape_cast %get3A_391 : vector<1x16xf32> to vector<16xf32>
        %add3A_393 = arith.addf %get3A_392, %get3A_368 : vector<16xf32>
        %add3A_394 = arith.addf %add3A_393, %get3A_380 : vector<16xf32>
        %add3A_395 = arith.constant 50 : i32
        %add3A_396 = arith.addi %mul3A_205, %add3A_395 : i32
        %add3A_397 = arith.constant 1 : i32
        %add3A_398 = arith.addi %add3A_396, %add3A_397 : i32
        %get3A_399 = arith.constant 0 : i32
        %get3A_400 = arith.constant 0 : i32
        %get3A_401 = tpu.memref_slice %arg10[%scan3A_130, %get3A_399, %get3A_400] : memref<4x128x128xf32, #tpu.memory_space<vmem>> -> memref<1x128x128xf32, #tpu.memory_space<vmem>>
        %get3A_402 = tpu.memref_squeeze %get3A_401 : memref<1x128x128xf32, #tpu.memory_space<vmem>> -> memref<128x128xf32, #tpu.memory_space<vmem>>
        %get3A_403 = arith.index_cast %add3A_398 : i32 to index
        %get3A_404 = arith.index_cast %mul3A_203 : i32 to index
        %get3A_405 = tpu.vector_load %get3A_402[%get3A_403, %get3A_404] {strides = array<i32>} : memref<128x128xf32, #tpu.memory_space<vmem>>, vector<1x16xf32>,
        %get3A_406 = vector.shape_cast %get3A_405 : vector<1x16xf32> to vector<16xf32>
        %add3A_407 = arith.constant 50 : i32
        %add3A_408 = arith.addi %mul3A_205, %add3A_407 : i32
        %add3A_409 = arith.constant 2 : i32
        %add3A_410 = arith.addi %add3A_408, %add3A_409 : i32
        %get3A_411 = arith.constant 0 : i32
        %get3A_412 = arith.constant 0 : i32
        %get3A_413 = tpu.memref_slice %arg10[%scan3A_130, %get3A_411, %get3A_412] : memref<4x128x128xf32, #tpu.memory_space<vmem>> -> memref<1x128x128xf32, #tpu.memory_space<vmem>>
        %get3A_414 = tpu.memref_squeeze %get3A_413 : memref<1x128x128xf32, #tpu.memory_space<vmem>> -> memref<128x128xf32, #tpu.memory_space<vmem>>
        %get3A_415 = arith.index_cast %add3A_410 : i32 to index
        %get3A_416 = arith.index_cast %mul3A_203 : i32 to index
        %get3A_417 = tpu.vector_load %get3A_414[%get3A_415, %get3A_416] {strides = array<i32>} : memref<128x128xf32, #tpu.memory_space<vmem>>, vector<1x16xf32>,
        %get3A_418 = vector.shape_cast %get3A_417 : vector<1x16xf32> to vector<16xf32>
        %max3A_419 = arith.maximumf %get3A_406, %get3A_418 : vector<16xf32>
        %max3A_420 = arith.maximumf %max3A_382, %max3A_419 : vector<16xf32>
        %add3A_421 = arith.constant 25 : i32
        %add3A_422 = arith.addi %mul3A_205, %add3A_421 : i32
        %get3A_423 = arith.constant 0 : i32
        %get3A_424 = arith.constant 0 : i32
        %get3A_425 = tpu.memref_slice %arg10[%scan3A_130, %get3A_423, %get3A_424] : memref<4x128x128xf32, #tpu.memory_space<vmem>> -> memref<1x128x128xf32, #tpu.memory_space<vmem>>
        %get3A_426 = tpu.memref_squeeze %get3A_425 : memref<1x128x128xf32, #tpu.memory_space<vmem>> -> memref<128x128xf32, #tpu.memory_space<vmem>>
        %get3A_427 = arith.index_cast %add3A_422 : i32 to index
        %get3A_428 = arith.index_cast %mul3A_203 : i32 to index
        %get3A_429 = tpu.vector_load %get3A_426[%get3A_427, %get3A_428] {strides = array<i32>} : memref<128x128xf32, #tpu.memory_space<vmem>>, vector<1x16xf32>,
        %get3A_430 = vector.shape_cast %get3A_429 : vector<1x16xf32> to vector<16xf32>
        %add3A_431 = arith.addf %get3A_430, %get3A_406 : vector<16xf32>
        %add3A_432 = arith.addf %add3A_431, %get3A_418 : vector<16xf32>
        %add3A_433 = arith.constant 48 : i32
        %add3A_434 = arith.addi %mul3A_205, %add3A_433 : i32
        %add3A_435 = arith.constant 1 : i32
        %add3A_436 = arith.addi %add3A_434, %add3A_435 : i32
        %get3A_437 = arith.constant 0 : i32
        %get3A_438 = arith.constant 0 : i32
        %get3A_439 = tpu.memref_slice %arg10[%scan3A_130, %get3A_437, %get3A_438] : memref<4x128x128xf32, #tpu.memory_space<vmem>> -> memref<1x128x128xf32, #tpu.memory_space<vmem>>
        %get3A_440 = tpu.memref_squeeze %get3A_439 : memref<1x128x128xf32, #tpu.memory_space<vmem>> -> memref<128x128xf32, #tpu.memory_space<vmem>>
        %get3A_441 = arith.index_cast %add3A_436 : i32 to index
        %get3A_442 = arith.index_cast %mul3A_203 : i32 to index
        %get3A_443 = tpu.vector_load %get3A_440[%get3A_441, %get3A_442] {strides = array<i32>} : memref<128x128xf32, #tpu.memory_space<vmem>>, vector<1x16xf32>,
        %get3A_444 = vector.shape_cast %get3A_443 : vector<1x16xf32> to vector<16xf32>
        %add3A_445 = arith.constant 48 : i32
        %add3A_446 = arith.addi %mul3A_205, %add3A_445 : i32
        %add3A_447 = arith.constant 2 : i32
        %add3A_448 = arith.addi %add3A_446, %add3A_447 : i32
        %get3A_449 = arith.constant 0 : i32
        %get3A_450 = arith.constant 0 : i32
        %get3A_451 = tpu.memref_slice %arg10[%scan3A_130, %get3A_449, %get3A_450] : memref<4x128x128xf32, #tpu.memory_space<vmem>> -> memref<1x128x128xf32, #tpu.memory_space<vmem>>
        %get3A_452 = tpu.memref_squeeze %get3A_451 : memref<1x128x128xf32, #tpu.memory_space<vmem>> -> memref<128x128xf32, #tpu.memory_space<vmem>>
        %get3A_453 = arith.index_cast %add3A_448 : i32 to index
        %get3A_454 = arith.index_cast %mul3A_203 : i32 to index
        %get3A_455 = tpu.vector_load %get3A_452[%get3A_453, %get3A_454] {strides = array<i32>} : memref<128x128xf32, #tpu.memory_space<vmem>>, vector<1x16xf32>,
        %get3A_456 = vector.shape_cast %get3A_455 : vector<1x16xf32> to vector<16xf32>
        %max3A_457 = arith.maximumf %get3A_444, %get3A_456 : vector<16xf32>
        %max3A_458 = arith.maximumf %max3A_420, %max3A_457 : vector<16xf32>
        %add3A_459 = arith.constant 24 : i32
        %add3A_460 = arith.addi %mul3A_205, %add3A_459 : i32
        %get3A_461 = arith.constant 0 : i32
        %get3A_462 = arith.constant 0 : i32
        %get3A_463 = tpu.memref_slice %arg10[%scan3A_130, %get3A_461, %get3A_462] : memref<4x128x128xf32, #tpu.memory_space<vmem>> -> memref<1x128x128xf32, #tpu.memory_space<vmem>>
        %get3A_464 = tpu.memref_squeeze %get3A_463 : memref<1x128x128xf32, #tpu.memory_space<vmem>> -> memref<128x128xf32, #tpu.memory_space<vmem>>
        %get3A_465 = arith.index_cast %add3A_460 : i32 to index
        %get3A_466 = arith.index_cast %mul3A_203 : i32 to index
        %get3A_467 = tpu.vector_load %get3A_464[%get3A_465, %get3A_466] {strides = array<i32>} : memref<128x128xf32, #tpu.memory_space<vmem>>, vector<1x16xf32>,
        %get3A_468 = vector.shape_cast %get3A_467 : vector<1x16xf32> to vector<16xf32>
        %add3A_469 = arith.addf %get3A_468, %get3A_444 : vector<16xf32>
        %add3A_470 = arith.addf %add3A_469, %get3A_456 : vector<16xf32>
        %add3A_471 = arith.constant 46 : i32
        %add3A_472 = arith.addi %mul3A_205, %add3A_471 : i32
        %add3A_473 = arith.constant 1 : i32
        %add3A_474 = arith.addi %add3A_472, %add3A_473 : i32
        %get3A_475 = arith.constant 0 : i32
        %get3A_476 = arith.constant 0 : i32
        %get3A_477 = tpu.memref_slice %arg10[%scan3A_130, %get3A_475, %get3A_476] : memref<4x128x128xf32, #tpu.memory_space<vmem>> -> memref<1x128x128xf32, #tpu.memory_space<vmem>>
        %get3A_478 = tpu.memref_squeeze %get3A_477 : memref<1x128x128xf32, #tpu.memory_space<vmem>> -> memref<128x128xf32, #tpu.memory_space<vmem>>
        %get3A_479 = arith.index_cast %add3A_474 : i32 to index
        %get3A_480 = arith.index_cast %mul3A_203 : i32 to index
        %get3A_481 = tpu.vector_load %get3A_478[%get3A_479, %get3A_480] {strides = array<i32>} : memref<128x128xf32, #tpu.memory_space<vmem>>, vector<1x16xf32>,
        %get3A_482 = vector.shape_cast %get3A_481 : vector<1x16xf32> to vector<16xf32>
        %add3A_483 = arith.constant 46 : i32
        %add3A_484 = arith.addi %mul3A_205, %add3A_483 : i32
        %add3A_485 = arith.constant 2 : i32
        %add3A_486 = arith.addi %add3A_484, %add3A_485 : i32
        %get3A_487 = arith.constant 0 : i32
        %get3A_488 = arith.constant 0 : i32
        %get3A_489 = tpu.memref_slice %arg10[%scan3A_130, %get3A_487, %get3A_488] : memref<4x128x128xf32, #tpu.memory_space<vmem>> -> memref<1x128x128xf32, #tpu.memory_space<vmem>>
        %get3A_490 = tpu.memref_squeeze %get3A_489 : memref<1x128x128xf32, #tpu.memory_space<vmem>> -> memref<128x128xf32, #tpu.memory_space<vmem>>
        %get3A_491 = arith.index_cast %add3A_486 : i32 to index
        %get3A_492 = arith.index_cast %mul3A_203 : i32 to index
        %get3A_493 = tpu.vector_load %get3A_490[%get3A_491, %get3A_492] {strides = array<i32>} : memref<128x128xf32, #tpu.memory_space<vmem>>, vector<1x16xf32>,
        %get3A_494 = vector.shape_cast %get3A_493 : vector<1x16xf32> to vector<16xf32>
        %max3A_495 = arith.maximumf %get3A_482, %get3A_494 : vector<16xf32>
        %max3A_496 = arith.maximumf %max3A_458, %max3A_495 : vector<16xf32>
        %add3A_497 = arith.constant 23 : i32
        %add3A_498 = arith.addi %mul3A_205, %add3A_497 : i32
        %get3A_499 = arith.constant 0 : i32
        %get3A_500 = arith.constant 0 : i32
        %get3A_501 = tpu.memref_slice %arg10[%scan3A_130, %get3A_499, %get3A_500] : memref<4x128x128xf32, #tpu.memory_space<vmem>> -> memref<1x128x128xf32, #tpu.memory_space<vmem>>
        %get3A_502 = tpu.memref_squeeze %get3A_501 : memref<1x128x128xf32, #tpu.memory_space<vmem>> -> memref<128x128xf32, #tpu.memory_space<vmem>>
        %get3A_503 = arith.index_cast %add3A_498 : i32 to index
        %get3A_504 = arith.index_cast %mul3A_203 : i32 to index
        %get3A_505 = tpu.vector_load %get3A_502[%get3A_503, %get3A_504] {strides = array<i32>} : memref<128x128xf32, #tpu.memory_space<vmem>>, vector<1x16xf32>,
        %get3A_506 = vector.shape_cast %get3A_505 : vector<1x16xf32> to vector<16xf32>
        %add3A_507 = arith.addf %get3A_506, %get3A_482 : vector<16xf32>
        %add3A_508 = arith.addf %add3A_507, %get3A_494 : vector<16xf32>
        %add3A_509 = arith.constant 44 : i32
        %add3A_510 = arith.addi %mul3A_205, %add3A_509 : i32
        %add3A_511 = arith.constant 1 : i32
        %add3A_512 = arith.addi %add3A_510, %add3A_511 : i32
        %get3A_513 = arith.constant 0 : i32
        %get3A_514 = arith.constant 0 : i32
        %get3A_515 = tpu.memref_slice %arg10[%scan3A_130, %get3A_513, %get3A_514] : memref<4x128x128xf32, #tpu.memory_space<vmem>> -> memref<1x128x128xf32, #tpu.memory_space<vmem>>
        %get3A_516 = tpu.memref_squeeze %get3A_515 : memref<1x128x128xf32, #tpu.memory_space<vmem>> -> memref<128x128xf32, #tpu.memory_space<vmem>>
        %get3A_517 = arith.index_cast %add3A_512 : i32 to index
        %get3A_518 = arith.index_cast %mul3A_203 : i32 to index
        %get3A_519 = tpu.vector_load %get3A_516[%get3A_517, %get3A_518] {strides = array<i32>} : memref<128x128xf32, #tpu.memory_space<vmem>>, vector<1x16xf32>,
        %get3A_520 = vector.shape_cast %get3A_519 : vector<1x16xf32> to vector<16xf32>
        %add3A_521 = arith.constant 44 : i32
        %add3A_522 = arith.addi %mul3A_205, %add3A_521 : i32
        %add3A_523 = arith.constant 2 : i32
        %add3A_524 = arith.addi %add3A_522, %add3A_523 : i32
        %get3A_525 = arith.constant 0 : i32
        %get3A_526 = arith.constant 0 : i32
        %get3A_527 = tpu.memref_slice %arg10[%scan3A_130, %get3A_525, %get3A_526] : memref<4x128x128xf32, #tpu.memory_space<vmem>> -> memref<1x128x128xf32, #tpu.memory_space<vmem>>
        %get3A_528 = tpu.memref_squeeze %get3A_527 : memref<1x128x128xf32, #tpu.memory_space<vmem>> -> memref<128x128xf32, #tpu.memory_space<vmem>>
        %get3A_529 = arith.index_cast %add3A_524 : i32 to index
        %get3A_530 = arith.index_cast %mul3A_203 : i32 to index
        %get3A_531 = tpu.vector_load %get3A_528[%get3A_529, %get3A_530] {strides = array<i32>} : memref<128x128xf32, #tpu.memory_space<vmem>>, vector<1x16xf32>,
        %get3A_532 = vector.shape_cast %get3A_531 : vector<1x16xf32> to vector<16xf32>
        %max3A_533 = arith.maximumf %get3A_520, %get3A_532 : vector<16xf32>
        %max3A_534 = arith.maximumf %max3A_496, %max3A_533 : vector<16xf32>
        %add3A_535 = arith.constant 22 : i32
        %add3A_536 = arith.addi %mul3A_205, %add3A_535 : i32
        %get3A_537 = arith.constant 0 : i32
        %get3A_538 = arith.constant 0 : i32
        %get3A_539 = tpu.memref_slice %arg10[%scan3A_130, %get3A_537, %get3A_538] : memref<4x128x128xf32, #tpu.memory_space<vmem>> -> memref<1x128x128xf32, #tpu.memory_space<vmem>>
        %get3A_540 = tpu.memref_squeeze %get3A_539 : memref<1x128x128xf32, #tpu.memory_space<vmem>> -> memref<128x128xf32, #tpu.memory_space<vmem>>
        %get3A_541 = arith.index_cast %add3A_536 : i32 to index
        %get3A_542 = arith.index_cast %mul3A_203 : i32 to index
        %get3A_543 = tpu.vector_load %get3A_540[%get3A_541, %get3A_542] {strides = array<i32>} : memref<128x128xf32, #tpu.memory_space<vmem>>, vector<1x16xf32>,
        %get3A_544 = vector.shape_cast %get3A_543 : vector<1x16xf32> to vector<16xf32>
        %add3A_545 = arith.addf %get3A_544, %get3A_520 : vector<16xf32>
        %add3A_546 = arith.addf %add3A_545, %get3A_532 : vector<16xf32>
        %add3A_547 = arith.constant 42 : i32
        %add3A_548 = arith.addi %mul3A_205, %add3A_547 : i32
        %add3A_549 = arith.constant 1 : i32
        %add3A_550 = arith.addi %add3A_548, %add3A_549 : i32
        %get3A_551 = arith.constant 0 : i32
        %get3A_552 = arith.constant 0 : i32
        %get3A_553 = tpu.memref_slice %arg10[%scan3A_130, %get3A_551, %get3A_552] : memref<4x128x128xf32, #tpu.memory_space<vmem>> -> memref<1x128x128xf32, #tpu.memory_space<vmem>>
        %get3A_554 = tpu.memref_squeeze %get3A_553 : memref<1x128x128xf32, #tpu.memory_space<vmem>> -> memref<128x128xf32, #tpu.memory_space<vmem>>
        %get3A_555 = arith.index_cast %add3A_550 : i32 to index
        %get3A_556 = arith.index_cast %mul3A_203 : i32 to index
        %get3A_557 = tpu.vector_load %get3A_554[%get3A_555, %get3A_556] {strides = array<i32>} : memref<128x128xf32, #tpu.memory_space<vmem>>, vector<1x16xf32>,
        %get3A_558 = vector.shape_cast %get3A_557 : vector<1x16xf32> to vector<16xf32>
        %add3A_559 = arith.constant 42 : i32
        %add3A_560 = arith.addi %mul3A_205, %add3A_559 : i32
        %add3A_561 = arith.constant 2 : i32
        %add3A_562 = arith.addi %add3A_560, %add3A_561 : i32
        %get3A_563 = arith.constant 0 : i32
        %get3A_564 = arith.constant 0 : i32
        %get3A_565 = tpu.memref_slice %arg10[%scan3A_130, %get3A_563, %get3A_564] : memref<4x128x128xf32, #tpu.memory_space<vmem>> -> memref<1x128x128xf32, #tpu.memory_space<vmem>>
        %get3A_566 = tpu.memref_squeeze %get3A_565 : memref<1x128x128xf32, #tpu.memory_space<vmem>> -> memref<128x128xf32, #tpu.memory_space<vmem>>
        %get3A_567 = arith.index_cast %add3A_562 : i32 to index
        %get3A_568 = arith.index_cast %mul3A_203 : i32 to index
        %get3A_569 = tpu.vector_load %get3A_566[%get3A_567, %get3A_568] {strides = array<i32>} : memref<128x128xf32, #tpu.memory_space<vmem>>, vector<1x16xf32>,
        %get3A_570 = vector.shape_cast %get3A_569 : vector<1x16xf32> to vector<16xf32>
        %max3A_571 = arith.maximumf %get3A_558, %get3A_570 : vector<16xf32>
        %max3A_572 = arith.maximumf %max3A_534, %max3A_571 : vector<16xf32>
        %add3A_573 = arith.constant 21 : i32
        %add3A_574 = arith.addi %mul3A_205, %add3A_573 : i32
        %get3A_575 = arith.constant 0 : i32
        %get3A_576 = arith.constant 0 : i32
        %get3A_577 = tpu.memref_slice %arg10[%scan3A_130, %get3A_575, %get3A_576] : memref<4x128x128xf32, #tpu.memory_space<vmem>> -> memref<1x128x128xf32, #tpu.memory_space<vmem>>
        %get3A_578 = tpu.memref_squeeze %get3A_577 : memref<1x128x128xf32, #tpu.memory_space<vmem>> -> memref<128x128xf32, #tpu.memory_space<vmem>>
        %get3A_579 = arith.index_cast %add3A_574 : i32 to index
        %get3A_580 = arith.index_cast %mul3A_203 : i32 to index
        %get3A_581 = tpu.vector_load %get3A_578[%get3A_579, %get3A_580] {strides = array<i32>} : memref<128x128xf32, #tpu.memory_space<vmem>>, vector<1x16xf32>,
        %get3A_582 = vector.shape_cast %get3A_581 : vector<1x16xf32> to vector<16xf32>
        %add3A_583 = arith.addf %get3A_582, %get3A_558 : vector<16xf32>
        %add3A_584 = arith.addf %add3A_583, %get3A_570 : vector<16xf32>
        %add3A_585 = arith.constant 40 : i32
        %add3A_586 = arith.addi %mul3A_205, %add3A_585 : i32
        %add3A_587 = arith.constant 1 : i32
        %add3A_588 = arith.addi %add3A_586, %add3A_587 : i32
        %get3A_589 = arith.constant 0 : i32
        %get3A_590 = arith.constant 0 : i32
        %get3A_591 = tpu.memref_slice %arg10[%scan3A_130, %get3A_589, %get3A_590] : memref<4x128x128xf32, #tpu.memory_space<vmem>> -> memref<1x128x128xf32, #tpu.memory_space<vmem>>
        %get3A_592 = tpu.memref_squeeze %get3A_591 : memref<1x128x128xf32, #tpu.memory_space<vmem>> -> memref<128x128xf32, #tpu.memory_space<vmem>>
        %get3A_593 = arith.index_cast %add3A_588 : i32 to index
        %get3A_594 = arith.index_cast %mul3A_203 : i32 to index
        %get3A_595 = tpu.vector_load %get3A_592[%get3A_593, %get3A_594] {strides = array<i32>} : memref<128x128xf32, #tpu.memory_space<vmem>>, vector<1x16xf32>,
        %get3A_596 = vector.shape_cast %get3A_595 : vector<1x16xf32> to vector<16xf32>
        %add3A_597 = arith.constant 40 : i32
        %add3A_598 = arith.addi %mul3A_205, %add3A_597 : i32
        %add3A_599 = arith.constant 2 : i32
        %add3A_600 = arith.addi %add3A_598, %add3A_599 : i32
        %get3A_601 = arith.constant 0 : i32
        %get3A_602 = arith.constant 0 : i32
        %get3A_603 = tpu.memref_slice %arg10[%scan3A_130, %get3A_601, %get3A_602] : memref<4x128x128xf32, #tpu.memory_space<vmem>> -> memref<1x128x128xf32, #tpu.memory_space<vmem>>
        %get3A_604 = tpu.memref_squeeze %get3A_603 : memref<1x128x128xf32, #tpu.memory_space<vmem>> -> memref<128x128xf32, #tpu.memory_space<vmem>>
        %get3A_605 = arith.index_cast %add3A_600 : i32 to index
        %get3A_606 = arith.index_cast %mul3A_203 : i32 to index
        %get3A_607 = tpu.vector_load %get3A_604[%get3A_605, %get3A_606] {strides = array<i32>} : memref<128x128xf32, #tpu.memory_space<vmem>>, vector<1x16xf32>,
        %get3A_608 = vector.shape_cast %get3A_607 : vector<1x16xf32> to vector<16xf32>
        %max3A_609 = arith.maximumf %get3A_596, %get3A_608 : vector<16xf32>
        %max3A_610 = arith.maximumf %max3A_572, %max3A_609 : vector<16xf32>
        %add3A_611 = arith.constant 20 : i32
        %add3A_612 = arith.addi %mul3A_205, %add3A_611 : i32
        %get3A_613 = arith.constant 0 : i32
        %get3A_614 = arith.constant 0 : i32
        %get3A_615 = tpu.memref_slice %arg10[%scan3A_130, %get3A_613, %get3A_614] : memref<4x128x128xf32, #tpu.memory_space<vmem>> -> memref<1x128x128xf32, #tpu.memory_space<vmem>>
        %get3A_616 = tpu.memref_squeeze %get3A_615 : memref<1x128x128xf32, #tpu.memory_space<vmem>> -> memref<128x128xf32, #tpu.memory_space<vmem>>
        %get3A_617 = arith.index_cast %add3A_612 : i32 to index
        %get3A_618 = arith.index_cast %mul3A_203 : i32 to index
        %get3A_619 = tpu.vector_load %get3A_616[%get3A_617, %get3A_618] {strides = array<i32>} : memref<128x128xf32, #tpu.memory_space<vmem>>, vector<1x16xf32>,
        %get3A_620 = vector.shape_cast %get3A_619 : vector<1x16xf32> to vector<16xf32>
        %add3A_621 = arith.addf %get3A_620, %get3A_596 : vector<16xf32>
        %add3A_622 = arith.addf %add3A_621, %get3A_608 : vector<16xf32>
        %add3A_623 = arith.constant 38 : i32
        %add3A_624 = arith.addi %mul3A_205, %add3A_623 : i32
        %add3A_625 = arith.constant 1 : i32
        %add3A_626 = arith.addi %add3A_624, %add3A_625 : i32
        %get3A_627 = arith.constant 0 : i32
        %get3A_628 = arith.constant 0 : i32
        %get3A_629 = tpu.memref_slice %arg10[%scan3A_130, %get3A_627, %get3A_628] : memref<4x128x128xf32, #tpu.memory_space<vmem>> -> memref<1x128x128xf32, #tpu.memory_space<vmem>>
        %get3A_630 = tpu.memref_squeeze %get3A_629 : memref<1x128x128xf32, #tpu.memory_space<vmem>> -> memref<128x128xf32, #tpu.memory_space<vmem>>
        %get3A_631 = arith.index_cast %add3A_626 : i32 to index
        %get3A_632 = arith.index_cast %mul3A_203 : i32 to index
        %get3A_633 = tpu.vector_load %get3A_630[%get3A_631, %get3A_632] {strides = array<i32>} : memref<128x128xf32, #tpu.memory_space<vmem>>, vector<1x16xf32>,
        %get3A_634 = vector.shape_cast %get3A_633 : vector<1x16xf32> to vector<16xf32>
        %add3A_635 = arith.constant 38 : i32
        %add3A_636 = arith.addi %mul3A_205, %add3A_635 : i32
        %add3A_637 = arith.constant 2 : i32
        %add3A_638 = arith.addi %add3A_636, %add3A_637 : i32
        %get3A_639 = arith.constant 0 : i32
        %get3A_640 = arith.constant 0 : i32
        %get3A_641 = tpu.memref_slice %arg10[%scan3A_130, %get3A_639, %get3A_640] : memref<4x128x128xf32, #tpu.memory_space<vmem>> -> memref<1x128x128xf32, #tpu.memory_space<vmem>>
        %get3A_642 = tpu.memref_squeeze %get3A_641 : memref<1x128x128xf32, #tpu.memory_space<vmem>> -> memref<128x128xf32, #tpu.memory_space<vmem>>
        %get3A_643 = arith.index_cast %add3A_638 : i32 to index
        %get3A_644 = arith.index_cast %mul3A_203 : i32 to index
        %get3A_645 = tpu.vector_load %get3A_642[%get3A_643, %get3A_644] {strides = array<i32>} : memref<128x128xf32, #tpu.memory_space<vmem>>, vector<1x16xf32>,
        %get3A_646 = vector.shape_cast %get3A_645 : vector<1x16xf32> to vector<16xf32>
        %max3A_647 = arith.maximumf %get3A_634, %get3A_646 : vector<16xf32>
        %max3A_648 = arith.maximumf %max3A_610, %max3A_647 : vector<16xf32>
        %add3A_649 = arith.constant 19 : i32
        %add3A_650 = arith.addi %mul3A_205, %add3A_649 : i32
        %get3A_651 = arith.constant 0 : i32
        %get3A_652 = arith.constant 0 : i32
        %get3A_653 = tpu.memref_slice %arg10[%scan3A_130, %get3A_651, %get3A_652] : memref<4x128x128xf32, #tpu.memory_space<vmem>> -> memref<1x128x128xf32, #tpu.memory_space<vmem>>
        %get3A_654 = tpu.memref_squeeze %get3A_653 : memref<1x128x128xf32, #tpu.memory_space<vmem>> -> memref<128x128xf32, #tpu.memory_space<vmem>>
        %get3A_655 = arith.index_cast %add3A_650 : i32 to index
        %get3A_656 = arith.index_cast %mul3A_203 : i32 to index
        %get3A_657 = tpu.vector_load %get3A_654[%get3A_655, %get3A_656] {strides = array<i32>} : memref<128x128xf32, #tpu.memory_space<vmem>>, vector<1x16xf32>,
        %get3A_658 = vector.shape_cast %get3A_657 : vector<1x16xf32> to vector<16xf32>
        %add3A_659 = arith.addf %get3A_658, %get3A_634 : vector<16xf32>
        %add3A_660 = arith.addf %add3A_659, %get3A_646 : vector<16xf32>
        %add3A_661 = arith.constant 36 : i32
        %add3A_662 = arith.addi %mul3A_205, %add3A_661 : i32
        %add3A_663 = arith.constant 1 : i32
        %add3A_664 = arith.addi %add3A_662, %add3A_663 : i32
        %get3A_665 = arith.constant 0 : i32
        %get3A_666 = arith.constant 0 : i32
        %get3A_667 = tpu.memref_slice %arg10[%scan3A_130, %get3A_665, %get3A_666] : memref<4x128x128xf32, #tpu.memory_space<vmem>> -> memref<1x128x128xf32, #tpu.memory_space<vmem>>
        %get3A_668 = tpu.memref_squeeze %get3A_667 : memref<1x128x128xf32, #tpu.memory_space<vmem>> -> memref<128x128xf32, #tpu.memory_space<vmem>>
        %get3A_669 = arith.index_cast %add3A_664 : i32 to index
        %get3A_670 = arith.index_cast %mul3A_203 : i32 to index
        %get3A_671 = tpu.vector_load %get3A_668[%get3A_669, %get3A_670] {strides = array<i32>} : memref<128x128xf32, #tpu.memory_space<vmem>>, vector<1x16xf32>,
        %get3A_672 = vector.shape_cast %get3A_671 : vector<1x16xf32> to vector<16xf32>
        %add3A_673 = arith.constant 36 : i32
        %add3A_674 = arith.addi %mul3A_205, %add3A_673 : i32
        %add3A_675 = arith.constant 2 : i32
        %add3A_676 = arith.addi %add3A_674, %add3A_675 : i32
        %get3A_677 = arith.constant 0 : i32
        %get3A_678 = arith.constant 0 : i32
        %get3A_679 = tpu.memref_slice %arg10[%scan3A_130, %get3A_677, %get3A_678] : memref<4x128x128xf32, #tpu.memory_space<vmem>> -> memref<1x128x128xf32, #tpu.memory_space<vmem>>
        %get3A_680 = tpu.memref_squeeze %get3A_679 : memref<1x128x128xf32, #tpu.memory_space<vmem>> -> memref<128x128xf32, #tpu.memory_space<vmem>>
        %get3A_681 = arith.index_cast %add3A_676 : i32 to index
        %get3A_682 = arith.index_cast %mul3A_203 : i32 to index
        %get3A_683 = tpu.vector_load %get3A_680[%get3A_681, %get3A_682] {strides = array<i32>} : memref<128x128xf32, #tpu.memory_space<vmem>>, vector<1x16xf32>,
        %get3A_684 = vector.shape_cast %get3A_683 : vector<1x16xf32> to vector<16xf32>
        %max3A_685 = arith.maximumf %get3A_672, %get3A_684 : vector<16xf32>
        %max3A_686 = arith.maximumf %max3A_648, %max3A_685 : vector<16xf32>
        %add3A_687 = arith.constant 18 : i32
        %add3A_688 = arith.addi %mul3A_205, %add3A_687 : i32
        %get3A_689 = arith.constant 0 : i32
        %get3A_690 = arith.constant 0 : i32
        %get3A_691 = tpu.memref_slice %arg10[%scan3A_130, %get3A_689, %get3A_690] : memref<4x128x128xf32, #tpu.memory_space<vmem>> -> memref<1x128x128xf32, #tpu.memory_space<vmem>>
        %get3A_692 = tpu.memref_squeeze %get3A_691 : memref<1x128x128xf32, #tpu.memory_space<vmem>> -> memref<128x128xf32, #tpu.memory_space<vmem>>
        %get3A_693 = arith.index_cast %add3A_688 : i32 to index
        %get3A_694 = arith.index_cast %mul3A_203 : i32 to index
        %get3A_695 = tpu.vector_load %get3A_692[%get3A_693, %get3A_694] {strides = array<i32>} : memref<128x128xf32, #tpu.memory_space<vmem>>, vector<1x16xf32>,
        %get3A_696 = vector.shape_cast %get3A_695 : vector<1x16xf32> to vector<16xf32>
        %add3A_697 = arith.addf %get3A_696, %get3A_672 : vector<16xf32>
        %add3A_698 = arith.addf %add3A_697, %get3A_684 : vector<16xf32>
        %add3A_699 = arith.constant 34 : i32
        %add3A_700 = arith.addi %mul3A_205, %add3A_699 : i32
        %add3A_701 = arith.constant 1 : i32
        %add3A_702 = arith.addi %add3A_700, %add3A_701 : i32
        %get3A_703 = arith.constant 0 : i32
        %get3A_704 = arith.constant 0 : i32
        %get3A_705 = tpu.memref_slice %arg10[%scan3A_130, %get3A_703, %get3A_704] : memref<4x128x128xf32, #tpu.memory_space<vmem>> -> memref<1x128x128xf32, #tpu.memory_space<vmem>>
        %get3A_706 = tpu.memref_squeeze %get3A_705 : memref<1x128x128xf32, #tpu.memory_space<vmem>> -> memref<128x128xf32, #tpu.memory_space<vmem>>
        %get3A_707 = arith.index_cast %add3A_702 : i32 to index
        %get3A_708 = arith.index_cast %mul3A_203 : i32 to index
        %get3A_709 = tpu.vector_load %get3A_706[%get3A_707, %get3A_708] {strides = array<i32>} : memref<128x128xf32, #tpu.memory_space<vmem>>, vector<1x16xf32>,
        %get3A_710 = vector.shape_cast %get3A_709 : vector<1x16xf32> to vector<16xf32>
        %add3A_711 = arith.constant 34 : i32
        %add3A_712 = arith.addi %mul3A_205, %add3A_711 : i32
        %add3A_713 = arith.constant 2 : i32
        %add3A_714 = arith.addi %add3A_712, %add3A_713 : i32
        %get3A_715 = arith.constant 0 : i32
        %get3A_716 = arith.constant 0 : i32
        %get3A_717 = tpu.memref_slice %arg10[%scan3A_130, %get3A_715, %get3A_716] : memref<4x128x128xf32, #tpu.memory_space<vmem>> -> memref<1x128x128xf32, #tpu.memory_space<vmem>>
        %get3A_718 = tpu.memref_squeeze %get3A_717 : memref<1x128x128xf32, #tpu.memory_space<vmem>> -> memref<128x128xf32, #tpu.memory_space<vmem>>
        %get3A_719 = arith.index_cast %add3A_714 : i32 to index
        %get3A_720 = arith.index_cast %mul3A_203 : i32 to index
        %get3A_721 = tpu.vector_load %get3A_718[%get3A_719, %get3A_720] {strides = array<i32>} : memref<128x128xf32, #tpu.memory_space<vmem>>, vector<1x16xf32>,
        %get3A_722 = vector.shape_cast %get3A_721 : vector<1x16xf32> to vector<16xf32>
        %max3A_723 = arith.maximumf %get3A_710, %get3A_722 : vector<16xf32>
        %max3A_724 = arith.maximumf %max3A_686, %max3A_723 : vector<16xf32>
        %add3A_725 = arith.constant 17 : i32
        %add3A_726 = arith.addi %mul3A_205, %add3A_725 : i32
        %get3A_727 = arith.constant 0 : i32
        %get3A_728 = arith.constant 0 : i32
        %get3A_729 = tpu.memref_slice %arg10[%scan3A_130, %get3A_727, %get3A_728] : memref<4x128x128xf32, #tpu.memory_space<vmem>> -> memref<1x128x128xf32, #tpu.memory_space<vmem>>
        %get3A_730 = tpu.memref_squeeze %get3A_729 : memref<1x128x128xf32, #tpu.memory_space<vmem>> -> memref<128x128xf32, #tpu.memory_space<vmem>>
        %get3A_731 = arith.index_cast %add3A_726 : i32 to index
        %get3A_732 = arith.index_cast %mul3A_203 : i32 to index
        %get3A_733 = tpu.vector_load %get3A_730[%get3A_731, %get3A_732] {strides = array<i32>} : memref<128x128xf32, #tpu.memory_space<vmem>>, vector<1x16xf32>,
        %get3A_734 = vector.shape_cast %get3A_733 : vector<1x16xf32> to vector<16xf32>
        %add3A_735 = arith.addf %get3A_734, %get3A_710 : vector<16xf32>
        %add3A_736 = arith.addf %add3A_735, %get3A_722 : vector<16xf32>
        %add3A_737 = arith.constant 32 : i32
        %add3A_738 = arith.addi %mul3A_205, %add3A_737 : i32
        %add3A_739 = arith.constant 1 : i32
        %add3A_740 = arith.addi %add3A_738, %add3A_739 : i32
        %get3A_741 = arith.constant 0 : i32
        %get3A_742 = arith.constant 0 : i32
        %get3A_743 = tpu.memref_slice %arg10[%scan3A_130, %get3A_741, %get3A_742] : memref<4x128x128xf32, #tpu.memory_space<vmem>> -> memref<1x128x128xf32, #tpu.memory_space<vmem>>
        %get3A_744 = tpu.memref_squeeze %get3A_743 : memref<1x128x128xf32, #tpu.memory_space<vmem>> -> memref<128x128xf32, #tpu.memory_space<vmem>>
        %get3A_745 = arith.index_cast %add3A_740 : i32 to index
        %get3A_746 = arith.index_cast %mul3A_203 : i32 to index
        %get3A_747 = tpu.vector_load %get3A_744[%get3A_745, %get3A_746] {strides = array<i32>} : memref<128x128xf32, #tpu.memory_space<vmem>>, vector<1x16xf32>,
        %get3A_748 = vector.shape_cast %get3A_747 : vector<1x16xf32> to vector<16xf32>
        %add3A_749 = arith.constant 32 : i32
        %add3A_750 = arith.addi %mul3A_205, %add3A_749 : i32
        %add3A_751 = arith.constant 2 : i32
        %add3A_752 = arith.addi %add3A_750, %add3A_751 : i32
        %get3A_753 = arith.constant 0 : i32
        %get3A_754 = arith.constant 0 : i32
        %get3A_755 = tpu.memref_slice %arg10[%scan3A_130, %get3A_753, %get3A_754] : memref<4x128x128xf32, #tpu.memory_space<vmem>> -> memref<1x128x128xf32, #tpu.memory_space<vmem>>
        %get3A_756 = tpu.memref_squeeze %get3A_755 : memref<1x128x128xf32, #tpu.memory_space<vmem>> -> memref<128x128xf32, #tpu.memory_space<vmem>>
        %get3A_757 = arith.index_cast %add3A_752 : i32 to index
        %get3A_758 = arith.index_cast %mul3A_203 : i32 to index
        %get3A_759 = tpu.vector_load %get3A_756[%get3A_757, %get3A_758] {strides = array<i32>} : memref<128x128xf32, #tpu.memory_space<vmem>>, vector<1x16xf32>,
        %get3A_760 = vector.shape_cast %get3A_759 : vector<1x16xf32> to vector<16xf32>
        %max3A_761 = arith.maximumf %get3A_748, %get3A_760 : vector<16xf32>
        %max3A_762 = arith.maximumf %max3A_724, %max3A_761 : vector<16xf32>
        %add3A_763 = arith.constant 16 : i32
        %add3A_764 = arith.addi %mul3A_205, %add3A_763 : i32
        %get3A_765 = arith.constant 0 : i32
        %get3A_766 = arith.constant 0 : i32
        %get3A_767 = tpu.memref_slice %arg10[%scan3A_130, %get3A_765, %get3A_766] : memref<4x128x128xf32, #tpu.memory_space<vmem>> -> memref<1x128x128xf32, #tpu.memory_space<vmem>>
        %get3A_768 = tpu.memref_squeeze %get3A_767 : memref<1x128x128xf32, #tpu.memory_space<vmem>> -> memref<128x128xf32, #tpu.memory_space<vmem>>
        %get3A_769 = arith.index_cast %add3A_764 : i32 to index
        %get3A_770 = arith.index_cast %mul3A_203 : i32 to index
        %get3A_771 = tpu.vector_load %get3A_768[%get3A_769, %get3A_770] {strides = array<i32>} : memref<128x128xf32, #tpu.memory_space<vmem>>, vector<1x16xf32>,
        %get3A_772 = vector.shape_cast %get3A_771 : vector<1x16xf32> to vector<16xf32>
        %add3A_773 = arith.addf %get3A_772, %get3A_748 : vector<16xf32>
        %add3A_774 = arith.addf %add3A_773, %get3A_760 : vector<16xf32>
        %add3A_775 = arith.constant 30 : i32
        %add3A_776 = arith.addi %mul3A_205, %add3A_775 : i32
        %add3A_777 = arith.constant 1 : i32
        %add3A_778 = arith.addi %add3A_776, %add3A_777 : i32
        %get3A_779 = arith.constant 0 : i32
        %get3A_780 = arith.constant 0 : i32
        %get3A_781 = tpu.memref_slice %arg10[%scan3A_130, %get3A_779, %get3A_780] : memref<4x128x128xf32, #tpu.memory_space<vmem>> -> memref<1x128x128xf32, #tpu.memory_space<vmem>>
        %get3A_782 = tpu.memref_squeeze %get3A_781 : memref<1x128x128xf32, #tpu.memory_space<vmem>> -> memref<128x128xf32, #tpu.memory_space<vmem>>
        %get3A_783 = arith.index_cast %add3A_778 : i32 to index
        %get3A_784 = arith.index_cast %mul3A_203 : i32 to index
        %get3A_785 = tpu.vector_load %get3A_782[%get3A_783, %get3A_784] {strides = array<i32>} : memref<128x128xf32, #tpu.memory_space<vmem>>, vector<1x16xf32>,
        %get3A_786 = vector.shape_cast %get3A_785 : vector<1x16xf32> to vector<16xf32>
        %add3A_787 = arith.constant 30 : i32
        %add3A_788 = arith.addi %mul3A_205, %add3A_787 : i32
        %add3A_789 = arith.constant 2 : i32
        %add3A_790 = arith.addi %add3A_788, %add3A_789 : i32
        %get3A_791 = arith.constant 0 : i32
        %get3A_792 = arith.constant 0 : i32
        %get3A_793 = tpu.memref_slice %arg10[%scan3A_130, %get3A_791, %get3A_792] : memref<4x128x128xf32, #tpu.memory_space<vmem>> -> memref<1x128x128xf32, #tpu.memory_space<vmem>>
        %get3A_794 = tpu.memref_squeeze %get3A_793 : memref<1x128x128xf32, #tpu.memory_space<vmem>> -> memref<128x128xf32, #tpu.memory_space<vmem>>
        %get3A_795 = arith.index_cast %add3A_790 : i32 to index
        %get3A_796 = arith.index_cast %mul3A_203 : i32 to index
        %get3A_797 = tpu.vector_load %get3A_794[%get3A_795, %get3A_796] {strides = array<i32>} : memref<128x128xf32, #tpu.memory_space<vmem>>, vector<1x16xf32>,
        %get3A_798 = vector.shape_cast %get3A_797 : vector<1x16xf32> to vector<16xf32>
        %max3A_799 = arith.maximumf %get3A_786, %get3A_798 : vector<16xf32>
        %max3A_800 = arith.maximumf %max3A_762, %max3A_799 : vector<16xf32>
        %add3A_801 = arith.constant 15 : i32
        %add3A_802 = arith.addi %mul3A_205, %add3A_801 : i32
        %get3A_803 = arith.constant 0 : i32
        %get3A_804 = arith.constant 0 : i32
        %get3A_805 = tpu.memref_slice %arg10[%scan3A_130, %get3A_803, %get3A_804] : memref<4x128x128xf32, #tpu.memory_space<vmem>> -> memref<1x128x128xf32, #tpu.memory_space<vmem>>
        %get3A_806 = tpu.memref_squeeze %get3A_805 : memref<1x128x128xf32, #tpu.memory_space<vmem>> -> memref<128x128xf32, #tpu.memory_space<vmem>>
        %get3A_807 = arith.index_cast %add3A_802 : i32 to index
        %get3A_808 = arith.index_cast %mul3A_203 : i32 to index
        %get3A_809 = tpu.vector_load %get3A_806[%get3A_807, %get3A_808] {strides = array<i32>} : memref<128x128xf32, #tpu.memory_space<vmem>>, vector<1x16xf32>,
        %get3A_810 = vector.shape_cast %get3A_809 : vector<1x16xf32> to vector<16xf32>
        %add3A_811 = arith.addf %get3A_810, %get3A_786 : vector<16xf32>
        %add3A_812 = arith.addf %add3A_811, %get3A_798 : vector<16xf32>
        %max3A_813 = arith.maximumf %add3A_280, %add3A_242 : vector<16xf32>
        %max3A_814 = arith.maximumf %max3A_800, %max3A_813 : vector<16xf32>
        %add3A_815 = arith.constant 14 : i32
        %add3A_816 = arith.addi %mul3A_205, %add3A_815 : i32
        %get3A_817 = arith.constant 0 : i32
        %get3A_818 = arith.constant 0 : i32
        %get3A_819 = tpu.memref_slice %arg10[%scan3A_130, %get3A_817, %get3A_818] : memref<4x128x128xf32, #tpu.memory_space<vmem>> -> memref<1x128x128xf32, #tpu.memory_space<vmem>>
        %get3A_820 = tpu.memref_squeeze %get3A_819 : memref<1x128x128xf32, #tpu.memory_space<vmem>> -> memref<128x128xf32, #tpu.memory_space<vmem>>
        %get3A_821 = arith.index_cast %add3A_816 : i32 to index
        %get3A_822 = arith.index_cast %mul3A_203 : i32 to index
        %get3A_823 = tpu.vector_load %get3A_820[%get3A_821, %get3A_822] {strides = array<i32>} : memref<128x128xf32, #tpu.memory_space<vmem>>, vector<1x16xf32>,
        %get3A_824 = vector.shape_cast %get3A_823 : vector<1x16xf32> to vector<16xf32>
        %add3A_825 = arith.addf %get3A_824, %add3A_280 : vector<16xf32>
        %add3A_826 = arith.addf %add3A_825, %add3A_242 : vector<16xf32>
        %max3A_827 = arith.maximumf %add3A_356, %add3A_318 : vector<16xf32>
        %max3A_828 = arith.maximumf %max3A_814, %max3A_827 : vector<16xf32>
        %add3A_829 = arith.constant 13 : i32
        %add3A_830 = arith.addi %mul3A_205, %add3A_829 : i32
        %get3A_831 = arith.constant 0 : i32
        %get3A_832 = arith.constant 0 : i32
        %get3A_833 = tpu.memref_slice %arg10[%scan3A_130, %get3A_831, %get3A_832] : memref<4x128x128xf32, #tpu.memory_space<vmem>> -> memref<1x128x128xf32, #tpu.memory_space<vmem>>
        %get3A_834 = tpu.memref_squeeze %get3A_833 : memref<1x128x128xf32, #tpu.memory_space<vmem>> -> memref<128x128xf32, #tpu.memory_space<vmem>>
        %get3A_835 = arith.index_cast %add3A_830 : i32 to index
        %get3A_836 = arith.index_cast %mul3A_203 : i32 to index
        %get3A_837 = tpu.vector_load %get3A_834[%get3A_835, %get3A_836] {strides = array<i32>} : memref<128x128xf32, #tpu.memory_space<vmem>>, vector<1x16xf32>,
        %get3A_838 = vector.shape_cast %get3A_837 : vector<1x16xf32> to vector<16xf32>
        %add3A_839 = arith.addf %get3A_838, %add3A_356 : vector<16xf32>
        %add3A_840 = arith.addf %add3A_839, %add3A_318 : vector<16xf32>
        %max3A_841 = arith.maximumf %add3A_432, %add3A_394 : vector<16xf32>
        %max3A_842 = arith.maximumf %max3A_828, %max3A_841 : vector<16xf32>
        %add3A_843 = arith.constant 12 : i32
        %add3A_844 = arith.addi %mul3A_205, %add3A_843 : i32
        %get3A_845 = arith.constant 0 : i32
        %get3A_846 = arith.constant 0 : i32
        %get3A_847 = tpu.memref_slice %arg10[%scan3A_130, %get3A_845, %get3A_846] : memref<4x128x128xf32, #tpu.memory_space<vmem>> -> memref<1x128x128xf32, #tpu.memory_space<vmem>>
        %get3A_848 = tpu.memref_squeeze %get3A_847 : memref<1x128x128xf32, #tpu.memory_space<vmem>> -> memref<128x128xf32, #tpu.memory_space<vmem>>
        %get3A_849 = arith.index_cast %add3A_844 : i32 to index
        %get3A_850 = arith.index_cast %mul3A_203 : i32 to index
        %get3A_851 = tpu.vector_load %get3A_848[%get3A_849, %get3A_850] {strides = array<i32>} : memref<128x128xf32, #tpu.memory_space<vmem>>, vector<1x16xf32>,
        %get3A_852 = vector.shape_cast %get3A_851 : vector<1x16xf32> to vector<16xf32>
        %add3A_853 = arith.addf %get3A_852, %add3A_432 : vector<16xf32>
        %add3A_854 = arith.addf %add3A_853, %add3A_394 : vector<16xf32>
        %max3A_855 = arith.maximumf %add3A_508, %add3A_470 : vector<16xf32>
        %max3A_856 = arith.maximumf %max3A_842, %max3A_855 : vector<16xf32>
        %add3A_857 = arith.constant 11 : i32
        %add3A_858 = arith.addi %mul3A_205, %add3A_857 : i32
        %get3A_859 = arith.constant 0 : i32
        %get3A_860 = arith.constant 0 : i32
        %get3A_861 = tpu.memref_slice %arg10[%scan3A_130, %get3A_859, %get3A_860] : memref<4x128x128xf32, #tpu.memory_space<vmem>> -> memref<1x128x128xf32, #tpu.memory_space<vmem>>
        %get3A_862 = tpu.memref_squeeze %get3A_861 : memref<1x128x128xf32, #tpu.memory_space<vmem>> -> memref<128x128xf32, #tpu.memory_space<vmem>>
        %get3A_863 = arith.index_cast %add3A_858 : i32 to index
        %get3A_864 = arith.index_cast %mul3A_203 : i32 to index
        %get3A_865 = tpu.vector_load %get3A_862[%get3A_863, %get3A_864] {strides = array<i32>} : memref<128x128xf32, #tpu.memory_space<vmem>>, vector<1x16xf32>,
        %get3A_866 = vector.shape_cast %get3A_865 : vector<1x16xf32> to vector<16xf32>
        %add3A_867 = arith.addf %get3A_866, %add3A_508 : vector<16xf32>
        %add3A_868 = arith.addf %add3A_867, %add3A_470 : vector<16xf32>
        %max3A_869 = arith.maximumf %add3A_584, %add3A_546 : vector<16xf32>
        %max3A_870 = arith.maximumf %max3A_856, %max3A_869 : vector<16xf32>
        %add3A_871 = arith.constant 10 : i32
        %add3A_872 = arith.addi %mul3A_205, %add3A_871 : i32
        %get3A_873 = arith.constant 0 : i32
        %get3A_874 = arith.constant 0 : i32
        %get3A_875 = tpu.memref_slice %arg10[%scan3A_130, %get3A_873, %get3A_874] : memref<4x128x128xf32, #tpu.memory_space<vmem>> -> memref<1x128x128xf32, #tpu.memory_space<vmem>>
        %get3A_876 = tpu.memref_squeeze %get3A_875 : memref<1x128x128xf32, #tpu.memory_space<vmem>> -> memref<128x128xf32, #tpu.memory_space<vmem>>
        %get3A_877 = arith.index_cast %add3A_872 : i32 to index
        %get3A_878 = arith.index_cast %mul3A_203 : i32 to index
        %get3A_879 = tpu.vector_load %get3A_876[%get3A_877, %get3A_878] {strides = array<i32>} : memref<128x128xf32, #tpu.memory_space<vmem>>, vector<1x16xf32>,
        %get3A_880 = vector.shape_cast %get3A_879 : vector<1x16xf32> to vector<16xf32>
        %add3A_881 = arith.addf %get3A_880, %add3A_584 : vector<16xf32>
        %add3A_882 = arith.addf %add3A_881, %add3A_546 : vector<16xf32>
        %max3A_883 = arith.maximumf %add3A_660, %add3A_622 : vector<16xf32>
        %max3A_884 = arith.maximumf %max3A_870, %max3A_883 : vector<16xf32>
        %add3A_885 = arith.constant 9 : i32
        %add3A_886 = arith.addi %mul3A_205, %add3A_885 : i32
        %get3A_887 = arith.constant 0 : i32
        %get3A_888 = arith.constant 0 : i32
        %get3A_889 = tpu.memref_slice %arg10[%scan3A_130, %get3A_887, %get3A_888] : memref<4x128x128xf32, #tpu.memory_space<vmem>> -> memref<1x128x128xf32, #tpu.memory_space<vmem>>
        %get3A_890 = tpu.memref_squeeze %get3A_889 : memref<1x128x128xf32, #tpu.memory_space<vmem>> -> memref<128x128xf32, #tpu.memory_space<vmem>>
        %get3A_891 = arith.index_cast %add3A_886 : i32 to index
        %get3A_892 = arith.index_cast %mul3A_203 : i32 to index
        %get3A_893 = tpu.vector_load %get3A_890[%get3A_891, %get3A_892] {strides = array<i32>} : memref<128x128xf32, #tpu.memory_space<vmem>>, vector<1x16xf32>,
        %get3A_894 = vector.shape_cast %get3A_893 : vector<1x16xf32> to vector<16xf32>
        %add3A_895 = arith.addf %get3A_894, %add3A_660 : vector<16xf32>
        %add3A_896 = arith.addf %add3A_895, %add3A_622 : vector<16xf32>
        %max3A_897 = arith.maximumf %add3A_736, %add3A_698 : vector<16xf32>
        %max3A_898 = arith.maximumf %max3A_884, %max3A_897 : vector<16xf32>
        %add3A_899 = arith.constant 8 : i32
        %add3A_900 = arith.addi %mul3A_205, %add3A_899 : i32
        %get3A_901 = arith.constant 0 : i32
        %get3A_902 = arith.constant 0 : i32
        %get3A_903 = tpu.memref_slice %arg10[%scan3A_130, %get3A_901, %get3A_902] : memref<4x128x128xf32, #tpu.memory_space<vmem>> -> memref<1x128x128xf32, #tpu.memory_space<vmem>>
        %get3A_904 = tpu.memref_squeeze %get3A_903 : memref<1x128x128xf32, #tpu.memory_space<vmem>> -> memref<128x128xf32, #tpu.memory_space<vmem>>
        %get3A_905 = arith.index_cast %add3A_900 : i32 to index
        %get3A_906 = arith.index_cast %mul3A_203 : i32 to index
        %get3A_907 = tpu.vector_load %get3A_904[%get3A_905, %get3A_906] {strides = array<i32>} : memref<128x128xf32, #tpu.memory_space<vmem>>, vector<1x16xf32>,
        %get3A_908 = vector.shape_cast %get3A_907 : vector<1x16xf32> to vector<16xf32>
        %add3A_909 = arith.addf %get3A_908, %add3A_736 : vector<16xf32>
        %add3A_910 = arith.addf %add3A_909, %add3A_698 : vector<16xf32>
        %max3A_911 = arith.maximumf %add3A_812, %add3A_774 : vector<16xf32>
        %max3A_912 = arith.maximumf %max3A_898, %max3A_911 : vector<16xf32>
        %add3A_913 = arith.constant 7 : i32
        %add3A_914 = arith.addi %mul3A_205, %add3A_913 : i32
        %get3A_915 = arith.constant 0 : i32
        %get3A_916 = arith.constant 0 : i32
        %get3A_917 = tpu.memref_slice %arg10[%scan3A_130, %get3A_915, %get3A_916] : memref<4x128x128xf32, #tpu.memory_space<vmem>> -> memref<1x128x128xf32, #tpu.memory_space<vmem>>
        %get3A_918 = tpu.memref_squeeze %get3A_917 : memref<1x128x128xf32, #tpu.memory_space<vmem>> -> memref<128x128xf32, #tpu.memory_space<vmem>>
        %get3A_919 = arith.index_cast %add3A_914 : i32 to index
        %get3A_920 = arith.index_cast %mul3A_203 : i32 to index
        %get3A_921 = tpu.vector_load %get3A_918[%get3A_919, %get3A_920] {strides = array<i32>} : memref<128x128xf32, #tpu.memory_space<vmem>>, vector<1x16xf32>,
        %get3A_922 = vector.shape_cast %get3A_921 : vector<1x16xf32> to vector<16xf32>
        %add3A_923 = arith.addf %get3A_922, %add3A_812 : vector<16xf32>
        %add3A_924 = arith.addf %add3A_923, %add3A_774 : vector<16xf32>
        %max3A_925 = arith.maximumf %add3A_840, %add3A_826 : vector<16xf32>
        %max3A_926 = arith.maximumf %max3A_912, %max3A_925 : vector<16xf32>
        %add3A_927 = arith.constant 6 : i32
        %add3A_928 = arith.addi %mul3A_205, %add3A_927 : i32
        %get3A_929 = arith.constant 0 : i32
        %get3A_930 = arith.constant 0 : i32
        %get3A_931 = tpu.memref_slice %arg10[%scan3A_130, %get3A_929, %get3A_930] : memref<4x128x128xf32, #tpu.memory_space<vmem>> -> memref<1x128x128xf32, #tpu.memory_space<vmem>>
        %get3A_932 = tpu.memref_squeeze %get3A_931 : memref<1x128x128xf32, #tpu.memory_space<vmem>> -> memref<128x128xf32, #tpu.memory_space<vmem>>
        %get3A_933 = arith.index_cast %add3A_928 : i32 to index
        %get3A_934 = arith.index_cast %mul3A_203 : i32 to index
        %get3A_935 = tpu.vector_load %get3A_932[%get3A_933, %get3A_934] {strides = array<i32>} : memref<128x128xf32, #tpu.memory_space<vmem>>, vector<1x16xf32>,
        %get3A_936 = vector.shape_cast %get3A_935 : vector<1x16xf32> to vector<16xf32>
        %add3A_937 = arith.addf %get3A_936, %add3A_840 : vector<16xf32>
        %add3A_938 = arith.addf %add3A_937, %add3A_826 : vector<16xf32>
        %max3A_939 = arith.maximumf %add3A_868, %add3A_854 : vector<16xf32>
        %max3A_940 = arith.maximumf %max3A_926, %max3A_939 : vector<16xf32>
        %add3A_941 = arith.constant 5 : i32
        %add3A_942 = arith.addi %mul3A_205, %add3A_941 : i32
        %get3A_943 = arith.constant 0 : i32
        %get3A_944 = arith.constant 0 : i32
        %get3A_945 = tpu.memref_slice %arg10[%scan3A_130, %get3A_943, %get3A_944] : memref<4x128x128xf32, #tpu.memory_space<vmem>> -> memref<1x128x128xf32, #tpu.memory_space<vmem>>
        %get3A_946 = tpu.memref_squeeze %get3A_945 : memref<1x128x128xf32, #tpu.memory_space<vmem>> -> memref<128x128xf32, #tpu.memory_space<vmem>>
        %get3A_947 = arith.index_cast %add3A_942 : i32 to index
        %get3A_948 = arith.index_cast %mul3A_203 : i32 to index
        %get3A_949 = tpu.vector_load %get3A_946[%get3A_947, %get3A_948] {strides = array<i32>} : memref<128x128xf32, #tpu.memory_space<vmem>>, vector<1x16xf32>,
        %get3A_950 = vector.shape_cast %get3A_949 : vector<1x16xf32> to vector<16xf32>
        %add3A_951 = arith.addf %get3A_950, %add3A_868 : vector<16xf32>
        %add3A_952 = arith.addf %add3A_951, %add3A_854 : vector<16xf32>
        %max3A_953 = arith.maximumf %add3A_896, %add3A_882 : vector<16xf32>
        %max3A_954 = arith.maximumf %max3A_940, %max3A_953 : vector<16xf32>
        %add3A_955 = arith.constant 4 : i32
        %add3A_956 = arith.addi %mul3A_205, %add3A_955 : i32
        %get3A_957 = arith.constant 0 : i32
        %get3A_958 = arith.constant 0 : i32
        %get3A_959 = tpu.memref_slice %arg10[%scan3A_130, %get3A_957, %get3A_958] : memref<4x128x128xf32, #tpu.memory_space<vmem>> -> memref<1x128x128xf32, #tpu.memory_space<vmem>>
        %get3A_960 = tpu.memref_squeeze %get3A_959 : memref<1x128x128xf32, #tpu.memory_space<vmem>> -> memref<128x128xf32, #tpu.memory_space<vmem>>
        %get3A_961 = arith.index_cast %add3A_956 : i32 to index
        %get3A_962 = arith.index_cast %mul3A_203 : i32 to index
        %get3A_963 = tpu.vector_load %get3A_960[%get3A_961, %get3A_962] {strides = array<i32>} : memref<128x128xf32, #tpu.memory_space<vmem>>, vector<1x16xf32>,
        %get3A_964 = vector.shape_cast %get3A_963 : vector<1x16xf32> to vector<16xf32>
        %add3A_965 = arith.addf %get3A_964, %add3A_896 : vector<16xf32>
        %add3A_966 = arith.addf %add3A_965, %add3A_882 : vector<16xf32>
        %max3A_967 = arith.maximumf %add3A_924, %add3A_910 : vector<16xf32>
        %max3A_968 = arith.maximumf %max3A_954, %max3A_967 : vector<16xf32>
        %add3A_969 = arith.constant 3 : i32
        %add3A_970 = arith.addi %mul3A_205, %add3A_969 : i32
        %get3A_971 = arith.constant 0 : i32
        %get3A_972 = arith.constant 0 : i32
        %get3A_973 = tpu.memref_slice %arg10[%scan3A_130, %get3A_971, %get3A_972] : memref<4x128x128xf32, #tpu.memory_space<vmem>> -> memref<1x128x128xf32, #tpu.memory_space<vmem>>
        %get3A_974 = tpu.memref_squeeze %get3A_973 : memref<1x128x128xf32, #tpu.memory_space<vmem>> -> memref<128x128xf32, #tpu.memory_space<vmem>>
        %get3A_975 = arith.index_cast %add3A_970 : i32 to index
        %get3A_976 = arith.index_cast %mul3A_203 : i32 to index
        %get3A_977 = tpu.vector_load %get3A_974[%get3A_975, %get3A_976] {strides = array<i32>} : memref<128x128xf32, #tpu.memory_space<vmem>>, vector<1x16xf32>,
        %get3A_978 = vector.shape_cast %get3A_977 : vector<1x16xf32> to vector<16xf32>
        %add3A_979 = arith.addf %get3A_978, %add3A_924 : vector<16xf32>
        %add3A_980 = arith.addf %add3A_979, %add3A_910 : vector<16xf32>
        %max3A_981 = arith.maximumf %add3A_952, %add3A_938 : vector<16xf32>
        %max3A_982 = arith.maximumf %max3A_968, %max3A_981 : vector<16xf32>
        %add3A_983 = arith.constant 2 : i32
        %add3A_984 = arith.addi %mul3A_205, %add3A_983 : i32
        %get3A_985 = arith.constant 0 : i32
        %get3A_986 = arith.constant 0 : i32
        %get3A_987 = tpu.memref_slice %arg10[%scan3A_130, %get3A_985, %get3A_986] : memref<4x128x128xf32, #tpu.memory_space<vmem>> -> memref<1x128x128xf32, #tpu.memory_space<vmem>>
        %get3A_988 = tpu.memref_squeeze %get3A_987 : memref<1x128x128xf32, #tpu.memory_space<vmem>> -> memref<128x128xf32, #tpu.memory_space<vmem>>
        %get3A_989 = arith.index_cast %add3A_984 : i32 to index
        %get3A_990 = arith.index_cast %mul3A_203 : i32 to index
        %get3A_991 = tpu.vector_load %get3A_988[%get3A_989, %get3A_990] {strides = array<i32>} : memref<128x128xf32, #tpu.memory_space<vmem>>, vector<1x16xf32>,
        %get3A_992 = vector.shape_cast %get3A_991 : vector<1x16xf32> to vector<16xf32>
        %add3A_993 = arith.addf %get3A_992, %add3A_952 : vector<16xf32>
        %add3A_994 = arith.addf %add3A_993, %add3A_938 : vector<16xf32>
        %max3A_995 = arith.maximumf %add3A_980, %add3A_966 : vector<16xf32>
        %max3A_996 = arith.maximumf %max3A_982, %max3A_995 : vector<16xf32>
        %add3A_997 = arith.constant 1 : i32
        %add3A_998 = arith.addi %mul3A_205, %add3A_997 : i32
        %get3A_999 = arith.constant 0 : i32
        %get3A_1000 = arith.constant 0 : i32
        %get3A_1001 = tpu.memref_slice %arg10[%scan3A_130, %get3A_999, %get3A_1000] : memref<4x128x128xf32, #tpu.memory_space<vmem>> -> memref<1x128x128xf32, #tpu.memory_space<vmem>>
        %get3A_1002 = tpu.memref_squeeze %get3A_1001 : memref<1x128x128xf32, #tpu.memory_space<vmem>> -> memref<128x128xf32, #tpu.memory_space<vmem>>
        %get3A_1003 = arith.index_cast %add3A_998 : i32 to index
        %get3A_1004 = arith.index_cast %mul3A_203 : i32 to index
        %get3A_1005 = tpu.vector_load %get3A_1002[%get3A_1003, %get3A_1004] {strides = array<i32>} : memref<128x128xf32, #tpu.memory_space<vmem>>, vector<1x16xf32>,
        %get3A_1006 = vector.shape_cast %get3A_1005 : vector<1x16xf32> to vector<16xf32>
        %add3A_1007 = arith.addf %get3A_1006, %add3A_980 : vector<16xf32>
        %add3A_1008 = arith.addf %add3A_1007, %add3A_966 : vector<16xf32>
        %max3A_1009 = arith.maximumf %add3A_1008, %add3A_994 : vector<16xf32>
        %max3A_1010 = arith.maximumf %max3A_996, %max3A_1009 : vector<16xf32>
        %add3A_1011 = arith.constant 0 : i32
        %add3A_1012 = arith.addi %mul3A_205, %add3A_1011 : i32
        %get3A_1013 = arith.constant 0 : i32
        %get3A_1014 = arith.constant 0 : i32
        %get3A_1015 = tpu.memref_slice %arg10[%scan3A_130, %get3A_1013, %get3A_1014] : memref<4x128x128xf32, #tpu.memory_space<vmem>> -> memref<1x128x128xf32, #tpu.memory_space<vmem>>
        %get3A_1016 = tpu.memref_squeeze %get3A_1015 : memref<1x128x128xf32, #tpu.memory_space<vmem>> -> memref<128x128xf32, #tpu.memory_space<vmem>>
        %get3A_1017 = arith.index_cast %add3A_1012 : i32 to index
        %get3A_1018 = arith.index_cast %mul3A_203 : i32 to index
        %get3A_1019 = tpu.vector_load %get3A_1016[%get3A_1017, %get3A_1018] {strides = array<i32>} : memref<128x128xf32, #tpu.memory_space<vmem>>, vector<1x16xf32>,
        %get3A_1020 = vector.shape_cast %get3A_1019 : vector<1x16xf32> to vector<16xf32>
        %add3A_1021 = arith.addf %get3A_1020, %add3A_1008 : vector<16xf32>
        %add3A_1022 = arith.addf %add3A_1021, %add3A_994 : vector<16xf32>
        %max3A_1023 = arith.maximumf %max3A_1010, %add3A_1022 : vector<16xf32>
        %mul3A_1024 = arith.constant 2 : i32
        %mul3A_1025 = arith.muli %add3A_117, %mul3A_1024 : i32
        %add3A_1026 = arith.addi %mul3A_1025, %select_n3A : i32
        %swap3A = arith.index_cast %add3A_1026 : i32 to index
        %swap3A_1027 = arith.index_cast %mul3A_203 : i32 to index
        %swap3A_1028 = tpu.vector_load %arg11[%swap3A, %swap3A_1027] {strides = array<i32>} : memref<64x128xf32, #tpu.memory_space<vmem>>, vector<1x16xf32>,
        %swap3A_1029 = vector.shape_cast %swap3A_1028 : vector<1x16xf32> to vector<16xf32>
        %swap3A_1030 = vector.shape_cast %max3A_1023 : vector<16xf32> to vector<1x16xf32>
        tpu.vector_store %arg11[%swap3A, %swap3A_1027], %swap3A_1030 {strides = array<i32>} : memref<64x128xf32, #tpu.memory_space<vmem>>, vector<1x16xf32>,
      }
      %scan3A_135 = arith.constant 16 : i32
      %add3A_136 = arith.constant 4 : i32
      %add3A_137 = arith.addi %add3A_117, %add3A_136 : i32
      %lt3A_138 = arith.constant 32 : i32
      %lt3A_139 = arith.cmpi slt, %add3A_137, %lt3A_138 : i32
      %convert_element_type3A_140 = arith.extui %lt3A_139 : i1 to i32
      %cond3A_141 = arith.constant 0 : i32
      %cond3A_142 = arith.cmpi ne, %convert_element_type3A_140, %cond3A_141 : i32
      scf.if %cond3A_142 {
        %add3A_170 = arith.constant 4 : i32
        %add3A_171 = arith.addi %add3A_117, %add3A_170 : i32
        %dma_start3A_172 = arith.constant 2 : i32
        %dma_start3A_173 = arith.constant 0 : i32
        %dma_start3A_174 = arith.constant 0 : i32
        %dma_start3A_175 = tpu.memref_slice %arg10[%dma_start3A_172, %dma_start3A_173, %dma_start3A_174] : memref<4x128x128xf32, #tpu.memory_space<vmem>> -> memref<1x128x128xf32, #tpu.memory_space<vmem>>
        %dma_start3A_176 = tpu.memref_squeeze %dma_start3A_175 : memref<1x128x128xf32, #tpu.memory_space<vmem>> -> memref<128x128xf32, #tpu.memory_space<vmem>>
        %dma_start3A_177 = arith.constant 0 : i32
        %dma_start3A_178 = tpu.memref_slice %arg8[%add3A_171, %dma_start3A_177] : memref<32x128xi32, #tpu.memory_space<vmem>> -> memref<1x128xi32, #tpu.memory_space<vmem>>
        %dma_start3A_179 = tpu.memref_squeeze %dma_start3A_178 : memref<1x128xi32, #tpu.memory_space<vmem>> -> memref<128xi32, #tpu.memory_space<vmem>>
        %dma_start3A_180 = arith.constant 0 : i32
        %dma_start3A_181 = arith.constant 0 : i32
        %dma_start3A_182 = tpu.memref_slice %arg2[%dma_start3A_180, %dma_start3A_181] : memref<100001x128xf32, #tpu.memory_space<hbm>> -> memref<100001x128xf32, #tpu.memory_space<hbm>>
        tpu.enqueue_indirect_dma source(%dma_start3A_182 : memref<100001x128xf32, #tpu.memory_space<hbm>>) target(%dma_start3A_176 : memref<128x128xf32, #tpu.memory_space<vmem>>) offsets(%dma_start3A_179 : memref<128xi32, #tpu.memory_space<vmem>>) semaphore(%arg15 : memref<!tpu.dma_semaphore, #tpu.memory_space<semaphore_mem>>)
      } else {
      }
      %add3A_143 = arith.constant 3 : i32
      %add3A_144 = arith.addi %mul3A_64, %add3A_143 : i32
      %dma_wait3A_145 = arith.constant 3 : i32
      %dma_wait3A_146 = arith.constant 0 : i32
      %dma_wait3A_147 = arith.constant 0 : i32
      %dma_wait3A_148 = tpu.memref_slice %arg10[%dma_wait3A_145, %dma_wait3A_146, %dma_wait3A_147] : memref<4x128x128xf32, #tpu.memory_space<vmem>> -> memref<1x128x128xf32, #tpu.memory_space<vmem>>
      %dma_wait3A_149 = tpu.memref_squeeze %dma_wait3A_148 : memref<1x128x128xf32, #tpu.memory_space<vmem>> -> memref<128x128xf32, #tpu.memory_space<vmem>>
      %dma_wait3A_150 = arith.constant 0 : i32
      %dma_wait3A_151 = tpu.memref_slice %arg8[%add3A_144, %dma_wait3A_150] : memref<32x128xi32, #tpu.memory_space<vmem>> -> memref<1x128xi32, #tpu.memory_space<vmem>>
      %dma_wait3A_152 = tpu.memref_squeeze %dma_wait3A_151 : memref<1x128xi32, #tpu.memory_space<vmem>> -> memref<128xi32, #tpu.memory_space<vmem>>
      %dma_wait3A_153 = arith.constant 0 : i32
      %dma_wait3A_154 = arith.constant 0 : i32
      %dma_wait3A_155 = tpu.memref_slice %arg2[%dma_wait3A_153, %dma_wait3A_154] : memref<100001x128xf32, #tpu.memory_space<hbm>> -> memref<100001x128xf32, #tpu.memory_space<hbm>>
      tpu.wait_indirect_dma semaphore(%arg16 : memref<!tpu.dma_semaphore, #tpu.memory_space<semaphore_mem>>) src(%dma_wait3A_155 : memref<100001x128xf32, #tpu.memory_space<hbm>>) dst(%dma_wait3A_149 : memref<128x128xf32, #tpu.memory_space<vmem>>)
      %scan3A_156 = arith.constant 0 : i32
      %scan3A_157 = arith.constant 3 : i32
      %scan3A_158 = arith.constant 0 : i32
      %scan3A_159 = arith.constant 16 : i32
      %scan3A_160 = arith.addi %scan3A_158, %scan3A_159 : i32
      %scan3A_161 = arith.constant 1 : i32
      scf.for %scan3A_170 = %scan3A_158 to %scan3A_160 step %scan3A_161  : i32 {
        %jit3A = arith.constant 8 : i32
        %div3A = arith.divsi %scan3A_170, %jit3A : i32
        %sign3A = arith.constant 0 : i32
        %sign3A_171 = arith.cmpi sgt, %scan3A_170, %sign3A : i32
        %sign3A_172 = arith.extui %sign3A_171 : i1 to i32
        %sign3A_173 = arith.constant 0 : i32
        %sign3A_174 = arith.cmpi slt, %scan3A_170, %sign3A_173 : i32
        %sign3A_175 = arith.extui %sign3A_174 : i1 to i32
        %sign3A_176 = arith.subi %sign3A_172, %sign3A_175 : i32
        %sign3A_177 = arith.constant 0 : i32
        %sign3A_178 = arith.cmpi sgt, %jit3A, %sign3A_177 : i32
        %sign3A_179 = arith.extui %sign3A_178 : i1 to i32
        %sign3A_180 = arith.constant 0 : i32
        %sign3A_181 = arith.cmpi slt, %jit3A, %sign3A_180 : i32
        %sign3A_182 = arith.extui %sign3A_181 : i1 to i32
        %sign3A_183 = arith.subi %sign3A_179, %sign3A_182 : i32
        %ne3A = arith.cmpi ne, %sign3A_176, %sign3A_183 : i32
        %rem3A = arith.remsi %scan3A_170, %jit3A : i32
        %ne3A_184 = arith.constant 0 : i32
        %ne3A_185 = arith.cmpi ne, %rem3A, %ne3A_184 : i32
        %and3A = arith.andi %ne3A, %ne3A_185 : i1
        %sub3A = arith.constant 1 : i32
        %sub3A_186 = arith.subi %div3A, %sub3A : i32
        %select_n3A = arith.select %and3A, %sub3A_186, %div3A : i32
        %jit3A_187 = arith.constant 8 : i32
        %eq3A = arith.constant 0 : i32
        %eq3A_188 = arith.cmpi eq, %jit3A_187, %eq3A : i32
        %jit3A_189 = arith.constant 1 : i32
        %select_n3A_190 = arith.select %eq3A_188, %jit3A_189, %jit3A_187 : i32
        %rem3A_191 = arith.remsi %scan3A_170, %select_n3A_190 : i32
        %ne3A_192 = arith.constant 0 : i32
        %ne3A_193 = arith.cmpi ne, %rem3A_191, %ne3A_192 : i32
        %lt3A_194 = arith.constant 0 : i32
        %lt3A_195 = arith.cmpi slt, %rem3A_191, %lt3A_194 : i32
        %lt3A_196 = arith.constant 0 : i32
        %lt3A_197 = arith.cmpi slt, %select_n3A_190, %lt3A_196 : i32
        %ne3A_198 = arith.xori %lt3A_195, %lt3A_197 : i1
        %and3A_199 = arith.andi %ne3A_198, %ne3A_193 : i1
        %add3A_200 = arith.addi %rem3A_191, %select_n3A_190 : i32
        %select_n3A_201 = arith.select %and3A_199, %add3A_200, %rem3A_191 : i32
        %mul3A_202 = arith.constant 16 : i32
        %mul3A_203 = arith.muli %select_n3A_201, %mul3A_202 : i32
        %mul3A_204 = arith.constant 64 : i32
        %mul3A_205 = arith.muli %select_n3A, %mul3A_204 : i32
        %broadcast_in_dim3A = arith.constant 0.000000e+00 : f32
        %broadcast_in_dim3A_206 = vector.broadcast %broadcast_in_dim3A : f32 to vector<16xf32>
        %add3A_207 = arith.constant 60 : i32
        %add3A_208 = arith.addi %mul3A_205, %add3A_207 : i32
        %add3A_209 = arith.constant 1 : i32
        %add3A_210 = arith.addi %add3A_208, %add3A_209 : i32
        %get3A = arith.constant 0 : i32
        %get3A_211 = arith.constant 0 : i32
        %get3A_212 = tpu.memref_slice %arg10[%scan3A_157, %get3A, %get3A_211] : memref<4x128x128xf32, #tpu.memory_space<vmem>> -> memref<1x128x128xf32, #tpu.memory_space<vmem>>
        %get3A_213 = tpu.memref_squeeze %get3A_212 : memref<1x128x128xf32, #tpu.memory_space<vmem>> -> memref<128x128xf32, #tpu.memory_space<vmem>>
        %get3A_214 = arith.index_cast %add3A_210 : i32 to index
        %get3A_215 = arith.index_cast %mul3A_203 : i32 to index
        %get3A_216 = tpu.vector_load %get3A_213[%get3A_214, %get3A_215] {strides = array<i32>} : memref<128x128xf32, #tpu.memory_space<vmem>>, vector<1x16xf32>,
        %get3A_217 = vector.shape_cast %get3A_216 : vector<1x16xf32> to vector<16xf32>
        %add3A_218 = arith.constant 60 : i32
        %add3A_219 = arith.addi %mul3A_205, %add3A_218 : i32
        %add3A_220 = arith.constant 2 : i32
        %add3A_221 = arith.addi %add3A_219, %add3A_220 : i32
        %get3A_222 = arith.constant 0 : i32
        %get3A_223 = arith.constant 0 : i32
        %get3A_224 = tpu.memref_slice %arg10[%scan3A_157, %get3A_222, %get3A_223] : memref<4x128x128xf32, #tpu.memory_space<vmem>> -> memref<1x128x128xf32, #tpu.memory_space<vmem>>
        %get3A_225 = tpu.memref_squeeze %get3A_224 : memref<1x128x128xf32, #tpu.memory_space<vmem>> -> memref<128x128xf32, #tpu.memory_space<vmem>>
        %get3A_226 = arith.index_cast %add3A_221 : i32 to index
        %get3A_227 = arith.index_cast %mul3A_203 : i32 to index
        %get3A_228 = tpu.vector_load %get3A_225[%get3A_226, %get3A_227] {strides = array<i32>} : memref<128x128xf32, #tpu.memory_space<vmem>>, vector<1x16xf32>,
        %get3A_229 = vector.shape_cast %get3A_228 : vector<1x16xf32> to vector<16xf32>
        %max3A = arith.maximumf %get3A_217, %get3A_229 : vector<16xf32>
        %max3A_230 = arith.maximumf %broadcast_in_dim3A_206, %max3A : vector<16xf32>
        %add3A_231 = arith.constant 30 : i32
        %add3A_232 = arith.addi %mul3A_205, %add3A_231 : i32
        %get3A_233 = arith.constant 0 : i32
        %get3A_234 = arith.constant 0 : i32
        %get3A_235 = tpu.memref_slice %arg10[%scan3A_157, %get3A_233, %get3A_234] : memref<4x128x128xf32, #tpu.memory_space<vmem>> -> memref<1x128x128xf32, #tpu.memory_space<vmem>>
        %get3A_236 = tpu.memref_squeeze %get3A_235 : memref<1x128x128xf32, #tpu.memory_space<vmem>> -> memref<128x128xf32, #tpu.memory_space<vmem>>
        %get3A_237 = arith.index_cast %add3A_232 : i32 to index
        %get3A_238 = arith.index_cast %mul3A_203 : i32 to index
        %get3A_239 = tpu.vector_load %get3A_236[%get3A_237, %get3A_238] {strides = array<i32>} : memref<128x128xf32, #tpu.memory_space<vmem>>, vector<1x16xf32>,
        %get3A_240 = vector.shape_cast %get3A_239 : vector<1x16xf32> to vector<16xf32>
        %add3A_241 = arith.addf %get3A_240, %get3A_217 : vector<16xf32>
        %add3A_242 = arith.addf %add3A_241, %get3A_229 : vector<16xf32>
        %add3A_243 = arith.constant 58 : i32
        %add3A_244 = arith.addi %mul3A_205, %add3A_243 : i32
        %add3A_245 = arith.constant 1 : i32
        %add3A_246 = arith.addi %add3A_244, %add3A_245 : i32
        %get3A_247 = arith.constant 0 : i32
        %get3A_248 = arith.constant 0 : i32
        %get3A_249 = tpu.memref_slice %arg10[%scan3A_157, %get3A_247, %get3A_248] : memref<4x128x128xf32, #tpu.memory_space<vmem>> -> memref<1x128x128xf32, #tpu.memory_space<vmem>>
        %get3A_250 = tpu.memref_squeeze %get3A_249 : memref<1x128x128xf32, #tpu.memory_space<vmem>> -> memref<128x128xf32, #tpu.memory_space<vmem>>
        %get3A_251 = arith.index_cast %add3A_246 : i32 to index
        %get3A_252 = arith.index_cast %mul3A_203 : i32 to index
        %get3A_253 = tpu.vector_load %get3A_250[%get3A_251, %get3A_252] {strides = array<i32>} : memref<128x128xf32, #tpu.memory_space<vmem>>, vector<1x16xf32>,
        %get3A_254 = vector.shape_cast %get3A_253 : vector<1x16xf32> to vector<16xf32>
        %add3A_255 = arith.constant 58 : i32
        %add3A_256 = arith.addi %mul3A_205, %add3A_255 : i32
        %add3A_257 = arith.constant 2 : i32
        %add3A_258 = arith.addi %add3A_256, %add3A_257 : i32
        %get3A_259 = arith.constant 0 : i32
        %get3A_260 = arith.constant 0 : i32
        %get3A_261 = tpu.memref_slice %arg10[%scan3A_157, %get3A_259, %get3A_260] : memref<4x128x128xf32, #tpu.memory_space<vmem>> -> memref<1x128x128xf32, #tpu.memory_space<vmem>>
        %get3A_262 = tpu.memref_squeeze %get3A_261 : memref<1x128x128xf32, #tpu.memory_space<vmem>> -> memref<128x128xf32, #tpu.memory_space<vmem>>
        %get3A_263 = arith.index_cast %add3A_258 : i32 to index
        %get3A_264 = arith.index_cast %mul3A_203 : i32 to index
        %get3A_265 = tpu.vector_load %get3A_262[%get3A_263, %get3A_264] {strides = array<i32>} : memref<128x128xf32, #tpu.memory_space<vmem>>, vector<1x16xf32>,
        %get3A_266 = vector.shape_cast %get3A_265 : vector<1x16xf32> to vector<16xf32>
        %max3A_267 = arith.maximumf %get3A_254, %get3A_266 : vector<16xf32>
        %max3A_268 = arith.maximumf %max3A_230, %max3A_267 : vector<16xf32>
        %add3A_269 = arith.constant 29 : i32
        %add3A_270 = arith.addi %mul3A_205, %add3A_269 : i32
        %get3A_271 = arith.constant 0 : i32
        %get3A_272 = arith.constant 0 : i32
        %get3A_273 = tpu.memref_slice %arg10[%scan3A_157, %get3A_271, %get3A_272] : memref<4x128x128xf32, #tpu.memory_space<vmem>> -> memref<1x128x128xf32, #tpu.memory_space<vmem>>
        %get3A_274 = tpu.memref_squeeze %get3A_273 : memref<1x128x128xf32, #tpu.memory_space<vmem>> -> memref<128x128xf32, #tpu.memory_space<vmem>>
        %get3A_275 = arith.index_cast %add3A_270 : i32 to index
        %get3A_276 = arith.index_cast %mul3A_203 : i32 to index
        %get3A_277 = tpu.vector_load %get3A_274[%get3A_275, %get3A_276] {strides = array<i32>} : memref<128x128xf32, #tpu.memory_space<vmem>>, vector<1x16xf32>,
        %get3A_278 = vector.shape_cast %get3A_277 : vector<1x16xf32> to vector<16xf32>
        %add3A_279 = arith.addf %get3A_278, %get3A_254 : vector<16xf32>
        %add3A_280 = arith.addf %add3A_279, %get3A_266 : vector<16xf32>
        %add3A_281 = arith.constant 56 : i32
        %add3A_282 = arith.addi %mul3A_205, %add3A_281 : i32
        %add3A_283 = arith.constant 1 : i32
        %add3A_284 = arith.addi %add3A_282, %add3A_283 : i32
        %get3A_285 = arith.constant 0 : i32
        %get3A_286 = arith.constant 0 : i32
        %get3A_287 = tpu.memref_slice %arg10[%scan3A_157, %get3A_285, %get3A_286] : memref<4x128x128xf32, #tpu.memory_space<vmem>> -> memref<1x128x128xf32, #tpu.memory_space<vmem>>
        %get3A_288 = tpu.memref_squeeze %get3A_287 : memref<1x128x128xf32, #tpu.memory_space<vmem>> -> memref<128x128xf32, #tpu.memory_space<vmem>>
        %get3A_289 = arith.index_cast %add3A_284 : i32 to index
        %get3A_290 = arith.index_cast %mul3A_203 : i32 to index
        %get3A_291 = tpu.vector_load %get3A_288[%get3A_289, %get3A_290] {strides = array<i32>} : memref<128x128xf32, #tpu.memory_space<vmem>>, vector<1x16xf32>,
        %get3A_292 = vector.shape_cast %get3A_291 : vector<1x16xf32> to vector<16xf32>
        %add3A_293 = arith.constant 56 : i32
        %add3A_294 = arith.addi %mul3A_205, %add3A_293 : i32
        %add3A_295 = arith.constant 2 : i32
        %add3A_296 = arith.addi %add3A_294, %add3A_295 : i32
        %get3A_297 = arith.constant 0 : i32
        %get3A_298 = arith.constant 0 : i32
        %get3A_299 = tpu.memref_slice %arg10[%scan3A_157, %get3A_297, %get3A_298] : memref<4x128x128xf32, #tpu.memory_space<vmem>> -> memref<1x128x128xf32, #tpu.memory_space<vmem>>
        %get3A_300 = tpu.memref_squeeze %get3A_299 : memref<1x128x128xf32, #tpu.memory_space<vmem>> -> memref<128x128xf32, #tpu.memory_space<vmem>>
        %get3A_301 = arith.index_cast %add3A_296 : i32 to index
        %get3A_302 = arith.index_cast %mul3A_203 : i32 to index
        %get3A_303 = tpu.vector_load %get3A_300[%get3A_301, %get3A_302] {strides = array<i32>} : memref<128x128xf32, #tpu.memory_space<vmem>>, vector<1x16xf32>,
        %get3A_304 = vector.shape_cast %get3A_303 : vector<1x16xf32> to vector<16xf32>
        %max3A_305 = arith.maximumf %get3A_292, %get3A_304 : vector<16xf32>
        %max3A_306 = arith.maximumf %max3A_268, %max3A_305 : vector<16xf32>
        %add3A_307 = arith.constant 28 : i32
        %add3A_308 = arith.addi %mul3A_205, %add3A_307 : i32
        %get3A_309 = arith.constant 0 : i32
        %get3A_310 = arith.constant 0 : i32
        %get3A_311 = tpu.memref_slice %arg10[%scan3A_157, %get3A_309, %get3A_310] : memref<4x128x128xf32, #tpu.memory_space<vmem>> -> memref<1x128x128xf32, #tpu.memory_space<vmem>>
        %get3A_312 = tpu.memref_squeeze %get3A_311 : memref<1x128x128xf32, #tpu.memory_space<vmem>> -> memref<128x128xf32, #tpu.memory_space<vmem>>
        %get3A_313 = arith.index_cast %add3A_308 : i32 to index
        %get3A_314 = arith.index_cast %mul3A_203 : i32 to index
        %get3A_315 = tpu.vector_load %get3A_312[%get3A_313, %get3A_314] {strides = array<i32>} : memref<128x128xf32, #tpu.memory_space<vmem>>, vector<1x16xf32>,
        %get3A_316 = vector.shape_cast %get3A_315 : vector<1x16xf32> to vector<16xf32>
        %add3A_317 = arith.addf %get3A_316, %get3A_292 : vector<16xf32>
        %add3A_318 = arith.addf %add3A_317, %get3A_304 : vector<16xf32>
        %add3A_319 = arith.constant 54 : i32
        %add3A_320 = arith.addi %mul3A_205, %add3A_319 : i32
        %add3A_321 = arith.constant 1 : i32
        %add3A_322 = arith.addi %add3A_320, %add3A_321 : i32
        %get3A_323 = arith.constant 0 : i32
        %get3A_324 = arith.constant 0 : i32
        %get3A_325 = tpu.memref_slice %arg10[%scan3A_157, %get3A_323, %get3A_324] : memref<4x128x128xf32, #tpu.memory_space<vmem>> -> memref<1x128x128xf32, #tpu.memory_space<vmem>>
        %get3A_326 = tpu.memref_squeeze %get3A_325 : memref<1x128x128xf32, #tpu.memory_space<vmem>> -> memref<128x128xf32, #tpu.memory_space<vmem>>
        %get3A_327 = arith.index_cast %add3A_322 : i32 to index
        %get3A_328 = arith.index_cast %mul3A_203 : i32 to index
        %get3A_329 = tpu.vector_load %get3A_326[%get3A_327, %get3A_328] {strides = array<i32>} : memref<128x128xf32, #tpu.memory_space<vmem>>, vector<1x16xf32>,
        %get3A_330 = vector.shape_cast %get3A_329 : vector<1x16xf32> to vector<16xf32>
        %add3A_331 = arith.constant 54 : i32
        %add3A_332 = arith.addi %mul3A_205, %add3A_331 : i32
        %add3A_333 = arith.constant 2 : i32
        %add3A_334 = arith.addi %add3A_332, %add3A_333 : i32
        %get3A_335 = arith.constant 0 : i32
        %get3A_336 = arith.constant 0 : i32
        %get3A_337 = tpu.memref_slice %arg10[%scan3A_157, %get3A_335, %get3A_336] : memref<4x128x128xf32, #tpu.memory_space<vmem>> -> memref<1x128x128xf32, #tpu.memory_space<vmem>>
        %get3A_338 = tpu.memref_squeeze %get3A_337 : memref<1x128x128xf32, #tpu.memory_space<vmem>> -> memref<128x128xf32, #tpu.memory_space<vmem>>
        %get3A_339 = arith.index_cast %add3A_334 : i32 to index
        %get3A_340 = arith.index_cast %mul3A_203 : i32 to index
        %get3A_341 = tpu.vector_load %get3A_338[%get3A_339, %get3A_340] {strides = array<i32>} : memref<128x128xf32, #tpu.memory_space<vmem>>, vector<1x16xf32>,
        %get3A_342 = vector.shape_cast %get3A_341 : vector<1x16xf32> to vector<16xf32>
        %max3A_343 = arith.maximumf %get3A_330, %get3A_342 : vector<16xf32>
        %max3A_344 = arith.maximumf %max3A_306, %max3A_343 : vector<16xf32>
        %add3A_345 = arith.constant 27 : i32
        %add3A_346 = arith.addi %mul3A_205, %add3A_345 : i32
        %get3A_347 = arith.constant 0 : i32
        %get3A_348 = arith.constant 0 : i32
        %get3A_349 = tpu.memref_slice %arg10[%scan3A_157, %get3A_347, %get3A_348] : memref<4x128x128xf32, #tpu.memory_space<vmem>> -> memref<1x128x128xf32, #tpu.memory_space<vmem>>
        %get3A_350 = tpu.memref_squeeze %get3A_349 : memref<1x128x128xf32, #tpu.memory_space<vmem>> -> memref<128x128xf32, #tpu.memory_space<vmem>>
        %get3A_351 = arith.index_cast %add3A_346 : i32 to index
        %get3A_352 = arith.index_cast %mul3A_203 : i32 to index
        %get3A_353 = tpu.vector_load %get3A_350[%get3A_351, %get3A_352] {strides = array<i32>} : memref<128x128xf32, #tpu.memory_space<vmem>>, vector<1x16xf32>,
        %get3A_354 = vector.shape_cast %get3A_353 : vector<1x16xf32> to vector<16xf32>
        %add3A_355 = arith.addf %get3A_354, %get3A_330 : vector<16xf32>
        %add3A_356 = arith.addf %add3A_355, %get3A_342 : vector<16xf32>
        %add3A_357 = arith.constant 52 : i32
        %add3A_358 = arith.addi %mul3A_205, %add3A_357 : i32
        %add3A_359 = arith.constant 1 : i32
        %add3A_360 = arith.addi %add3A_358, %add3A_359 : i32
        %get3A_361 = arith.constant 0 : i32
        %get3A_362 = arith.constant 0 : i32
        %get3A_363 = tpu.memref_slice %arg10[%scan3A_157, %get3A_361, %get3A_362] : memref<4x128x128xf32, #tpu.memory_space<vmem>> -> memref<1x128x128xf32, #tpu.memory_space<vmem>>
        %get3A_364 = tpu.memref_squeeze %get3A_363 : memref<1x128x128xf32, #tpu.memory_space<vmem>> -> memref<128x128xf32, #tpu.memory_space<vmem>>
        %get3A_365 = arith.index_cast %add3A_360 : i32 to index
        %get3A_366 = arith.index_cast %mul3A_203 : i32 to index
        %get3A_367 = tpu.vector_load %get3A_364[%get3A_365, %get3A_366] {strides = array<i32>} : memref<128x128xf32, #tpu.memory_space<vmem>>, vector<1x16xf32>,
        %get3A_368 = vector.shape_cast %get3A_367 : vector<1x16xf32> to vector<16xf32>
        %add3A_369 = arith.constant 52 : i32
        %add3A_370 = arith.addi %mul3A_205, %add3A_369 : i32
        %add3A_371 = arith.constant 2 : i32
        %add3A_372 = arith.addi %add3A_370, %add3A_371 : i32
        %get3A_373 = arith.constant 0 : i32
        %get3A_374 = arith.constant 0 : i32
        %get3A_375 = tpu.memref_slice %arg10[%scan3A_157, %get3A_373, %get3A_374] : memref<4x128x128xf32, #tpu.memory_space<vmem>> -> memref<1x128x128xf32, #tpu.memory_space<vmem>>
        %get3A_376 = tpu.memref_squeeze %get3A_375 : memref<1x128x128xf32, #tpu.memory_space<vmem>> -> memref<128x128xf32, #tpu.memory_space<vmem>>
        %get3A_377 = arith.index_cast %add3A_372 : i32 to index
        %get3A_378 = arith.index_cast %mul3A_203 : i32 to index
        %get3A_379 = tpu.vector_load %get3A_376[%get3A_377, %get3A_378] {strides = array<i32>} : memref<128x128xf32, #tpu.memory_space<vmem>>, vector<1x16xf32>,
        %get3A_380 = vector.shape_cast %get3A_379 : vector<1x16xf32> to vector<16xf32>
        %max3A_381 = arith.maximumf %get3A_368, %get3A_380 : vector<16xf32>
        %max3A_382 = arith.maximumf %max3A_344, %max3A_381 : vector<16xf32>
        %add3A_383 = arith.constant 26 : i32
        %add3A_384 = arith.addi %mul3A_205, %add3A_383 : i32
        %get3A_385 = arith.constant 0 : i32
        %get3A_386 = arith.constant 0 : i32
        %get3A_387 = tpu.memref_slice %arg10[%scan3A_157, %get3A_385, %get3A_386] : memref<4x128x128xf32, #tpu.memory_space<vmem>> -> memref<1x128x128xf32, #tpu.memory_space<vmem>>
        %get3A_388 = tpu.memref_squeeze %get3A_387 : memref<1x128x128xf32, #tpu.memory_space<vmem>> -> memref<128x128xf32, #tpu.memory_space<vmem>>
        %get3A_389 = arith.index_cast %add3A_384 : i32 to index
        %get3A_390 = arith.index_cast %mul3A_203 : i32 to index
        %get3A_391 = tpu.vector_load %get3A_388[%get3A_389, %get3A_390] {strides = array<i32>} : memref<128x128xf32, #tpu.memory_space<vmem>>, vector<1x16xf32>,
        %get3A_392 = vector.shape_cast %get3A_391 : vector<1x16xf32> to vector<16xf32>
        %add3A_393 = arith.addf %get3A_392, %get3A_368 : vector<16xf32>
        %add3A_394 = arith.addf %add3A_393, %get3A_380 : vector<16xf32>
        %add3A_395 = arith.constant 50 : i32
        %add3A_396 = arith.addi %mul3A_205, %add3A_395 : i32
        %add3A_397 = arith.constant 1 : i32
        %add3A_398 = arith.addi %add3A_396, %add3A_397 : i32
        %get3A_399 = arith.constant 0 : i32
        %get3A_400 = arith.constant 0 : i32
        %get3A_401 = tpu.memref_slice %arg10[%scan3A_157, %get3A_399, %get3A_400] : memref<4x128x128xf32, #tpu.memory_space<vmem>> -> memref<1x128x128xf32, #tpu.memory_space<vmem>>
        %get3A_402 = tpu.memref_squeeze %get3A_401 : memref<1x128x128xf32, #tpu.memory_space<vmem>> -> memref<128x128xf32, #tpu.memory_space<vmem>>
        %get3A_403 = arith.index_cast %add3A_398 : i32 to index
        %get3A_404 = arith.index_cast %mul3A_203 : i32 to index
        %get3A_405 = tpu.vector_load %get3A_402[%get3A_403, %get3A_404] {strides = array<i32>} : memref<128x128xf32, #tpu.memory_space<vmem>>, vector<1x16xf32>,
        %get3A_406 = vector.shape_cast %get3A_405 : vector<1x16xf32> to vector<16xf32>
        %add3A_407 = arith.constant 50 : i32
        %add3A_408 = arith.addi %mul3A_205, %add3A_407 : i32
        %add3A_409 = arith.constant 2 : i32
        %add3A_410 = arith.addi %add3A_408, %add3A_409 : i32
        %get3A_411 = arith.constant 0 : i32
        %get3A_412 = arith.constant 0 : i32
        %get3A_413 = tpu.memref_slice %arg10[%scan3A_157, %get3A_411, %get3A_412] : memref<4x128x128xf32, #tpu.memory_space<vmem>> -> memref<1x128x128xf32, #tpu.memory_space<vmem>>
        %get3A_414 = tpu.memref_squeeze %get3A_413 : memref<1x128x128xf32, #tpu.memory_space<vmem>> -> memref<128x128xf32, #tpu.memory_space<vmem>>
        %get3A_415 = arith.index_cast %add3A_410 : i32 to index
        %get3A_416 = arith.index_cast %mul3A_203 : i32 to index
        %get3A_417 = tpu.vector_load %get3A_414[%get3A_415, %get3A_416] {strides = array<i32>} : memref<128x128xf32, #tpu.memory_space<vmem>>, vector<1x16xf32>,
        %get3A_418 = vector.shape_cast %get3A_417 : vector<1x16xf32> to vector<16xf32>
        %max3A_419 = arith.maximumf %get3A_406, %get3A_418 : vector<16xf32>
        %max3A_420 = arith.maximumf %max3A_382, %max3A_419 : vector<16xf32>
        %add3A_421 = arith.constant 25 : i32
        %add3A_422 = arith.addi %mul3A_205, %add3A_421 : i32
        %get3A_423 = arith.constant 0 : i32
        %get3A_424 = arith.constant 0 : i32
        %get3A_425 = tpu.memref_slice %arg10[%scan3A_157, %get3A_423, %get3A_424] : memref<4x128x128xf32, #tpu.memory_space<vmem>> -> memref<1x128x128xf32, #tpu.memory_space<vmem>>
        %get3A_426 = tpu.memref_squeeze %get3A_425 : memref<1x128x128xf32, #tpu.memory_space<vmem>> -> memref<128x128xf32, #tpu.memory_space<vmem>>
        %get3A_427 = arith.index_cast %add3A_422 : i32 to index
        %get3A_428 = arith.index_cast %mul3A_203 : i32 to index
        %get3A_429 = tpu.vector_load %get3A_426[%get3A_427, %get3A_428] {strides = array<i32>} : memref<128x128xf32, #tpu.memory_space<vmem>>, vector<1x16xf32>,
        %get3A_430 = vector.shape_cast %get3A_429 : vector<1x16xf32> to vector<16xf32>
        %add3A_431 = arith.addf %get3A_430, %get3A_406 : vector<16xf32>
        %add3A_432 = arith.addf %add3A_431, %get3A_418 : vector<16xf32>
        %add3A_433 = arith.constant 48 : i32
        %add3A_434 = arith.addi %mul3A_205, %add3A_433 : i32
        %add3A_435 = arith.constant 1 : i32
        %add3A_436 = arith.addi %add3A_434, %add3A_435 : i32
        %get3A_437 = arith.constant 0 : i32
        %get3A_438 = arith.constant 0 : i32
        %get3A_439 = tpu.memref_slice %arg10[%scan3A_157, %get3A_437, %get3A_438] : memref<4x128x128xf32, #tpu.memory_space<vmem>> -> memref<1x128x128xf32, #tpu.memory_space<vmem>>
        %get3A_440 = tpu.memref_squeeze %get3A_439 : memref<1x128x128xf32, #tpu.memory_space<vmem>> -> memref<128x128xf32, #tpu.memory_space<vmem>>
        %get3A_441 = arith.index_cast %add3A_436 : i32 to index
        %get3A_442 = arith.index_cast %mul3A_203 : i32 to index
        %get3A_443 = tpu.vector_load %get3A_440[%get3A_441, %get3A_442] {strides = array<i32>} : memref<128x128xf32, #tpu.memory_space<vmem>>, vector<1x16xf32>,
        %get3A_444 = vector.shape_cast %get3A_443 : vector<1x16xf32> to vector<16xf32>
        %add3A_445 = arith.constant 48 : i32
        %add3A_446 = arith.addi %mul3A_205, %add3A_445 : i32
        %add3A_447 = arith.constant 2 : i32
        %add3A_448 = arith.addi %add3A_446, %add3A_447 : i32
        %get3A_449 = arith.constant 0 : i32
        %get3A_450 = arith.constant 0 : i32
        %get3A_451 = tpu.memref_slice %arg10[%scan3A_157, %get3A_449, %get3A_450] : memref<4x128x128xf32, #tpu.memory_space<vmem>> -> memref<1x128x128xf32, #tpu.memory_space<vmem>>
        %get3A_452 = tpu.memref_squeeze %get3A_451 : memref<1x128x128xf32, #tpu.memory_space<vmem>> -> memref<128x128xf32, #tpu.memory_space<vmem>>
        %get3A_453 = arith.index_cast %add3A_448 : i32 to index
        %get3A_454 = arith.index_cast %mul3A_203 : i32 to index
        %get3A_455 = tpu.vector_load %get3A_452[%get3A_453, %get3A_454] {strides = array<i32>} : memref<128x128xf32, #tpu.memory_space<vmem>>, vector<1x16xf32>,
        %get3A_456 = vector.shape_cast %get3A_455 : vector<1x16xf32> to vector<16xf32>
        %max3A_457 = arith.maximumf %get3A_444, %get3A_456 : vector<16xf32>
        %max3A_458 = arith.maximumf %max3A_420, %max3A_457 : vector<16xf32>
        %add3A_459 = arith.constant 24 : i32
        %add3A_460 = arith.addi %mul3A_205, %add3A_459 : i32
        %get3A_461 = arith.constant 0 : i32
        %get3A_462 = arith.constant 0 : i32
        %get3A_463 = tpu.memref_slice %arg10[%scan3A_157, %get3A_461, %get3A_462] : memref<4x128x128xf32, #tpu.memory_space<vmem>> -> memref<1x128x128xf32, #tpu.memory_space<vmem>>
        %get3A_464 = tpu.memref_squeeze %get3A_463 : memref<1x128x128xf32, #tpu.memory_space<vmem>> -> memref<128x128xf32, #tpu.memory_space<vmem>>
        %get3A_465 = arith.index_cast %add3A_460 : i32 to index
        %get3A_466 = arith.index_cast %mul3A_203 : i32 to index
        %get3A_467 = tpu.vector_load %get3A_464[%get3A_465, %get3A_466] {strides = array<i32>} : memref<128x128xf32, #tpu.memory_space<vmem>>, vector<1x16xf32>,
        %get3A_468 = vector.shape_cast %get3A_467 : vector<1x16xf32> to vector<16xf32>
        %add3A_469 = arith.addf %get3A_468, %get3A_444 : vector<16xf32>
        %add3A_470 = arith.addf %add3A_469, %get3A_456 : vector<16xf32>
        %add3A_471 = arith.constant 46 : i32
        %add3A_472 = arith.addi %mul3A_205, %add3A_471 : i32
        %add3A_473 = arith.constant 1 : i32
        %add3A_474 = arith.addi %add3A_472, %add3A_473 : i32
        %get3A_475 = arith.constant 0 : i32
        %get3A_476 = arith.constant 0 : i32
        %get3A_477 = tpu.memref_slice %arg10[%scan3A_157, %get3A_475, %get3A_476] : memref<4x128x128xf32, #tpu.memory_space<vmem>> -> memref<1x128x128xf32, #tpu.memory_space<vmem>>
        %get3A_478 = tpu.memref_squeeze %get3A_477 : memref<1x128x128xf32, #tpu.memory_space<vmem>> -> memref<128x128xf32, #tpu.memory_space<vmem>>
        %get3A_479 = arith.index_cast %add3A_474 : i32 to index
        %get3A_480 = arith.index_cast %mul3A_203 : i32 to index
        %get3A_481 = tpu.vector_load %get3A_478[%get3A_479, %get3A_480] {strides = array<i32>} : memref<128x128xf32, #tpu.memory_space<vmem>>, vector<1x16xf32>,
        %get3A_482 = vector.shape_cast %get3A_481 : vector<1x16xf32> to vector<16xf32>
        %add3A_483 = arith.constant 46 : i32
        %add3A_484 = arith.addi %mul3A_205, %add3A_483 : i32
        %add3A_485 = arith.constant 2 : i32
        %add3A_486 = arith.addi %add3A_484, %add3A_485 : i32
        %get3A_487 = arith.constant 0 : i32
        %get3A_488 = arith.constant 0 : i32
        %get3A_489 = tpu.memref_slice %arg10[%scan3A_157, %get3A_487, %get3A_488] : memref<4x128x128xf32, #tpu.memory_space<vmem>> -> memref<1x128x128xf32, #tpu.memory_space<vmem>>
        %get3A_490 = tpu.memref_squeeze %get3A_489 : memref<1x128x128xf32, #tpu.memory_space<vmem>> -> memref<128x128xf32, #tpu.memory_space<vmem>>
        %get3A_491 = arith.index_cast %add3A_486 : i32 to index
        %get3A_492 = arith.index_cast %mul3A_203 : i32 to index
        %get3A_493 = tpu.vector_load %get3A_490[%get3A_491, %get3A_492] {strides = array<i32>} : memref<128x128xf32, #tpu.memory_space<vmem>>, vector<1x16xf32>,
        %get3A_494 = vector.shape_cast %get3A_493 : vector<1x16xf32> to vector<16xf32>
        %max3A_495 = arith.maximumf %get3A_482, %get3A_494 : vector<16xf32>
        %max3A_496 = arith.maximumf %max3A_458, %max3A_495 : vector<16xf32>
        %add3A_497 = arith.constant 23 : i32
        %add3A_498 = arith.addi %mul3A_205, %add3A_497 : i32
        %get3A_499 = arith.constant 0 : i32
        %get3A_500 = arith.constant 0 : i32
        %get3A_501 = tpu.memref_slice %arg10[%scan3A_157, %get3A_499, %get3A_500] : memref<4x128x128xf32, #tpu.memory_space<vmem>> -> memref<1x128x128xf32, #tpu.memory_space<vmem>>
        %get3A_502 = tpu.memref_squeeze %get3A_501 : memref<1x128x128xf32, #tpu.memory_space<vmem>> -> memref<128x128xf32, #tpu.memory_space<vmem>>
        %get3A_503 = arith.index_cast %add3A_498 : i32 to index
        %get3A_504 = arith.index_cast %mul3A_203 : i32 to index
        %get3A_505 = tpu.vector_load %get3A_502[%get3A_503, %get3A_504] {strides = array<i32>} : memref<128x128xf32, #tpu.memory_space<vmem>>, vector<1x16xf32>,
        %get3A_506 = vector.shape_cast %get3A_505 : vector<1x16xf32> to vector<16xf32>
        %add3A_507 = arith.addf %get3A_506, %get3A_482 : vector<16xf32>
        %add3A_508 = arith.addf %add3A_507, %get3A_494 : vector<16xf32>
        %add3A_509 = arith.constant 44 : i32
        %add3A_510 = arith.addi %mul3A_205, %add3A_509 : i32
        %add3A_511 = arith.constant 1 : i32
        %add3A_512 = arith.addi %add3A_510, %add3A_511 : i32
        %get3A_513 = arith.constant 0 : i32
        %get3A_514 = arith.constant 0 : i32
        %get3A_515 = tpu.memref_slice %arg10[%scan3A_157, %get3A_513, %get3A_514] : memref<4x128x128xf32, #tpu.memory_space<vmem>> -> memref<1x128x128xf32, #tpu.memory_space<vmem>>
        %get3A_516 = tpu.memref_squeeze %get3A_515 : memref<1x128x128xf32, #tpu.memory_space<vmem>> -> memref<128x128xf32, #tpu.memory_space<vmem>>
        %get3A_517 = arith.index_cast %add3A_512 : i32 to index
        %get3A_518 = arith.index_cast %mul3A_203 : i32 to index
        %get3A_519 = tpu.vector_load %get3A_516[%get3A_517, %get3A_518] {strides = array<i32>} : memref<128x128xf32, #tpu.memory_space<vmem>>, vector<1x16xf32>,
        %get3A_520 = vector.shape_cast %get3A_519 : vector<1x16xf32> to vector<16xf32>
        %add3A_521 = arith.constant 44 : i32
        %add3A_522 = arith.addi %mul3A_205, %add3A_521 : i32
        %add3A_523 = arith.constant 2 : i32
        %add3A_524 = arith.addi %add3A_522, %add3A_523 : i32
        %get3A_525 = arith.constant 0 : i32
        %get3A_526 = arith.constant 0 : i32
        %get3A_527 = tpu.memref_slice %arg10[%scan3A_157, %get3A_525, %get3A_526] : memref<4x128x128xf32, #tpu.memory_space<vmem>> -> memref<1x128x128xf32, #tpu.memory_space<vmem>>
        %get3A_528 = tpu.memref_squeeze %get3A_527 : memref<1x128x128xf32, #tpu.memory_space<vmem>> -> memref<128x128xf32, #tpu.memory_space<vmem>>
        %get3A_529 = arith.index_cast %add3A_524 : i32 to index
        %get3A_530 = arith.index_cast %mul3A_203 : i32 to index
        %get3A_531 = tpu.vector_load %get3A_528[%get3A_529, %get3A_530] {strides = array<i32>} : memref<128x128xf32, #tpu.memory_space<vmem>>, vector<1x16xf32>,
        %get3A_532 = vector.shape_cast %get3A_531 : vector<1x16xf32> to vector<16xf32>
        %max3A_533 = arith.maximumf %get3A_520, %get3A_532 : vector<16xf32>
        %max3A_534 = arith.maximumf %max3A_496, %max3A_533 : vector<16xf32>
        %add3A_535 = arith.constant 22 : i32
        %add3A_536 = arith.addi %mul3A_205, %add3A_535 : i32
        %get3A_537 = arith.constant 0 : i32
        %get3A_538 = arith.constant 0 : i32
        %get3A_539 = tpu.memref_slice %arg10[%scan3A_157, %get3A_537, %get3A_538] : memref<4x128x128xf32, #tpu.memory_space<vmem>> -> memref<1x128x128xf32, #tpu.memory_space<vmem>>
        %get3A_540 = tpu.memref_squeeze %get3A_539 : memref<1x128x128xf32, #tpu.memory_space<vmem>> -> memref<128x128xf32, #tpu.memory_space<vmem>>
        %get3A_541 = arith.index_cast %add3A_536 : i32 to index
        %get3A_542 = arith.index_cast %mul3A_203 : i32 to index
        %get3A_543 = tpu.vector_load %get3A_540[%get3A_541, %get3A_542] {strides = array<i32>} : memref<128x128xf32, #tpu.memory_space<vmem>>, vector<1x16xf32>,
        %get3A_544 = vector.shape_cast %get3A_543 : vector<1x16xf32> to vector<16xf32>
        %add3A_545 = arith.addf %get3A_544, %get3A_520 : vector<16xf32>
        %add3A_546 = arith.addf %add3A_545, %get3A_532 : vector<16xf32>
        %add3A_547 = arith.constant 42 : i32
        %add3A_548 = arith.addi %mul3A_205, %add3A_547 : i32
        %add3A_549 = arith.constant 1 : i32
        %add3A_550 = arith.addi %add3A_548, %add3A_549 : i32
        %get3A_551 = arith.constant 0 : i32
        %get3A_552 = arith.constant 0 : i32
        %get3A_553 = tpu.memref_slice %arg10[%scan3A_157, %get3A_551, %get3A_552] : memref<4x128x128xf32, #tpu.memory_space<vmem>> -> memref<1x128x128xf32, #tpu.memory_space<vmem>>
        %get3A_554 = tpu.memref_squeeze %get3A_553 : memref<1x128x128xf32, #tpu.memory_space<vmem>> -> memref<128x128xf32, #tpu.memory_space<vmem>>
        %get3A_555 = arith.index_cast %add3A_550 : i32 to index
        %get3A_556 = arith.index_cast %mul3A_203 : i32 to index
        %get3A_557 = tpu.vector_load %get3A_554[%get3A_555, %get3A_556] {strides = array<i32>} : memref<128x128xf32, #tpu.memory_space<vmem>>, vector<1x16xf32>,
        %get3A_558 = vector.shape_cast %get3A_557 : vector<1x16xf32> to vector<16xf32>
        %add3A_559 = arith.constant 42 : i32
        %add3A_560 = arith.addi %mul3A_205, %add3A_559 : i32
        %add3A_561 = arith.constant 2 : i32
        %add3A_562 = arith.addi %add3A_560, %add3A_561 : i32
        %get3A_563 = arith.constant 0 : i32
        %get3A_564 = arith.constant 0 : i32
        %get3A_565 = tpu.memref_slice %arg10[%scan3A_157, %get3A_563, %get3A_564] : memref<4x128x128xf32, #tpu.memory_space<vmem>> -> memref<1x128x128xf32, #tpu.memory_space<vmem>>
        %get3A_566 = tpu.memref_squeeze %get3A_565 : memref<1x128x128xf32, #tpu.memory_space<vmem>> -> memref<128x128xf32, #tpu.memory_space<vmem>>
        %get3A_567 = arith.index_cast %add3A_562 : i32 to index
        %get3A_568 = arith.index_cast %mul3A_203 : i32 to index
        %get3A_569 = tpu.vector_load %get3A_566[%get3A_567, %get3A_568] {strides = array<i32>} : memref<128x128xf32, #tpu.memory_space<vmem>>, vector<1x16xf32>,
        %get3A_570 = vector.shape_cast %get3A_569 : vector<1x16xf32> to vector<16xf32>
        %max3A_571 = arith.maximumf %get3A_558, %get3A_570 : vector<16xf32>
        %max3A_572 = arith.maximumf %max3A_534, %max3A_571 : vector<16xf32>
        %add3A_573 = arith.constant 21 : i32
        %add3A_574 = arith.addi %mul3A_205, %add3A_573 : i32
        %get3A_575 = arith.constant 0 : i32
        %get3A_576 = arith.constant 0 : i32
        %get3A_577 = tpu.memref_slice %arg10[%scan3A_157, %get3A_575, %get3A_576] : memref<4x128x128xf32, #tpu.memory_space<vmem>> -> memref<1x128x128xf32, #tpu.memory_space<vmem>>
        %get3A_578 = tpu.memref_squeeze %get3A_577 : memref<1x128x128xf32, #tpu.memory_space<vmem>> -> memref<128x128xf32, #tpu.memory_space<vmem>>
        %get3A_579 = arith.index_cast %add3A_574 : i32 to index
        %get3A_580 = arith.index_cast %mul3A_203 : i32 to index
        %get3A_581 = tpu.vector_load %get3A_578[%get3A_579, %get3A_580] {strides = array<i32>} : memref<128x128xf32, #tpu.memory_space<vmem>>, vector<1x16xf32>,
        %get3A_582 = vector.shape_cast %get3A_581 : vector<1x16xf32> to vector<16xf32>
        %add3A_583 = arith.addf %get3A_582, %get3A_558 : vector<16xf32>
        %add3A_584 = arith.addf %add3A_583, %get3A_570 : vector<16xf32>
        %add3A_585 = arith.constant 40 : i32
        %add3A_586 = arith.addi %mul3A_205, %add3A_585 : i32
        %add3A_587 = arith.constant 1 : i32
        %add3A_588 = arith.addi %add3A_586, %add3A_587 : i32
        %get3A_589 = arith.constant 0 : i32
        %get3A_590 = arith.constant 0 : i32
        %get3A_591 = tpu.memref_slice %arg10[%scan3A_157, %get3A_589, %get3A_590] : memref<4x128x128xf32, #tpu.memory_space<vmem>> -> memref<1x128x128xf32, #tpu.memory_space<vmem>>
        %get3A_592 = tpu.memref_squeeze %get3A_591 : memref<1x128x128xf32, #tpu.memory_space<vmem>> -> memref<128x128xf32, #tpu.memory_space<vmem>>
        %get3A_593 = arith.index_cast %add3A_588 : i32 to index
        %get3A_594 = arith.index_cast %mul3A_203 : i32 to index
        %get3A_595 = tpu.vector_load %get3A_592[%get3A_593, %get3A_594] {strides = array<i32>} : memref<128x128xf32, #tpu.memory_space<vmem>>, vector<1x16xf32>,
        %get3A_596 = vector.shape_cast %get3A_595 : vector<1x16xf32> to vector<16xf32>
        %add3A_597 = arith.constant 40 : i32
        %add3A_598 = arith.addi %mul3A_205, %add3A_597 : i32
        %add3A_599 = arith.constant 2 : i32
        %add3A_600 = arith.addi %add3A_598, %add3A_599 : i32
        %get3A_601 = arith.constant 0 : i32
        %get3A_602 = arith.constant 0 : i32
        %get3A_603 = tpu.memref_slice %arg10[%scan3A_157, %get3A_601, %get3A_602] : memref<4x128x128xf32, #tpu.memory_space<vmem>> -> memref<1x128x128xf32, #tpu.memory_space<vmem>>
        %get3A_604 = tpu.memref_squeeze %get3A_603 : memref<1x128x128xf32, #tpu.memory_space<vmem>> -> memref<128x128xf32, #tpu.memory_space<vmem>>
        %get3A_605 = arith.index_cast %add3A_600 : i32 to index
        %get3A_606 = arith.index_cast %mul3A_203 : i32 to index
        %get3A_607 = tpu.vector_load %get3A_604[%get3A_605, %get3A_606] {strides = array<i32>} : memref<128x128xf32, #tpu.memory_space<vmem>>, vector<1x16xf32>,
        %get3A_608 = vector.shape_cast %get3A_607 : vector<1x16xf32> to vector<16xf32>
        %max3A_609 = arith.maximumf %get3A_596, %get3A_608 : vector<16xf32>
        %max3A_610 = arith.maximumf %max3A_572, %max3A_609 : vector<16xf32>
        %add3A_611 = arith.constant 20 : i32
        %add3A_612 = arith.addi %mul3A_205, %add3A_611 : i32
        %get3A_613 = arith.constant 0 : i32
        %get3A_614 = arith.constant 0 : i32
        %get3A_615 = tpu.memref_slice %arg10[%scan3A_157, %get3A_613, %get3A_614] : memref<4x128x128xf32, #tpu.memory_space<vmem>> -> memref<1x128x128xf32, #tpu.memory_space<vmem>>
        %get3A_616 = tpu.memref_squeeze %get3A_615 : memref<1x128x128xf32, #tpu.memory_space<vmem>> -> memref<128x128xf32, #tpu.memory_space<vmem>>
        %get3A_617 = arith.index_cast %add3A_612 : i32 to index
        %get3A_618 = arith.index_cast %mul3A_203 : i32 to index
        %get3A_619 = tpu.vector_load %get3A_616[%get3A_617, %get3A_618] {strides = array<i32>} : memref<128x128xf32, #tpu.memory_space<vmem>>, vector<1x16xf32>,
        %get3A_620 = vector.shape_cast %get3A_619 : vector<1x16xf32> to vector<16xf32>
        %add3A_621 = arith.addf %get3A_620, %get3A_596 : vector<16xf32>
        %add3A_622 = arith.addf %add3A_621, %get3A_608 : vector<16xf32>
        %add3A_623 = arith.constant 38 : i32
        %add3A_624 = arith.addi %mul3A_205, %add3A_623 : i32
        %add3A_625 = arith.constant 1 : i32
        %add3A_626 = arith.addi %add3A_624, %add3A_625 : i32
        %get3A_627 = arith.constant 0 : i32
        %get3A_628 = arith.constant 0 : i32
        %get3A_629 = tpu.memref_slice %arg10[%scan3A_157, %get3A_627, %get3A_628] : memref<4x128x128xf32, #tpu.memory_space<vmem>> -> memref<1x128x128xf32, #tpu.memory_space<vmem>>
        %get3A_630 = tpu.memref_squeeze %get3A_629 : memref<1x128x128xf32, #tpu.memory_space<vmem>> -> memref<128x128xf32, #tpu.memory_space<vmem>>
        %get3A_631 = arith.index_cast %add3A_626 : i32 to index
        %get3A_632 = arith.index_cast %mul3A_203 : i32 to index
        %get3A_633 = tpu.vector_load %get3A_630[%get3A_631, %get3A_632] {strides = array<i32>} : memref<128x128xf32, #tpu.memory_space<vmem>>, vector<1x16xf32>,
        %get3A_634 = vector.shape_cast %get3A_633 : vector<1x16xf32> to vector<16xf32>
        %add3A_635 = arith.constant 38 : i32
        %add3A_636 = arith.addi %mul3A_205, %add3A_635 : i32
        %add3A_637 = arith.constant 2 : i32
        %add3A_638 = arith.addi %add3A_636, %add3A_637 : i32
        %get3A_639 = arith.constant 0 : i32
        %get3A_640 = arith.constant 0 : i32
        %get3A_641 = tpu.memref_slice %arg10[%scan3A_157, %get3A_639, %get3A_640] : memref<4x128x128xf32, #tpu.memory_space<vmem>> -> memref<1x128x128xf32, #tpu.memory_space<vmem>>
        %get3A_642 = tpu.memref_squeeze %get3A_641 : memref<1x128x128xf32, #tpu.memory_space<vmem>> -> memref<128x128xf32, #tpu.memory_space<vmem>>
        %get3A_643 = arith.index_cast %add3A_638 : i32 to index
        %get3A_644 = arith.index_cast %mul3A_203 : i32 to index
        %get3A_645 = tpu.vector_load %get3A_642[%get3A_643, %get3A_644] {strides = array<i32>} : memref<128x128xf32, #tpu.memory_space<vmem>>, vector<1x16xf32>,
        %get3A_646 = vector.shape_cast %get3A_645 : vector<1x16xf32> to vector<16xf32>
        %max3A_647 = arith.maximumf %get3A_634, %get3A_646 : vector<16xf32>
        %max3A_648 = arith.maximumf %max3A_610, %max3A_647 : vector<16xf32>
        %add3A_649 = arith.constant 19 : i32
        %add3A_650 = arith.addi %mul3A_205, %add3A_649 : i32
        %get3A_651 = arith.constant 0 : i32
        %get3A_652 = arith.constant 0 : i32
        %get3A_653 = tpu.memref_slice %arg10[%scan3A_157, %get3A_651, %get3A_652] : memref<4x128x128xf32, #tpu.memory_space<vmem>> -> memref<1x128x128xf32, #tpu.memory_space<vmem>>
        %get3A_654 = tpu.memref_squeeze %get3A_653 : memref<1x128x128xf32, #tpu.memory_space<vmem>> -> memref<128x128xf32, #tpu.memory_space<vmem>>
        %get3A_655 = arith.index_cast %add3A_650 : i32 to index
        %get3A_656 = arith.index_cast %mul3A_203 : i32 to index
        %get3A_657 = tpu.vector_load %get3A_654[%get3A_655, %get3A_656] {strides = array<i32>} : memref<128x128xf32, #tpu.memory_space<vmem>>, vector<1x16xf32>,
        %get3A_658 = vector.shape_cast %get3A_657 : vector<1x16xf32> to vector<16xf32>
        %add3A_659 = arith.addf %get3A_658, %get3A_634 : vector<16xf32>
        %add3A_660 = arith.addf %add3A_659, %get3A_646 : vector<16xf32>
        %add3A_661 = arith.constant 36 : i32
        %add3A_662 = arith.addi %mul3A_205, %add3A_661 : i32
        %add3A_663 = arith.constant 1 : i32
        %add3A_664 = arith.addi %add3A_662, %add3A_663 : i32
        %get3A_665 = arith.constant 0 : i32
        %get3A_666 = arith.constant 0 : i32
        %get3A_667 = tpu.memref_slice %arg10[%scan3A_157, %get3A_665, %get3A_666] : memref<4x128x128xf32, #tpu.memory_space<vmem>> -> memref<1x128x128xf32, #tpu.memory_space<vmem>>
        %get3A_668 = tpu.memref_squeeze %get3A_667 : memref<1x128x128xf32, #tpu.memory_space<vmem>> -> memref<128x128xf32, #tpu.memory_space<vmem>>
        %get3A_669 = arith.index_cast %add3A_664 : i32 to index
        %get3A_670 = arith.index_cast %mul3A_203 : i32 to index
        %get3A_671 = tpu.vector_load %get3A_668[%get3A_669, %get3A_670] {strides = array<i32>} : memref<128x128xf32, #tpu.memory_space<vmem>>, vector<1x16xf32>,
        %get3A_672 = vector.shape_cast %get3A_671 : vector<1x16xf32> to vector<16xf32>
        %add3A_673 = arith.constant 36 : i32
        %add3A_674 = arith.addi %mul3A_205, %add3A_673 : i32
        %add3A_675 = arith.constant 2 : i32
        %add3A_676 = arith.addi %add3A_674, %add3A_675 : i32
        %get3A_677 = arith.constant 0 : i32
        %get3A_678 = arith.constant 0 : i32
        %get3A_679 = tpu.memref_slice %arg10[%scan3A_157, %get3A_677, %get3A_678] : memref<4x128x128xf32, #tpu.memory_space<vmem>> -> memref<1x128x128xf32, #tpu.memory_space<vmem>>
        %get3A_680 = tpu.memref_squeeze %get3A_679 : memref<1x128x128xf32, #tpu.memory_space<vmem>> -> memref<128x128xf32, #tpu.memory_space<vmem>>
        %get3A_681 = arith.index_cast %add3A_676 : i32 to index
        %get3A_682 = arith.index_cast %mul3A_203 : i32 to index
        %get3A_683 = tpu.vector_load %get3A_680[%get3A_681, %get3A_682] {strides = array<i32>} : memref<128x128xf32, #tpu.memory_space<vmem>>, vector<1x16xf32>,
        %get3A_684 = vector.shape_cast %get3A_683 : vector<1x16xf32> to vector<16xf32>
        %max3A_685 = arith.maximumf %get3A_672, %get3A_684 : vector<16xf32>
        %max3A_686 = arith.maximumf %max3A_648, %max3A_685 : vector<16xf32>
        %add3A_687 = arith.constant 18 : i32
        %add3A_688 = arith.addi %mul3A_205, %add3A_687 : i32
        %get3A_689 = arith.constant 0 : i32
        %get3A_690 = arith.constant 0 : i32
        %get3A_691 = tpu.memref_slice %arg10[%scan3A_157, %get3A_689, %get3A_690] : memref<4x128x128xf32, #tpu.memory_space<vmem>> -> memref<1x128x128xf32, #tpu.memory_space<vmem>>
        %get3A_692 = tpu.memref_squeeze %get3A_691 : memref<1x128x128xf32, #tpu.memory_space<vmem>> -> memref<128x128xf32, #tpu.memory_space<vmem>>
        %get3A_693 = arith.index_cast %add3A_688 : i32 to index
        %get3A_694 = arith.index_cast %mul3A_203 : i32 to index
        %get3A_695 = tpu.vector_load %get3A_692[%get3A_693, %get3A_694] {strides = array<i32>} : memref<128x128xf32, #tpu.memory_space<vmem>>, vector<1x16xf32>,
        %get3A_696 = vector.shape_cast %get3A_695 : vector<1x16xf32> to vector<16xf32>
        %add3A_697 = arith.addf %get3A_696, %get3A_672 : vector<16xf32>
        %add3A_698 = arith.addf %add3A_697, %get3A_684 : vector<16xf32>
        %add3A_699 = arith.constant 34 : i32
        %add3A_700 = arith.addi %mul3A_205, %add3A_699 : i32
        %add3A_701 = arith.constant 1 : i32
        %add3A_702 = arith.addi %add3A_700, %add3A_701 : i32
        %get3A_703 = arith.constant 0 : i32
        %get3A_704 = arith.constant 0 : i32
        %get3A_705 = tpu.memref_slice %arg10[%scan3A_157, %get3A_703, %get3A_704] : memref<4x128x128xf32, #tpu.memory_space<vmem>> -> memref<1x128x128xf32, #tpu.memory_space<vmem>>
        %get3A_706 = tpu.memref_squeeze %get3A_705 : memref<1x128x128xf32, #tpu.memory_space<vmem>> -> memref<128x128xf32, #tpu.memory_space<vmem>>
        %get3A_707 = arith.index_cast %add3A_702 : i32 to index
        %get3A_708 = arith.index_cast %mul3A_203 : i32 to index
        %get3A_709 = tpu.vector_load %get3A_706[%get3A_707, %get3A_708] {strides = array<i32>} : memref<128x128xf32, #tpu.memory_space<vmem>>, vector<1x16xf32>,
        %get3A_710 = vector.shape_cast %get3A_709 : vector<1x16xf32> to vector<16xf32>
        %add3A_711 = arith.constant 34 : i32
        %add3A_712 = arith.addi %mul3A_205, %add3A_711 : i32
        %add3A_713 = arith.constant 2 : i32
        %add3A_714 = arith.addi %add3A_712, %add3A_713 : i32
        %get3A_715 = arith.constant 0 : i32
        %get3A_716 = arith.constant 0 : i32
        %get3A_717 = tpu.memref_slice %arg10[%scan3A_157, %get3A_715, %get3A_716] : memref<4x128x128xf32, #tpu.memory_space<vmem>> -> memref<1x128x128xf32, #tpu.memory_space<vmem>>
        %get3A_718 = tpu.memref_squeeze %get3A_717 : memref<1x128x128xf32, #tpu.memory_space<vmem>> -> memref<128x128xf32, #tpu.memory_space<vmem>>
        %get3A_719 = arith.index_cast %add3A_714 : i32 to index
        %get3A_720 = arith.index_cast %mul3A_203 : i32 to index
        %get3A_721 = tpu.vector_load %get3A_718[%get3A_719, %get3A_720] {strides = array<i32>} : memref<128x128xf32, #tpu.memory_space<vmem>>, vector<1x16xf32>,
        %get3A_722 = vector.shape_cast %get3A_721 : vector<1x16xf32> to vector<16xf32>
        %max3A_723 = arith.maximumf %get3A_710, %get3A_722 : vector<16xf32>
        %max3A_724 = arith.maximumf %max3A_686, %max3A_723 : vector<16xf32>
        %add3A_725 = arith.constant 17 : i32
        %add3A_726 = arith.addi %mul3A_205, %add3A_725 : i32
        %get3A_727 = arith.constant 0 : i32
        %get3A_728 = arith.constant 0 : i32
        %get3A_729 = tpu.memref_slice %arg10[%scan3A_157, %get3A_727, %get3A_728] : memref<4x128x128xf32, #tpu.memory_space<vmem>> -> memref<1x128x128xf32, #tpu.memory_space<vmem>>
        %get3A_730 = tpu.memref_squeeze %get3A_729 : memref<1x128x128xf32, #tpu.memory_space<vmem>> -> memref<128x128xf32, #tpu.memory_space<vmem>>
        %get3A_731 = arith.index_cast %add3A_726 : i32 to index
        %get3A_732 = arith.index_cast %mul3A_203 : i32 to index
        %get3A_733 = tpu.vector_load %get3A_730[%get3A_731, %get3A_732] {strides = array<i32>} : memref<128x128xf32, #tpu.memory_space<vmem>>, vector<1x16xf32>,
        %get3A_734 = vector.shape_cast %get3A_733 : vector<1x16xf32> to vector<16xf32>
        %add3A_735 = arith.addf %get3A_734, %get3A_710 : vector<16xf32>
        %add3A_736 = arith.addf %add3A_735, %get3A_722 : vector<16xf32>
        %add3A_737 = arith.constant 32 : i32
        %add3A_738 = arith.addi %mul3A_205, %add3A_737 : i32
        %add3A_739 = arith.constant 1 : i32
        %add3A_740 = arith.addi %add3A_738, %add3A_739 : i32
        %get3A_741 = arith.constant 0 : i32
        %get3A_742 = arith.constant 0 : i32
        %get3A_743 = tpu.memref_slice %arg10[%scan3A_157, %get3A_741, %get3A_742] : memref<4x128x128xf32, #tpu.memory_space<vmem>> -> memref<1x128x128xf32, #tpu.memory_space<vmem>>
        %get3A_744 = tpu.memref_squeeze %get3A_743 : memref<1x128x128xf32, #tpu.memory_space<vmem>> -> memref<128x128xf32, #tpu.memory_space<vmem>>
        %get3A_745 = arith.index_cast %add3A_740 : i32 to index
        %get3A_746 = arith.index_cast %mul3A_203 : i32 to index
        %get3A_747 = tpu.vector_load %get3A_744[%get3A_745, %get3A_746] {strides = array<i32>} : memref<128x128xf32, #tpu.memory_space<vmem>>, vector<1x16xf32>,
        %get3A_748 = vector.shape_cast %get3A_747 : vector<1x16xf32> to vector<16xf32>
        %add3A_749 = arith.constant 32 : i32
        %add3A_750 = arith.addi %mul3A_205, %add3A_749 : i32
        %add3A_751 = arith.constant 2 : i32
        %add3A_752 = arith.addi %add3A_750, %add3A_751 : i32
        %get3A_753 = arith.constant 0 : i32
        %get3A_754 = arith.constant 0 : i32
        %get3A_755 = tpu.memref_slice %arg10[%scan3A_157, %get3A_753, %get3A_754] : memref<4x128x128xf32, #tpu.memory_space<vmem>> -> memref<1x128x128xf32, #tpu.memory_space<vmem>>
        %get3A_756 = tpu.memref_squeeze %get3A_755 : memref<1x128x128xf32, #tpu.memory_space<vmem>> -> memref<128x128xf32, #tpu.memory_space<vmem>>
        %get3A_757 = arith.index_cast %add3A_752 : i32 to index
        %get3A_758 = arith.index_cast %mul3A_203 : i32 to index
        %get3A_759 = tpu.vector_load %get3A_756[%get3A_757, %get3A_758] {strides = array<i32>} : memref<128x128xf32, #tpu.memory_space<vmem>>, vector<1x16xf32>,
        %get3A_760 = vector.shape_cast %get3A_759 : vector<1x16xf32> to vector<16xf32>
        %max3A_761 = arith.maximumf %get3A_748, %get3A_760 : vector<16xf32>
        %max3A_762 = arith.maximumf %max3A_724, %max3A_761 : vector<16xf32>
        %add3A_763 = arith.constant 16 : i32
        %add3A_764 = arith.addi %mul3A_205, %add3A_763 : i32
        %get3A_765 = arith.constant 0 : i32
        %get3A_766 = arith.constant 0 : i32
        %get3A_767 = tpu.memref_slice %arg10[%scan3A_157, %get3A_765, %get3A_766] : memref<4x128x128xf32, #tpu.memory_space<vmem>> -> memref<1x128x128xf32, #tpu.memory_space<vmem>>
        %get3A_768 = tpu.memref_squeeze %get3A_767 : memref<1x128x128xf32, #tpu.memory_space<vmem>> -> memref<128x128xf32, #tpu.memory_space<vmem>>
        %get3A_769 = arith.index_cast %add3A_764 : i32 to index
        %get3A_770 = arith.index_cast %mul3A_203 : i32 to index
        %get3A_771 = tpu.vector_load %get3A_768[%get3A_769, %get3A_770] {strides = array<i32>} : memref<128x128xf32, #tpu.memory_space<vmem>>, vector<1x16xf32>,
        %get3A_772 = vector.shape_cast %get3A_771 : vector<1x16xf32> to vector<16xf32>
        %add3A_773 = arith.addf %get3A_772, %get3A_748 : vector<16xf32>
        %add3A_774 = arith.addf %add3A_773, %get3A_760 : vector<16xf32>
        %add3A_775 = arith.constant 30 : i32
        %add3A_776 = arith.addi %mul3A_205, %add3A_775 : i32
        %add3A_777 = arith.constant 1 : i32
        %add3A_778 = arith.addi %add3A_776, %add3A_777 : i32
        %get3A_779 = arith.constant 0 : i32
        %get3A_780 = arith.constant 0 : i32
        %get3A_781 = tpu.memref_slice %arg10[%scan3A_157, %get3A_779, %get3A_780] : memref<4x128x128xf32, #tpu.memory_space<vmem>> -> memref<1x128x128xf32, #tpu.memory_space<vmem>>
        %get3A_782 = tpu.memref_squeeze %get3A_781 : memref<1x128x128xf32, #tpu.memory_space<vmem>> -> memref<128x128xf32, #tpu.memory_space<vmem>>
        %get3A_783 = arith.index_cast %add3A_778 : i32 to index
        %get3A_784 = arith.index_cast %mul3A_203 : i32 to index
        %get3A_785 = tpu.vector_load %get3A_782[%get3A_783, %get3A_784] {strides = array<i32>} : memref<128x128xf32, #tpu.memory_space<vmem>>, vector<1x16xf32>,
        %get3A_786 = vector.shape_cast %get3A_785 : vector<1x16xf32> to vector<16xf32>
        %add3A_787 = arith.constant 30 : i32
        %add3A_788 = arith.addi %mul3A_205, %add3A_787 : i32
        %add3A_789 = arith.constant 2 : i32
        %add3A_790 = arith.addi %add3A_788, %add3A_789 : i32
        %get3A_791 = arith.constant 0 : i32
        %get3A_792 = arith.constant 0 : i32
        %get3A_793 = tpu.memref_slice %arg10[%scan3A_157, %get3A_791, %get3A_792] : memref<4x128x128xf32, #tpu.memory_space<vmem>> -> memref<1x128x128xf32, #tpu.memory_space<vmem>>
        %get3A_794 = tpu.memref_squeeze %get3A_793 : memref<1x128x128xf32, #tpu.memory_space<vmem>> -> memref<128x128xf32, #tpu.memory_space<vmem>>
        %get3A_795 = arith.index_cast %add3A_790 : i32 to index
        %get3A_796 = arith.index_cast %mul3A_203 : i32 to index
        %get3A_797 = tpu.vector_load %get3A_794[%get3A_795, %get3A_796] {strides = array<i32>} : memref<128x128xf32, #tpu.memory_space<vmem>>, vector<1x16xf32>,
        %get3A_798 = vector.shape_cast %get3A_797 : vector<1x16xf32> to vector<16xf32>
        %max3A_799 = arith.maximumf %get3A_786, %get3A_798 : vector<16xf32>
        %max3A_800 = arith.maximumf %max3A_762, %max3A_799 : vector<16xf32>
        %add3A_801 = arith.constant 15 : i32
        %add3A_802 = arith.addi %mul3A_205, %add3A_801 : i32
        %get3A_803 = arith.constant 0 : i32
        %get3A_804 = arith.constant 0 : i32
        %get3A_805 = tpu.memref_slice %arg10[%scan3A_157, %get3A_803, %get3A_804] : memref<4x128x128xf32, #tpu.memory_space<vmem>> -> memref<1x128x128xf32, #tpu.memory_space<vmem>>
        %get3A_806 = tpu.memref_squeeze %get3A_805 : memref<1x128x128xf32, #tpu.memory_space<vmem>> -> memref<128x128xf32, #tpu.memory_space<vmem>>
        %get3A_807 = arith.index_cast %add3A_802 : i32 to index
        %get3A_808 = arith.index_cast %mul3A_203 : i32 to index
        %get3A_809 = tpu.vector_load %get3A_806[%get3A_807, %get3A_808] {strides = array<i32>} : memref<128x128xf32, #tpu.memory_space<vmem>>, vector<1x16xf32>,
        %get3A_810 = vector.shape_cast %get3A_809 : vector<1x16xf32> to vector<16xf32>
        %add3A_811 = arith.addf %get3A_810, %get3A_786 : vector<16xf32>
        %add3A_812 = arith.addf %add3A_811, %get3A_798 : vector<16xf32>
        %max3A_813 = arith.maximumf %add3A_280, %add3A_242 : vector<16xf32>
        %max3A_814 = arith.maximumf %max3A_800, %max3A_813 : vector<16xf32>
        %add3A_815 = arith.constant 14 : i32
        %add3A_816 = arith.addi %mul3A_205, %add3A_815 : i32
        %get3A_817 = arith.constant 0 : i32
        %get3A_818 = arith.constant 0 : i32
        %get3A_819 = tpu.memref_slice %arg10[%scan3A_157, %get3A_817, %get3A_818] : memref<4x128x128xf32, #tpu.memory_space<vmem>> -> memref<1x128x128xf32, #tpu.memory_space<vmem>>
        %get3A_820 = tpu.memref_squeeze %get3A_819 : memref<1x128x128xf32, #tpu.memory_space<vmem>> -> memref<128x128xf32, #tpu.memory_space<vmem>>
        %get3A_821 = arith.index_cast %add3A_816 : i32 to index
        %get3A_822 = arith.index_cast %mul3A_203 : i32 to index
        %get3A_823 = tpu.vector_load %get3A_820[%get3A_821, %get3A_822] {strides = array<i32>} : memref<128x128xf32, #tpu.memory_space<vmem>>, vector<1x16xf32>,
        %get3A_824 = vector.shape_cast %get3A_823 : vector<1x16xf32> to vector<16xf32>
        %add3A_825 = arith.addf %get3A_824, %add3A_280 : vector<16xf32>
        %add3A_826 = arith.addf %add3A_825, %add3A_242 : vector<16xf32>
        %max3A_827 = arith.maximumf %add3A_356, %add3A_318 : vector<16xf32>
        %max3A_828 = arith.maximumf %max3A_814, %max3A_827 : vector<16xf32>
        %add3A_829 = arith.constant 13 : i32
        %add3A_830 = arith.addi %mul3A_205, %add3A_829 : i32
        %get3A_831 = arith.constant 0 : i32
        %get3A_832 = arith.constant 0 : i32
        %get3A_833 = tpu.memref_slice %arg10[%scan3A_157, %get3A_831, %get3A_832] : memref<4x128x128xf32, #tpu.memory_space<vmem>> -> memref<1x128x128xf32, #tpu.memory_space<vmem>>
        %get3A_834 = tpu.memref_squeeze %get3A_833 : memref<1x128x128xf32, #tpu.memory_space<vmem>> -> memref<128x128xf32, #tpu.memory_space<vmem>>
        %get3A_835 = arith.index_cast %add3A_830 : i32 to index
        %get3A_836 = arith.index_cast %mul3A_203 : i32 to index
        %get3A_837 = tpu.vector_load %get3A_834[%get3A_835, %get3A_836] {strides = array<i32>} : memref<128x128xf32, #tpu.memory_space<vmem>>, vector<1x16xf32>,
        %get3A_838 = vector.shape_cast %get3A_837 : vector<1x16xf32> to vector<16xf32>
        %add3A_839 = arith.addf %get3A_838, %add3A_356 : vector<16xf32>
        %add3A_840 = arith.addf %add3A_839, %add3A_318 : vector<16xf32>
        %max3A_841 = arith.maximumf %add3A_432, %add3A_394 : vector<16xf32>
        %max3A_842 = arith.maximumf %max3A_828, %max3A_841 : vector<16xf32>
        %add3A_843 = arith.constant 12 : i32
        %add3A_844 = arith.addi %mul3A_205, %add3A_843 : i32
        %get3A_845 = arith.constant 0 : i32
        %get3A_846 = arith.constant 0 : i32
        %get3A_847 = tpu.memref_slice %arg10[%scan3A_157, %get3A_845, %get3A_846] : memref<4x128x128xf32, #tpu.memory_space<vmem>> -> memref<1x128x128xf32, #tpu.memory_space<vmem>>
        %get3A_848 = tpu.memref_squeeze %get3A_847 : memref<1x128x128xf32, #tpu.memory_space<vmem>> -> memref<128x128xf32, #tpu.memory_space<vmem>>
        %get3A_849 = arith.index_cast %add3A_844 : i32 to index
        %get3A_850 = arith.index_cast %mul3A_203 : i32 to index
        %get3A_851 = tpu.vector_load %get3A_848[%get3A_849, %get3A_850] {strides = array<i32>} : memref<128x128xf32, #tpu.memory_space<vmem>>, vector<1x16xf32>,
        %get3A_852 = vector.shape_cast %get3A_851 : vector<1x16xf32> to vector<16xf32>
        %add3A_853 = arith.addf %get3A_852, %add3A_432 : vector<16xf32>
        %add3A_854 = arith.addf %add3A_853, %add3A_394 : vector<16xf32>
        %max3A_855 = arith.maximumf %add3A_508, %add3A_470 : vector<16xf32>
        %max3A_856 = arith.maximumf %max3A_842, %max3A_855 : vector<16xf32>
        %add3A_857 = arith.constant 11 : i32
        %add3A_858 = arith.addi %mul3A_205, %add3A_857 : i32
        %get3A_859 = arith.constant 0 : i32
        %get3A_860 = arith.constant 0 : i32
        %get3A_861 = tpu.memref_slice %arg10[%scan3A_157, %get3A_859, %get3A_860] : memref<4x128x128xf32, #tpu.memory_space<vmem>> -> memref<1x128x128xf32, #tpu.memory_space<vmem>>
        %get3A_862 = tpu.memref_squeeze %get3A_861 : memref<1x128x128xf32, #tpu.memory_space<vmem>> -> memref<128x128xf32, #tpu.memory_space<vmem>>
        %get3A_863 = arith.index_cast %add3A_858 : i32 to index
        %get3A_864 = arith.index_cast %mul3A_203 : i32 to index
        %get3A_865 = tpu.vector_load %get3A_862[%get3A_863, %get3A_864] {strides = array<i32>} : memref<128x128xf32, #tpu.memory_space<vmem>>, vector<1x16xf32>,
        %get3A_866 = vector.shape_cast %get3A_865 : vector<1x16xf32> to vector<16xf32>
        %add3A_867 = arith.addf %get3A_866, %add3A_508 : vector<16xf32>
        %add3A_868 = arith.addf %add3A_867, %add3A_470 : vector<16xf32>
        %max3A_869 = arith.maximumf %add3A_584, %add3A_546 : vector<16xf32>
        %max3A_870 = arith.maximumf %max3A_856, %max3A_869 : vector<16xf32>
        %add3A_871 = arith.constant 10 : i32
        %add3A_872 = arith.addi %mul3A_205, %add3A_871 : i32
        %get3A_873 = arith.constant 0 : i32
        %get3A_874 = arith.constant 0 : i32
        %get3A_875 = tpu.memref_slice %arg10[%scan3A_157, %get3A_873, %get3A_874] : memref<4x128x128xf32, #tpu.memory_space<vmem>> -> memref<1x128x128xf32, #tpu.memory_space<vmem>>
        %get3A_876 = tpu.memref_squeeze %get3A_875 : memref<1x128x128xf32, #tpu.memory_space<vmem>> -> memref<128x128xf32, #tpu.memory_space<vmem>>
        %get3A_877 = arith.index_cast %add3A_872 : i32 to index
        %get3A_878 = arith.index_cast %mul3A_203 : i32 to index
        %get3A_879 = tpu.vector_load %get3A_876[%get3A_877, %get3A_878] {strides = array<i32>} : memref<128x128xf32, #tpu.memory_space<vmem>>, vector<1x16xf32>,
        %get3A_880 = vector.shape_cast %get3A_879 : vector<1x16xf32> to vector<16xf32>
        %add3A_881 = arith.addf %get3A_880, %add3A_584 : vector<16xf32>
        %add3A_882 = arith.addf %add3A_881, %add3A_546 : vector<16xf32>
        %max3A_883 = arith.maximumf %add3A_660, %add3A_622 : vector<16xf32>
        %max3A_884 = arith.maximumf %max3A_870, %max3A_883 : vector<16xf32>
        %add3A_885 = arith.constant 9 : i32
        %add3A_886 = arith.addi %mul3A_205, %add3A_885 : i32
        %get3A_887 = arith.constant 0 : i32
        %get3A_888 = arith.constant 0 : i32
        %get3A_889 = tpu.memref_slice %arg10[%scan3A_157, %get3A_887, %get3A_888] : memref<4x128x128xf32, #tpu.memory_space<vmem>> -> memref<1x128x128xf32, #tpu.memory_space<vmem>>
        %get3A_890 = tpu.memref_squeeze %get3A_889 : memref<1x128x128xf32, #tpu.memory_space<vmem>> -> memref<128x128xf32, #tpu.memory_space<vmem>>
        %get3A_891 = arith.index_cast %add3A_886 : i32 to index
        %get3A_892 = arith.index_cast %mul3A_203 : i32 to index
        %get3A_893 = tpu.vector_load %get3A_890[%get3A_891, %get3A_892] {strides = array<i32>} : memref<128x128xf32, #tpu.memory_space<vmem>>, vector<1x16xf32>,
        %get3A_894 = vector.shape_cast %get3A_893 : vector<1x16xf32> to vector<16xf32>
        %add3A_895 = arith.addf %get3A_894, %add3A_660 : vector<16xf32>
        %add3A_896 = arith.addf %add3A_895, %add3A_622 : vector<16xf32>
        %max3A_897 = arith.maximumf %add3A_736, %add3A_698 : vector<16xf32>
        %max3A_898 = arith.maximumf %max3A_884, %max3A_897 : vector<16xf32>
        %add3A_899 = arith.constant 8 : i32
        %add3A_900 = arith.addi %mul3A_205, %add3A_899 : i32
        %get3A_901 = arith.constant 0 : i32
        %get3A_902 = arith.constant 0 : i32
        %get3A_903 = tpu.memref_slice %arg10[%scan3A_157, %get3A_901, %get3A_902] : memref<4x128x128xf32, #tpu.memory_space<vmem>> -> memref<1x128x128xf32, #tpu.memory_space<vmem>>
        %get3A_904 = tpu.memref_squeeze %get3A_903 : memref<1x128x128xf32, #tpu.memory_space<vmem>> -> memref<128x128xf32, #tpu.memory_space<vmem>>
        %get3A_905 = arith.index_cast %add3A_900 : i32 to index
        %get3A_906 = arith.index_cast %mul3A_203 : i32 to index
        %get3A_907 = tpu.vector_load %get3A_904[%get3A_905, %get3A_906] {strides = array<i32>} : memref<128x128xf32, #tpu.memory_space<vmem>>, vector<1x16xf32>,
        %get3A_908 = vector.shape_cast %get3A_907 : vector<1x16xf32> to vector<16xf32>
        %add3A_909 = arith.addf %get3A_908, %add3A_736 : vector<16xf32>
        %add3A_910 = arith.addf %add3A_909, %add3A_698 : vector<16xf32>
        %max3A_911 = arith.maximumf %add3A_812, %add3A_774 : vector<16xf32>
        %max3A_912 = arith.maximumf %max3A_898, %max3A_911 : vector<16xf32>
        %add3A_913 = arith.constant 7 : i32
        %add3A_914 = arith.addi %mul3A_205, %add3A_913 : i32
        %get3A_915 = arith.constant 0 : i32
        %get3A_916 = arith.constant 0 : i32
        %get3A_917 = tpu.memref_slice %arg10[%scan3A_157, %get3A_915, %get3A_916] : memref<4x128x128xf32, #tpu.memory_space<vmem>> -> memref<1x128x128xf32, #tpu.memory_space<vmem>>
        %get3A_918 = tpu.memref_squeeze %get3A_917 : memref<1x128x128xf32, #tpu.memory_space<vmem>> -> memref<128x128xf32, #tpu.memory_space<vmem>>
        %get3A_919 = arith.index_cast %add3A_914 : i32 to index
        %get3A_920 = arith.index_cast %mul3A_203 : i32 to index
        %get3A_921 = tpu.vector_load %get3A_918[%get3A_919, %get3A_920] {strides = array<i32>} : memref<128x128xf32, #tpu.memory_space<vmem>>, vector<1x16xf32>,
        %get3A_922 = vector.shape_cast %get3A_921 : vector<1x16xf32> to vector<16xf32>
        %add3A_923 = arith.addf %get3A_922, %add3A_812 : vector<16xf32>
        %add3A_924 = arith.addf %add3A_923, %add3A_774 : vector<16xf32>
        %max3A_925 = arith.maximumf %add3A_840, %add3A_826 : vector<16xf32>
        %max3A_926 = arith.maximumf %max3A_912, %max3A_925 : vector<16xf32>
        %add3A_927 = arith.constant 6 : i32
        %add3A_928 = arith.addi %mul3A_205, %add3A_927 : i32
        %get3A_929 = arith.constant 0 : i32
        %get3A_930 = arith.constant 0 : i32
        %get3A_931 = tpu.memref_slice %arg10[%scan3A_157, %get3A_929, %get3A_930] : memref<4x128x128xf32, #tpu.memory_space<vmem>> -> memref<1x128x128xf32, #tpu.memory_space<vmem>>
        %get3A_932 = tpu.memref_squeeze %get3A_931 : memref<1x128x128xf32, #tpu.memory_space<vmem>> -> memref<128x128xf32, #tpu.memory_space<vmem>>
        %get3A_933 = arith.index_cast %add3A_928 : i32 to index
        %get3A_934 = arith.index_cast %mul3A_203 : i32 to index
        %get3A_935 = tpu.vector_load %get3A_932[%get3A_933, %get3A_934] {strides = array<i32>} : memref<128x128xf32, #tpu.memory_space<vmem>>, vector<1x16xf32>,
        %get3A_936 = vector.shape_cast %get3A_935 : vector<1x16xf32> to vector<16xf32>
        %add3A_937 = arith.addf %get3A_936, %add3A_840 : vector<16xf32>
        %add3A_938 = arith.addf %add3A_937, %add3A_826 : vector<16xf32>
        %max3A_939 = arith.maximumf %add3A_868, %add3A_854 : vector<16xf32>
        %max3A_940 = arith.maximumf %max3A_926, %max3A_939 : vector<16xf32>
        %add3A_941 = arith.constant 5 : i32
        %add3A_942 = arith.addi %mul3A_205, %add3A_941 : i32
        %get3A_943 = arith.constant 0 : i32
        %get3A_944 = arith.constant 0 : i32
        %get3A_945 = tpu.memref_slice %arg10[%scan3A_157, %get3A_943, %get3A_944] : memref<4x128x128xf32, #tpu.memory_space<vmem>> -> memref<1x128x128xf32, #tpu.memory_space<vmem>>
        %get3A_946 = tpu.memref_squeeze %get3A_945 : memref<1x128x128xf32, #tpu.memory_space<vmem>> -> memref<128x128xf32, #tpu.memory_space<vmem>>
        %get3A_947 = arith.index_cast %add3A_942 : i32 to index
        %get3A_948 = arith.index_cast %mul3A_203 : i32 to index
        %get3A_949 = tpu.vector_load %get3A_946[%get3A_947, %get3A_948] {strides = array<i32>} : memref<128x128xf32, #tpu.memory_space<vmem>>, vector<1x16xf32>,
        %get3A_950 = vector.shape_cast %get3A_949 : vector<1x16xf32> to vector<16xf32>
        %add3A_951 = arith.addf %get3A_950, %add3A_868 : vector<16xf32>
        %add3A_952 = arith.addf %add3A_951, %add3A_854 : vector<16xf32>
        %max3A_953 = arith.maximumf %add3A_896, %add3A_882 : vector<16xf32>
        %max3A_954 = arith.maximumf %max3A_940, %max3A_953 : vector<16xf32>
        %add3A_955 = arith.constant 4 : i32
        %add3A_956 = arith.addi %mul3A_205, %add3A_955 : i32
        %get3A_957 = arith.constant 0 : i32
        %get3A_958 = arith.constant 0 : i32
        %get3A_959 = tpu.memref_slice %arg10[%scan3A_157, %get3A_957, %get3A_958] : memref<4x128x128xf32, #tpu.memory_space<vmem>> -> memref<1x128x128xf32, #tpu.memory_space<vmem>>
        %get3A_960 = tpu.memref_squeeze %get3A_959 : memref<1x128x128xf32, #tpu.memory_space<vmem>> -> memref<128x128xf32, #tpu.memory_space<vmem>>
        %get3A_961 = arith.index_cast %add3A_956 : i32 to index
        %get3A_962 = arith.index_cast %mul3A_203 : i32 to index
        %get3A_963 = tpu.vector_load %get3A_960[%get3A_961, %get3A_962] {strides = array<i32>} : memref<128x128xf32, #tpu.memory_space<vmem>>, vector<1x16xf32>,
        %get3A_964 = vector.shape_cast %get3A_963 : vector<1x16xf32> to vector<16xf32>
        %add3A_965 = arith.addf %get3A_964, %add3A_896 : vector<16xf32>
        %add3A_966 = arith.addf %add3A_965, %add3A_882 : vector<16xf32>
        %max3A_967 = arith.maximumf %add3A_924, %add3A_910 : vector<16xf32>
        %max3A_968 = arith.maximumf %max3A_954, %max3A_967 : vector<16xf32>
        %add3A_969 = arith.constant 3 : i32
        %add3A_970 = arith.addi %mul3A_205, %add3A_969 : i32
        %get3A_971 = arith.constant 0 : i32
        %get3A_972 = arith.constant 0 : i32
        %get3A_973 = tpu.memref_slice %arg10[%scan3A_157, %get3A_971, %get3A_972] : memref<4x128x128xf32, #tpu.memory_space<vmem>> -> memref<1x128x128xf32, #tpu.memory_space<vmem>>
        %get3A_974 = tpu.memref_squeeze %get3A_973 : memref<1x128x128xf32, #tpu.memory_space<vmem>> -> memref<128x128xf32, #tpu.memory_space<vmem>>
        %get3A_975 = arith.index_cast %add3A_970 : i32 to index
        %get3A_976 = arith.index_cast %mul3A_203 : i32 to index
        %get3A_977 = tpu.vector_load %get3A_974[%get3A_975, %get3A_976] {strides = array<i32>} : memref<128x128xf32, #tpu.memory_space<vmem>>, vector<1x16xf32>,
        %get3A_978 = vector.shape_cast %get3A_977 : vector<1x16xf32> to vector<16xf32>
        %add3A_979 = arith.addf %get3A_978, %add3A_924 : vector<16xf32>
        %add3A_980 = arith.addf %add3A_979, %add3A_910 : vector<16xf32>
        %max3A_981 = arith.maximumf %add3A_952, %add3A_938 : vector<16xf32>
        %max3A_982 = arith.maximumf %max3A_968, %max3A_981 : vector<16xf32>
        %add3A_983 = arith.constant 2 : i32
        %add3A_984 = arith.addi %mul3A_205, %add3A_983 : i32
        %get3A_985 = arith.constant 0 : i32
        %get3A_986 = arith.constant 0 : i32
        %get3A_987 = tpu.memref_slice %arg10[%scan3A_157, %get3A_985, %get3A_986] : memref<4x128x128xf32, #tpu.memory_space<vmem>> -> memref<1x128x128xf32, #tpu.memory_space<vmem>>
        %get3A_988 = tpu.memref_squeeze %get3A_987 : memref<1x128x128xf32, #tpu.memory_space<vmem>> -> memref<128x128xf32, #tpu.memory_space<vmem>>
        %get3A_989 = arith.index_cast %add3A_984 : i32 to index
        %get3A_990 = arith.index_cast %mul3A_203 : i32 to index
        %get3A_991 = tpu.vector_load %get3A_988[%get3A_989, %get3A_990] {strides = array<i32>} : memref<128x128xf32, #tpu.memory_space<vmem>>, vector<1x16xf32>,
        %get3A_992 = vector.shape_cast %get3A_991 : vector<1x16xf32> to vector<16xf32>
        %add3A_993 = arith.addf %get3A_992, %add3A_952 : vector<16xf32>
        %add3A_994 = arith.addf %add3A_993, %add3A_938 : vector<16xf32>
        %max3A_995 = arith.maximumf %add3A_980, %add3A_966 : vector<16xf32>
        %max3A_996 = arith.maximumf %max3A_982, %max3A_995 : vector<16xf32>
        %add3A_997 = arith.constant 1 : i32
        %add3A_998 = arith.addi %mul3A_205, %add3A_997 : i32
        %get3A_999 = arith.constant 0 : i32
        %get3A_1000 = arith.constant 0 : i32
        %get3A_1001 = tpu.memref_slice %arg10[%scan3A_157, %get3A_999, %get3A_1000] : memref<4x128x128xf32, #tpu.memory_space<vmem>> -> memref<1x128x128xf32, #tpu.memory_space<vmem>>
        %get3A_1002 = tpu.memref_squeeze %get3A_1001 : memref<1x128x128xf32, #tpu.memory_space<vmem>> -> memref<128x128xf32, #tpu.memory_space<vmem>>
        %get3A_1003 = arith.index_cast %add3A_998 : i32 to index
        %get3A_1004 = arith.index_cast %mul3A_203 : i32 to index
        %get3A_1005 = tpu.vector_load %get3A_1002[%get3A_1003, %get3A_1004] {strides = array<i32>} : memref<128x128xf32, #tpu.memory_space<vmem>>, vector<1x16xf32>,
        %get3A_1006 = vector.shape_cast %get3A_1005 : vector<1x16xf32> to vector<16xf32>
        %add3A_1007 = arith.addf %get3A_1006, %add3A_980 : vector<16xf32>
        %add3A_1008 = arith.addf %add3A_1007, %add3A_966 : vector<16xf32>
        %max3A_1009 = arith.maximumf %add3A_1008, %add3A_994 : vector<16xf32>
        %max3A_1010 = arith.maximumf %max3A_996, %max3A_1009 : vector<16xf32>
        %add3A_1011 = arith.constant 0 : i32
        %add3A_1012 = arith.addi %mul3A_205, %add3A_1011 : i32
        %get3A_1013 = arith.constant 0 : i32
        %get3A_1014 = arith.constant 0 : i32
        %get3A_1015 = tpu.memref_slice %arg10[%scan3A_157, %get3A_1013, %get3A_1014] : memref<4x128x128xf32, #tpu.memory_space<vmem>> -> memref<1x128x128xf32, #tpu.memory_space<vmem>>
        %get3A_1016 = tpu.memref_squeeze %get3A_1015 : memref<1x128x128xf32, #tpu.memory_space<vmem>> -> memref<128x128xf32, #tpu.memory_space<vmem>>
        %get3A_1017 = arith.index_cast %add3A_1012 : i32 to index
        %get3A_1018 = arith.index_cast %mul3A_203 : i32 to index
        %get3A_1019 = tpu.vector_load %get3A_1016[%get3A_1017, %get3A_1018] {strides = array<i32>} : memref<128x128xf32, #tpu.memory_space<vmem>>, vector<1x16xf32>,
        %get3A_1020 = vector.shape_cast %get3A_1019 : vector<1x16xf32> to vector<16xf32>
        %add3A_1021 = arith.addf %get3A_1020, %add3A_1008 : vector<16xf32>
        %add3A_1022 = arith.addf %add3A_1021, %add3A_994 : vector<16xf32>
        %max3A_1023 = arith.maximumf %max3A_1010, %add3A_1022 : vector<16xf32>
        %mul3A_1024 = arith.constant 2 : i32
        %mul3A_1025 = arith.muli %add3A_144, %mul3A_1024 : i32
        %add3A_1026 = arith.addi %mul3A_1025, %select_n3A : i32
        %swap3A = arith.index_cast %add3A_1026 : i32 to index
        %swap3A_1027 = arith.index_cast %mul3A_203 : i32 to index
        %swap3A_1028 = tpu.vector_load %arg11[%swap3A, %swap3A_1027] {strides = array<i32>} : memref<64x128xf32, #tpu.memory_space<vmem>>, vector<1x16xf32>,
        %swap3A_1029 = vector.shape_cast %swap3A_1028 : vector<1x16xf32> to vector<16xf32>
        %swap3A_1030 = vector.shape_cast %max3A_1023 : vector<16xf32> to vector<1x16xf32>
        tpu.vector_store %arg11[%swap3A, %swap3A_1027], %swap3A_1030 {strides = array<i32>} : memref<64x128xf32, #tpu.memory_space<vmem>>, vector<1x16xf32>,
      }
      %scan3A_162 = arith.constant 16 : i32
      %add3A_163 = arith.constant 4 : i32
      %add3A_164 = arith.addi %add3A_144, %add3A_163 : i32
      %lt3A_165 = arith.constant 32 : i32
      %lt3A_166 = arith.cmpi slt, %add3A_164, %lt3A_165 : i32
      %convert_element_type3A_167 = arith.extui %lt3A_166 : i1 to i32
      %cond3A_168 = arith.constant 0 : i32
      %cond3A_169 = arith.cmpi ne, %convert_element_type3A_167, %cond3A_168 : i32
      scf.if %cond3A_169 {
        %add3A_170 = arith.constant 4 : i32
        %add3A_171 = arith.addi %add3A_144, %add3A_170 : i32
        %dma_start3A_172 = arith.constant 3 : i32
        %dma_start3A_173 = arith.constant 0 : i32
        %dma_start3A_174 = arith.constant 0 : i32
        %dma_start3A_175 = tpu.memref_slice %arg10[%dma_start3A_172, %dma_start3A_173, %dma_start3A_174] : memref<4x128x128xf32, #tpu.memory_space<vmem>> -> memref<1x128x128xf32, #tpu.memory_space<vmem>>
        %dma_start3A_176 = tpu.memref_squeeze %dma_start3A_175 : memref<1x128x128xf32, #tpu.memory_space<vmem>> -> memref<128x128xf32, #tpu.memory_space<vmem>>
        %dma_start3A_177 = arith.constant 0 : i32
        %dma_start3A_178 = tpu.memref_slice %arg8[%add3A_171, %dma_start3A_177] : memref<32x128xi32, #tpu.memory_space<vmem>> -> memref<1x128xi32, #tpu.memory_space<vmem>>
        %dma_start3A_179 = tpu.memref_squeeze %dma_start3A_178 : memref<1x128xi32, #tpu.memory_space<vmem>> -> memref<128xi32, #tpu.memory_space<vmem>>
        %dma_start3A_180 = arith.constant 0 : i32
        %dma_start3A_181 = arith.constant 0 : i32
        %dma_start3A_182 = tpu.memref_slice %arg2[%dma_start3A_180, %dma_start3A_181] : memref<100001x128xf32, #tpu.memory_space<hbm>> -> memref<100001x128xf32, #tpu.memory_space<hbm>>
        tpu.enqueue_indirect_dma source(%dma_start3A_182 : memref<100001x128xf32, #tpu.memory_space<hbm>>) target(%dma_start3A_176 : memref<128x128xf32, #tpu.memory_space<vmem>>) offsets(%dma_start3A_179 : memref<128xi32, #tpu.memory_space<vmem>>) semaphore(%arg16 : memref<!tpu.dma_semaphore, #tpu.memory_space<semaphore_mem>>)
      } else {
      }
    }
    %scan3A_55 = arith.constant 8 : i32
    %mul3A_56 = arith.constant 64 : i32
    %mul3A_57 = arith.muli %add3A, %mul3A_56 : i32
    "tpu.region"() ({
      %run_scoped3A = tpu.sem_alloc : memref<!tpu.dma_semaphore, #tpu.memory_space<semaphore_mem>>
      %dma_start3A_62 = arith.constant 0 : i32
      %dma_start3A_63 = tpu.memref_slice %arg6[%mul3A_57, %dma_start3A_62] : memref<2048x128xf32, #tpu.memory_space<hbm>> -> memref<64x128xf32, #tpu.memory_space<hbm>>
      %dma_start3A_64 = arith.constant 0 : i32
      %dma_start3A_65 = tpu.memref_slice %arg6[%mul3A_57, %dma_start3A_64] : memref<2048x128xf32, #tpu.memory_space<hbm>> -> memref<64x128xf32, #tpu.memory_space<hbm>>
      tpu.enqueue_dma source(%arg11 : memref<64x128xf32, #tpu.memory_space<vmem>>) target(%dma_start3A_65 : memref<64x128xf32, #tpu.memory_space<hbm>>) target_semaphore(%run_scoped3A : memref<!tpu.dma_semaphore, #tpu.memory_space<semaphore_mem>>)
      %dma_wait3A_66 = arith.constant 0 : i32
      %dma_wait3A_67 = tpu.memref_slice %arg6[%mul3A_57, %dma_wait3A_66] : memref<2048x128xf32, #tpu.memory_space<hbm>> -> memref<64x128xf32, #tpu.memory_space<hbm>>
      %dma_wait3A_68 = arith.constant 0 : i32
      %dma_wait3A_69 = tpu.memref_slice %arg6[%mul3A_57, %dma_wait3A_68] : memref<2048x128xf32, #tpu.memory_space<hbm>> -> memref<64x128xf32, #tpu.memory_space<hbm>>
      tpu.wait_dma2 semaphore(%run_scoped3A : memref<!tpu.dma_semaphore, #tpu.memory_space<semaphore_mem>>) src(%arg11 : memref<64x128xf32, #tpu.memory_space<vmem>>) dst(%dma_wait3A_69 : memref<64x128xf32, #tpu.memory_space<hbm>>)
      tpu.yield
    }) : () -> ()
    %dma_wait3A = arith.constant 0 : i32
    %dma_wait3A_58 = arith.constant 0 : i32
    %dma_wait3A_59 = tpu.memref_slice %arg3[%dma_wait3A, %dma_wait3A_58] : memref<100001x128xf32, #tpu.memory_space<hbm>> -> memref<100001x128xf32, #tpu.memory_space<hbm>>
    tpu.wait_indirect_dma semaphore(%arg17 : memref<!tpu.dma_semaphore, #tpu.memory_space<semaphore_mem>>) src(%dma_wait3A_59 : memref<100001x128xf32, #tpu.memory_space<hbm>>) dst(%arg12 : memref<64x128xf32, #tpu.memory_space<vmem>>)
    %mul3A_60 = arith.constant 40 : i32
    %mul3A_61 = arith.muli %add3A, %mul3A_60 : i32
    "tpu.region"() ({
      %run_scoped3A = tpu.sem_alloc : memref<!tpu.dma_semaphore, #tpu.memory_space<semaphore_mem>>
      %dma_start3A_62 = arith.constant 0 : i32
      %dma_start3A_63 = arith.constant 0 : i32
      %dma_start3A_64 = tpu.memref_slice %arg12[%dma_start3A_62, %dma_start3A_63] : memref<64x128xf32, #tpu.memory_space<vmem>> -> memref<40x128xf32, #tpu.memory_space<vmem>>
      %dma_start3A_65 = arith.constant 0 : i32
      %dma_start3A_66 = tpu.memref_slice %arg7[%mul3A_61, %dma_start3A_65] : memref<1280x128xf32, #tpu.memory_space<hbm>> -> memref<40x128xf32, #tpu.memory_space<hbm>>
      %dma_start3A_67 = arith.constant 0 : i32
      %dma_start3A_68 = tpu.memref_slice %arg7[%mul3A_61, %dma_start3A_67] : memref<1280x128xf32, #tpu.memory_space<hbm>> -> memref<40x128xf32, #tpu.memory_space<hbm>>
      %dma_start3A_69 = arith.constant 0 : i32
      %dma_start3A_70 = arith.constant 0 : i32
      %dma_start3A_71 = tpu.memref_slice %arg12[%dma_start3A_69, %dma_start3A_70] : memref<64x128xf32, #tpu.memory_space<vmem>> -> memref<40x128xf32, #tpu.memory_space<vmem>>
      tpu.enqueue_dma source(%dma_start3A_71 : memref<40x128xf32, #tpu.memory_space<vmem>>) target(%dma_start3A_68 : memref<40x128xf32, #tpu.memory_space<hbm>>) target_semaphore(%run_scoped3A : memref<!tpu.dma_semaphore, #tpu.memory_space<semaphore_mem>>)
      %dma_wait3A_72 = arith.constant 0 : i32
      %dma_wait3A_73 = arith.constant 0 : i32
      %dma_wait3A_74 = tpu.memref_slice %arg12[%dma_wait3A_72, %dma_wait3A_73] : memref<64x128xf32, #tpu.memory_space<vmem>> -> memref<40x128xf32, #tpu.memory_space<vmem>>
      %dma_wait3A_75 = arith.constant 0 : i32
      %dma_wait3A_76 = tpu.memref_slice %arg7[%mul3A_61, %dma_wait3A_75] : memref<1280x128xf32, #tpu.memory_space<hbm>> -> memref<40x128xf32, #tpu.memory_space<hbm>>
      %dma_wait3A_77 = arith.constant 0 : i32
      %dma_wait3A_78 = tpu.memref_slice %arg7[%mul3A_61, %dma_wait3A_77] : memref<1280x128xf32, #tpu.memory_space<hbm>> -> memref<40x128xf32, #tpu.memory_space<hbm>>
      %dma_wait3A_79 = arith.constant 0 : i32
      %dma_wait3A_80 = arith.constant 0 : i32
      %dma_wait3A_81 = tpu.memref_slice %arg12[%dma_wait3A_79, %dma_wait3A_80] : memref<64x128xf32, #tpu.memory_space<vmem>> -> memref<40x128xf32, #tpu.memory_space<vmem>>
      tpu.wait_dma2 semaphore(%run_scoped3A : memref<!tpu.dma_semaphore, #tpu.memory_space<semaphore_mem>>) src(%dma_wait3A_81 : memref<40x128xf32, #tpu.memory_space<vmem>>) dst(%dma_wait3A_78 : memref<40x128xf32, #tpu.memory_space<hbm>>)
      tpu.yield
    }) : () -> ()
    return
  }
}

module attributes {stable_mosaic.version = 14 : i64} {
  func.func @_tproj_body(%arg0: i32, %arg1: memref<16384x128xf32, #tpu.memory_space<vmem>>, %arg2: memref<128x128xf32, #tpu.memory_space<vmem>>, %arg3: memref<1x128xf32, #tpu.memory_space<vmem>>, %arg4: memref<16384x128xf32, #tpu.memory_space<vmem>>) attributes {dimension_semantics = [#tpu.dimension_semantics<arbitrary>], iteration_bounds = array<i64: 7>, scalar_prefetch = 0 : i64, scratch_operands = 0 : i64, tpu.core_type = #tpu.core_type<tc>, window_params = [{transform_indices = @transform_0, window_bounds = array<i64: 16384, 128>}, {pipeline_mode = #tpu.pipeline_mode<synchronous>, transform_indices = @transform_1, window_bounds = array<i64: 128, 128>}, {pipeline_mode = #tpu.pipeline_mode<synchronous>, transform_indices = @transform_2, window_bounds = array<i64: 1, 128>}, {transform_indices = @transform_3, window_bounds = array<i64: 16384, 128>}]} {
    %get3A = arith.constant 0 : index
    %get3A_0 = arith.constant 0 : index
    %get3A_1 = vector.load %arg1[%get3A, %get3A_0] : memref<16384x128xf32, #tpu.memory_space<vmem>>, vector<16384x128xf32>
    %get3A_2 = arith.constant 0 : index
    %get3A_3 = arith.constant 0 : index
    %get3A_4 = vector.load %arg2[%get3A_2, %get3A_3] : memref<128x128xf32, #tpu.memory_space<vmem>>, vector<128x128xf32>
    %dot_general3A = arith.constant dense<0.000000e+00> : vector<16384x128xf32>
    %dot_general3A_5 = tpu.matmul %get3A_1, %get3A_4, %dot_general3A {dimension_numbers = #tpu.dot_dimension_numbers<[1], [1], [0], [0], [0, 0, 1, 0], [], []>, transpose_lhs_hint = false} : vector<16384x128xf32>, vector<128x128xf32>, vector<16384x128xf32> -> vector<16384x128xf32>
    %get3A_6 = arith.constant 0 : index
    %get3A_7 = arith.constant 0 : index
    %get3A_8 = vector.load %arg3[%get3A_6, %get3A_7] : memref<1x128xf32, #tpu.memory_space<vmem>>, vector<1x128xf32>
    %add3A = vector.broadcast %get3A_8 : vector<1x128xf32> to vector<16384x128xf32>
    %add3A_9 = arith.addf %dot_general3A_5, %add3A : vector<16384x128xf32>
    %swap3A = arith.constant 0 : index
    %swap3A_10 = arith.constant 0 : index
    %swap3A_11 = vector.load %arg4[%swap3A, %swap3A_10] : memref<16384x128xf32, #tpu.memory_space<vmem>>, vector<16384x128xf32>
    tpu.vector_store %arg4[%swap3A, %swap3A_10], %add3A_9 {strides = array<i32>} : memref<16384x128xf32, #tpu.memory_space<vmem>>, vector<16384x128xf32>,
    return
  }
  func.func @transform_0(%arg0: i32) -> (i32, i32) {
    %c0_i32 = arith.constant 0 : i32
    %c0_i32_0 = arith.constant 0 : i32
    return %arg0, %c0_i32 : i32, i32
  }
  func.func @transform_1(%arg0: i32) -> (i32, i32) {
    %c0_i32 = arith.constant 0 : i32
    %c0_i32_0 = arith.constant 0 : i32
    %c0_i32_1 = arith.constant 0 : i32
    return %c0_i32, %c0_i32_0 : i32, i32
  }
  func.func @transform_2(%arg0: i32) -> (i32, i32) {
    %c0_i32 = arith.constant 0 : i32
    %c0_i32_0 = arith.constant 0 : i32
    %c0_i32_1 = arith.constant 0 : i32
    return %c0_i32, %c0_i32_0 : i32, i32
  }
  func.func @transform_3(%arg0: i32) -> (i32, i32) {
    %c0_i32 = arith.constant 0 : i32
    %c0_i32_0 = arith.constant 0 : i32
    return %arg0, %c0_i32 : i32, i32
  }
}

module attributes {stable_mosaic.version = 14 : i64} {
  func.func @_head_body(%arg0: memref<2048x128xf32, #tpu.memory_space<vmem>>, %arg1: memref<64x20x128xf32, #tpu.memory_space<vmem>>, %arg2: memref<384x128xbf16, #tpu.memory_space<vmem>>, %arg3: memref<384x128xbf16, #tpu.memory_space<vmem>>, %arg4: memref<1x384xf32, #tpu.memory_space<vmem>>, %arg5: memref<1x384xf32, #tpu.memory_space<vmem>>, %arg6: memref<384x128xbf16, #tpu.memory_space<vmem>>, %arg7: memref<384x128xbf16, #tpu.memory_space<vmem>>, %arg8: memref<1x384xf32, #tpu.memory_space<vmem>>, %arg9: memref<1x384xf32, #tpu.memory_space<vmem>>, %arg10: memref<128x256xbf16, #tpu.memory_space<vmem>>, %arg11: memref<1x128xf32, #tpu.memory_space<vmem>>, %arg12: memref<128x128xf32, #tpu.memory_space<vmem>>, %arg13: memref<64x128xf32, #tpu.memory_space<vmem>>, %arg14: memref<64x128xf32, #tpu.memory_space<vmem>>, %arg15: memref<32x64x384xf32, #tpu.memory_space<vmem>>, %arg16: memref<32x64x384xf32, #tpu.memory_space<vmem>>) attributes {dimension_semantics = [], scalar_prefetch = 0 : i64, scratch_operands = 2 : i64, tpu.core_type = #tpu.core_type<tc>} {
    %get3A = arith.constant 0 : index
    %get3A_0 = arith.constant 0 : index
    %get3A_1 = vector.load %arg0[%get3A, %get3A_0] : memref<2048x128xf32, #tpu.memory_space<vmem>>, vector<2048x128xf32>
    %reshape3A = vector.shape_cast %get3A_1 : vector<2048x128xf32> to vector<64x32x128xf32>
    %transpose3A = tpu.transpose %reshape3A, [1, 0, 2] : vector<64x32x128xf32> -> vector<32x64x128xf32>
    %reshape3A_2 = vector.shape_cast %transpose3A : vector<32x64x128xf32> to vector<2048x128xf32>
    %convert_element_type3A = arith.truncf %reshape3A_2 : vector<2048x128xf32> to vector<2048x128xbf16>
    %get3A_3 = arith.constant 0 : index
    %get3A_4 = arith.constant 0 : index
    %get3A_5 = vector.load %arg2[%get3A_3, %get3A_4] : memref<384x128xbf16, #tpu.memory_space<vmem>>, vector<384x128xbf16>
    %dot_general3A = arith.constant dense<0.000000e+00> : vector<2048x384xf32>
    %dot_general3A_6 = tpu.matmul %convert_element_type3A, %get3A_5, %dot_general3A {dimension_numbers = #tpu.dot_dimension_numbers<[1], [1], [0], [0], [0, 0, 1, 0], [], []>, transpose_lhs_hint = false} : vector<2048x128xbf16>, vector<384x128xbf16>, vector<2048x384xf32> -> vector<2048x384xf32>
    %get3A_7 = arith.constant 0 : index
    %get3A_8 = arith.constant 0 : index
    %get3A_9 = vector.load %arg4[%get3A_7, %get3A_8] : memref<1x384xf32, #tpu.memory_space<vmem>>, vector<1x384xf32>
    %add3A = vector.broadcast %get3A_9 : vector<1x384xf32> to vector<2048x384xf32>
    %add3A_10 = arith.addf %dot_general3A_6, %add3A : vector<2048x384xf32>
    %reshape3A_11 = vector.shape_cast %add3A_10 : vector<2048x384xf32> to vector<32x64x384xf32>
    %swap3A = arith.constant 0 : index
    %swap3A_12 = arith.constant 0 : index
    %swap3A_13 = arith.constant 0 : index
    %swap3A_14 = vector.load %arg15[%swap3A, %swap3A_12, %swap3A_13] : memref<32x64x384xf32, #tpu.memory_space<vmem>>, vector<32x64x384xf32>
    tpu.vector_store %arg15[%swap3A, %swap3A_12, %swap3A_13], %reshape3A_11 {strides = array<i32>} : memref<32x64x384xf32, #tpu.memory_space<vmem>>, vector<32x64x384xf32>,
    %get3A_15 = arith.constant 0 : index
    %get3A_16 = arith.constant 0 : index
    %get3A_17 = vector.load %arg6[%get3A_15, %get3A_16] : memref<384x128xbf16, #tpu.memory_space<vmem>>, vector<384x128xbf16>
    %dot_general3A_18 = arith.constant dense<0.000000e+00> : vector<2048x384xf32>
    %dot_general3A_19 = tpu.matmul %convert_element_type3A, %get3A_17, %dot_general3A_18 {dimension_numbers = #tpu.dot_dimension_numbers<[1], [1], [0], [0], [0, 0, 1, 0], [], []>, transpose_lhs_hint = false} : vector<2048x128xbf16>, vector<384x128xbf16>, vector<2048x384xf32> -> vector<2048x384xf32>
    %get3A_20 = arith.constant 0 : index
    %get3A_21 = arith.constant 0 : index
    %get3A_22 = vector.load %arg8[%get3A_20, %get3A_21] : memref<1x384xf32, #tpu.memory_space<vmem>>, vector<1x384xf32>
    %add3A_23 = vector.broadcast %get3A_22 : vector<1x384xf32> to vector<2048x384xf32>
    %add3A_24 = arith.addf %dot_general3A_19, %add3A_23 : vector<2048x384xf32>
    %reshape3A_25 = vector.shape_cast %add3A_24 : vector<2048x384xf32> to vector<32x64x384xf32>
    %swap3A_26 = arith.constant 0 : index
    %swap3A_27 = arith.constant 0 : index
    %swap3A_28 = arith.constant 0 : index
    %swap3A_29 = vector.load %arg16[%swap3A_26, %swap3A_27, %swap3A_28] : memref<32x64x384xf32, #tpu.memory_space<vmem>>, vector<32x64x384xf32>
    tpu.vector_store %arg16[%swap3A_26, %swap3A_27, %swap3A_28], %reshape3A_25 {strides = array<i32>} : memref<32x64x384xf32, #tpu.memory_space<vmem>>, vector<32x64x384xf32>,
    %get3A_30 = arith.constant 0 : index
    %get3A_31 = arith.constant 0 : index
    %get3A_32 = vector.load %arg3[%get3A_30, %get3A_31] : memref<384x128xbf16, #tpu.memory_space<vmem>>, vector<384x128xbf16>
    %get3A_33 = arith.constant 0 : index
    %get3A_34 = arith.constant 0 : index
    %get3A_35 = vector.load %arg7[%get3A_33, %get3A_34] : memref<384x128xbf16, #tpu.memory_space<vmem>>, vector<384x128xbf16>
    %get3A_36 = arith.constant 0 : index
    %get3A_37 = arith.constant 0 : index
    %get3A_38 = vector.load %arg5[%get3A_36, %get3A_37] : memref<1x384xf32, #tpu.memory_space<vmem>>, vector<1x384xf32>
    %get3A_39 = arith.constant 0 : index
    %get3A_40 = arith.constant 0 : index
    %get3A_41 = vector.load %arg9[%get3A_39, %get3A_40] : memref<1x384xf32, #tpu.memory_space<vmem>>, vector<1x384xf32>
    %broadcast_in_dim3A = arith.constant 0.000000e+00 : f32
    %broadcast_in_dim3A_42 = vector.broadcast %broadcast_in_dim3A : f32 to vector<64x128xf32>
    %broadcast_in_dim3A_43 = arith.constant 0xFF800000 : f32
    %broadcast_in_dim3A_44 = vector.broadcast %broadcast_in_dim3A_43 : f32 to vector<64x128xf32>
    %scan3A = arith.constant 0 : i32
    %scan3A_45 = arith.constant 32 : i32
    %scan3A_46 = arith.addi %scan3A, %scan3A_45 : i32
    %scan3A_47 = arith.constant 1 : i32
    %scan3A_48:4 = scf.for %scan3A_103 = %scan3A to %scan3A_46 step %scan3A_47 iter_args(%scan3A_104 = %broadcast_in_dim3A_42, %scan3A_105 = %broadcast_in_dim3A_42, %scan3A_106 = %broadcast_in_dim3A_44, %scan3A_107 = %broadcast_in_dim3A_44) -> (vector<64x128xf32>, vector<64x128xf32>, vector<64x128xf32>, vector<64x128xf32>)  : i32 {
      %convert_element_type3A_108 = arith.truncf %scan3A_104 : vector<64x128xf32> to vector<64x128xbf16>
      %dot_general3A_109 = arith.constant dense<0.000000e+00> : vector<64x384xf32>
      %dot_general3A_110 = tpu.matmul %convert_element_type3A_108, %get3A_32, %dot_general3A_109 {dimension_numbers = #tpu.dot_dimension_numbers<[1], [1], [0], [0], [0, 0, 1, 0], [], []>, transpose_lhs_hint = false} : vector<64x128xbf16>, vector<384x128xbf16>, vector<64x384xf32> -> vector<64x384xf32>
      %add3A_111 = vector.broadcast %get3A_38 : vector<1x384xf32> to vector<64x384xf32>
      %add3A_112 = arith.addf %dot_general3A_110, %add3A_111 : vector<64x384xf32>
      %convert_element_type3A_113 = arith.truncf %scan3A_105 : vector<64x128xf32> to vector<64x128xbf16>
      %dot_general3A_114 = arith.constant dense<0.000000e+00> : vector<64x384xf32>
      %dot_general3A_115 = tpu.matmul %convert_element_type3A_113, %get3A_35, %dot_general3A_114 {dimension_numbers = #tpu.dot_dimension_numbers<[1], [1], [0], [0], [0, 0, 1, 0], [], []>, transpose_lhs_hint = false} : vector<64x128xbf16>, vector<384x128xbf16>, vector<64x384xf32> -> vector<64x384xf32>
      %add3A_116 = vector.broadcast %get3A_41 : vector<1x384xf32> to vector<64x384xf32>
      %add3A_117 = arith.addf %dot_general3A_115, %add3A_116 : vector<64x384xf32>
      %get3A_118 = arith.index_cast %scan3A_103 : i32 to index
      %get3A_119 = arith.constant 0 : index
      %get3A_120 = arith.constant 0 : index
      %get3A_121 = vector.load %arg15[%get3A_118, %get3A_119, %get3A_120] : memref<32x64x384xf32, #tpu.memory_space<vmem>>, vector<1x64x384xf32>
      %get3A_122 = vector.shape_cast %get3A_121 : vector<1x64x384xf32> to vector<64x384xf32>
      %slice3A_123 = vector.extract_strided_slice %get3A_122 {offsets = [0, 0], sizes = [64, 128], strides = [1, 1]} : vector<64x384xf32> to vector<64x128xf32>
      %slice3A_124 = vector.extract_strided_slice %add3A_112 {offsets = [0, 0], sizes = [64, 128], strides = [1, 1]} : vector<64x384xf32> to vector<64x128xf32>
      %add3A_125 = arith.addf %slice3A_123, %slice3A_124 : vector<64x128xf32>
      %logistic3A = arith.negf %add3A_125 : vector<64x128xf32>
      %logistic3A_126 = math.exp %logistic3A : vector<64x128xf32>
      %logistic3A_127 = arith.constant 1.000000e+00 : f32
      %logistic3A_128 = vector.broadcast %logistic3A_127 : f32 to vector<64x128xf32>
      %logistic3A_129 = arith.addf %logistic3A_128, %logistic3A_126 : vector<64x128xf32>
      %logistic3A_130 = arith.divf %logistic3A_128, %logistic3A_129 : vector<64x128xf32>
      %slice3A_131 = vector.extract_strided_slice %get3A_122 {offsets = [0, 128], sizes = [64, 128], strides = [1, 1]} : vector<64x384xf32> to vector<64x128xf32>
      %slice3A_132 = vector.extract_strided_slice %add3A_112 {offsets = [0, 128], sizes = [64, 128], strides = [1, 1]} : vector<64x384xf32> to vector<64x128xf32>
      %add3A_133 = arith.addf %slice3A_131, %slice3A_132 : vector<64x128xf32>
      %logistic3A_134 = arith.negf %add3A_133 : vector<64x128xf32>
      %logistic3A_135 = math.exp %logistic3A_134 : vector<64x128xf32>
      %logistic3A_136 = arith.constant 1.000000e+00 : f32
      %logistic3A_137 = vector.broadcast %logistic3A_136 : f32 to vector<64x128xf32>
      %logistic3A_138 = arith.addf %logistic3A_137, %logistic3A_135 : vector<64x128xf32>
      %logistic3A_139 = arith.divf %logistic3A_137, %logistic3A_138 : vector<64x128xf32>
      %slice3A_140 = vector.extract_strided_slice %get3A_122 {offsets = [0, 256], sizes = [64, 128], strides = [1, 1]} : vector<64x384xf32> to vector<64x128xf32>
      %slice3A_141 = vector.extract_strided_slice %add3A_112 {offsets = [0, 256], sizes = [64, 128], strides = [1, 1]} : vector<64x384xf32> to vector<64x128xf32>
      %mul3A_142 = arith.mulf %logistic3A_130, %slice3A_141 : vector<64x128xf32>
      %add3A_143 = arith.addf %slice3A_140, %mul3A_142 : vector<64x128xf32>
      %tanh3A = math.tanh %add3A_143 : vector<64x128xf32>
      %sub3A_144 = arith.constant 1.000000e+00 : f32
      %sub3A_145 = vector.broadcast %sub3A_144 : f32 to vector<64x128xf32>
      %sub3A_146 = arith.subf %sub3A_145, %logistic3A_139 : vector<64x128xf32>
      %mul3A_147 = arith.mulf %sub3A_146, %tanh3A : vector<64x128xf32>
      %mul3A_148 = arith.mulf %logistic3A_139, %scan3A_104 : vector<64x128xf32>
      %add3A_149 = arith.addf %mul3A_147, %mul3A_148 : vector<64x128xf32>
      %sub3A_150 = arith.constant 31 : i32
      %sub3A_151 = arith.subi %sub3A_150, %scan3A_103 : i32
      %get3A_152 = arith.index_cast %sub3A_151 : i32 to index
      %get3A_153 = arith.constant 0 : index
      %get3A_154 = arith.constant 0 : index
      %get3A_155 = vector.load %arg16[%get3A_152, %get3A_153, %get3A_154] : memref<32x64x384xf32, #tpu.memory_space<vmem>>, vector<1x64x384xf32>
      %get3A_156 = vector.shape_cast %get3A_155 : vector<1x64x384xf32> to vector<64x384xf32>
      %slice3A_157 = vector.extract_strided_slice %get3A_156 {offsets = [0, 0], sizes = [64, 128], strides = [1, 1]} : vector<64x384xf32> to vector<64x128xf32>
      %slice3A_158 = vector.extract_strided_slice %add3A_117 {offsets = [0, 0], sizes = [64, 128], strides = [1, 1]} : vector<64x384xf32> to vector<64x128xf32>
      %add3A_159 = arith.addf %slice3A_157, %slice3A_158 : vector<64x128xf32>
      %logistic3A_160 = arith.negf %add3A_159 : vector<64x128xf32>
      %logistic3A_161 = math.exp %logistic3A_160 : vector<64x128xf32>
      %logistic3A_162 = arith.constant 1.000000e+00 : f32
      %logistic3A_163 = vector.broadcast %logistic3A_162 : f32 to vector<64x128xf32>
      %logistic3A_164 = arith.addf %logistic3A_163, %logistic3A_161 : vector<64x128xf32>
      %logistic3A_165 = arith.divf %logistic3A_163, %logistic3A_164 : vector<64x128xf32>
      %slice3A_166 = vector.extract_strided_slice %get3A_156 {offsets = [0, 128], sizes = [64, 128], strides = [1, 1]} : vector<64x384xf32> to vector<64x128xf32>
      %slice3A_167 = vector.extract_strided_slice %add3A_117 {offsets = [0, 128], sizes = [64, 128], strides = [1, 1]} : vector<64x384xf32> to vector<64x128xf32>
      %add3A_168 = arith.addf %slice3A_166, %slice3A_167 : vector<64x128xf32>
      %logistic3A_169 = arith.negf %add3A_168 : vector<64x128xf32>
      %logistic3A_170 = math.exp %logistic3A_169 : vector<64x128xf32>
      %logistic3A_171 = arith.constant 1.000000e+00 : f32
      %logistic3A_172 = vector.broadcast %logistic3A_171 : f32 to vector<64x128xf32>
      %logistic3A_173 = arith.addf %logistic3A_172, %logistic3A_170 : vector<64x128xf32>
      %logistic3A_174 = arith.divf %logistic3A_172, %logistic3A_173 : vector<64x128xf32>
      %slice3A_175 = vector.extract_strided_slice %get3A_156 {offsets = [0, 256], sizes = [64, 128], strides = [1, 1]} : vector<64x384xf32> to vector<64x128xf32>
      %slice3A_176 = vector.extract_strided_slice %add3A_117 {offsets = [0, 256], sizes = [64, 128], strides = [1, 1]} : vector<64x384xf32> to vector<64x128xf32>
      %mul3A_177 = arith.mulf %logistic3A_165, %slice3A_176 : vector<64x128xf32>
      %add3A_178 = arith.addf %slice3A_175, %mul3A_177 : vector<64x128xf32>
      %tanh3A_179 = math.tanh %add3A_178 : vector<64x128xf32>
      %sub3A_180 = arith.constant 1.000000e+00 : f32
      %sub3A_181 = vector.broadcast %sub3A_180 : f32 to vector<64x128xf32>
      %sub3A_182 = arith.subf %sub3A_181, %logistic3A_174 : vector<64x128xf32>
      %mul3A_183 = arith.mulf %sub3A_182, %tanh3A_179 : vector<64x128xf32>
      %mul3A_184 = arith.mulf %logistic3A_174, %scan3A_105 : vector<64x128xf32>
      %add3A_185 = arith.addf %mul3A_183, %mul3A_184 : vector<64x128xf32>
      %max3A_186 = arith.maximumf %scan3A_106, %add3A_149 : vector<64x128xf32>
      %max3A_187 = arith.maximumf %scan3A_107, %add3A_185 : vector<64x128xf32>
      scf.yield %add3A_149, %add3A_185, %max3A_186, %max3A_187 : vector<64x128xf32>, vector<64x128xf32>, vector<64x128xf32>, vector<64x128xf32>
    }
    %scan3A_49 = arith.constant 32 : i32
    %get3A_50 = arith.constant 0 : index
    %get3A_51 = arith.constant 0 : index
    %get3A_52 = vector.load %arg10[%get3A_50, %get3A_51] : memref<128x256xbf16, #tpu.memory_space<vmem>>, vector<128x256xbf16>
    %convert_element_type3A_53 = arith.truncf %scan3A_48#2 : vector<64x128xf32> to vector<64x128xbf16>
    %slice3A = vector.extract_strided_slice %get3A_52 {offsets = [0, 0], sizes = [128, 128], strides = [1, 1]} : vector<128x256xbf16> to vector<128x128xbf16>
    %dot_general3A_54 = arith.constant dense<0.000000e+00> : vector<64x128xf32>
    %dot_general3A_55 = tpu.matmul %convert_element_type3A_53, %slice3A, %dot_general3A_54 {dimension_numbers = #tpu.dot_dimension_numbers<[1], [1], [0], [0], [0, 0, 1, 0], [], []>, transpose_lhs_hint = false} : vector<64x128xbf16>, vector<128x128xbf16>, vector<64x128xf32> -> vector<64x128xf32>
    %convert_element_type3A_56 = arith.truncf %scan3A_48#3 : vector<64x128xf32> to vector<64x128xbf16>
    %slice3A_57 = vector.extract_strided_slice %get3A_52 {offsets = [0, 128], sizes = [128, 128], strides = [1, 1]} : vector<128x256xbf16> to vector<128x128xbf16>
    %dot_general3A_58 = arith.constant dense<0.000000e+00> : vector<64x128xf32>
    %dot_general3A_59 = tpu.matmul %convert_element_type3A_56, %slice3A_57, %dot_general3A_58 {dimension_numbers = #tpu.dot_dimension_numbers<[1], [1], [0], [0], [0, 0, 1, 0], [], []>, transpose_lhs_hint = false} : vector<64x128xbf16>, vector<128x128xbf16>, vector<64x128xf32> -> vector<64x128xf32>
    %add3A_60 = arith.addf %dot_general3A_55, %dot_general3A_59 : vector<64x128xf32>
    %get3A_61 = arith.constant 0 : index
    %get3A_62 = arith.constant 0 : index
    %get3A_63 = vector.load %arg11[%get3A_61, %get3A_62] : memref<1x128xf32, #tpu.memory_space<vmem>>, vector<1x128xf32>
    %add3A_64 = vector.broadcast %get3A_63 : vector<1x128xf32> to vector<64x128xf32>
    %add3A_65 = arith.addf %add3A_60, %add3A_64 : vector<64x128xf32>
    %swap3A_66 = arith.constant 0 : index
    %swap3A_67 = arith.constant 0 : index
    %swap3A_68 = vector.load %arg13[%swap3A_66, %swap3A_67] : memref<64x128xf32, #tpu.memory_space<vmem>>, vector<64x128xf32>
    tpu.vector_store %arg13[%swap3A_66, %swap3A_67], %add3A_65 {strides = array<i32>} : memref<64x128xf32, #tpu.memory_space<vmem>>, vector<64x128xf32>,
    %get3A_69 = arith.constant 0 : index
    %get3A_70 = arith.constant 0 : index
    %get3A_71 = arith.constant 0 : index
    %get3A_72 = vector.load %arg1[%get3A_69, %get3A_70, %get3A_71] : memref<64x20x128xf32, #tpu.memory_space<vmem>>, vector<64x20x128xf32>
    %reduce_sum3A = arith.constant dense<0.000000e+00> : vector<64x128xf32>
    %reduce_sum3A_73 = vector.multi_reduction <add>, %get3A_72, %reduce_sum3A [1] : vector<64x20x128xf32> to vector<64x128xf32>
    %div3A = arith.constant 2.000000e+01 : f32
    %div3A_74 = vector.broadcast %div3A : f32 to vector<64x128xf32>
    %div3A_75 = arith.divf %reduce_sum3A_73, %div3A_74 : vector<64x128xf32>
    %get3A_76 = arith.constant 0 : index
    %get3A_77 = arith.constant 0 : index
    %get3A_78 = vector.load %arg12[%get3A_76, %get3A_77] : memref<128x128xf32, #tpu.memory_space<vmem>>, vector<128x128xf32>
    %dot_general3A_79 = arith.constant dense<0.000000e+00> : vector<64x128xf32>
    %dot_general3A_80 = tpu.matmul %div3A_75, %get3A_78, %dot_general3A_79 {dimension_numbers = #tpu.dot_dimension_numbers<[1], [1], [0], [0], [0, 0, 1, 0], [], []>, transpose_lhs_hint = false} : vector<64x128xf32>, vector<128x128xf32>, vector<64x128xf32> -> vector<64x128xf32>
    %broadcast_in_dim3A_81 = vector.shape_cast %dot_general3A_80 : vector<64x128xf32> to vector<64x1x128xf32>
    %mul3A = vector.broadcast %broadcast_in_dim3A_81 : vector<64x1x128xf32> to vector<64x20x128xf32>
    %mul3A_82 = arith.mulf %get3A_72, %mul3A : vector<64x20x128xf32>
    %reduce_sum3A_83 = arith.constant dense<0.000000e+00> : vector<64x20xf32>
    %reduce_sum3A_84 = vector.multi_reduction <add>, %mul3A_82, %reduce_sum3A_83 [2] : vector<64x20x128xf32> to vector<64x20xf32>
    %reduce_max3A = arith.constant dense<0xFF800000> : vector<64xf32>
    %reduce_max3A_85 = vector.multi_reduction <maximumf>, %reduce_sum3A_84, %reduce_max3A [1] : vector<64x20xf32> to vector<64xf32>
    %max3A = arith.constant 0xFF800000 : f32
    %max3A_86 = vector.broadcast %max3A : f32 to vector<64xf32>
    %max3A_87 = arith.maximumf %max3A_86, %reduce_max3A_85 : vector<64xf32>
    %broadcast_in_dim3A_88 = vector.shape_cast %max3A_87 : vector<64xf32> to vector<64x1xf32>
    %sub3A = vector.broadcast %broadcast_in_dim3A_88 : vector<64x1xf32> to vector<64x20xf32>
    %sub3A_89 = arith.subf %reduce_sum3A_84, %sub3A : vector<64x20xf32>
    %exp3A = math.exp %sub3A_89 : vector<64x20xf32>
    %reduce_sum3A_90 = arith.constant dense<0.000000e+00> : vector<64xf32>
    %reduce_sum3A_91 = vector.multi_reduction <add>, %exp3A, %reduce_sum3A_90 [1] : vector<64x20xf32> to vector<64xf32>
    %broadcast_in_dim3A_92 = vector.shape_cast %reduce_sum3A_91 : vector<64xf32> to vector<64x1xf32>
    %div3A_93 = vector.broadcast %broadcast_in_dim3A_92 : vector<64x1xf32> to vector<64x20xf32>
    %div3A_94 = arith.divf %exp3A, %div3A_93 : vector<64x20xf32>
    %broadcast_in_dim3A_95 = vector.shape_cast %div3A_94 : vector<64x20xf32> to vector<64x20x1xf32>
    %mul3A_96 = vector.broadcast %broadcast_in_dim3A_95 : vector<64x20x1xf32> to vector<64x20x128xf32>
    %mul3A_97 = arith.mulf %mul3A_96, %get3A_72 : vector<64x20x128xf32>
    %reduce_sum3A_98 = arith.constant dense<0.000000e+00> : vector<64x128xf32>
    %reduce_sum3A_99 = vector.multi_reduction <add>, %mul3A_97, %reduce_sum3A_98 [1] : vector<64x20x128xf32> to vector<64x128xf32>
    %swap3A_100 = arith.constant 0 : index
    %swap3A_101 = arith.constant 0 : index
    %swap3A_102 = vector.load %arg14[%swap3A_100, %swap3A_101] : memref<64x128xf32, #tpu.memory_space<vmem>>, vector<64x128xf32>
    tpu.vector_store %arg14[%swap3A_100, %swap3A_101], %reduce_sum3A_99 {strides = array<i32>} : memref<64x128xf32, #tpu.memory_space<vmem>>, vector<64x128xf32>,
    return
  }
}

</mosaic_0001>

<sc_bundles>
// kernel: kernel.5.cloned.1.call-start
scs
__scs_entry_jumppad:
0x0: {  	(pc) =	sbr.rel $0x88, $3  }
0x1: {  	(tag) =	ssettag $0x0;
	lr =	simm.s32 $0x1  }
0x2: {  	[smem:$0x3F91] =	sst lr;
	_ =	strace $0xD0000000  }
0x3: {  	_ = 	snop  }
0x4: {  	_ = 	snop  }
0x5: {  	_ = 	snop  }
0x6: {  	_ = 	snop  }
0x7: {  	_ = 	snop  }
__scs_overlays_trampoline_lowered:
0x8: {  	[smem:$0x3FA0] =	sst s0  }
0x9: {  	[smem:$0x3FA1] =	sst s1  }
0xa: {  	[smem:$0x3FA2] =	sst s2  }
0xb: {  	[smem:$0x3FA3] =	sst s3  }
0xc: {  	[smem:$0x3FA4] =	sst s4  }
0xd: {  	[smem:$0x3FA5] =	sst s5  }
0xe: {  	[smem:$0x3FA6] =	sst s6  }
0xf: {  	[smem:$0x3FA7] =	sst s7  }
0x10: {  	[smem:$0x3FA8] =	sst s8  }
0x11: {  	[smem:$0x3FA9] =	sst s9;
	s0 =	simm.s32 @!p0 $0x0  }
0x12: {  	s1 =	sld [smem:$0x3F8F];
	s0 =	simm.s32 @p0 $0x1  }
0x13: {  	[smem:$0x3FAA] =	sst s0;
	s0 =	simm.s32 @!p1 $0x0  }
0x14: {  	s2 =	sld [smem:$0x3F8E];
	s0 =	simm.s32 @p1 $0x1  }
0x15: {  	[smem:$0x3FAB] =	sst s0;
	s0 =	simm.s32 @!p2 $0x0  }
0x16: {  	s3 =	sld [smem:$0x3FDB];
	s0 =	simm.s32 @p2 $0x1  }
0x17: {  	s4 =	simm.s32 $0x1BF5;
	[smem:$0x3FAD] =	sst s0  }
0x18: {  	s0 =	sld [smem:$0x3F90];
	_ =	swait.ge [sflag:s4], $0x0  }
0x19: {  	s7 =	sld [smem:$0x3F91]  }
0x1a: {  	s8 =	sadd.s32 $0xFFFFE003, lr  }
0x1b: {  	s9 =	sadd.s32 $0xFFFFFEF7, lr;
	s5 =	simm.s32 $0xFFFFFFFF;
	p2 =	slt.u32 s8, $0xFFFFF086  }
0x1c: {  	p1 =	slt.u32 s9, $0xF7A;
	s5 =	simm.s32 @!p2 $0x0  }
0x1d: {  	s5 =	simm.s32 @p1 $0x1;
	p0 =	seq.s32 s7, s2  }
0x1e: {  	s7 =	smul.u32 @!p0 $0xF7A, s2;
	p2 =	seq.s32 @!p0 s5, $0x0  }
0x1f: {  	s9 =	smul.u32 $0xF7A, s1;
	s8 =	simm.s32 @!p0 $0x1BF5;
	p2 =	por !p2, p0  }
0x20: {  	[sflag:s8] =	ssyncset.s32 @!p0 $0xFFFFF086;
	s6 =	sadd.s32 @!p0 s3, s7;
	s7 =	simm.s32 @!p0 $0x108  }
0x21: {  	s3 =	sadd.s32 s3, s9;
	s6 =	sadd.s32 @!p0 $0x88, s6;
	s7 =	simm.s32 @p2 $0x1082  }
0x22: {  	[simem:s7], [sflag:s8] =	dma.local @!p0 [hbm:s6], $0xF7A  }
0x23: {  	s9 =	sor.u32 $0xD0000000, s2;
	s6 =	simm.s32 $0x108;
	_ =	swait.ge @!p0 [sflag:s8], $0x0  }
0x24: {  	s3 =	sadd.s32 $0x88, s3;
	s6 =	simm.s32 @!p1 $0x1082;
	[sflag:s4] =	ssyncset.s32 $0xFFFFF086  }
0x25: {  	[simem:s6], [sflag:s4] =	dma.local [hbm:s3], $0xF7A  }
0x26: {  	[smem:$0x3F91] =	sst s1;
	(tag) =	ssettag s2;
	_ =	strace s9  }
0x27: {  	s1 =	sld [smem:$0x3FA1]  }
0x28: {  	s2 =	sld [smem:$0x3FA2]  }
0x29: {  	s4 =	sld [smem:$0x3FA4]  }
0x2a: {  	p0 =	seq.s32 s5, $0x0;
	s5 =	sld [smem:$0x3FA5]  }
0x2b: {  	s6 =	sld [smem:$0x3FA6]  }
0x2c: {  	s7 =	sld [smem:$0x3FA7]  }
0x2d: {  	s3 =	simm.s32 $0x108;
	s8 =	sld [smem:$0x3FA8]  }
0x2e: {  	s3 =	simm.s32 @!p0 $0x1082;
	s9 =	sld [smem:$0x3FA9]  }
0x2f: {  	lr =	sadd.s32 s0, s3;
	s0 =	sld [smem:$0x3FA0]  }
0x30: {  	s3 =	sld [smem:$0x3FA3]  }
0x31: {  	[smem:$0x3FAC] =	sst s10  }
0x32: {  	s10 =	sld [smem:$0x3FAA];
	_ =	sdelay $0x3  }
0x33: {  	p0 =	seq.s32 s10, $0x1;
	s10 =	sld [smem:$0x3FAC];
	_ =	sdelay $0x3  }
0x34: {  	[smem:$0x3FAC] =	sst s10  }
0x35: {  	s10 =	sld [smem:$0x3FAB];
	_ =	sdelay $0x3  }
0x36: {  	p1 =	seq.s32 s10, $0x1;
	s10 =	sld [smem:$0x3FAC];
	_ =	sdelay $0x3  }
0x37: {  	[smem:$0x3FAC] =	sst s10  }
0x38: {  	s10 =	sld [smem:$0x3FAD]  }
0x39: {  	_ = 	snop;
	(pc) =	sbr.ind lr, $3  }
0x3a: {  	_ = 	snop  }
0x3b: {  	_ = 	snop  }
0x3c: {  	p2 =	seq.s32 s10, $0x1;
	s10 =	sld [smem:$0x3FAC]  }
0x3d: {  	_ =	shalt  }
0x3e: {  	_ =	shalt  }
0x3f: {  	_ =	shalt  }
0x40: {  	_ =	shalt  }
0x41: {  	_ =	shalt  }
0x42: {  	_ =	shalt  }
0x43: {  	_ =	shalt  }
0x44: {  	_ =	shalt  }
0x45: {  	_ =	shalt  }
0x46: {  	_ =	shalt  }
0x47: {  	_ =	shalt  }
0x48: {  	_ =	shalt  }
0x49: {  	_ =	shalt  }
0x4a: {  	_ =	shalt  }
0x4b: {  	_ =	shalt  }
0x4c: {  	_ =	shalt  }
0x4d: {  	_ =	shalt  }
0x4e: {  	_ =	shalt  }
0x4f: {  	_ =	shalt  }
0x50: {  	_ =	shalt  }
0x51: {  	_ =	shalt  }
0x52: {  	_ =	shalt  }
0x53: {  	_ =	shalt  }
0x54: {  	_ =	shalt  }
0x55: {  	_ =	shalt  }
0x56: {  	_ =	shalt  }
0x57: {  	_ =	shalt  }
0x58: {  	_ =	shalt  }
0x59: {  	_ =	shalt  }
0x5a: {  	_ =	shalt  }
0x5b: {  	_ =	shalt  }
0x5c: {  	_ =	shalt  }
0x5d: {  	_ =	shalt  }
0x5e: {  	_ =	shalt  }
0x5f: {  	_ =	shalt  }
0x60: {  	_ =	shalt  }
0x61: {  	_ =	shalt  }
0x62: {  	_ =	shalt  }
0x63: {  	_ =	shalt  }
0x64: {  	_ =	shalt  }
0x65: {  	_ =	shalt  }
0x66: {  	_ =	shalt  }
0x67: {  	_ =	shalt  }
0x68: {  	_ =	shalt  }
0x69: {  	_ =	shalt  }
0x6a: {  	_ =	shalt  }
0x6b: {  	_ =	shalt  }
0x6c: {  	_ =	shalt  }
0x6d: {  	_ =	shalt  }
0x6e: {  	_ =	shalt  }
0x6f: {  	_ =	shalt  }
0x70: {  	_ =	shalt  }
0x71: {  	_ =	shalt  }
0x72: {  	_ =	shalt  }
0x73: {  	_ =	shalt  }
0x74: {  	_ =	shalt  }
0x75: {  	_ =	shalt  }
0x76: {  	_ =	shalt  }
0x77: {  	_ =	shalt  }
0x78: {  	_ =	shalt  }
0x79: {  	_ =	shalt  }
0x7a: {  	_ =	shalt  }
0x7b: {  	_ =	shalt  }
0x7c: {  	_ =	shalt  }
0x7d: {  	_ =	shalt  }
0x7e: {  	_ =	shalt  }
0x7f: {  	_ =	shalt  }
0x80: {  	_ =	shalt  }
0x81: {  	_ =	shalt  }
0x82: {  	_ =	shalt  }
0x83: {  	_ =	shalt  }
0x84: {  	_ =	shalt  }
0x85: {  	_ =	shalt  }
0x86: {  	_ =	shalt  }
0x87: {  	_ =	shalt  }
.Lfunc_end0:
.L_simem_size_0:
called_computation_lowered:
.L_overlay_start_0:
0x88: {  	s2 =	sld [smem:$0x3FD9]  }
0x89: {  	s3 =	sld [smem:$0x3FFE];
	_ =	sdelay $0x1  }
0x8a: {  	s1 =	srdreg.scid  }
0x8b: {  	s0 =	sand.u32 $0x1, s1  }
0x8c: {  	s14 =	sshll.u32 s0, $0xA;
	s2 =	sadd.s32 s3, s2  }
0x8d: {  	s2 =	sadd.s32 s2, s14  }
0x8e: {  	[smem:$0x3FB8] =	sst s2  }
0x8f: {  	_ = 	snop  }
0x90: {  	s2 =	sld [smem:$0x3FD0];
	_ =	sdelay $0x2  }
0x91: {  	s4 =	simm.s32 $0xA;
	s5 =	simm.s32 $0x10;
	s15 =	sld [smem:$0x3FC7]  }
0x92: {  	[smem:s5], [sflag:s4] =	dma.local [hbm:s2], $0x1  }
0x93: {  	_ =	swait.eq [sflag:s4], $0x1  }
0x94: {  	[sflag:s4] =	ssyncset.done $0x0  }
0x95: {  	[sflag:s4] =	ssyncadd.s32 $0xFFFFFFFF  }
0x96: {  	s16 =	sld [smem:$0x11];
	(tm) =	ssettm $0x1  }
0x97: {  	s17 =	sld [smem:$0x3FFB];
	_ =	sdelay $0x3  }
0x98: {  	_ =	strace s17  }
0x99: {  	s4 =	sld [smem:$0x3FFC];
	_ =	sdelay $0x3  }
0x9a: {  	_ =	strace s4  }
0x9b: {  	s4 =	sld [smem:$0x3FFD];
	_ =	sdelay $0x3  }
0x9c: {  	_ =	strace s4  }
0x9d: {  	_ =	strace $0x8FFFFFFF  }
0x9e: {  	s18 =	sld [smem:$0x3FDB];
	_ =	sdelay $0x1  }
0x9f: {  	s19 =	simm.s32 $_scs_section_size  }
0xa0: {  	s6 =	simm.s32 $_size__tile_overlayer_lowered;
	s7 =	simm.s32 $_tile_overlayer_lowered  }
0xa1: {  	s22 =	simm.s32 $0x1BFF;
	s21 =	sshll.u32 s7, $0x1;
	s4 =	sadd.s32 s19, s18  }
0xa2: {  	s8 =	simm.s32 $0x0;
	s20 =	sshll.u32 s6, $0x1;
	s6 =	sadd.s32 s21, s4  }
0xa3: {  	[timem:s8], [sflag:s22] =	dma.local [hbm:s6], s20  }
0xa4: {  	_ =	swait.ge [sflag:s22], s20  }
0xa5: {  	s5 =	ssub.s32 $0x0, s20;
	[sflag:s22] =	ssyncset.done $0x0  }
0xa6: {  	[sflag:s22] =	ssyncadd.s32 s5;
	_ =	sdelay $0x1  }
0xa7: {  	s23 =	simm.s32 $0x1B8B  }
0xa8: {  	_ =	swait.ge [sflag:s23], $0x1  }
0xa9: {  	[sflag:s23] =	ssyncset.done $0x0  }
0xaa: {  	s25 =	simm.s32 $0x1B8E;
	s24 =	sld [smem:$0x3FFE];
	[sflag:s23] =	ssyncadd.s32 $0xFFFFFFFF  }
0xab: {  	s26 =	simm.s32 $execute0_lowered;
	[smem:$0x3FD2] =	sst s25  }
0xac: {  	s6 =	sshll.u32 s26, $0x1;
	_ =	strace $0x80000046;
	[dreg:$0x1] =	wrdreg $0xFFFFFFFF  }
0xad: {  	s28 =	simm.s32 $_size_execute0_lowered;
	s4 =	sadd.s32 s4, s6;
	[dreg:$0x0] =	wrdreg $0x0  }
0xae: {  	s6 =	sshll.u32 s28, $0x1;
	[dreg:$0x2] =	wrdreg s4  }
0xaf: {  	[dreg:$0x3] =	wrdreg s6  }
0xb0: {  	[dreg:$0x4] =	wrdreg $0xC0  }
0xb1: {  	_ =	task [dreg:s8], $0x5FFFF  }
0xb2: {  	[dreg:$0x1] =	wrdreg $0xFFFFFFFF  }
0xb3: {  	[dreg:$0x0] =	wrdreg $0x60  }
0xb4: {  	[dreg:$0x2] =	wrdreg s24  }
0xb5: {  	[dreg:$0x3] =	wrdreg s15  }
0xb6: {  	[dreg:$0x4] =	wrdreg s16  }
0xb7: {  	[dreg:$0x5] =	wrdreg $0x9  }
0xb8: {  	_ =	task.clear_ibuf [dreg:s8], $0x6FFFF;
	_ =	strace $0x90000046  }
0xb9: {  	s29 =	simm.s32 $0x9;
	_ =	strace $0x80000048  }
0xba: {  	_ =	swait.ge [sflag:s29], $0x1  }
0xbb: {  	[sflag:s29] =	ssyncadd.s32 $0xFFFFFFFF  }
0xbc: {  	_ =	strace $0x90000048  }
0xbd: {  	_ =	sfence  }
0xbe: {  	s30 =	sld [smem:$0x0];
	_ =	sdelay $0x2  }
0xbf: {  	s31 =	sshll.u32 s1, $0xD;
	s1 =	sshrl.u32 s1, $0x2  }
0xc0: {  	s3 =	sand.u32 $0x4000, s31;
	s1 =	sadd.s32 s1, s30  }
0xc1: {  	s0 =	sor.u32 s3, s0;
	s1 =	sshll.u32 s1, $0x11  }
0xc2: {  	s0 =	sor.u32 s1, s0  }
0xc3: {  	s0 =	sadd.s32 $0x8F2B, s0  }
0xc4: {  	[sflag:s0] =	ssyncadd.remote.s32 $0x1  }
0xc5: {  	_ =	sfence.sel $0xFFFF  }
0xc6: {  	[dreg:$0x0] =	wrdreg $0xFFFFFFFF;
	(pc) =	sbr.abs _section_cstart, $3  }
0xc7: {  	[dreg:$0x1] =	wrdreg $0xFFFFFFFF  }
0xc8: {  	_ =	task.clear_ibuf [dreg:s8], $0x2FFFF;
	_ =	strace $0x9FFFFFFF  }
0xc9: {  	(tm) =	ssettm $0x7FFFFFFF  }
tec
execute0_lowered:
.L_overlay_start_1:
0x0: {  	(tag) =	ssettag $0x1  }
0x1: {  	s0 =	rddreg [dreg:$0x0]  }
0x2: {  	s1 =	rddreg [dreg:$0x2];
	s3 =	simm.s32 $0x0;
	s2 =	srdreg.scid  }
0x3: {  	s4 =	stileid.u32;
	s10 =	simm.s32 $0x6;
	s11 =	simm.s32 $0x1000  }
0x4: {  	s13 =	simm.s32 $0x13080;
	s14 =	simm.s32 $0x80;
	s19 =	simm.s32 $0x180  }
0x5: {  	s20 =	simm.s32 $0xD080;
	s21 =	simm.s32 $0x1;
	s22 =	simm.s32 $0x2  }
0x6: {  	s23 =	simm.s32 $0x3;
	s24 =	simm.s32 $0x4;
	s25 =	simm.s32 $0x11080  }
0x7: {  	s26 =	simm.s32 $0x5;
	s28 =	simm.s32 $0x0;
	[smem:$0x7FF] =	sst s3  }
0x8: {  	s2 =	sand.u32 $0x1, s2;
	s5 =	sshll.u32 s4, $0x1;
	s4 =	sadd.s32 $0x6400, s0  }
0x9: {  	_ =	strace $0x80000047;
	s5 =	sor.u32 s2, s5;
	s2 =	ssub.s32 $0x2, s2  }
.Ltmp0:
0xa: {  	s6 =	sshll.u32 s5, $0x9;
	s7 =	sshll.u32 s5, $0xA;
	(pc) =	sbr.rel .LBB2_1-.Ltmp0, $4  }
0xb: {  	s8 =	smul.u32 $0x280, s5;
	s31 =	sshrl.u32 s2, $0x1;
	s9 =	sshll.u32 s5, $0x4  }
0xc: {  	s6 =	sadd.s32 s6, s0;
	s7 =	sadd.s32 s7, s0;
	s2 =	ssub.s32 s2, s31  }
0xd: {  	s0 =	sadd.s32 s8, s0;
	s5 =	sadd.s32 $0x2400, s6;
	s6 =	sadd.s32 s1, s9  }
0xe: {  	s7 =	sadd.s32 $0x192000, s7;
	s9 =	smax.u32 s2, $0x1;
	s8 =	sadd.s32 $0x18D000, s0  }
.LBB2_12:
0xf: {  	[hbm4b:s7+s3] =	stream.linear.scatter [tilespmem:s25], [sflag:$0x6], $0x2000, $0x38;
	[tilespmem:$0x15080] =	vst v63  }
0x10: {  	_ =	swait.ge [sflag:s10], $0x2000  }
0x11: {  	[sflag:s10] =	ssyncset.done $0x0  }
0x12: {  	[sflag:s10] =	ssyncadd.s32 $0xFFFFE000  }
0x13: {  	s28 =	sadd.s32 $0x1, s28;
	_ =	swait.ge [sflag:s26], $0x2000  }
0x14: {  	p0 =	sne.s32 s28, s9;
	[sflag:s26] =	ssyncset.done $0x0  }
.Ltmp1:
0x15: {  	[sflag:s26] =	ssyncadd.s32 $0xFFFFE000;
	(pc) =	sbr.rel @!p0 .LBB2_13-.Ltmp1, $4  }
0x16: {  	[hbm4b:s8+s3] =	stream.linear.scatter [tilespmem:s13], [sflag:$0x6], $0x1400, $0x38;
	[tilespmem:$0x15080] =	vst v63  }
0x17: {  	_ =	swait.ge [sflag:s10], $0x1400  }
0x18: {  	[sflag:s10] =	ssyncset.done $0x0  }
0x19: {  	[sflag:s10] =	ssyncadd.s32 $0xFFFFEC00  }
.LBB2_1:
0x1a: {  	[tilespmem:s3], [sflag:$0x6] =	stream.linear.gather [hbm4b:s5+s3], $0x1000, $0x38;
	[tilespmem:$0x15080] =	vst v63  }
0x1b: {  	_ =	swait.ge [sflag:s10], $0x1000  }
0x1c: {  	[sflag:s10] =	ssyncset.done $0x0  }
0x1d: {  	[sflag:s10] =	ssyncadd.s32 $0xFFFFF000  }
0x1e: {  	[tilespmem:s11], [sflag:$0x6] =	stream.linear.gather [hbm4b:s6+s3], $0x80, $0x38;
	[tilespmem:$0x15080] =	vst v63  }
0x1f: {  	_ =	swait.ge [sflag:s10], $0x80  }
0x20: {  	[sflag:s10] =	ssyncset.done $0x0  }
0x21: {  	[sflag:s10] =	ssyncadd.s32 $0xFFFFFF80  }
0x22: {  	s1 =	simm.s32 $0x40;
	s0 =	rddreg [dreg:$0x1]  }
0x23: {  	[tilespmem:s13], [sflag:$0x5] =	stream.indirect.gather [hbm4b:s0+s1], $0x80, s11, s1, $0xb8;
	[tilespmem:$0x15080] =	vst v63  }
0x24: {  	s17 =	simm.s32 $0x1080  }
0x25: {  	[tilespmem:s17], [sflag:$0x1] =	stream.indirect.gather [hbm4b:s4+s14], $0x80, s3, s14, $0xb8;
	[tilespmem:$0x15080] =	vst v63  }
0x26: {  	s18 =	simm.s32 $0x5080  }
0x27: {  	[tilespmem:s18], [sflag:$0x2] =	stream.indirect.gather [hbm4b:s4+s14], $0x80, s14, s14, $0xb8;
	[tilespmem:$0x15080] =	vst v63  }
0x28: {  	s30 =	simm.s32 $0x100;
	s31 =	simm.s32 $0x9080  }
0x29: {  	[tilespmem:s31], [sflag:$0x3] =	stream.indirect.gather [hbm4b:s4+s14], $0x80, s30, s14, $0xb8;
	[tilespmem:$0x15080] =	vst v63  }
0x2a: {  	s29 =	simm.s32 $0x0  }
0x2b: {  	[tilespmem:s20], [sflag:$0x4] =	stream.indirect.gather [hbm4b:s4+s14], $0x80, s19, s14, $0xb8;
	[tilespmem:$0x15080] =	vst v63  }
.LBB2_2:
0x2c: {  	_ =	swait.ge [sflag:s21], $0x4000;
	s2 =	simm.s32 $0x0;
	s1 =	simm.s32 $0x0  }
0x2d: {  	[sflag:s21] =	ssyncset.done $0x0;
	s0 =	sand.u32 $0x70, s2;
	s1 =	sand.u32 $0x3FFFE000, s1  }
0x2e: {  	[sflag:s21] =	ssyncadd.s32 $0xFFFFC000;
	s1 =	sor.u32 s0, s1  }
0x2f: {  	v8 =	vld [tilespmem:s1+$0x1100]  }
0x30: {  	v6 =	vld [tilespmem:s1+$0x1280]  }
0x31: {  	v15 =	vld [tilespmem:s1+$0x1200]  }
0x32: {  	v1 =	vld [tilespmem:s1+$0x1580]  }
0x33: {  	v38 =	vld [tilespmem:s1+$0x1480]  }
0x34: {  	v16 =	vld [tilespmem:s1+$0x1500]  }
0x35: {  	v0 =	vld [tilespmem:s1+$0x1400]  }
0x36: {  	v5 =	vld [tilespmem:s1+$0x1980]  }
0x37: {  	v4 =	vld [tilespmem:s1+$0x1880]  }
0x38: {  	v12 =	vld [tilespmem:s1+$0x1B80]  }
0x39: {  	v18 =	vld [tilespmem:s1+$0x1A80]  }
0x3a: {  	v7 =	vld [tilespmem:s1+$0x1900]  }
0x3b: {  	v9 =	vld [tilespmem:s1+$0x1800]  }
0x3c: {  	v13 =	vld [tilespmem:s1+$0x1B00]  }
0x3d: {  	v36 =	vld [tilespmem:s1+$0x1A00]  }
0x3e: {  	v2 =	vld [tilespmem:s1+$0x1D80]  }
0x3f: {  	v3 =	vld [tilespmem:s1+$0x1C80]  }
0x40: {  	v26 =	vld [tilespmem:s1+$0x2180]  }
0x41: {  	v24 =	vld [tilespmem:s1+$0x2080]  }
0x42: {  	v20 =	vld [tilespmem:s1+$0x2380]  }
0x43: {  	v21 =	vld [tilespmem:s1+$0x2280]  }
0x44: {  	v32 =	vld [tilespmem:s1+$0x2100]  }
0x45: {  	v30 =	vld [tilespmem:s1+$0x2000]  }
0x46: {  	v27 =	vld [tilespmem:s1+$0x2300]  }
0x47: {  	v28 =	vld [tilespmem:s1+$0x2200]  }
0x48: {  	v25 =	vld [tilespmem:s1+$0x2580]  }
0x49: {  	v22 =	vld [tilespmem:s1+$0x2480]  }
0x4a: {  	v19 =	vld [tilespmem:s1+$0x2780]  }
0x4b: {  	v14 =	vld [tilespmem:s1+$0x2680]  }
0x4c: {  	v31 =	vld [tilespmem:s1+$0x2500]  }
0x4d: {  	v29 =	vld [tilespmem:s1+$0x2400]  }
0x4e: {  	v23 =	vld [tilespmem:s1+$0x2700]  }
0x4f: {  	v17 =	vld [tilespmem:s1+$0x2600];
	v10 =	vadd.f32 v9, v30  }
0x50: {  	v11 =	vld [tilespmem:s1+$0x2880];
	v4 =	vadd.f32 v4, v32  }
0x51: {  	v9 =	vld [tilespmem:s1+$0x2980];
	v7 =	vadd.f32 v7, v28;
	v33 =	vadd.f32 v10, v24  }
0x52: {  	v39 =	vadd.f32 v5, v27;
	v5 =	vld [tilespmem:s1+$0x2D80];
	v35 =	vadd.f32 v4, v26  }
0x53: {  	s12 =	sshll.u32 s29, $0xA;
	v10 =	vld [tilespmem:s1+$0x2B80];
	v34 =	vadd.f32 v7, v21;
	v0 =	vadd.f32 v0, v33  }
0x54: {  	s12 =	sand.u32 $0x3FFFFC00, s12;
	v37 =	vadd.f32 v36, v29;
	v4 =	vld [tilespmem:s1+$0x2A80];
	v36 =	vadd.f32 v39, v20  }
0x55: {  	s15 =	simm.s32 $0x0;
	s30 =	sadd.s32 $0x11080, s12;
	s12 =	simm.s32 $0x1;
	v7 =	vld [tilespmem:s1+$0x2C80];
	v38 =	vadd.f32 v38, v34;
	v0 =	vadd.f32 v0, v35  }
.LBB2_3:
0x56: {  	p0 =	sne.s32 s12, $0xF;
	v39 =	vld [tilespmem:s1+$0x2F80];
	v40 =	vadd.f32 v18, v31;
	v37 =	vadd.f32 v37, v22  }
0x57: {  	v15 =	vadd.f32 v15, v0;
	v41 =	vld [tilespmem:s1+$0x2E80];
	v18 =	vadd.f32 v38, v36  }
0x58: {  	v26 =	vmax.f32 v32, v26;
	v38 =	vld [tilespmem:s1+$0x2F00];
	v40 =	vadd.f32 v40, v25;
	v32 =	vadd.f32 v16, v37  }
0x59: {  	v24 =	vmax.f32 v30, v24;
	v16 =	vmax.f32 v33, v35;
	v42 =	vld [tilespmem:s1+$0x2E00];
	v15 =	vadd.f32 v15, v18  }
0x5a: {  	v20 =	vmax.f32 v27, v20;
	v21 =	vmax.f32 v28, v21;
	v30 =	vld [tilespmem:s1+$0x2D00];
	v27 =	vadd.f32 v32, v40  }
0x5b: {  	v25 =	vmax.f32 v31, v25;
	v31 =	vmax.f32 v34, v36;
	v28 =	vld [tilespmem:s1+$0x2C00];
	v8 =	vadd.f32 v15, v8  }
0x5c: {  	v22 =	vmax.f32 v29, v22;
	v29 =	vmax.f32 v37, v40;
	v32 =	vld [tilespmem:s1+$0x2B00];
	v6 =	vadd.f32 v6, v27  }
0x5d: {  	v12 =	vadd.f32 v12, v23;
	v35 =	vmax.f32 v23, v19;
	v33 =	vmax.f32 v38, v39;
	v34 =	vld [tilespmem:s1+$0x2A00]  }
0x5e: {  	v13 =	vadd.f32 v13, v17;
	v23 =	vmax.f32 v33, $0.0e+00;
	v33 =	vmax.f32 v42, v41;
	v36 =	vld [tilespmem:s1+$0x2900]  }
0x5f: {  	v12 =	vadd.f32 v12, v19;
	v23 =	vmax.f32 v23, v33;
	v33 =	vmax.f32 v30, v5;
	v37 =	vld [tilespmem:s1+$0x2800]  }
0x60: {  	v13 =	vadd.f32 v13, v14;
	v19 =	vmax.f32 v23, v33;
	v23 =	vmax.f32 v28, v7;
	v33 =	vld [tilespmem:s1+$0x1C00]  }
0x61: {  	v14 =	vmax.f32 v17, v14;
	v40 =	vld [tilespmem:s1+$0x1F80];
	v19 =	vmax.f32 v19, v23;
	v23 =	vmax.f32 v32, v10  }
0x62: {  	v1 =	vadd.f32 v1, v13;
	v17 =	vld [tilespmem:s1+$0x1E80];
	v19 =	vmax.f32 v19, v23;
	v23 =	vmax.f32 v34, v4  }
0x63: {  	v13 =	vmax.f32 v13, v12;
	v19 =	vmax.f32 v19, v23;
	v23 =	vld [tilespmem:s1+$0x1D00];
	v43 =	vmax.f32 v36, v9  }
0x64: {  	v1 =	vadd.f32 v1, v12;
	v44 =	vld [tilespmem:s1+$0x1F00];
	v19 =	vmax.f32 v19, v43;
	v43 =	vmax.f32 v37, v11  }
0x65: {  	v3 =	vadd.f32 v3, v36;
	v12 =	vld [tilespmem:s1+$0x1E00];
	v19 =	vmax.f32 v19, v43;
	v33 =	vadd.f32 v33, v37  }
0x66: {  	v27 =	vmax.f32 v27, v1;
	v2 =	vadd.f32 v2, v32;
	v19 =	vmax.f32 v19, v35  }
0x67: {  	v3 =	vadd.f32 v3, v9;
	v9 =	vadd.f32 v33, v11;
	v11 =	vmax.f32 v19, v14  }
0x68: {  	v2 =	vadd.f32 v2, v10;
	v10 =	vadd.f32 v23, v34;
	v11 =	vmax.f32 v11, v25  }
0x69: {  	v14 =	vadd.f32 v40, v38;
	v19 =	vadd.f32 v44, v42;
	v11 =	vmax.f32 v11, v22;
	v22 =	vld [tilespmem:s1+$0x1600]  }
0x6a: {  	v17 =	vadd.f32 v17, v30;
	v12 =	vadd.f32 v12, v28;
	v11 =	vmax.f32 v11, v20;
	v20 =	vld [tilespmem:s1+$0x1780]  }
0x6b: {  	v14 =	vadd.f32 v14, v39;
	v19 =	vadd.f32 v19, v41;
	v11 =	vmax.f32 v11, v21;
	v21 =	vld [tilespmem:s1+$0x1680]  }
0x6c: {  	v5 =	vadd.f32 v17, v5;
	v7 =	vadd.f32 v12, v7;
	v11 =	vmax.f32 v11, v26;
	v12 =	vld [tilespmem:s1+$0x1700]  }
0x6d: {  	v4 =	vadd.f32 v10, v4;
	v10 =	vmax.f32 v11, v24;
	v11 =	vmax.f32 v19, v14;
	v17 =	vld [tilespmem:s1+$0x1300]  }
0x6e: {  	v10 =	vmax.f32 v10, v11;
	v11 =	vmax.f32 v7, v5;
	v22 =	vadd.f32 v22, v9  }
0x6f: {  	v9 =	vmax.f32 v9, v3;
	v10 =	vmax.f32 v10, v11;
	v11 =	vmax.f32 v4, v2  }
0x70: {  	v10 =	vmax.f32 v10, v11;
	v4 =	vadd.f32 v21, v4;
	v3 =	vadd.f32 v22, v3;
	v11 =	vld [tilespmem:s1+$0x1380]  }
0x71: {  	v19 =	vadd.f32 v20, v19;
	v7 =	vadd.f32 v12, v7;
	v9 =	vmax.f32 v10, v9  }
0x72: {  	v2 =	vadd.f32 v4, v2;
	v4 =	vmax.f32 v9, v13;
	v9 =	vadd.f32 v17, v3;
	v10 =	vld [tilespmem:s1+$0x1180]  }
0x73: {  	v12 =	vadd.f32 v19, v14;
	v5 =	vadd.f32 v7, v5;
	v4 =	vmax.f32 v4, v29;
	v7 =	vld [tilespmem:s1+$0x1080]  }
0x74: {  	v1 =	vadd.f32 v6, v1;
	v4 =	vmax.f32 v4, v31;
	v9 =	vadd.f32 v9, v2  }
0x75: {  	v4 =	vmax.f32 v4, v16;
	v6 =	vmax.f32 v5, v12;
	v5 =	vadd.f32 v11, v5  }
0x76: {  	v2 =	vmax.f32 v3, v2;
	v3 =	vadd.f32 v8, v1;
	v4 =	vmax.f32 v4, v6  }
0x77: {  	v5 =	vadd.f32 v5, v12;
	v2 =	vmax.f32 v4, v2;
	v4 =	vadd.f32 v10, v9  }
0x78: {  	v0 =	vmax.f32 v0, v18;
	v2 =	vmax.f32 v2, v27;
	v6 =	vadd.f32 v3, v7  }
0x79: {  	v0 =	vmax.f32 v2, v0;
	v2 =	vmax.f32 v9, v5;
	v4 =	vadd.f32 v4, v5  }
0x7a: {  	s1 =	sshll.u32 s2, $0x4;
	s2 =	smov.u32 s12;
	v1 =	vmax.f32 v15, v1;
	v0 =	vmax.f32 v0, v2  }
0x7b: {  	s1 =	sand.u32 $0x3FFFFF80, s1;
	v0 =	vmax.f32 v0, v1;
	v1 =	vmax.f32 v3, v4;
	v2 =	vadd.f32 v6, v4  }
0x7c: {  	s16 =	sshll.u32 s12, $0xA;
	s15 =	sadd.s32 $0x10, s15;
	s1 =	sadd.s32 s1, s30;
	v0 =	vmax.f32 v0, v1  }
0x7d: {  	s16 =	sand.u32 $0x3FFFE000, s16;
	s31 =	sadd.s32 s0, s1;
	s0 =	sand.u32 $0x70, s15;
	v0 =	vmax.f32 v0, v2  }
0x7e: {  	s1 =	sor.u32 s0, s16;
	[tilespmem:s31+$0x0] =	vst v0  }
0x7f: {  	v8 =	vld [tilespmem:s1+$0x1100]  }
0x80: {  	v6 =	vld [tilespmem:s1+$0x1280]  }
0x81: {  	v15 =	vld [tilespmem:s1+$0x1200]  }
0x82: {  	v1 =	vld [tilespmem:s1+$0x1580]  }
0x83: {  	v38 =	vld [tilespmem:s1+$0x1480]  }
0x84: {  	v16 =	vld [tilespmem:s1+$0x1500]  }
0x85: {  	v0 =	vld [tilespmem:s1+$0x1400]  }
0x86: {  	v5 =	vld [tilespmem:s1+$0x1980]  }
0x87: {  	v4 =	vld [tilespmem:s1+$0x1880]  }
0x88: {  	v12 =	vld [tilespmem:s1+$0x1B80]  }
0x89: {  	v18 =	vld [tilespmem:s1+$0x1A80]  }
0x8a: {  	v7 =	vld [tilespmem:s1+$0x1900]  }
0x8b: {  	v9 =	vld [tilespmem:s1+$0x1800]  }
0x8c: {  	v13 =	vld [tilespmem:s1+$0x1B00]  }
0x8d: {  	v36 =	vld [tilespmem:s1+$0x1A00]  }
0x8e: {  	v2 =	vld [tilespmem:s1+$0x1D80]  }
0x8f: {  	v3 =	vld [tilespmem:s1+$0x1C80]  }
0x90: {  	v26 =	vld [tilespmem:s1+$0x2180]  }
0x91: {  	v24 =	vld [tilespmem:s1+$0x2080]  }
0x92: {  	v20 =	vld [tilespmem:s1+$0x2380]  }
0x93: {  	v21 =	vld [tilespmem:s1+$0x2280]  }
0x94: {  	v32 =	vld [tilespmem:s1+$0x2100]  }
0x95: {  	v30 =	vld [tilespmem:s1+$0x2000]  }
0x96: {  	v27 =	vld [tilespmem:s1+$0x2300]  }
0x97: {  	v28 =	vld [tilespmem:s1+$0x2200]  }
0x98: {  	v25 =	vld [tilespmem:s1+$0x2580]  }
0x99: {  	v22 =	vld [tilespmem:s1+$0x2480]  }
0x9a: {  	v19 =	vld [tilespmem:s1+$0x2780]  }
0x9b: {  	v14 =	vld [tilespmem:s1+$0x2680]  }
0x9c: {  	v31 =	vld [tilespmem:s1+$0x2500]  }
0x9d: {  	v29 =	vld [tilespmem:s1+$0x2400]  }
0x9e: {  	v10 =	vadd.f32 v9, v30;
	v23 =	vld [tilespmem:s1+$0x2700]  }
0x9f: {  	v17 =	vld [tilespmem:s1+$0x2600]  }
0xa0: {  	v4 =	vadd.f32 v4, v32;
	v33 =	vadd.f32 v10, v24;
	v9 =	vld [tilespmem:s1+$0x2980]  }
.Ltmp2:
0xa1: {  	v7 =	vadd.f32 v7, v28;
	v11 =	vld [tilespmem:s1+$0x2880];
	(pc) =	sbr.rel @p0 .LBB2_3-.Ltmp2, $4  }
0xa2: {  	v35 =	vadd.f32 v4, v26;
	v0 =	vadd.f32 v0, v33;
	v10 =	vld [tilespmem:s1+$0x2B80]  }
0xa3: {  	v39 =	vadd.f32 v5, v27;
	v34 =	vadd.f32 v7, v21;
	v4 =	vld [tilespmem:s1+$0x2A80]  }
0xa4: {  	v0 =	vadd.f32 v0, v35;
	v37 =	vadd.f32 v36, v29;
	v5 =	vld [tilespmem:s1+$0x2D80]  }
0xa5: {  	s12 =	sadd.s32 $0x1, s12;
	v38 =	vadd.f32 v38, v34;
	v36 =	vadd.f32 v39, v20;
	v7 =	vld [tilespmem:s1+$0x2C80]  }
0xa6: {  	v39 =	vld [tilespmem:s1+$0x2F80]  }
0xa7: {  	v18 =	vadd.f32 v18, v31;
	v40 =	vld [tilespmem:s1+$0x2E80]  }
0xa8: {  	v37 =	vadd.f32 v37, v22;
	v15 =	vadd.f32 v15, v0;
	v41 =	vld [tilespmem:s1+$0x2F00];
	v26 =	vmax.f32 v32, v26  }
0xa9: {  	v54 =	vld [tilespmem:s1+$0x2E00];
	v24 =	vmax.f32 v30, v24;
	v30 =	vmax.f32 v33, v35;
	v20 =	vmax.f32 v27, v20  }
0xaa: {  	v55 =	vld [tilespmem:s1+$0x2D00];
	v21 =	vmax.f32 v28, v21;
	v22 =	vmax.f32 v29, v22;
	v12 =	vadd.f32 v12, v23  }
0xab: {  	v27 =	vld [tilespmem:s1+$0x2C00];
	v57 =	vmax.f32 v23, v19;
	v13 =	vadd.f32 v13, v17;
	v38 =	vadd.f32 v38, v36  }
0xac: {  	v28 =	vmax.f32 v34, v36;
	v18 =	vadd.f32 v18, v25;
	v25 =	vmax.f32 v31, v25;
	v31 =	vld [tilespmem:s1+$0x2B00]  }
0xad: {  	v56 =	vld [tilespmem:s1+$0x2A00];
	v16 =	vadd.f32 v16, v37;
	v13 =	vadd.f32 v13, v14;
	v29 =	vmax.f32 v41, v39  }
0xae: {  	v58 =	vld [tilespmem:s1+$0x2900];
	v12 =	vadd.f32 v12, v19;
	v23 =	vmax.f32 v29, $0.0e+00;
	v29 =	vmax.f32 v54, v40  }
0xaf: {  	v59 =	vld [tilespmem:s1+$0x2800];
	v1 =	vadd.f32 v1, v13;
	v23 =	vmax.f32 v23, v29;
	v29 =	vmax.f32 v55, v5  }
0xb0: {  	v13 =	vmax.f32 v13, v12;
	v19 =	vmax.f32 v23, v29;
	v23 =	vmax.f32 v27, v7;
	v29 =	vld [tilespmem:s1+$0x1C00]  }
0xb1: {  	v1 =	vadd.f32 v1, v12;
	v12 =	vld [tilespmem:s1+$0x1E00];
	v19 =	vmax.f32 v19, v23;
	v23 =	vmax.f32 v31, v10  }
0xb2: {  	v42 =	vld [tilespmem:s1+$0x1F80];
	v14 =	vmax.f32 v17, v14;
	v19 =	vmax.f32 v19, v23;
	v23 =	vmax.f32 v56, v4  }
0xb3: {  	v17 =	vld [tilespmem:s1+$0x1E80];
	v15 =	vadd.f32 v15, v38;
	v43 =	vmax.f32 v58, v9;
	v19 =	vmax.f32 v19, v23  }
0xb4: {  	v44 =	vld [tilespmem:s1+$0x1F00];
	v16 =	vadd.f32 v16, v18;
	v60 =	vmax.f32 v59, v11;
	v19 =	vmax.f32 v19, v43  }
0xb5: {  	v3 =	vadd.f32 v3, v58;
	v23 =	vld [tilespmem:s1+$0x1D00];
	v19 =	vmax.f32 v19, v60;
	v29 =	vadd.f32 v29, v59  }
0xb6: {  	v2 =	vadd.f32 v2, v31;
	v12 =	vadd.f32 v12, v27;
	v19 =	vmax.f32 v19, v57  }
0xb7: {  	v3 =	vadd.f32 v3, v9;
	v9 =	vadd.f32 v29, v11;
	v11 =	vmax.f32 v19, v14  }
0xb8: {  	v17 =	vadd.f32 v17, v55;
	v7 =	vadd.f32 v12, v7;
	v11 =	vmax.f32 v11, v25  }
0xb9: {  	v12 =	vld [tilespmem:s1+$0x1700];
	v14 =	vadd.f32 v42, v41;
	v19 =	vadd.f32 v44, v54;
	v11 =	vmax.f32 v11, v22  }
0xba: {  	v2 =	vadd.f32 v2, v10;
	v10 =	vadd.f32 v23, v56;
	v22 =	vld [tilespmem:s1+$0x1600];
	v11 =	vmax.f32 v11, v20  }
0xbb: {  	v14 =	vadd.f32 v14, v39;
	v19 =	vadd.f32 v19, v40;
	v20 =	vld [tilespmem:s1+$0x1780];
	v11 =	vmax.f32 v11, v21  }
0xbc: {  	v18 =	vmax.f32 v37, v18;
	v5 =	vadd.f32 v17, v5;
	v21 =	vld [tilespmem:s1+$0x1680];
	v11 =	vmax.f32 v11, v26  }
0xbd: {  	v4 =	vadd.f32 v10, v4;
	v10 =	vmax.f32 v11, v24;
	v11 =	vmax.f32 v19, v14  }
0xbe: {  	v8 =	vadd.f32 v15, v8;
	v6 =	vadd.f32 v6, v16;
	v10 =	vmax.f32 v10, v11  }
0xbf: {  	v17 =	vld [tilespmem:s1+$0x1300];
	v11 =	vmax.f32 v7, v5;
	v22 =	vadd.f32 v22, v9;
	v9 =	vmax.f32 v9, v3  }
0xc0: {  	v7 =	vadd.f32 v12, v7;
	v10 =	vmax.f32 v10, v11;
	v11 =	vmax.f32 v4, v2  }
0xc1: {  	v19 =	vadd.f32 v20, v19;
	v10 =	vmax.f32 v10, v11;
	v4 =	vadd.f32 v21, v4;
	v11 =	vld [tilespmem:s1+$0x1380]  }
0xc2: {  	v3 =	vadd.f32 v22, v3;
	v5 =	vadd.f32 v7, v5;
	v9 =	vmax.f32 v10, v9  }
0xc3: {  	v10 =	vld [tilespmem:s1+$0x1180];
	v12 =	vadd.f32 v19, v14;
	v2 =	vadd.f32 v4, v2;
	v4 =	vmax.f32 v9, v13  }
0xc4: {  	v16 =	vmax.f32 v16, v1;
	v7 =	vld [tilespmem:s1+$0x1080];
	v9 =	vadd.f32 v17, v3;
	v4 =	vmax.f32 v4, v18  }
0xc5: {  	v1 =	vadd.f32 v6, v1;
	v6 =	vmax.f32 v5, v12;
	v4 =	vmax.f32 v4, v28  }
0xc6: {  	v9 =	vadd.f32 v9, v2;
	v4 =	vmax.f32 v4, v30;
	v5 =	vadd.f32 v11, v5  }
0xc7: {  	v2 =	vmax.f32 v3, v2;
	v3 =	vadd.f32 v8, v1;
	v4 =	vmax.f32 v4, v6  }
0xc8: {  	v5 =	vadd.f32 v5, v12;
	v2 =	vmax.f32 v4, v2;
	v4 =	vadd.f32 v10, v9  }
0xc9: {  	v0 =	vmax.f32 v0, v38;
	v6 =	vadd.f32 v3, v7;
	v2 =	vmax.f32 v2, v16  }
0xca: {  	v0 =	vmax.f32 v2, v0;
	v2 =	vmax.f32 v9, v5;
	v4 =	vadd.f32 v4, v5  }
0xcb: {  	s17 =	sshll.u32 s2, $0x4;
	v1 =	vmax.f32 v15, v1;
	v0 =	vmax.f32 v0, v2  }
0xcc: {  	s1 =	sand.u32 $0x3FFFFF80, s17;
	v0 =	vmax.f32 v0, v1;
	v1 =	vmax.f32 v3, v4;
	v2 =	vadd.f32 v6, v4  }
0xcd: {  	s31 =	sshll.u32 s29, $0xB;
	p0 =	seq.s32 s29, $0x7;
	s1 =	sadd.s32 s1, s30;
	v0 =	vmax.f32 v0, v1  }
0xce: {  	s1 =	sadd.s32 s0, s1;
	s0 =	sshrl.u32 @!p0 s31, $0x2;
	v0 =	vmax.f32 v0, v2  }
0xcf: {  	s2 =	simm.s32 @!p0 $0x80;
	s12 =	simm.s32 @!p0 $0x1080;
	[tilespmem:s1+$0x0] =	vst v0;
	s1 =	sadd.s32 @!p0 $0x200, s0  }
0xd0: {  	[tilespmem:s12], [sflag:$0x1] =	stream.indirect.gather @!p0 [hbm4b:s4+s2], $0x80, s1, s2, $0xb8;
	[tilespmem:$0x15080] =	vst v63  }
0xd1: {  	s18 =	simm.s32 $0x0;
	s1 =	simm.s32 $0x0;
	_ =	swait.ge [sflag:s22], $0x4000  }
0xd2: {  	s12 =	sand.u32 $0x3FFFE000, s18;
	s2 =	sand.u32 $0x70, s1;
	[sflag:s22] =	ssyncset.done $0x0  }
0xd3: {  	s12 =	sor.u32 s2, s12;
	[sflag:s22] =	ssyncadd.s32 $0xFFFFC000  }
0xd4: {  	v8 =	vld [tilespmem:s12+$0x5100]  }
0xd5: {  	v7 =	vld [tilespmem:s12+$0x5280]  }
0xd6: {  	v16 =	vld [tilespmem:s12+$0x5200]  }
0xd7: {  	v1 =	vld [tilespmem:s12+$0x5580]  }
0xd8: {  	v61 =	vld [tilespmem:s12+$0x5480]  }
0xd9: {  	v17 =	vld [tilespmem:s12+$0x5500]  }
0xda: {  	v0 =	vld [tilespmem:s12+$0x5400]  }
0xdb: {  	v5 =	vld [tilespmem:s12+$0x5980]  }
0xdc: {  	v4 =	vld [tilespmem:s12+$0x5880]  }
0xdd: {  	v12 =	vld [tilespmem:s12+$0x5B80]  }
0xde: {  	v15 =	vld [tilespmem:s12+$0x5A80]  }
0xdf: {  	v6 =	vld [tilespmem:s12+$0x5900]  }
0xe0: {  	v9 =	vld [tilespmem:s12+$0x5800]  }
0xe1: {  	v13 =	vld [tilespmem:s12+$0x5B00]  }
0xe2: {  	v62 =	vld [tilespmem:s12+$0x5A00]  }
0xe3: {  	v2 =	vld [tilespmem:s12+$0x5D80]  }
0xe4: {  	v3 =	vld [tilespmem:s12+$0x5C80]  }
0xe5: {  	v26 =	vld [tilespmem:s12+$0x6180]  }
0xe6: {  	v24 =	vld [tilespmem:s12+$0x6080]  }
0xe7: {  	v20 =	vld [tilespmem:s12+$0x6380]  }
0xe8: {  	v21 =	vld [tilespmem:s12+$0x6280]  }
0xe9: {  	v32 =	vld [tilespmem:s12+$0x6100]  }
0xea: {  	v30 =	vld [tilespmem:s12+$0x6000]  }
0xeb: {  	v27 =	vld [tilespmem:s12+$0x6300]  }
0xec: {  	v28 =	vld [tilespmem:s12+$0x6200]  }
0xed: {  	v25 =	vld [tilespmem:s12+$0x6580]  }
0xee: {  	v22 =	vld [tilespmem:s12+$0x6480]  }
0xef: {  	v19 =	vld [tilespmem:s12+$0x6780]  }
0xf0: {  	v14 =	vld [tilespmem:s12+$0x6680]  }
0xf1: {  	v31 =	vld [tilespmem:s12+$0x6500]  }
0xf2: {  	v29 =	vld [tilespmem:s12+$0x6400]  }
0xf3: {  	v23 =	vld [tilespmem:s12+$0x6700]  }
0xf4: {  	v18 =	vld [tilespmem:s12+$0x6600];
	v10 =	vadd.f32 v9, v30  }
0xf5: {  	v11 =	vld [tilespmem:s12+$0x6880];
	v4 =	vadd.f32 v4, v32  }
0xf6: {  	v9 =	vld [tilespmem:s12+$0x6980];
	v6 =	vadd.f32 v6, v28;
	v33 =	vadd.f32 v10, v24  }
0xf7: {  	v63 =	vadd.f32 v5, v27;
	v5 =	vld [tilespmem:s12+$0x6D80];
	v35 =	vadd.f32 v4, v26  }
0xf8: {  	v10 =	vld [tilespmem:s12+$0x6B80];
	v34 =	vadd.f32 v6, v21;
	v0 =	vadd.f32 v0, v33  }
0xf9: {  	v37 =	vadd.f32 v62, v29;
	v4 =	vld [tilespmem:s12+$0x6A80];
	v36 =	vadd.f32 v63, v20  }
0xfa: {  	s15 =	simm.s32 $0x1;
	s16 =	simm.s32 $0x0;
	v6 =	vld [tilespmem:s12+$0x6C80];
	v38 =	vadd.f32 v61, v34;
	v0 =	vadd.f32 v0, v35  }
.LBB2_5:
0xfb: {  	p1 =	sne.s32 s15, $0xF;
	v39 =	vld [tilespmem:s12+$0x6F80];
	v40 =	vadd.f32 v15, v31;
	v37 =	vadd.f32 v37, v22  }
0xfc: {  	v16 =	vadd.f32 v16, v0;
	v41 =	vld [tilespmem:s12+$0x6E80];
	v15 =	vadd.f32 v38, v36  }
0xfd: {  	v26 =	vmax.f32 v32, v26;
	v38 =	vld [tilespmem:s12+$0x6F00];
	v40 =	vadd.f32 v40, v25;
	v32 =	vadd.f32 v17, v37  }
0xfe: {  	v24 =	vmax.f32 v30, v24;
	v17 =	vmax.f32 v33, v35;
	v42 =	vld [tilespmem:s12+$0x6E00];
	v16 =	vadd.f32 v16, v15  }
0xff: {  	v20 =	vmax.f32 v27, v20;
	v21 =	vmax.f32 v28, v21;
	v30 =	vld [tilespmem:s12+$0x6D00];
	v27 =	vadd.f32 v32, v40  }
0x100: {  	v25 =	vmax.f32 v31, v25;
	v31 =	vmax.f32 v34, v36;
	v28 =	vld [tilespmem:s12+$0x6C00];
	v8 =	vadd.f32 v16, v8  }
0x101: {  	v22 =	vmax.f32 v29, v22;
	v29 =	vmax.f32 v37, v40;
	v32 =	vld [tilespmem:s12+$0x6B00];
	v7 =	vadd.f32 v7, v27  }
0x102: {  	v12 =	vadd.f32 v12, v23;
	v35 =	vmax.f32 v23, v19;
	v33 =	vmax.f32 v38, v39;
	v34 =	vld [tilespmem:s12+$0x6A00]  }
0x103: {  	v13 =	vadd.f32 v13, v18;
	v23 =	vmax.f32 v33, $0.0e+00;
	v33 =	vmax.f32 v42, v41;
	v36 =	vld [tilespmem:s12+$0x6900]  }
0x104: {  	v12 =	vadd.f32 v12, v19;
	v23 =	vmax.f32 v23, v33;
	v33 =	vmax.f32 v30, v5;
	v37 =	vld [tilespmem:s12+$0x6800]  }
0x105: {  	v13 =	vadd.f32 v13, v14;
	v19 =	vmax.f32 v23, v33;
	v23 =	vmax.f32 v28, v6;
	v33 =	vld [tilespmem:s12+$0x5C00]  }
0x106: {  	v14 =	vmax.f32 v18, v14;
	v40 =	vld [tilespmem:s12+$0x5F80];
	v19 =	vmax.f32 v19, v23;
	v23 =	vmax.f32 v32, v10  }
0x107: {  	v1 =	vadd.f32 v1, v13;
	v18 =	vld [tilespmem:s12+$0x5E80];
	v19 =	vmax.f32 v19, v23;
	v23 =	vmax.f32 v34, v4  }
0x108: {  	v13 =	vmax.f32 v13, v12;
	v19 =	vmax.f32 v19, v23;
	v23 =	vld [tilespmem:s12+$0x5D00];
	v43 =	vmax.f32 v36, v9  }
0x109: {  	v1 =	vadd.f32 v1, v12;
	v44 =	vld [tilespmem:s12+$0x5F00];
	v19 =	vmax.f32 v19, v43;
	v43 =	vmax.f32 v37, v11  }
0x10a: {  	v3 =	vadd.f32 v3, v36;
	v12 =	vld [tilespmem:s12+$0x5E00];
	v19 =	vmax.f32 v19, v43;
	v33 =	vadd.f32 v33, v37  }
0x10b: {  	v27 =	vmax.f32 v27, v1;
	v2 =	vadd.f32 v2, v32;
	v19 =	vmax.f32 v19, v35  }
0x10c: {  	v3 =	vadd.f32 v3, v9;
	v9 =	vadd.f32 v33, v11;
	v11 =	vmax.f32 v19, v14  }
0x10d: {  	v2 =	vadd.f32 v2, v10;
	v10 =	vadd.f32 v23, v34;
	v11 =	vmax.f32 v11, v25  }
0x10e: {  	v14 =	vadd.f32 v40, v38;
	v19 =	vadd.f32 v44, v42;
	v11 =	vmax.f32 v11, v22;
	v22 =	vld [tilespmem:s12+$0x5600]  }
0x10f: {  	v18 =	vadd.f32 v18, v30;
	v12 =	vadd.f32 v12, v28;
	v11 =	vmax.f32 v11, v20;
	v20 =	vld [tilespmem:s12+$0x5780]  }
0x110: {  	v14 =	vadd.f32 v14, v39;
	v19 =	vadd.f32 v19, v41;
	v11 =	vmax.f32 v11, v21;
	v21 =	vld [tilespmem:s12+$0x5680]  }
0x111: {  	v5 =	vadd.f32 v18, v5;
	v6 =	vadd.f32 v12, v6;
	v11 =	vmax.f32 v11, v26;
	v12 =	vld [tilespmem:s12+$0x5700]  }
0x112: {  	v4 =	vadd.f32 v10, v4;
	v10 =	vmax.f32 v11, v24;
	v11 =	vmax.f32 v19, v14;
	v18 =	vld [tilespmem:s12+$0x5300]  }
0x113: {  	v10 =	vmax.f32 v10, v11;
	v11 =	vmax.f32 v6, v5;
	v22 =	vadd.f32 v22, v9  }
0x114: {  	v9 =	vmax.f32 v9, v3;
	v10 =	vmax.f32 v10, v11;
	v11 =	vmax.f32 v4, v2  }
0x115: {  	v10 =	vmax.f32 v10, v11;
	v4 =	vadd.f32 v21, v4;
	v3 =	vadd.f32 v22, v3;
	v11 =	vld [tilespmem:s12+$0x5380]  }
0x116: {  	v19 =	vadd.f32 v20, v19;
	v6 =	vadd.f32 v12, v6;
	v9 =	vmax.f32 v10, v9  }
0x117: {  	v2 =	vadd.f32 v4, v2;
	v4 =	vmax.f32 v9, v13;
	v9 =	vadd.f32 v18, v3;
	v10 =	vld [tilespmem:s12+$0x5180]  }
0x118: {  	v12 =	vadd.f32 v19, v14;
	v5 =	vadd.f32 v6, v5;
	v4 =	vmax.f32 v4, v29;
	v6 =	vld [tilespmem:s12+$0x5080]  }
0x119: {  	v1 =	vadd.f32 v7, v1;
	v4 =	vmax.f32 v4, v31;
	v9 =	vadd.f32 v9, v2  }
0x11a: {  	v4 =	vmax.f32 v4, v17;
	v7 =	vmax.f32 v5, v12;
	v5 =	vadd.f32 v11, v5  }
0x11b: {  	v2 =	vmax.f32 v3, v2;
	v3 =	vadd.f32 v8, v1;
	v4 =	vmax.f32 v4, v7  }
0x11c: {  	v5 =	vadd.f32 v5, v12;
	v2 =	vmax.f32 v4, v2;
	v4 =	vadd.f32 v10, v9  }
0x11d: {  	v0 =	vmax.f32 v0, v15;
	v2 =	vmax.f32 v2, v27;
	v6 =	vadd.f32 v3, v6  }
0x11e: {  	v0 =	vmax.f32 v2, v0;
	v2 =	vmax.f32 v9, v5;
	v4 =	vadd.f32 v4, v5  }
0x11f: {  	s12 =	sshll.u32 s1, $0x4;
	s1 =	smov.u32 s15;
	v1 =	vmax.f32 v16, v1;
	v0 =	vmax.f32 v0, v2  }
0x120: {  	s12 =	sand.u32 $0x3FFFFF80, s12;
	v0 =	vmax.f32 v0, v1;
	v1 =	vmax.f32 v3, v4;
	v2 =	vadd.f32 v6, v4  }
0x121: {  	s17 =	sshll.u32 s15, $0xA;
	s16 =	sadd.s32 $0x10, s16;
	s12 =	sadd.s32 s12, s30;
	v0 =	vmax.f32 v0, v1  }
0x122: {  	s17 =	sand.u32 $0x3FFFE000, s17;
	s18 =	sadd.s32 s2, s12;
	s2 =	sand.u32 $0x70, s16;
	v0 =	vmax.f32 v0, v2  }
0x123: {  	s12 =	sor.u32 s2, s17;
	[tilespmem:s18+$0x100] =	vst v0  }
0x124: {  	v8 =	vld [tilespmem:s12+$0x5100]  }
0x125: {  	v7 =	vld [tilespmem:s12+$0x5280]  }
0x126: {  	v16 =	vld [tilespmem:s12+$0x5200]  }
0x127: {  	v1 =	vld [tilespmem:s12+$0x5580]  }
0x128: {  	v38 =	vld [tilespmem:s12+$0x5480]  }
0x129: {  	v17 =	vld [tilespmem:s12+$0x5500]  }
0x12a: {  	v0 =	vld [tilespmem:s12+$0x5400]  }
0x12b: {  	v5 =	vld [tilespmem:s12+$0x5980]  }
0x12c: {  	v4 =	vld [tilespmem:s12+$0x5880]  }
0x12d: {  	v12 =	vld [tilespmem:s12+$0x5B80]  }
0x12e: {  	v15 =	vld [tilespmem:s12+$0x5A80]  }
0x12f: {  	v6 =	vld [tilespmem:s12+$0x5900]  }
0x130: {  	v9 =	vld [tilespmem:s12+$0x5800]  }
0x131: {  	v13 =	vld [tilespmem:s12+$0x5B00]  }
0x132: {  	v36 =	vld [tilespmem:s12+$0x5A00]  }
0x133: {  	v2 =	vld [tilespmem:s12+$0x5D80]  }
0x134: {  	v3 =	vld [tilespmem:s12+$0x5C80]  }
0x135: {  	v26 =	vld [tilespmem:s12+$0x6180]  }
0x136: {  	v24 =	vld [tilespmem:s12+$0x6080]  }
0x137: {  	v20 =	vld [tilespmem:s12+$0x6380]  }
0x138: {  	v21 =	vld [tilespmem:s12+$0x6280]  }
0x139: {  	v32 =	vld [tilespmem:s12+$0x6100]  }
0x13a: {  	v30 =	vld [tilespmem:s12+$0x6000]  }
0x13b: {  	v27 =	vld [tilespmem:s12+$0x6300]  }
0x13c: {  	v28 =	vld [tilespmem:s12+$0x6200]  }
0x13d: {  	v25 =	vld [tilespmem:s12+$0x6580]  }
0x13e: {  	v22 =	vld [tilespmem:s12+$0x6480]  }
0x13f: {  	v19 =	vld [tilespmem:s12+$0x6780]  }
0x140: {  	v14 =	vld [tilespmem:s12+$0x6680]  }
0x141: {  	v31 =	vld [tilespmem:s12+$0x6500]  }
0x142: {  	v29 =	vld [tilespmem:s12+$0x6400]  }
0x143: {  	v10 =	vadd.f32 v9, v30;
	v23 =	vld [tilespmem:s12+$0x6700]  }
0x144: {  	v18 =	vld [tilespmem:s12+$0x6600]  }
0x145: {  	v4 =	vadd.f32 v4, v32;
	v33 =	vadd.f32 v10, v24;
	v9 =	vld [tilespmem:s12+$0x6980]  }
.Ltmp3:
0x146: {  	v6 =	vadd.f32 v6, v28;
	v11 =	vld [tilespmem:s12+$0x6880];
	(pc) =	sbr.rel @p1 .LBB2_5-.Ltmp3, $4  }
0x147: {  	v35 =	vadd.f32 v4, v26;
	v0 =	vadd.f32 v0, v33;
	v10 =	vld [tilespmem:s12+$0x6B80]  }
0x148: {  	v39 =	vadd.f32 v5, v27;
	v34 =	vadd.f32 v6, v21;
	v4 =	vld [tilespmem:s12+$0x6A80]  }
0x149: {  	v0 =	vadd.f32 v0, v35;
	v37 =	vadd.f32 v36, v29;
	v5 =	vld [tilespmem:s12+$0x6D80]  }
0x14a: {  	s15 =	sadd.s32 $0x1, s15;
	v38 =	vadd.f32 v38, v34;
	v36 =	vadd.f32 v39, v20;
	v6 =	vld [tilespmem:s12+$0x6C80]  }
0x14b: {  	v39 =	vld [tilespmem:s12+$0x6F80]  }
0x14c: {  	v15 =	vadd.f32 v15, v31;
	v40 =	vld [tilespmem:s12+$0x6E80]  }
0x14d: {  	v37 =	vadd.f32 v37, v22;
	v16 =	vadd.f32 v16, v0;
	v41 =	vld [tilespmem:s12+$0x6F00];
	v26 =	vmax.f32 v32, v26  }
0x14e: {  	v54 =	vld [tilespmem:s12+$0x6E00];
	v24 =	vmax.f32 v30, v24;
	v30 =	vmax.f32 v33, v35;
	v20 =	vmax.f32 v27, v20  }
0x14f: {  	v55 =	vld [tilespmem:s12+$0x6D00];
	v21 =	vmax.f32 v28, v21;
	v22 =	vmax.f32 v29, v22;
	v12 =	vadd.f32 v12, v23  }
0x150: {  	v27 =	vld [tilespmem:s12+$0x6C00];
	v57 =	vmax.f32 v23, v19;
	v13 =	vadd.f32 v13, v18;
	v38 =	vadd.f32 v38, v36  }
0x151: {  	v28 =	vmax.f32 v34, v36;
	v15 =	vadd.f32 v15, v25;
	v25 =	vmax.f32 v31, v25;
	v31 =	vld [tilespmem:s12+$0x6B00]  }
0x152: {  	v56 =	vld [tilespmem:s12+$0x6A00];
	v17 =	vadd.f32 v17, v37;
	v13 =	vadd.f32 v13, v14;
	v29 =	vmax.f32 v41, v39  }
0x153: {  	v58 =	vld [tilespmem:s12+$0x6900];
	v12 =	vadd.f32 v12, v19;
	v23 =	vmax.f32 v29, $0.0e+00;
	v29 =	vmax.f32 v54, v40  }
0x154: {  	v59 =	vld [tilespmem:s12+$0x6800];
	v1 =	vadd.f32 v1, v13;
	v23 =	vmax.f32 v23, v29;
	v29 =	vmax.f32 v55, v5  }
0x155: {  	v13 =	vmax.f32 v13, v12;
	v19 =	vmax.f32 v23, v29;
	v23 =	vmax.f32 v27, v6;
	v29 =	vld [tilespmem:s12+$0x5C00]  }
0x156: {  	v1 =	vadd.f32 v1, v12;
	v12 =	vld [tilespmem:s12+$0x5E00];
	v19 =	vmax.f32 v19, v23;
	v23 =	vmax.f32 v31, v10  }
0x157: {  	v42 =	vld [tilespmem:s12+$0x5F80];
	v14 =	vmax.f32 v18, v14;
	v19 =	vmax.f32 v19, v23;
	v23 =	vmax.f32 v56, v4  }
0x158: {  	v18 =	vld [tilespmem:s12+$0x5E80];
	v16 =	vadd.f32 v16, v38;
	v43 =	vmax.f32 v58, v9;
	v19 =	vmax.f32 v19, v23  }
0x159: {  	v44 =	vld [tilespmem:s12+$0x5F00];
	v17 =	vadd.f32 v17, v15;
	v60 =	vmax.f32 v59, v11;
	v19 =	vmax.f32 v19, v43  }
0x15a: {  	v3 =	vadd.f32 v3, v58;
	v23 =	vld [tilespmem:s12+$0x5D00];
	v19 =	vmax.f32 v19, v60;
	v29 =	vadd.f32 v29, v59  }
0x15b: {  	v2 =	vadd.f32 v2, v31;
	v12 =	vadd.f32 v12, v27;
	v19 =	vmax.f32 v19, v57  }
0x15c: {  	v3 =	vadd.f32 v3, v9;
	v9 =	vadd.f32 v29, v11;
	v11 =	vmax.f32 v19, v14  }
0x15d: {  	v18 =	vadd.f32 v18, v55;
	v6 =	vadd.f32 v12, v6;
	v11 =	vmax.f32 v11, v25  }
0x15e: {  	v12 =	vld [tilespmem:s12+$0x5700];
	v14 =	vadd.f32 v42, v41;
	v19 =	vadd.f32 v44, v54;
	v11 =	vmax.f32 v11, v22  }
0x15f: {  	v2 =	vadd.f32 v2, v10;
	v10 =	vadd.f32 v23, v56;
	v22 =	vld [tilespmem:s12+$0x5600];
	v11 =	vmax.f32 v11, v20  }
0x160: {  	v14 =	vadd.f32 v14, v39;
	v19 =	vadd.f32 v19, v40;
	v20 =	vld [tilespmem:s12+$0x5780];
	v11 =	vmax.f32 v11, v21  }
0x161: {  	v15 =	vmax.f32 v37, v15;
	v5 =	vadd.f32 v18, v5;
	v21 =	vld [tilespmem:s12+$0x5680];
	v11 =	vmax.f32 v11, v26  }
0x162: {  	v4 =	vadd.f32 v10, v4;
	v10 =	vmax.f32 v11, v24;
	v11 =	vmax.f32 v19, v14  }
0x163: {  	v8 =	vadd.f32 v16, v8;
	v7 =	vadd.f32 v7, v17;
	v10 =	vmax.f32 v10, v11  }
0x164: {  	v18 =	vld [tilespmem:s12+$0x5300];
	v11 =	vmax.f32 v6, v5;
	v22 =	vadd.f32 v22, v9;
	v9 =	vmax.f32 v9, v3  }
0x165: {  	v6 =	vadd.f32 v12, v6;
	v10 =	vmax.f32 v10, v11;
	v11 =	vmax.f32 v4, v2  }
0x166: {  	v19 =	vadd.f32 v20, v19;
	v10 =	vmax.f32 v10, v11;
	v4 =	vadd.f32 v21, v4;
	v11 =	vld [tilespmem:s12+$0x5380]  }
0x167: {  	v3 =	vadd.f32 v22, v3;
	v5 =	vadd.f32 v6, v5;
	v9 =	vmax.f32 v10, v9  }
0x168: {  	v10 =	vld [tilespmem:s12+$0x5180];
	v12 =	vadd.f32 v19, v14;
	v2 =	vadd.f32 v4, v2;
	v4 =	vmax.f32 v9, v13  }
0x169: {  	v17 =	vmax.f32 v17, v1;
	v6 =	vld [tilespmem:s12+$0x5080];
	v9 =	vadd.f32 v18, v3;
	v4 =	vmax.f32 v4, v15  }
0x16a: {  	v1 =	vadd.f32 v7, v1;
	v7 =	vmax.f32 v5, v12;
	v4 =	vmax.f32 v4, v28  }
0x16b: {  	v9 =	vadd.f32 v9, v2;
	v4 =	vmax.f32 v4, v30;
	v5 =	vadd.f32 v11, v5  }
0x16c: {  	v2 =	vmax.f32 v3, v2;
	v3 =	vadd.f32 v8, v1;
	v4 =	vmax.f32 v4, v7  }
0x16d: {  	v5 =	vadd.f32 v5, v12;
	v2 =	vmax.f32 v4, v2;
	v4 =	vadd.f32 v10, v9  }
0x16e: {  	v0 =	vmax.f32 v0, v38;
	v6 =	vadd.f32 v3, v6;
	v2 =	vmax.f32 v2, v17  }
0x16f: {  	v0 =	vmax.f32 v2, v0;
	v2 =	vmax.f32 v9, v5;
	v4 =	vadd.f32 v4, v5  }
0x170: {  	s1 =	sshll.u32 s1, $0x4;
	v1 =	vmax.f32 v16, v1;
	v0 =	vmax.f32 v0, v2  }
0x171: {  	s1 =	sand.u32 $0x3FFFFF80, s1;
	v0 =	vmax.f32 v0, v1;
	v1 =	vmax.f32 v3, v4;
	v2 =	vadd.f32 v6, v4  }
0x172: {  	s1 =	sadd.s32 s1, s30;
	v0 =	vmax.f32 v0, v1  }
0x173: {  	s1 =	sadd.s32 s2, s1;
	v0 =	vmax.f32 v0, v2  }
0x174: {  	s2 =	simm.s32 @!p0 $0x80;
	s12 =	simm.s32 @!p0 $0x5080;
	[tilespmem:s1+$0x100] =	vst v0;
	s1 =	sadd.s32 @!p0 $0x280, s0  }
0x175: {  	[tilespmem:s12], [sflag:$0x2] =	stream.indirect.gather @!p0 [hbm4b:s4+s2], $0x80, s1, s2, $0xb8;
	[tilespmem:$0x15080] =	vst v63  }
0x176: {  	s18 =	simm.s32 $0x0;
	s1 =	simm.s32 $0x0;
	_ =	swait.ge [sflag:s23], $0x4000  }
0x177: {  	s12 =	sand.u32 $0x3FFFE000, s18;
	s2 =	sand.u32 $0x70, s1;
	[sflag:s23] =	ssyncset.done $0x0  }
0x178: {  	s12 =	sor.u32 s2, s12;
	[sflag:s23] =	ssyncadd.s32 $0xFFFFC000  }
0x179: {  	v8 =	vld [tilespmem:s12+$0x9100]  }
0x17a: {  	v7 =	vld [tilespmem:s12+$0x9280]  }
0x17b: {  	v16 =	vld [tilespmem:s12+$0x9200]  }
0x17c: {  	v1 =	vld [tilespmem:s12+$0x9580]  }
0x17d: {  	v61 =	vld [tilespmem:s12+$0x9480]  }
0x17e: {  	v17 =	vld [tilespmem:s12+$0x9500]  }
0x17f: {  	v0 =	vld [tilespmem:s12+$0x9400]  }
0x180: {  	v5 =	vld [tilespmem:s12+$0x9980]  }
0x181: {  	v4 =	vld [tilespmem:s12+$0x9880]  }
0x182: {  	v12 =	vld [tilespmem:s12+$0x9B80]  }
0x183: {  	v15 =	vld [tilespmem:s12+$0x9A80]  }
0x184: {  	v6 =	vld [tilespmem:s12+$0x9900]  }
0x185: {  	v9 =	vld [tilespmem:s12+$0x9800]  }
0x186: {  	v13 =	vld [tilespmem:s12+$0x9B00]  }
0x187: {  	v62 =	vld [tilespmem:s12+$0x9A00]  }
0x188: {  	v2 =	vld [tilespmem:s12+$0x9D80]  }
0x189: {  	v3 =	vld [tilespmem:s12+$0x9C80]  }
0x18a: {  	v26 =	vld [tilespmem:s12+$0xA180]  }
0x18b: {  	v24 =	vld [tilespmem:s12+$0xA080]  }
0x18c: {  	v20 =	vld [tilespmem:s12+$0xA380]  }
0x18d: {  	v21 =	vld [tilespmem:s12+$0xA280]  }
0x18e: {  	v32 =	vld [tilespmem:s12+$0xA100]  }
0x18f: {  	v30 =	vld [tilespmem:s12+$0xA000]  }
0x190: {  	v27 =	vld [tilespmem:s12+$0xA300]  }
0x191: {  	v28 =	vld [tilespmem:s12+$0xA200]  }
0x192: {  	v25 =	vld [tilespmem:s12+$0xA580]  }
0x193: {  	v22 =	vld [tilespmem:s12+$0xA480]  }
0x194: {  	v19 =	vld [tilespmem:s12+$0xA780]  }
0x195: {  	v14 =	vld [tilespmem:s12+$0xA680]  }
0x196: {  	v31 =	vld [tilespmem:s12+$0xA500]  }
0x197: {  	v29 =	vld [tilespmem:s12+$0xA400]  }
0x198: {  	v23 =	vld [tilespmem:s12+$0xA700]  }
0x199: {  	v18 =	vld [tilespmem:s12+$0xA600];
	v10 =	vadd.f32 v9, v30  }
0x19a: {  	v11 =	vld [tilespmem:s12+$0xA880];
	v4 =	vadd.f32 v4, v32  }
0x19b: {  	v9 =	vld [tilespmem:s12+$0xA980];
	v6 =	vadd.f32 v6, v28;
	v33 =	vadd.f32 v10, v24  }
0x19c: {  	v63 =	vadd.f32 v5, v27;
	v5 =	vld [tilespmem:s12+$0xAD80];
	v35 =	vadd.f32 v4, v26  }
0x19d: {  	v10 =	vld [tilespmem:s12+$0xAB80];
	v34 =	vadd.f32 v6, v21;
	v0 =	vadd.f32 v0, v33  }
0x19e: {  	v37 =	vadd.f32 v62, v29;
	v4 =	vld [tilespmem:s12+$0xAA80];
	v36 =	vadd.f32 v63, v20  }
0x19f: {  	s15 =	simm.s32 $0x1;
	s16 =	simm.s32 $0x0;
	v6 =	vld [tilespmem:s12+$0xAC80];
	v38 =	vadd.f32 v61, v34;
	v0 =	vadd.f32 v0, v35  }
.LBB2_7:
0x1a0: {  	p1 =	sne.s32 s15, $0xF;
	v39 =	vld [tilespmem:s12+$0xAF80];
	v40 =	vadd.f32 v15, v31;
	v37 =	vadd.f32 v37, v22  }
0x1a1: {  	v16 =	vadd.f32 v16, v0;
	v41 =	vld [tilespmem:s12+$0xAE80];
	v15 =	vadd.f32 v38, v36  }
0x1a2: {  	v26 =	vmax.f32 v32, v26;
	v38 =	vld [tilespmem:s12+$0xAF00];
	v40 =	vadd.f32 v40, v25;
	v32 =	vadd.f32 v17, v37  }
0x1a3: {  	v24 =	vmax.f32 v30, v24;
	v17 =	vmax.f32 v33, v35;
	v42 =	vld [tilespmem:s12+$0xAE00];
	v16 =	vadd.f32 v16, v15  }
0x1a4: {  	v20 =	vmax.f32 v27, v20;
	v21 =	vmax.f32 v28, v21;
	v30 =	vld [tilespmem:s12+$0xAD00];
	v27 =	vadd.f32 v32, v40  }
0x1a5: {  	v25 =	vmax.f32 v31, v25;
	v31 =	vmax.f32 v34, v36;
	v28 =	vld [tilespmem:s12+$0xAC00];
	v8 =	vadd.f32 v16, v8  }
0x1a6: {  	v22 =	vmax.f32 v29, v22;
	v29 =	vmax.f32 v37, v40;
	v32 =	vld [tilespmem:s12+$0xAB00];
	v7 =	vadd.f32 v7, v27  }
0x1a7: {  	v12 =	vadd.f32 v12, v23;
	v35 =	vmax.f32 v23, v19;
	v33 =	vmax.f32 v38, v39;
	v34 =	vld [tilespmem:s12+$0xAA00]  }
0x1a8: {  	v13 =	vadd.f32 v13, v18;
	v23 =	vmax.f32 v33, $0.0e+00;
	v33 =	vmax.f32 v42, v41;
	v36 =	vld [tilespmem:s12+$0xA900]  }
0x1a9: {  	v12 =	vadd.f32 v12, v19;
	v23 =	vmax.f32 v23, v33;
	v33 =	vmax.f32 v30, v5;
	v37 =	vld [tilespmem:s12+$0xA800]  }
0x1aa: {  	v13 =	vadd.f32 v13, v14;
	v19 =	vmax.f32 v23, v33;
	v23 =	vmax.f32 v28, v6;
	v33 =	vld [tilespmem:s12+$0x9C00]  }
0x1ab: {  	v14 =	vmax.f32 v18, v14;
	v40 =	vld [tilespmem:s12+$0x9F80];
	v19 =	vmax.f32 v19, v23;
	v23 =	vmax.f32 v32, v10  }
0x1ac: {  	v1 =	vadd.f32 v1, v13;
	v18 =	vld [tilespmem:s12+$0x9E80];
	v19 =	vmax.f32 v19, v23;
	v23 =	vmax.f32 v34, v4  }
0x1ad: {  	v13 =	vmax.f32 v13, v12;
	v19 =	vmax.f32 v19, v23;
	v23 =	vld [tilespmem:s12+$0x9D00];
	v43 =	vmax.f32 v36, v9  }
0x1ae: {  	v1 =	vadd.f32 v1, v12;
	v44 =	vld [tilespmem:s12+$0x9F00];
	v19 =	vmax.f32 v19, v43;
	v43 =	vmax.f32 v37, v11  }
0x1af: {  	v3 =	vadd.f32 v3, v36;
	v12 =	vld [tilespmem:s12+$0x9E00];
	v19 =	vmax.f32 v19, v43;
	v33 =	vadd.f32 v33, v37  }
0x1b0: {  	v27 =	vmax.f32 v27, v1;
	v2 =	vadd.f32 v2, v32;
	v19 =	vmax.f32 v19, v35  }
0x1b1: {  	v3 =	vadd.f32 v3, v9;
	v9 =	vadd.f32 v33, v11;
	v11 =	vmax.f32 v19, v14  }
0x1b2: {  	v2 =	vadd.f32 v2, v10;
	v10 =	vadd.f32 v23, v34;
	v11 =	vmax.f32 v11, v25  }
0x1b3: {  	v14 =	vadd.f32 v40, v38;
	v19 =	vadd.f32 v44, v42;
	v11 =	vmax.f32 v11, v22;
	v22 =	vld [tilespmem:s12+$0x9600]  }
0x1b4: {  	v18 =	vadd.f32 v18, v30;
	v12 =	vadd.f32 v12, v28;
	v11 =	vmax.f32 v11, v20;
	v20 =	vld [tilespmem:s12+$0x9780]  }
0x1b5: {  	v14 =	vadd.f32 v14, v39;
	v19 =	vadd.f32 v19, v41;
	v11 =	vmax.f32 v11, v21;
	v21 =	vld [tilespmem:s12+$0x9680]  }
0x1b6: {  	v5 =	vadd.f32 v18, v5;
	v6 =	vadd.f32 v12, v6;
	v11 =	vmax.f32 v11, v26;
	v12 =	vld [tilespmem:s12+$0x9700]  }
0x1b7: {  	v4 =	vadd.f32 v10, v4;
	v10 =	vmax.f32 v11, v24;
	v11 =	vmax.f32 v19, v14;
	v18 =	vld [tilespmem:s12+$0x9300]  }
0x1b8: {  	v10 =	vmax.f32 v10, v11;
	v11 =	vmax.f32 v6, v5;
	v22 =	vadd.f32 v22, v9  }
0x1b9: {  	v9 =	vmax.f32 v9, v3;
	v10 =	vmax.f32 v10, v11;
	v11 =	vmax.f32 v4, v2  }
0x1ba: {  	v10 =	vmax.f32 v10, v11;
	v4 =	vadd.f32 v21, v4;
	v3 =	vadd.f32 v22, v3;
	v11 =	vld [tilespmem:s12+$0x9380]  }
0x1bb: {  	v19 =	vadd.f32 v20, v19;
	v6 =	vadd.f32 v12, v6;
	v9 =	vmax.f32 v10, v9  }
0x1bc: {  	v2 =	vadd.f32 v4, v2;
	v4 =	vmax.f32 v9, v13;
	v9 =	vadd.f32 v18, v3;
	v10 =	vld [tilespmem:s12+$0x9180]  }
0x1bd: {  	v12 =	vadd.f32 v19, v14;
	v5 =	vadd.f32 v6, v5;
	v4 =	vmax.f32 v4, v29;
	v6 =	vld [tilespmem:s12+$0x9080]  }
0x1be: {  	v1 =	vadd.f32 v7, v1;
	v4 =	vmax.f32 v4, v31;
	v9 =	vadd.f32 v9, v2  }
0x1bf: {  	v4 =	vmax.f32 v4, v17;
	v7 =	vmax.f32 v5, v12;
	v5 =	vadd.f32 v11, v5  }
0x1c0: {  	v2 =	vmax.f32 v3, v2;
	v3 =	vadd.f32 v8, v1;
	v4 =	vmax.f32 v4, v7  }
0x1c1: {  	v5 =	vadd.f32 v5, v12;
	v2 =	vmax.f32 v4, v2;
	v4 =	vadd.f32 v10, v9  }
0x1c2: {  	v0 =	vmax.f32 v0, v15;
	v2 =	vmax.f32 v2, v27;
	v6 =	vadd.f32 v3, v6  }
0x1c3: {  	v0 =	vmax.f32 v2, v0;
	v2 =	vmax.f32 v9, v5;
	v4 =	vadd.f32 v4, v5  }
0x1c4: {  	s12 =	sshll.u32 s1, $0x4;
	s1 =	smov.u32 s15;
	v1 =	vmax.f32 v16, v1;
	v0 =	vmax.f32 v0, v2  }
0x1c5: {  	s12 =	sand.u32 $0x3FFFFF80, s12;
	v0 =	vmax.f32 v0, v1;
	v1 =	vmax.f32 v3, v4;
	v2 =	vadd.f32 v6, v4  }
0x1c6: {  	s17 =	sshll.u32 s15, $0xA;
	s16 =	sadd.s32 $0x10, s16;
	s12 =	sadd.s32 s12, s30;
	v0 =	vmax.f32 v0, v1  }
0x1c7: {  	s17 =	sand.u32 $0x3FFFE000, s17;
	s18 =	sadd.s32 s2, s12;
	s2 =	sand.u32 $0x70, s16;
	v0 =	vmax.f32 v0, v2  }
0x1c8: {  	s12 =	sor.u32 s2, s17;
	[tilespmem:s18+$0x200] =	vst v0  }
0x1c9: {  	v8 =	vld [tilespmem:s12+$0x9100]  }
0x1ca: {  	v7 =	vld [tilespmem:s12+$0x9280]  }
0x1cb: {  	v16 =	vld [tilespmem:s12+$0x9200]  }
0x1cc: {  	v1 =	vld [tilespmem:s12+$0x9580]  }
0x1cd: {  	v38 =	vld [tilespmem:s12+$0x9480]  }
0x1ce: {  	v17 =	vld [tilespmem:s12+$0x9500]  }
0x1cf: {  	v0 =	vld [tilespmem:s12+$0x9400]  }
0x1d0: {  	v5 =	vld [tilespmem:s12+$0x9980]  }
0x1d1: {  	v4 =	vld [tilespmem:s12+$0x9880]  }
0x1d2: {  	v12 =	vld [tilespmem:s12+$0x9B80]  }
0x1d3: {  	v15 =	vld [tilespmem:s12+$0x9A80]  }
0x1d4: {  	v6 =	vld [tilespmem:s12+$0x9900]  }
0x1d5: {  	v9 =	vld [tilespmem:s12+$0x9800]  }
0x1d6: {  	v13 =	vld [tilespmem:s12+$0x9B00]  }
0x1d7: {  	v36 =	vld [tilespmem:s12+$0x9A00]  }
0x1d8: {  	v2 =	vld [tilespmem:s12+$0x9D80]  }
0x1d9: {  	v3 =	vld [tilespmem:s12+$0x9C80]  }
0x1da: {  	v26 =	vld [tilespmem:s12+$0xA180]  }
0x1db: {  	v24 =	vld [tilespmem:s12+$0xA080]  }
0x1dc: {  	v20 =	vld [tilespmem:s12+$0xA380]  }
0x1dd: {  	v21 =	vld [tilespmem:s12+$0xA280]  }
0x1de: {  	v32 =	vld [tilespmem:s12+$0xA100]  }
0x1df: {  	v30 =	vld [tilespmem:s12+$0xA000]  }
0x1e0: {  	v27 =	vld [tilespmem:s12+$0xA300]  }
0x1e1: {  	v28 =	vld [tilespmem:s12+$0xA200]  }
0x1e2: {  	v25 =	vld [tilespmem:s12+$0xA580]  }
0x1e3: {  	v22 =	vld [tilespmem:s12+$0xA480]  }
0x1e4: {  	v19 =	vld [tilespmem:s12+$0xA780]  }
0x1e5: {  	v14 =	vld [tilespmem:s12+$0xA680]  }
0x1e6: {  	v31 =	vld [tilespmem:s12+$0xA500]  }
0x1e7: {  	v29 =	vld [tilespmem:s12+$0xA400]  }
0x1e8: {  	v10 =	vadd.f32 v9, v30;
	v23 =	vld [tilespmem:s12+$0xA700]  }
0x1e9: {  	v18 =	vld [tilespmem:s12+$0xA600]  }
0x1ea: {  	v4 =	vadd.f32 v4, v32;
	v33 =	vadd.f32 v10, v24;
	v9 =	vld [tilespmem:s12+$0xA980]  }
.Ltmp4:
0x1eb: {  	v6 =	vadd.f32 v6, v28;
	v11 =	vld [tilespmem:s12+$0xA880];
	(pc) =	sbr.rel @p1 .LBB2_7-.Ltmp4, $4  }
0x1ec: {  	v35 =	vadd.f32 v4, v26;
	v0 =	vadd.f32 v0, v33;
	v10 =	vld [tilespmem:s12+$0xAB80]  }
0x1ed: {  	v39 =	vadd.f32 v5, v27;
	v34 =	vadd.f32 v6, v21;
	v4 =	vld [tilespmem:s12+$0xAA80]  }
0x1ee: {  	v0 =	vadd.f32 v0, v35;
	v37 =	vadd.f32 v36, v29;
	v5 =	vld [tilespmem:s12+$0xAD80]  }
0x1ef: {  	s15 =	sadd.s32 $0x1, s15;
	v38 =	vadd.f32 v38, v34;
	v36 =	vadd.f32 v39, v20;
	v6 =	vld [tilespmem:s12+$0xAC80]  }
0x1f0: {  	v39 =	vld [tilespmem:s12+$0xAF80]  }
0x1f1: {  	v15 =	vadd.f32 v15, v31;
	v40 =	vld [tilespmem:s12+$0xAE80]  }
0x1f2: {  	v37 =	vadd.f32 v37, v22;
	v16 =	vadd.f32 v16, v0;
	v41 =	vld [tilespmem:s12+$0xAF00];
	v26 =	vmax.f32 v32, v26  }
0x1f3: {  	v54 =	vld [tilespmem:s12+$0xAE00];
	v24 =	vmax.f32 v30, v24;
	v30 =	vmax.f32 v33, v35;
	v20 =	vmax.f32 v27, v20  }
0x1f4: {  	v55 =	vld [tilespmem:s12+$0xAD00];
	v21 =	vmax.f32 v28, v21;
	v22 =	vmax.f32 v29, v22;
	v12 =	vadd.f32 v12, v23  }
0x1f5: {  	v27 =	vld [tilespmem:s12+$0xAC00];
	v57 =	vmax.f32 v23, v19;
	v13 =	vadd.f32 v13, v18;
	v38 =	vadd.f32 v38, v36  }
0x1f6: {  	v28 =	vmax.f32 v34, v36;
	v15 =	vadd.f32 v15, v25;
	v25 =	vmax.f32 v31, v25;
	v31 =	vld [tilespmem:s12+$0xAB00]  }
0x1f7: {  	v56 =	vld [tilespmem:s12+$0xAA00];
	v17 =	vadd.f32 v17, v37;
	v13 =	vadd.f32 v13, v14;
	v29 =	vmax.f32 v41, v39  }
0x1f8: {  	v58 =	vld [tilespmem:s12+$0xA900];
	v12 =	vadd.f32 v12, v19;
	v23 =	vmax.f32 v29, $0.0e+00;
	v29 =	vmax.f32 v54, v40  }
0x1f9: {  	v59 =	vld [tilespmem:s12+$0xA800];
	v1 =	vadd.f32 v1, v13;
	v23 =	vmax.f32 v23, v29;
	v29 =	vmax.f32 v55, v5  }
0x1fa: {  	v13 =	vmax.f32 v13, v12;
	v19 =	vmax.f32 v23, v29;
	v23 =	vmax.f32 v27, v6;
	v29 =	vld [tilespmem:s12+$0x9C00]  }
0x1fb: {  	v1 =	vadd.f32 v1, v12;
	v12 =	vld [tilespmem:s12+$0x9E00];
	v19 =	vmax.f32 v19, v23;
	v23 =	vmax.f32 v31, v10  }
0x1fc: {  	v42 =	vld [tilespmem:s12+$0x9F80];
	v14 =	vmax.f32 v18, v14;
	v19 =	vmax.f32 v19, v23;
	v23 =	vmax.f32 v56, v4  }
0x1fd: {  	v18 =	vld [tilespmem:s12+$0x9E80];
	v16 =	vadd.f32 v16, v38;
	v43 =	vmax.f32 v58, v9;
	v19 =	vmax.f32 v19, v23  }
0x1fe: {  	v44 =	vld [tilespmem:s12+$0x9F00];
	v17 =	vadd.f32 v17, v15;
	v60 =	vmax.f32 v59, v11;
	v19 =	vmax.f32 v19, v43  }
0x1ff: {  	v3 =	vadd.f32 v3, v58;
	v23 =	vld [tilespmem:s12+$0x9D00];
	v19 =	vmax.f32 v19, v60;
	v29 =	vadd.f32 v29, v59  }
0x200: {  	v2 =	vadd.f32 v2, v31;
	v12 =	vadd.f32 v12, v27;
	v19 =	vmax.f32 v19, v57  }
0x201: {  	v3 =	vadd.f32 v3, v9;
	v9 =	vadd.f32 v29, v11;
	v11 =	vmax.f32 v19, v14  }
0x202: {  	v18 =	vadd.f32 v18, v55;
	v6 =	vadd.f32 v12, v6;
	v11 =	vmax.f32 v11, v25  }
0x203: {  	v12 =	vld [tilespmem:s12+$0x9700];
	v14 =	vadd.f32 v42, v41;
	v19 =	vadd.f32 v44, v54;
	v11 =	vmax.f32 v11, v22  }
0x204: {  	v2 =	vadd.f32 v2, v10;
	v10 =	vadd.f32 v23, v56;
	v22 =	vld [tilespmem:s12+$0x9600];
	v11 =	vmax.f32 v11, v20  }
0x205: {  	v14 =	vadd.f32 v14, v39;
	v19 =	vadd.f32 v19, v40;
	v20 =	vld [tilespmem:s12+$0x9780];
	v11 =	vmax.f32 v11, v21  }
0x206: {  	v15 =	vmax.f32 v37, v15;
	v5 =	vadd.f32 v18, v5;
	v21 =	vld [tilespmem:s12+$0x9680];
	v11 =	vmax.f32 v11, v26  }
0x207: {  	v4 =	vadd.f32 v10, v4;
	v10 =	vmax.f32 v11, v24;
	v11 =	vmax.f32 v19, v14  }
0x208: {  	v8 =	vadd.f32 v16, v8;
	v7 =	vadd.f32 v7, v17;
	v10 =	vmax.f32 v10, v11  }
0x209: {  	v18 =	vld [tilespmem:s12+$0x9300];
	v11 =	vmax.f32 v6, v5;
	v22 =	vadd.f32 v22, v9;
	v9 =	vmax.f32 v9, v3  }
0x20a: {  	v6 =	vadd.f32 v12, v6;
	v10 =	vmax.f32 v10, v11;
	v11 =	vmax.f32 v4, v2  }
0x20b: {  	v19 =	vadd.f32 v20, v19;
	v10 =	vmax.f32 v10, v11;
	v4 =	vadd.f32 v21, v4;
	v11 =	vld [tilespmem:s12+$0x9380]  }
0x20c: {  	v3 =	vadd.f32 v22, v3;
	v5 =	vadd.f32 v6, v5;
	v9 =	vmax.f32 v10, v9  }
0x20d: {  	v10 =	vld [tilespmem:s12+$0x9180];
	v12 =	vadd.f32 v19, v14;
	v2 =	vadd.f32 v4, v2;
	v4 =	vmax.f32 v9, v13  }
0x20e: {  	v17 =	vmax.f32 v17, v1;
	v6 =	vld [tilespmem:s12+$0x9080];
	v9 =	vadd.f32 v18, v3;
	v4 =	vmax.f32 v4, v15  }
0x20f: {  	v1 =	vadd.f32 v7, v1;
	v7 =	vmax.f32 v5, v12;
	v4 =	vmax.f32 v4, v28  }
0x210: {  	v9 =	vadd.f32 v9, v2;
	v4 =	vmax.f32 v4, v30;
	v5 =	vadd.f32 v11, v5  }
0x211: {  	v2 =	vmax.f32 v3, v2;
	v3 =	vadd.f32 v8, v1;
	v4 =	vmax.f32 v4, v7  }
0x212: {  	v5 =	vadd.f32 v5, v12;
	v2 =	vmax.f32 v4, v2;
	v4 =	vadd.f32 v10, v9  }
0x213: {  	v0 =	vmax.f32 v0, v38;
	v6 =	vadd.f32 v3, v6;
	v2 =	vmax.f32 v2, v17  }
0x214: {  	v0 =	vmax.f32 v2, v0;
	v2 =	vmax.f32 v9, v5;
	v4 =	vadd.f32 v4, v5  }
0x215: {  	s1 =	sshll.u32 s1, $0x4;
	v1 =	vmax.f32 v16, v1;
	v0 =	vmax.f32 v0, v2  }
0x216: {  	s1 =	sand.u32 $0x3FFFFF80, s1;
	v0 =	vmax.f32 v0, v1;
	v1 =	vmax.f32 v3, v4;
	v2 =	vadd.f32 v6, v4  }
0x217: {  	s1 =	sadd.s32 s1, s30;
	v0 =	vmax.f32 v0, v1  }
0x218: {  	s1 =	sadd.s32 s2, s1;
	v0 =	vmax.f32 v0, v2  }
0x219: {  	s0 =	sadd.s32 @!p0 $0x300, s0;
	s2 =	simm.s32 @!p0 $0x9080;
	[tilespmem:s1+$0x200] =	vst v0;
	s1 =	simm.s32 @!p0 $0x80  }
0x21a: {  	[tilespmem:s2], [sflag:$0x3] =	stream.indirect.gather @!p0 [hbm4b:s4+s1], $0x80, s0, s1, $0xb8;
	[tilespmem:$0x15080] =	vst v63  }
0x21b: {  	s18 =	simm.s32 $0x0;
	s1 =	simm.s32 $0x0;
	_ =	swait.ge [sflag:s24], $0x4000  }
0x21c: {  	s2 =	sand.u32 $0x3FFFE000, s18;
	s0 =	sand.u32 $0x70, s1;
	[sflag:s24] =	ssyncset.done $0x0  }
0x21d: {  	s2 =	sor.u32 s0, s2;
	[sflag:s24] =	ssyncadd.s32 $0xFFFFC000  }
0x21e: {  	v8 =	vld [tilespmem:s2+$0xD100]  }
0x21f: {  	v7 =	vld [tilespmem:s2+$0xD280]  }
0x220: {  	v16 =	vld [tilespmem:s2+$0xD200]  }
0x221: {  	v1 =	vld [tilespmem:s2+$0xD580]  }
0x222: {  	v61 =	vld [tilespmem:s2+$0xD480]  }
0x223: {  	v17 =	vld [tilespmem:s2+$0xD500]  }
0x224: {  	v0 =	vld [tilespmem:s2+$0xD400]  }
0x225: {  	v5 =	vld [tilespmem:s2+$0xD980]  }
0x226: {  	v4 =	vld [tilespmem:s2+$0xD880]  }
0x227: {  	v12 =	vld [tilespmem:s2+$0xDB80]  }
0x228: {  	v15 =	vld [tilespmem:s2+$0xDA80]  }
0x229: {  	v6 =	vld [tilespmem:s2+$0xD900]  }
0x22a: {  	v9 =	vld [tilespmem:s2+$0xD800]  }
0x22b: {  	v13 =	vld [tilespmem:s2+$0xDB00]  }
0x22c: {  	v62 =	vld [tilespmem:s2+$0xDA00]  }
0x22d: {  	v2 =	vld [tilespmem:s2+$0xDD80]  }
0x22e: {  	v3 =	vld [tilespmem:s2+$0xDC80]  }
0x22f: {  	v26 =	vld [tilespmem:s2+$0xE180]  }
0x230: {  	v24 =	vld [tilespmem:s2+$0xE080]  }
0x231: {  	v20 =	vld [tilespmem:s2+$0xE380]  }
0x232: {  	v21 =	vld [tilespmem:s2+$0xE280]  }
0x233: {  	v32 =	vld [tilespmem:s2+$0xE100]  }
0x234: {  	v30 =	vld [tilespmem:s2+$0xE000]  }
0x235: {  	v27 =	vld [tilespmem:s2+$0xE300]  }
0x236: {  	v28 =	vld [tilespmem:s2+$0xE200]  }
0x237: {  	v25 =	vld [tilespmem:s2+$0xE580]  }
0x238: {  	v22 =	vld [tilespmem:s2+$0xE480]  }
0x239: {  	v19 =	vld [tilespmem:s2+$0xE780]  }
0x23a: {  	v14 =	vld [tilespmem:s2+$0xE680]  }
0x23b: {  	v31 =	vld [tilespmem:s2+$0xE500]  }
0x23c: {  	v29 =	vld [tilespmem:s2+$0xE400]  }
0x23d: {  	v23 =	vld [tilespmem:s2+$0xE700]  }
0x23e: {  	v18 =	vld [tilespmem:s2+$0xE600];
	v10 =	vadd.f32 v9, v30  }
0x23f: {  	v11 =	vld [tilespmem:s2+$0xE880];
	v4 =	vadd.f32 v4, v32  }
0x240: {  	v9 =	vld [tilespmem:s2+$0xE980];
	v6 =	vadd.f32 v6, v28;
	v33 =	vadd.f32 v10, v24  }
0x241: {  	v63 =	vadd.f32 v5, v27;
	v5 =	vld [tilespmem:s2+$0xED80];
	v35 =	vadd.f32 v4, v26  }
0x242: {  	v10 =	vld [tilespmem:s2+$0xEB80];
	v34 =	vadd.f32 v6, v21;
	v0 =	vadd.f32 v0, v33  }
0x243: {  	v37 =	vadd.f32 v62, v29;
	v4 =	vld [tilespmem:s2+$0xEA80];
	v36 =	vadd.f32 v63, v20  }
0x244: {  	s15 =	simm.s32 $0x0;
	s12 =	simm.s32 $0x1;
	v6 =	vld [tilespmem:s2+$0xEC80];
	v38 =	vadd.f32 v61, v34;
	v0 =	vadd.f32 v0, v35  }
.LBB2_9:
0x245: {  	p1 =	sne.s32 s12, $0xF;
	v39 =	vld [tilespmem:s2+$0xEF80];
	v40 =	vadd.f32 v15, v31;
	v37 =	vadd.f32 v37, v22  }
0x246: {  	v16 =	vadd.f32 v16, v0;
	v41 =	vld [tilespmem:s2+$0xEE80];
	v15 =	vadd.f32 v38, v36  }
0x247: {  	v26 =	vmax.f32 v32, v26;
	v38 =	vld [tilespmem:s2+$0xEF00];
	v40 =	vadd.f32 v40, v25;
	v32 =	vadd.f32 v17, v37  }
0x248: {  	v24 =	vmax.f32 v30, v24;
	v17 =	vmax.f32 v33, v35;
	v42 =	vld [tilespmem:s2+$0xEE00];
	v16 =	vadd.f32 v16, v15  }
0x249: {  	v20 =	vmax.f32 v27, v20;
	v21 =	vmax.f32 v28, v21;
	v30 =	vld [tilespmem:s2+$0xED00];
	v27 =	vadd.f32 v32, v40  }
0x24a: {  	v25 =	vmax.f32 v31, v25;
	v31 =	vmax.f32 v34, v36;
	v28 =	vld [tilespmem:s2+$0xEC00];
	v8 =	vadd.f32 v16, v8  }
0x24b: {  	v22 =	vmax.f32 v29, v22;
	v29 =	vmax.f32 v37, v40;
	v32 =	vld [tilespmem:s2+$0xEB00];
	v7 =	vadd.f32 v7, v27  }
0x24c: {  	v12 =	vadd.f32 v12, v23;
	v35 =	vmax.f32 v23, v19;
	v33 =	vmax.f32 v38, v39;
	v34 =	vld [tilespmem:s2+$0xEA00]  }
0x24d: {  	v13 =	vadd.f32 v13, v18;
	v23 =	vmax.f32 v33, $0.0e+00;
	v33 =	vmax.f32 v42, v41;
	v36 =	vld [tilespmem:s2+$0xE900]  }
0x24e: {  	v12 =	vadd.f32 v12, v19;
	v23 =	vmax.f32 v23, v33;
	v33 =	vmax.f32 v30, v5;
	v37 =	vld [tilespmem:s2+$0xE800]  }
0x24f: {  	v13 =	vadd.f32 v13, v14;
	v19 =	vmax.f32 v23, v33;
	v23 =	vmax.f32 v28, v6;
	v33 =	vld [tilespmem:s2+$0xDC00]  }
0x250: {  	v14 =	vmax.f32 v18, v14;
	v40 =	vld [tilespmem:s2+$0xDF80];
	v19 =	vmax.f32 v19, v23;
	v23 =	vmax.f32 v32, v10  }
0x251: {  	v1 =	vadd.f32 v1, v13;
	v18 =	vld [tilespmem:s2+$0xDE80];
	v19 =	vmax.f32 v19, v23;
	v23 =	vmax.f32 v34, v4  }
0x252: {  	v13 =	vmax.f32 v13, v12;
	v19 =	vmax.f32 v19, v23;
	v23 =	vld [tilespmem:s2+$0xDD00];
	v43 =	vmax.f32 v36, v9  }
0x253: {  	v1 =	vadd.f32 v1, v12;
	v44 =	vld [tilespmem:s2+$0xDF00];
	v19 =	vmax.f32 v19, v43;
	v43 =	vmax.f32 v37, v11  }
0x254: {  	v3 =	vadd.f32 v3, v36;
	v12 =	vld [tilespmem:s2+$0xDE00];
	v19 =	vmax.f32 v19, v43;
	v33 =	vadd.f32 v33, v37  }
0x255: {  	v27 =	vmax.f32 v27, v1;
	v2 =	vadd.f32 v2, v32;
	v19 =	vmax.f32 v19, v35  }
0x256: {  	v3 =	vadd.f32 v3, v9;
	v9 =	vadd.f32 v33, v11;
	v11 =	vmax.f32 v19, v14  }
0x257: {  	v2 =	vadd.f32 v2, v10;
	v10 =	vadd.f32 v23, v34;
	v11 =	vmax.f32 v11, v25  }
0x258: {  	v14 =	vadd.f32 v40, v38;
	v19 =	vadd.f32 v44, v42;
	v11 =	vmax.f32 v11, v22;
	v22 =	vld [tilespmem:s2+$0xD600]  }
0x259: {  	v18 =	vadd.f32 v18, v30;
	v12 =	vadd.f32 v12, v28;
	v11 =	vmax.f32 v11, v20;
	v20 =	vld [tilespmem:s2+$0xD780]  }
0x25a: {  	v14 =	vadd.f32 v14, v39;
	v19 =	vadd.f32 v19, v41;
	v11 =	vmax.f32 v11, v21;
	v21 =	vld [tilespmem:s2+$0xD680]  }
0x25b: {  	v5 =	vadd.f32 v18, v5;
	v6 =	vadd.f32 v12, v6;
	v11 =	vmax.f32 v11, v26;
	v12 =	vld [tilespmem:s2+$0xD700]  }
0x25c: {  	v4 =	vadd.f32 v10, v4;
	v10 =	vmax.f32 v11, v24;
	v11 =	vmax.f32 v19, v14;
	v18 =	vld [tilespmem:s2+$0xD300]  }
0x25d: {  	v10 =	vmax.f32 v10, v11;
	v11 =	vmax.f32 v6, v5;
	v22 =	vadd.f32 v22, v9  }
0x25e: {  	v9 =	vmax.f32 v9, v3;
	v10 =	vmax.f32 v10, v11;
	v11 =	vmax.f32 v4, v2  }
0x25f: {  	v10 =	vmax.f32 v10, v11;
	v4 =	vadd.f32 v21, v4;
	v3 =	vadd.f32 v22, v3;
	v11 =	vld [tilespmem:s2+$0xD380]  }
0x260: {  	v19 =	vadd.f32 v20, v19;
	v6 =	vadd.f32 v12, v6;
	v9 =	vmax.f32 v10, v9  }
0x261: {  	v2 =	vadd.f32 v4, v2;
	v4 =	vmax.f32 v9, v13;
	v9 =	vadd.f32 v18, v3;
	v10 =	vld [tilespmem:s2+$0xD180]  }
0x262: {  	v12 =	vadd.f32 v19, v14;
	v5 =	vadd.f32 v6, v5;
	v4 =	vmax.f32 v4, v29;
	v6 =	vld [tilespmem:s2+$0xD080]  }
0x263: {  	v1 =	vadd.f32 v7, v1;
	v4 =	vmax.f32 v4, v31;
	v9 =	vadd.f32 v9, v2  }
0x264: {  	v4 =	vmax.f32 v4, v17;
	v7 =	vmax.f32 v5, v12;
	v5 =	vadd.f32 v11, v5  }
0x265: {  	v2 =	vmax.f32 v3, v2;
	v3 =	vadd.f32 v8, v1;
	v4 =	vmax.f32 v4, v7  }
0x266: {  	v5 =	vadd.f32 v5, v12;
	v2 =	vmax.f32 v4, v2;
	v4 =	vadd.f32 v10, v9  }
0x267: {  	v0 =	vmax.f32 v0, v15;
	v2 =	vmax.f32 v2, v27;
	v6 =	vadd.f32 v3, v6  }
0x268: {  	v0 =	vmax.f32 v2, v0;
	v2 =	vmax.f32 v9, v5;
	v4 =	vadd.f32 v4, v5  }
0x269: {  	s2 =	sshll.u32 s1, $0x4;
	s1 =	smov.u32 s12;
	v1 =	vmax.f32 v16, v1;
	v0 =	vmax.f32 v0, v2  }
0x26a: {  	s2 =	sand.u32 $0x3FFFFF80, s2;
	v0 =	vmax.f32 v0, v1;
	v1 =	vmax.f32 v3, v4;
	v2 =	vadd.f32 v6, v4  }
0x26b: {  	s16 =	sshll.u32 s12, $0xA;
	s15 =	sadd.s32 $0x10, s15;
	s2 =	sadd.s32 s2, s30;
	v0 =	vmax.f32 v0, v1  }
0x26c: {  	s16 =	sand.u32 $0x3FFFE000, s16;
	s17 =	sadd.s32 s0, s2;
	s0 =	sand.u32 $0x70, s15;
	v0 =	vmax.f32 v0, v2  }
0x26d: {  	s2 =	sor.u32 s0, s16;
	[tilespmem:s17+$0x300] =	vst v0  }
0x26e: {  	v8 =	vld [tilespmem:s2+$0xD100]  }
0x26f: {  	v7 =	vld [tilespmem:s2+$0xD280]  }
0x270: {  	v16 =	vld [tilespmem:s2+$0xD200]  }
0x271: {  	v1 =	vld [tilespmem:s2+$0xD580]  }
0x272: {  	v38 =	vld [tilespmem:s2+$0xD480]  }
0x273: {  	v17 =	vld [tilespmem:s2+$0xD500]  }
0x274: {  	v0 =	vld [tilespmem:s2+$0xD400]  }
0x275: {  	v5 =	vld [tilespmem:s2+$0xD980]  }
0x276: {  	v4 =	vld [tilespmem:s2+$0xD880]  }
0x277: {  	v12 =	vld [tilespmem:s2+$0xDB80]  }
0x278: {  	v15 =	vld [tilespmem:s2+$0xDA80]  }
0x279: {  	v6 =	vld [tilespmem:s2+$0xD900]  }
0x27a: {  	v9 =	vld [tilespmem:s2+$0xD800]  }
0x27b: {  	v13 =	vld [tilespmem:s2+$0xDB00]  }
0x27c: {  	v36 =	vld [tilespmem:s2+$0xDA00]  }
0x27d: {  	v2 =	vld [tilespmem:s2+$0xDD80]  }
0x27e: {  	v3 =	vld [tilespmem:s2+$0xDC80]  }
0x27f: {  	v26 =	vld [tilespmem:s2+$0xE180]  }
0x280: {  	v24 =	vld [tilespmem:s2+$0xE080]  }
0x281: {  	v20 =	vld [tilespmem:s2+$0xE380]  }
0x282: {  	v21 =	vld [tilespmem:s2+$0xE280]  }
0x283: {  	v32 =	vld [tilespmem:s2+$0xE100]  }
0x284: {  	v30 =	vld [tilespmem:s2+$0xE000]  }
0x285: {  	v27 =	vld [tilespmem:s2+$0xE300]  }
0x286: {  	v28 =	vld [tilespmem:s2+$0xE200]  }
0x287: {  	v25 =	vld [tilespmem:s2+$0xE580]  }
0x288: {  	v22 =	vld [tilespmem:s2+$0xE480]  }
0x289: {  	v19 =	vld [tilespmem:s2+$0xE780]  }
0x28a: {  	v14 =	vld [tilespmem:s2+$0xE680]  }
0x28b: {  	v31 =	vld [tilespmem:s2+$0xE500]  }
0x28c: {  	v29 =	vld [tilespmem:s2+$0xE400]  }
0x28d: {  	v10 =	vadd.f32 v9, v30;
	v23 =	vld [tilespmem:s2+$0xE700]  }
0x28e: {  	v18 =	vld [tilespmem:s2+$0xE600]  }
0x28f: {  	v4 =	vadd.f32 v4, v32;
	v33 =	vadd.f32 v10, v24;
	v9 =	vld [tilespmem:s2+$0xE980]  }
.Ltmp5:
0x290: {  	v6 =	vadd.f32 v6, v28;
	v11 =	vld [tilespmem:s2+$0xE880];
	(pc) =	sbr.rel @p1 .LBB2_9-.Ltmp5, $4  }
0x291: {  	v35 =	vadd.f32 v4, v26;
	v0 =	vadd.f32 v0, v33;
	v10 =	vld [tilespmem:s2+$0xEB80]  }
0x292: {  	v39 =	vadd.f32 v5, v27;
	v34 =	vadd.f32 v6, v21;
	v4 =	vld [tilespmem:s2+$0xEA80]  }
0x293: {  	v0 =	vadd.f32 v0, v35;
	v37 =	vadd.f32 v36, v29;
	v5 =	vld [tilespmem:s2+$0xED80]  }
0x294: {  	s12 =	sadd.s32 $0x1, s12;
	v38 =	vadd.f32 v38, v34;
	v36 =	vadd.f32 v39, v20;
	v6 =	vld [tilespmem:s2+$0xEC80]  }
0x295: {  	v39 =	vld [tilespmem:s2+$0xEF80]  }
0x296: {  	v40 =	vld [tilespmem:s2+$0xEE80]  }
0x297: {  	v15 =	vadd.f32 v15, v31;
	v41 =	vld [tilespmem:s2+$0xEF00]  }
0x298: {  	v37 =	vadd.f32 v37, v22;
	v16 =	vadd.f32 v16, v0;
	v26 =	vmax.f32 v32, v26;
	v32 =	vld [tilespmem:s2+$0xEE00]  }
0x299: {  	v24 =	vmax.f32 v30, v24;
	v30 =	vmax.f32 v33, v35;
	v33 =	vld [tilespmem:s2+$0xED00];
	v20 =	vmax.f32 v27, v20  }
0x29a: {  	v21 =	vmax.f32 v28, v21;
	v27 =	vld [tilespmem:s2+$0xEC00];
	v22 =	vmax.f32 v29, v22;
	v63 =	vmax.f32 v23, v19  }
0x29b: {  	v12 =	vadd.f32 v12, v23;
	v50 =	vld [tilespmem:s2+$0xE900];
	v13 =	vadd.f32 v13, v18;
	v57 =	vmax.f32 v18, v14  }
0x29c: {  	v52 =	vld [tilespmem:s2+$0xE800];
	v38 =	vadd.f32 v38, v36;
	v28 =	vmax.f32 v34, v36;
	v15 =	vadd.f32 v15, v25  }
0x29d: {  	v17 =	vadd.f32 v17, v37;
	v25 =	vmax.f32 v31, v25;
	v31 =	vld [tilespmem:s2+$0xEB00];
	v12 =	vadd.f32 v12, v19  }
0x29e: {  	v34 =	vld [tilespmem:s2+$0xEA00];
	v13 =	vadd.f32 v13, v14;
	v16 =	vadd.f32 v16, v38;
	v62 =	vmax.f32 v41, v39  }
0x29f: {  	v55 =	vld [tilespmem:s2+$0xDC00];
	v17 =	vadd.f32 v17, v15;
	v49 =	vmax.f32 v32, v40;
	v48 =	vmax.f32 v62, $0.0e+00  }
0x2a0: {  	v58 =	vld [tilespmem:s2+$0xDE80];
	v15 =	vmax.f32 v37, v15;
	v51 =	vmax.f32 v33, v5;
	v23 =	vmax.f32 v48, v49  }
0x2a1: {  	v44 =	vld [tilespmem:s2+$0xDF00];
	v1 =	vadd.f32 v1, v13;
	v54 =	vmax.f32 v27, v6;
	v53 =	vmax.f32 v23, v51  }
0x2a2: {  	v13 =	vmax.f32 v13, v12;
	v56 =	vmax.f32 v31, v10;
	v19 =	vmax.f32 v53, v54  }
0x2a3: {  	v8 =	vadd.f32 v16, v8;
	v59 =	vmax.f32 v34, v4;
	v19 =	vmax.f32 v19, v56  }
0x2a4: {  	v60 =	vld [tilespmem:s2+$0xDD00];
	v43 =	vmax.f32 v50, v9;
	v61 =	vmax.f32 v52, v11;
	v19 =	vmax.f32 v19, v59  }
0x2a5: {  	v42 =	vld [tilespmem:s2+$0xDF80];
	v3 =	vadd.f32 v3, v50;
	v29 =	vadd.f32 v55, v52;
	v19 =	vmax.f32 v19, v43  }
0x2a6: {  	v35 =	vadd.f32 v44, v32;
	v18 =	vadd.f32 v58, v33;
	v62 =	vld [tilespmem:s2+$0xDE00];
	v19 =	vmax.f32 v19, v61  }
0x2a7: {  	v7 =	vadd.f32 v7, v17;
	v1 =	vadd.f32 v1, v12;
	v19 =	vmax.f32 v19, v63  }
0x2a8: {  	v2 =	vadd.f32 v2, v31;
	v63 =	vadd.f32 v29, v11;
	v29 =	vmax.f32 v19, v57  }
0x2a9: {  	v3 =	vadd.f32 v3, v9;
	v31 =	vadd.f32 v60, v34;
	v11 =	vmax.f32 v29, v25  }
0x2aa: {  	v36 =	vld [tilespmem:s2+$0xD600];
	v34 =	vadd.f32 v42, v41;
	v42 =	vadd.f32 v18, v5;
	v11 =	vmax.f32 v11, v22  }
0x2ab: {  	v44 =	vld [tilespmem:s2+$0xD700];
	v2 =	vadd.f32 v2, v10;
	v12 =	vadd.f32 v62, v27;
	v11 =	vmax.f32 v11, v20  }
0x2ac: {  	v37 =	vld [tilespmem:s2+$0xD780];
	v14 =	vadd.f32 v34, v39;
	v19 =	vadd.f32 v35, v40;
	v11 =	vmax.f32 v11, v21  }
0x2ad: {  	v41 =	vld [tilespmem:s2+$0xD680];
	v45 =	vadd.f32 v31, v4;
	v43 =	vadd.f32 v12, v6;
	v11 =	vmax.f32 v11, v26  }
0x2ae: {  	v17 =	vmax.f32 v17, v1;
	v47 =	vmax.f32 v19, v14;
	v46 =	vmax.f32 v11, v24  }
0x2af: {  	v48 =	vld [tilespmem:s2+$0xD300];
	v50 =	vmax.f32 v45, v2;
	v49 =	vmax.f32 v43, v42;
	v10 =	vmax.f32 v46, v47  }
0x2b0: {  	v6 =	vadd.f32 v44, v43;
	v22 =	vadd.f32 v36, v63;
	v10 =	vmax.f32 v10, v49  }
0x2b1: {  	v51 =	vld [tilespmem:s2+$0xD380];
	v9 =	vmax.f32 v63, v3;
	v19 =	vadd.f32 v37, v19;
	v10 =	vmax.f32 v10, v50  }
0x2b2: {  	v4 =	vadd.f32 v41, v45;
	v3 =	vadd.f32 v22, v3;
	v9 =	vmax.f32 v10, v9  }
0x2b3: {  	v54 =	vld [tilespmem:s2+$0xD180];
	v5 =	vadd.f32 v6, v42;
	v55 =	vadd.f32 v19, v14;
	v52 =	vmax.f32 v9, v13  }
0x2b4: {  	v56 =	vld [tilespmem:s2+$0xD080];
	v2 =	vadd.f32 v4, v2;
	v53 =	vadd.f32 v48, v3;
	v4 =	vmax.f32 v52, v15  }
0x2b5: {  	v1 =	vadd.f32 v7, v1;
	v57 =	vmax.f32 v5, v55;
	v4 =	vmax.f32 v4, v28  }
0x2b6: {  	v5 =	vadd.f32 v51, v5;
	v9 =	vadd.f32 v53, v2;
	v4 =	vmax.f32 v4, v30  }
0x2b7: {  	v58 =	vadd.f32 v8, v1;
	v2 =	vmax.f32 v3, v2;
	v4 =	vmax.f32 v4, v57  }
0x2b8: {  	v5 =	vadd.f32 v5, v55;
	v59 =	vadd.f32 v54, v9;
	v2 =	vmax.f32 v4, v2  }
0x2b9: {  	v60 =	vmax.f32 v0, v38;
	v6 =	vadd.f32 v58, v56;
	v2 =	vmax.f32 v2, v17  }
0x2ba: {  	v61 =	vmax.f32 v9, v5;
	v4 =	vadd.f32 v59, v5;
	v0 =	vmax.f32 v2, v60  }
.Ltmp6:
0x2bb: {  	s1 =	sshll.u32 s1, $0x4;
	v1 =	vmax.f32 v16, v1;
	v0 =	vmax.f32 v0, v61;
	(pc) =	sbr.rel @p0 .LBB2_12-.Ltmp6, $4  }
0x2bc: {  	s1 =	sand.u32 $0x3FFFFF80, s1;
	v62 =	vmax.f32 v58, v4;
	v63 =	vadd.f32 v6, v4;
	v0 =	vmax.f32 v0, v1  }
0x2bd: {  	s1 =	sadd.s32 s1, s30;
	v0 =	vmax.f32 v0, v62  }
0x2be: {  	s0 =	sadd.s32 s0, s1;
	v0 =	vmax.f32 v0, v63  }
0x2bf: {  	[tilespmem:s0+$0x300] =	vst v0  }
.Ltmp7:
0x2c0: {  	(pc) =	sbr.rel .LBB2_2-.Ltmp7, $4  }
0x2c1: {  	_ = 	snop  }
0x2c2: {  	s0 =	sshrl.u32 s31, $0x2  }
0x2c3: {  	s29 =	sadd.s32 $0x1, s29;
	s0 =	sadd.s32 $0x380, s0  }
0x2c4: {  	[tilespmem:s20], [sflag:$0x4] =	stream.indirect.gather [hbm4b:s4+s14], $0x80, s0, s14, $0xb8;
	[tilespmem:$0x15080] =	vst v63  }
.LBB2_13:
0x2c5: {  	_ =	sfence.sel $0x180000  }
0x2c6: {  	[bflag:$0x0] =	sbarrier.arrive $0xFFFF  }
0x2c7: {  	_ =	strace $0x90000047  }
0x2c8: {  	s0 =	stileid.u32;
	[bflag:$0x2] =	sbarrier.arrive $0xFFFF  }
0x2c9: {  	p0 =	sne.s32 s0, $0x0;
	s0 =	rddreg [dreg:$0x3]  }
0x2ca: {  	s0 =	sadd.s32 @!p0 $0x100000, s0  }
0x2cb: {  	[sflag:s0] =	ssyncadd.tile.s32 @!p0 $0x1;
	_ =	shalt  }
.Lfunc_end2:
_tile_overlayer_lowered:
.L_overlay_start_2:
0x2cc: {  	(tag) =	ssettag $0x2  }
0x2cd: {  	s0 =	rddreg [dreg:$0x0];
	s2 =	stileid.u32  }
0x2ce: {  	s1 =	rddreg [dreg:$0x1];
	p0 =	sne.s32 s2, $0x0  }
0x2cf: {  	s3 =	rddreg [dreg:$0x2];
	[bflag:$0x3] =	sbarrier.arrive $0xFFFF;
	s2 =	simm.s32 @!p0 $0x1C06  }
0x2d0: {  	[timem:s3], [sflag:s2] =	dma.local @!p0 [hbm:s0], s1  }
0x2d1: {  	s0 =	simm.s32 @!p0 $0x6  }
0x2d2: {  	_ =	swait.ge @!p0 [sflag:s0], s1  }
0x2d3: {  	s1 =	ssub.s32 @!p0 $0x0, s1;
	[sflag:s0] =	ssyncset.done @!p0 $0x0  }
0x2d4: {  	[sflag:s0] =	ssyncadd.s32 @!p0 s1  }
0x2d5: {  	[bflag:$0x3] =	sbarrier.arrive $0xFFFF  }
0x2d6: {  	_ =	shalt  }

</sc_bundles>
